<compile_context>
chip_gen: v7x
topology: tpu7x:2x2x1
jax: 0.10.2.dev20260603
libtpu: 0.0.44.dev20260713+nightly
codegen_flags: <defaults>
</compile_context>

<pallas_src>
import dataclasses
import functools

import jax
import jax.numpy as jnp
from jax import lax
from jax.experimental import pallas as pl
from jax.experimental.pallas import tpu as pltpu
from jax.experimental.pallas import tpu_sc as plsc

N_LEVELS = 16
TABLE_SIZE = 1 << 19
N_POINTS = 1048576
RES = [16 << i for i in range(N_LEVELS)]

N_CORES = 2
N_SUBCORES = 16
NW = N_CORES * N_SUBCORES
LANES = 16

COARSE = list(range(11))
FINE = list(range(11, 16))

C = 512
GROUP = 128
G = C // GROUP
P = N_POINTS // NW
NCHUNK = P // C

CBASE = []
_off = 0
for _l in COARSE:
    CBASE.append(_off)
    _off += 2 * (RES[_l] + 1)
COARSE_WORDS = _off

PBASE = []
_off = 0
for _l in FINE:
    PBASE.append(_off)
    _off += RES[_l]
PAIR_ROWS = _off

_mesh = plsc.VectorSubcoreMesh(core_axis_name="c", subcore_axis_name="s")

_cp = pltpu.CompilerParams()
if "needs_layout_passes" in pltpu.CompilerParams.__dataclass_fields__:
    _cp = dataclasses.replace(_cp, needs_layout_passes=False)
if "use_tc_tiling_on_sc" in pltpu.CompilerParams.__dataclass_fields__:
    _cp = dataclasses.replace(_cp, use_tc_tiling_on_sc=False)


@functools.partial(
    pl.kernel,
    mesh=_mesh,
    compiler_params=_cp,
    out_type=jax.ShapeDtypeStruct((N_POINTS, 2 * N_LEVELS), jnp.float32),
    scratch_types=(
        [pltpu.VMEM((COARSE_WORDS,), jnp.float32),
         pltpu.VMEM((C,), jnp.float32)]
        + [pltpu.VMEM((2 * GROUP,), jnp.int32) for _ in FINE for _ in range(G)]
        + [pltpu.VMEM((2 * GROUP, 4), jnp.float32) for _ in FINE for _ in range(G)]
        + [pltpu.VMEM((C, 2 * N_LEVELS), jnp.float32),
           pltpu.SemaphoreType.DMA]
    ),
)
def _sc_embed(x_hbm, coarse_hbm, pair_hbm, out_hbm,
              coarse_v, x_v, *rest):
    nf = len(FINE) * G
    idx_refs = rest[:nf]
    dest_refs = rest[nf:2 * nf]
    out_v = rest[2 * nf]
    sem = rest[2 * nf + 1]
    wid = lax.axis_index("s") * N_CORES + lax.axis_index("c")
    pltpu.sync_copy(coarse_hbm, coarse_v)
    base_pt = wid * P

    @pl.loop(0, NCHUNK)
    def _chunk(ci):
        start = base_pt + ci * C
        pltpu.sync_copy(x_hbm.at[pl.ds(start, C)], x_v)

        iota = lax.iota(jnp.int32, LANES)

        copies = []
        for li, l in enumerate(FINE):
            r = float(RES[l])
            pb = PBASE[li]

            for g in range(G):
                idx_ref = idx_refs[li * G + g]

                @pl.loop(0, GROUP, step=LANES)
                def _idx(p, idx_ref=idx_ref, r=r, pb=pb, g=g):
                    xv = x_v[pl.ds(g * GROUP + p, LANES)]
                    bi = (xv * r).astype(jnp.int32)
                    plsc.store_scatter(idx_ref, [2 * p + 2 * iota],
                                       (bi + pb) * 2)

                copies.append(pltpu.async_copy(
                    pair_hbm.at[idx_ref],
                    dest_refs[li * G + g],
                    sem))

        for li, l in enumerate(COARSE):
            r = float(RES[l])
            gs = 1.0 / RES[l]
            cb = CBASE[li]

            @pl.loop(0, C, step=LANES)
            def _coarse(p, r=r, gs=gs, cb=cb, col=2 * l):
                xv = x_v[pl.ds(p, LANES)]
                bi = (xv * r).astype(jnp.int32)
                w = (xv - bi.astype(jnp.float32) * gs) * r
                flat = bi * 2 + cb
                t00 = plsc.load_gather(coarse_v, [flat])
                t01 = plsc.load_gather(coarse_v, [flat + 1])
                t10 = plsc.load_gather(coarse_v, [flat + 2])
                t11 = plsc.load_gather(coarse_v, [flat + 3])
                omw = 1.0 - w
                rows = p + iota
                plsc.store_scatter(
                    out_v, [rows, jnp.full((LANES,), col, jnp.int32)],
                    t00 * omw + t10 * w)
                plsc.store_scatter(
                    out_v, [rows, jnp.full((LANES,), col + 1, jnp.int32)],
                    t01 * omw + t11 * w)

        for cp_ in copies:
            cp_.wait()

        for li, l in enumerate(FINE):
            r = float(RES[l])
            gs = 1.0 / RES[l]

            for g in range(G):
                dest_ref = dest_refs[li * G + g]

                @pl.loop(0, GROUP, step=LANES)
                def _fine(p, dest_ref=dest_ref, r=r, gs=gs, col=2 * l, g=g):
                    xv = x_v[pl.ds(g * GROUP + p, LANES)]
                    bi = (xv * r).astype(jnp.int32)
                    w = (xv - bi.astype(jnp.float32) * gs) * r
                    rows = p + iota
                    t00 = plsc.load_gather(dest_ref, [rows, jnp.full((LANES,), 0, jnp.int32)])
                    t01 = plsc.load_gather(dest_ref, [rows, jnp.full((LANES,), 1, jnp.int32)])
                    t10 = plsc.load_gather(dest_ref, [rows, jnp.full((LANES,), 2, jnp.int32)])
                    t11 = plsc.load_gather(dest_ref, [rows, jnp.full((LANES,), 3, jnp.int32)])
                    omw = 1.0 - w
                    orow = g * GROUP + p + iota
                    plsc.store_scatter(
                        out_v, [orow, jnp.full((LANES,), col, jnp.int32)],
                        t00 * omw + t10 * w)
                    plsc.store_scatter(
                        out_v, [orow, jnp.full((LANES,), col + 1, jnp.int32)],
                        t01 * omw + t11 * w)

        pltpu.sync_copy(out_v, out_hbm.at[pl.ds(start, C)])


def kernel(x, tables):
    xf = x.reshape(N_POINTS)
    coarse_blob = jnp.concatenate(
        [tables[l, :RES[l] + 1].reshape(-1) for l in COARSE], axis=0)
    parts = []
    for l in FINE:
        t = tables[l]
        r = RES[l]
        if r == TABLE_SIZE:
            nxt = jnp.concatenate([t[1:], t[:1]], axis=0)
        else:
            nxt = t[1:r + 1]
        parts.append(jnp.concatenate([t[:r], nxt], axis=1))
    pair = jnp.concatenate(parts, axis=0)
    return _sc_embed(xf, coarse_blob, pair)

# --- scband reference (transcript-rebuilt; emitter-appended) ---
"""Pipeline reference for scband-linear-hash-embedder-61022895342218 (READ-ONLY COPY).

The authoritative reference and input builder live on the scoring server;
editing this copy changes nothing except your own understanding.
"""

import jax, jax.numpy as jnp
import numpy as np

N_LEVELS = 16
N_FEATURES = 2
LOG2_HASHMAP_SIZE = 19
BASE_RES = 16.0
FINEST_RES = 524288.0
BOX_MIN = 0.0
BOX_MAX = 1.0
B_GROWTH = float(np.exp((np.log(FINEST_RES) - np.log(BASE_RES)) / (N_LEVELS - 1)))
N_POINTS = 1048576


def setup_inputs(seed: int = 0) -> dict:
    key = jax.random.key(seed)
    k1, k2 = jax.random.split(key)
    # query coordinates inside the bounding range [0, 1)
    x = jax.random.uniform(k1, (N_POINTS, 1), dtype=jnp.float32, minval=BOX_MIN, maxval=BOX_MAX)
    # learned hash tables, one per level, init uniform(-1e-4, 1e-4) as in the torch module
    tables = jax.random.uniform(k2, (N_LEVELS, 2 ** LOG2_HASHMAP_SIZE, N_FEATURES),
                                dtype=jnp.float32, minval=-1e-4, maxval=1e-4)
    return {"x": x, "tables": tables}


def _hash_1d(indices):
    # 1D version of the HashNeRF spatial hash: prime for dim 0 is 1, then mask to table size
    mask = (1 << LOG2_HASHMAP_SIZE) - 1
    return (indices * 1) & mask


def _get_interval_vertices(x, resolution):
    grid_size = (BOX_MAX - BOX_MIN) / resolution
    bottom_idx = jnp.floor((x - BOX_MIN) / grid_size)  # B x 1
    interval_min_vertex = bottom_idx * grid_size + BOX_MIN  # B x 1
    interval_max_vertex = interval_min_vertex + grid_size   # B x 1
    interval_indices = jnp.concatenate([bottom_idx, bottom_idx + 1.0], axis=-1).astype(jnp.int32)  # B x 2
    hashed = _hash_1d(interval_indices)  # B x 2
    return interval_min_vertex, interval_max_vertex, hashed


def _linear_interp(x, interval_min, interval_max, interval_embedds):
    # x: B x 1, interval_embedds: B x 2 x F
    weight = (x - interval_min) / (interval_max - interval_min)  # B x 1
    c = interval_embedds[:, 0] * (1.0 - weight) + interval_embedds[:, 1] * weight  # B x F
    return c


def reference(x, tables):
    x_embedded_all = []
    for i in range(N_LEVELS):
        resolution = float(np.floor(BASE_RES * (B_GROWTH ** i)))
        imin, imax, hashed = _get_interval_vertices(x, resolution)
        interval_embedds = jnp.take(tables[i], hashed, axis=0)  # B x 2 x F (gather)
        x_embedded = _linear_interp(x, imin, imax, interval_embedds)
        x_embedded_all.append(x_embedded)
    return jnp.concatenate(x_embedded_all, axis=-1)  # B x (N_LEVELS * N_FEATURES)

if __name__ == "__main__":
    import jax
    _d = setup_inputs()
    print(jax.jit(kernel)(*tuple(_d.values())))

</pallas_src>

<mosaic_0001>
#map = affine_map<(d0, d1) -> (0)>
#map1 = affine_map<(d0, d1) -> (0, 0)>
module attributes {stable_mosaic.version = 14 : i64} {
  func.func @_sc_embed(%arg0: i32, %arg1: i32, %arg2: memref<1048576xf32, #tpu.memory_space<hbm>>, %arg3: memref<65526xf32, #tpu.memory_space<hbm>>, %arg4: memref<1015808x4xf32, #tpu.memory_space<hbm>>, %arg5: memref<1048576x32xf32, #tpu.memory_space<hbm>>, %arg6: memref<65526xf32, #tpu.memory_space<vmem>>, %arg7: memref<512xf32, #tpu.memory_space<vmem>>, %arg8: memref<256xi32, #tpu.memory_space<vmem>>, %arg9: memref<256xi32, #tpu.memory_space<vmem>>, %arg10: memref<256xi32, #tpu.memory_space<vmem>>, %arg11: memref<256xi32, #tpu.memory_space<vmem>>, %arg12: memref<256xi32, #tpu.memory_space<vmem>>, %arg13: memref<256xi32, #tpu.memory_space<vmem>>, %arg14: memref<256xi32, #tpu.memory_space<vmem>>, %arg15: memref<256xi32, #tpu.memory_space<vmem>>, %arg16: memref<256xi32, #tpu.memory_space<vmem>>, %arg17: memref<256xi32, #tpu.memory_space<vmem>>, %arg18: memref<256xi32, #tpu.memory_space<vmem>>, %arg19: memref<256xi32, #tpu.memory_space<vmem>>, %arg20: memref<256xi32, #tpu.memory_space<vmem>>, %arg21: memref<256xi32, #tpu.memory_space<vmem>>, %arg22: memref<256xi32, #tpu.memory_space<vmem>>, %arg23: memref<256xi32, #tpu.memory_space<vmem>>, %arg24: memref<256xi32, #tpu.memory_space<vmem>>, %arg25: memref<256xi32, #tpu.memory_space<vmem>>, %arg26: memref<256xi32, #tpu.memory_space<vmem>>, %arg27: memref<256xi32, #tpu.memory_space<vmem>>, %arg28: memref<256x4xf32, #tpu.memory_space<vmem>>, %arg29: memref<256x4xf32, #tpu.memory_space<vmem>>, %arg30: memref<256x4xf32, #tpu.memory_space<vmem>>, %arg31: memref<256x4xf32, #tpu.memory_space<vmem>>, %arg32: memref<256x4xf32, #tpu.memory_space<vmem>>, %arg33: memref<256x4xf32, #tpu.memory_space<vmem>>, %arg34: memref<256x4xf32, #tpu.memory_space<vmem>>, %arg35: memref<256x4xf32, #tpu.memory_space<vmem>>, %arg36: memref<256x4xf32, #tpu.memory_space<vmem>>, %arg37: memref<256x4xf32, #tpu.memory_space<vmem>>, %arg38: memref<256x4xf32, #tpu.memory_space<vmem>>, %arg39: memref<256x4xf32, #tpu.memory_space<vmem>>, %arg40: memref<256x4xf32, #tpu.memory_space<vmem>>, %arg41: memref<256x4xf32, #tpu.memory_space<vmem>>, %arg42: memref<256x4xf32, #tpu.memory_space<vmem>>, %arg43: memref<256x4xf32, #tpu.memory_space<vmem>>, %arg44: memref<256x4xf32, #tpu.memory_space<vmem>>, %arg45: memref<256x4xf32, #tpu.memory_space<vmem>>, %arg46: memref<256x4xf32, #tpu.memory_space<vmem>>, %arg47: memref<256x4xf32, #tpu.memory_space<vmem>>, %arg48: memref<512x32xf32, #tpu.memory_space<vmem>>, %arg49: memref<!tpu.dma_semaphore, #tpu.memory_space<semaphore_mem>>) attributes {dimension_semantics = [#tpu.dimension_semantics<core_parallel>, #tpu.dimension_semantics<subcore_parallel>], iteration_bounds = array<i64: 2, 16>, scalar_prefetch = 0 : i64, scratch_operands = 44 : i64, tpu.core_type = #tpu.core_type<sc_vector_subcore>, window_params = [{transform_indices = #map}, {transform_indices = #map}, {transform_indices = #map1}, {transform_indices = #map1}]} {
    %mul3A = arith.constant 2 : i32
    %mul3A_0 = arith.muli %arg1, %mul3A : i32
    %add3A = arith.addi %mul3A_0, %arg0 : i32
    "tpu.region"() ({
      %run_scoped3A = tpu.sem_alloc : memref<!tpu.dma_semaphore, #tpu.memory_space<semaphore_mem>>
      tpu.enqueue_dma source(%arg3 : memref<65526xf32, #tpu.memory_space<hbm>>) target(%arg6 : memref<65526xf32, #tpu.memory_space<vmem>>) target_semaphore(%run_scoped3A : memref<!tpu.dma_semaphore, #tpu.memory_space<semaphore_mem>>)
      tpu.wait_dma2 semaphore(%run_scoped3A : memref<!tpu.dma_semaphore, #tpu.memory_space<semaphore_mem>>) src(%arg3 : memref<65526xf32, #tpu.memory_space<hbm>>) dst(%arg6 : memref<65526xf32, #tpu.memory_space<vmem>>)
      tpu.yield
    }) : () -> ()
    %mul3A_1 = arith.constant 32768 : i32
    %mul3A_2 = arith.muli %add3A, %mul3A_1 : i32
    %scan3A = arith.constant 0 : i32
    %scan3A_3 = arith.constant 64 : i32
    %scan3A_4 = arith.addi %scan3A, %scan3A_3 : i32
    %scan3A_5 = arith.constant 1 : i32
    scf.for %scan3A_7 = %scan3A to %scan3A_4 step %scan3A_5  : i32 {
      %mul3A_8 = arith.constant 1 : i32
      %mul3A_9 = arith.muli %scan3A_7, %mul3A_8 : i32
      %add3A_10 = arith.constant 0 : i32
      %add3A_11 = arith.addi %add3A_10, %mul3A_9 : i32
      %mul3A_12 = arith.constant 512 : i32
      %mul3A_13 = arith.muli %add3A_11, %mul3A_12 : i32
      %add3A_14 = arith.addi %mul3A_2, %mul3A_13 : i32
      "tpu.region"() ({
        %run_scoped3A = tpu.sem_alloc : memref<!tpu.dma_semaphore, #tpu.memory_space<semaphore_mem>>
        %dma_start3A_388 = tpu.memref_slice %arg2[%add3A_14] : memref<1048576xf32, #tpu.memory_space<hbm>> -> memref<512xf32, #tpu.memory_space<hbm>>
        %dma_start3A_389 = tpu.memref_slice %arg2[%add3A_14] : memref<1048576xf32, #tpu.memory_space<hbm>> -> memref<512xf32, #tpu.memory_space<hbm>>
        tpu.enqueue_dma source(%dma_start3A_389 : memref<512xf32, #tpu.memory_space<hbm>>) target(%arg7 : memref<512xf32, #tpu.memory_space<vmem>>) target_semaphore(%run_scoped3A : memref<!tpu.dma_semaphore, #tpu.memory_space<semaphore_mem>>)
        %dma_wait3A_390 = tpu.memref_slice %arg2[%add3A_14] : memref<1048576xf32, #tpu.memory_space<hbm>> -> memref<512xf32, #tpu.memory_space<hbm>>
        %dma_wait3A_391 = tpu.memref_slice %arg2[%add3A_14] : memref<1048576xf32, #tpu.memory_space<hbm>> -> memref<512xf32, #tpu.memory_space<hbm>>
        tpu.wait_dma2 semaphore(%run_scoped3A : memref<!tpu.dma_semaphore, #tpu.memory_space<semaphore_mem>>) src(%dma_wait3A_391 : memref<512xf32, #tpu.memory_space<hbm>>) dst(%arg7 : memref<512xf32, #tpu.memory_space<vmem>>)
        tpu.yield
      }) : () -> ()
      %iota3A = tpu.iota {dimensions = array<i32: 0>} : vector<16xi32>
      %scan3A_15 = arith.constant 0 : i32
      %scan3A_16 = arith.constant 8 : i32
      %scan3A_17 = arith.addi %scan3A_15, %scan3A_16 : i32
      %scan3A_18 = arith.constant 1 : i32
      scf.for %scan3A_388 = %scan3A_15 to %scan3A_17 step %scan3A_18  : i32 {
        %mul3A_389 = arith.constant 16 : i32
        %mul3A_390 = arith.muli %scan3A_388, %mul3A_389 : i32
        %add3A_391 = arith.constant 0 : i32
        %add3A_392 = arith.addi %add3A_391, %mul3A_390 : i32
        %add3A_393 = arith.constant 0 : i32
        %add3A_394 = arith.addi %add3A_393, %add3A_392 : i32
        %get3A = arith.index_cast %add3A_394 : i32 to index
        %get3A_395 = tpu.vector_load %arg7[%get3A] {strides = array<i32>} : memref<512xf32, #tpu.memory_space<vmem>>, vector<16xf32>,
        %mul3A_396 = arith.constant 3.276800e+04 : f32
        %mul3A_397 = vector.broadcast %mul3A_396 : f32 to vector<16xf32>
        %mul3A_398 = arith.mulf %get3A_395, %mul3A_397 : vector<16xf32>
        %convert_element_type3A = arith.fptosi %mul3A_398 : vector<16xf32> to vector<16xi32>
        %mul3A_399 = arith.constant 2 : i32
        %mul3A_400 = arith.muli %mul3A_399, %add3A_392 : i32
        %mul3A_401 = arith.constant 2 : i32
        %mul3A_402 = vector.broadcast %mul3A_401 : i32 to vector<16xi32>
        %mul3A_403 = arith.muli %mul3A_402, %iota3A : vector<16xi32>
        %add3A_404 = vector.broadcast %mul3A_400 : i32 to vector<16xi32>
        %add3A_405 = arith.addi %add3A_404, %mul3A_403 : vector<16xi32>
        %add3A_406 = arith.constant 0 : i32
        %add3A_407 = vector.broadcast %add3A_406 : i32 to vector<16xi32>
        %add3A_408 = arith.addi %convert_element_type3A, %add3A_407 : vector<16xi32>
        %mul3A_409 = arith.constant 2 : i32
        %mul3A_410 = vector.broadcast %mul3A_409 : i32 to vector<16xi32>
        %mul3A_411 = arith.muli %add3A_408, %mul3A_410 : vector<16xi32>
        tpu.vector_store_idx %arg8[%add3A_405], %mul3A_411 : memref<256xi32, #tpu.memory_space<vmem>>[vector<16xi32>], vector<16xi32>,
      }
      %scan3A_19 = arith.constant 8 : i32
      %dma_start3A = arith.constant 0 : i32
      %dma_start3A_20 = arith.constant 0 : i32
      %dma_start3A_21 = tpu.memref_slice %arg4[%dma_start3A, %dma_start3A_20] : memref<1015808x4xf32, #tpu.memory_space<hbm>> -> memref<1015808x4xf32, #tpu.memory_space<hbm>>
      tpu.enqueue_indirect_dma source(%dma_start3A_21 : memref<1015808x4xf32, #tpu.memory_space<hbm>>) target(%arg28 : memref<256x4xf32, #tpu.memory_space<vmem>>) offsets(%arg8 : memref<256xi32, #tpu.memory_space<vmem>>) semaphore(%arg49 : memref<!tpu.dma_semaphore, #tpu.memory_space<semaphore_mem>>)
      %scan3A_22 = arith.constant 0 : i32
      %scan3A_23 = arith.constant 8 : i32
      %scan3A_24 = arith.addi %scan3A_22, %scan3A_23 : i32
      %scan3A_25 = arith.constant 1 : i32
      scf.for %scan3A_388 = %scan3A_22 to %scan3A_24 step %scan3A_25  : i32 {
        %mul3A_389 = arith.constant 16 : i32
        %mul3A_390 = arith.muli %scan3A_388, %mul3A_389 : i32
        %add3A_391 = arith.constant 0 : i32
        %add3A_392 = arith.addi %add3A_391, %mul3A_390 : i32
        %add3A_393 = arith.constant 128 : i32
        %add3A_394 = arith.addi %add3A_393, %add3A_392 : i32
        %get3A = arith.index_cast %add3A_394 : i32 to index
        %get3A_395 = tpu.vector_load %arg7[%get3A] {strides = array<i32>} : memref<512xf32, #tpu.memory_space<vmem>>, vector<16xf32>,
        %mul3A_396 = arith.constant 3.276800e+04 : f32
        %mul3A_397 = vector.broadcast %mul3A_396 : f32 to vector<16xf32>
        %mul3A_398 = arith.mulf %get3A_395, %mul3A_397 : vector<16xf32>
        %convert_element_type3A = arith.fptosi %mul3A_398 : vector<16xf32> to vector<16xi32>
        %mul3A_399 = arith.constant 2 : i32
        %mul3A_400 = arith.muli %mul3A_399, %add3A_392 : i32
        %mul3A_401 = arith.constant 2 : i32
        %mul3A_402 = vector.broadcast %mul3A_401 : i32 to vector<16xi32>
        %mul3A_403 = arith.muli %mul3A_402, %iota3A : vector<16xi32>
        %add3A_404 = vector.broadcast %mul3A_400 : i32 to vector<16xi32>
        %add3A_405 = arith.addi %add3A_404, %mul3A_403 : vector<16xi32>
        %add3A_406 = arith.constant 0 : i32
        %add3A_407 = vector.broadcast %add3A_406 : i32 to vector<16xi32>
        %add3A_408 = arith.addi %convert_element_type3A, %add3A_407 : vector<16xi32>
        %mul3A_409 = arith.constant 2 : i32
        %mul3A_410 = vector.broadcast %mul3A_409 : i32 to vector<16xi32>
        %mul3A_411 = arith.muli %add3A_408, %mul3A_410 : vector<16xi32>
        tpu.vector_store_idx %arg9[%add3A_405], %mul3A_411 : memref<256xi32, #tpu.memory_space<vmem>>[vector<16xi32>], vector<16xi32>,
      }
      %scan3A_26 = arith.constant 8 : i32
      %dma_start3A_27 = arith.constant 0 : i32
      %dma_start3A_28 = arith.constant 0 : i32
      %dma_start3A_29 = tpu.memref_slice %arg4[%dma_start3A_27, %dma_start3A_28] : memref<1015808x4xf32, #tpu.memory_space<hbm>> -> memref<1015808x4xf32, #tpu.memory_space<hbm>>
      tpu.enqueue_indirect_dma source(%dma_start3A_29 : memref<1015808x4xf32, #tpu.memory_space<hbm>>) target(%arg29 : memref<256x4xf32, #tpu.memory_space<vmem>>) offsets(%arg9 : memref<256xi32, #tpu.memory_space<vmem>>) semaphore(%arg49 : memref<!tpu.dma_semaphore, #tpu.memory_space<semaphore_mem>>)
      %scan3A_30 = arith.constant 0 : i32
      %scan3A_31 = arith.constant 8 : i32
      %scan3A_32 = arith.addi %scan3A_30, %scan3A_31 : i32
      %scan3A_33 = arith.constant 1 : i32
      scf.for %scan3A_388 = %scan3A_30 to %scan3A_32 step %scan3A_33  : i32 {
        %mul3A_389 = arith.constant 16 : i32
        %mul3A_390 = arith.muli %scan3A_388, %mul3A_389 : i32
        %add3A_391 = arith.constant 0 : i32
        %add3A_392 = arith.addi %add3A_391, %mul3A_390 : i32
        %add3A_393 = arith.constant 256 : i32
        %add3A_394 = arith.addi %add3A_393, %add3A_392 : i32
        %get3A = arith.index_cast %add3A_394 : i32 to index
        %get3A_395 = tpu.vector_load %arg7[%get3A] {strides = array<i32>} : memref<512xf32, #tpu.memory_space<vmem>>, vector<16xf32>,
        %mul3A_396 = arith.constant 3.276800e+04 : f32
        %mul3A_397 = vector.broadcast %mul3A_396 : f32 to vector<16xf32>
        %mul3A_398 = arith.mulf %get3A_395, %mul3A_397 : vector<16xf32>
        %convert_element_type3A = arith.fptosi %mul3A_398 : vector<16xf32> to vector<16xi32>
        %mul3A_399 = arith.constant 2 : i32
        %mul3A_400 = arith.muli %mul3A_399, %add3A_392 : i32
        %mul3A_401 = arith.constant 2 : i32
        %mul3A_402 = vector.broadcast %mul3A_401 : i32 to vector<16xi32>
        %mul3A_403 = arith.muli %mul3A_402, %iota3A : vector<16xi32>
        %add3A_404 = vector.broadcast %mul3A_400 : i32 to vector<16xi32>
        %add3A_405 = arith.addi %add3A_404, %mul3A_403 : vector<16xi32>
        %add3A_406 = arith.constant 0 : i32
        %add3A_407 = vector.broadcast %add3A_406 : i32 to vector<16xi32>
        %add3A_408 = arith.addi %convert_element_type3A, %add3A_407 : vector<16xi32>
        %mul3A_409 = arith.constant 2 : i32
        %mul3A_410 = vector.broadcast %mul3A_409 : i32 to vector<16xi32>
        %mul3A_411 = arith.muli %add3A_408, %mul3A_410 : vector<16xi32>
        tpu.vector_store_idx %arg10[%add3A_405], %mul3A_411 : memref<256xi32, #tpu.memory_space<vmem>>[vector<16xi32>], vector<16xi32>,
      }
      %scan3A_34 = arith.constant 8 : i32
      %dma_start3A_35 = arith.constant 0 : i32
      %dma_start3A_36 = arith.constant 0 : i32
      %dma_start3A_37 = tpu.memref_slice %arg4[%dma_start3A_35, %dma_start3A_36] : memref<1015808x4xf32, #tpu.memory_space<hbm>> -> memref<1015808x4xf32, #tpu.memory_space<hbm>>
      tpu.enqueue_indirect_dma source(%dma_start3A_37 : memref<1015808x4xf32, #tpu.memory_space<hbm>>) target(%arg30 : memref<256x4xf32, #tpu.memory_space<vmem>>) offsets(%arg10 : memref<256xi32, #tpu.memory_space<vmem>>) semaphore(%arg49 : memref<!tpu.dma_semaphore, #tpu.memory_space<semaphore_mem>>)
      %scan3A_38 = arith.constant 0 : i32
      %scan3A_39 = arith.constant 8 : i32
      %scan3A_40 = arith.addi %scan3A_38, %scan3A_39 : i32
      %scan3A_41 = arith.constant 1 : i32
      scf.for %scan3A_388 = %scan3A_38 to %scan3A_40 step %scan3A_41  : i32 {
        %mul3A_389 = arith.constant 16 : i32
        %mul3A_390 = arith.muli %scan3A_388, %mul3A_389 : i32
        %add3A_391 = arith.constant 0 : i32
        %add3A_392 = arith.addi %add3A_391, %mul3A_390 : i32
        %add3A_393 = arith.constant 384 : i32
        %add3A_394 = arith.addi %add3A_393, %add3A_392 : i32
        %get3A = arith.index_cast %add3A_394 : i32 to index
        %get3A_395 = tpu.vector_load %arg7[%get3A] {strides = array<i32>} : memref<512xf32, #tpu.memory_space<vmem>>, vector<16xf32>,
        %mul3A_396 = arith.constant 3.276800e+04 : f32
        %mul3A_397 = vector.broadcast %mul3A_396 : f32 to vector<16xf32>
        %mul3A_398 = arith.mulf %get3A_395, %mul3A_397 : vector<16xf32>
        %convert_element_type3A = arith.fptosi %mul3A_398 : vector<16xf32> to vector<16xi32>
        %mul3A_399 = arith.constant 2 : i32
        %mul3A_400 = arith.muli %mul3A_399, %add3A_392 : i32
        %mul3A_401 = arith.constant 2 : i32
        %mul3A_402 = vector.broadcast %mul3A_401 : i32 to vector<16xi32>
        %mul3A_403 = arith.muli %mul3A_402, %iota3A : vector<16xi32>
        %add3A_404 = vector.broadcast %mul3A_400 : i32 to vector<16xi32>
        %add3A_405 = arith.addi %add3A_404, %mul3A_403 : vector<16xi32>
        %add3A_406 = arith.constant 0 : i32
        %add3A_407 = vector.broadcast %add3A_406 : i32 to vector<16xi32>
        %add3A_408 = arith.addi %convert_element_type3A, %add3A_407 : vector<16xi32>
        %mul3A_409 = arith.constant 2 : i32
        %mul3A_410 = vector.broadcast %mul3A_409 : i32 to vector<16xi32>
        %mul3A_411 = arith.muli %add3A_408, %mul3A_410 : vector<16xi32>
        tpu.vector_store_idx %arg11[%add3A_405], %mul3A_411 : memref<256xi32, #tpu.memory_space<vmem>>[vector<16xi32>], vector<16xi32>,
      }
      %scan3A_42 = arith.constant 8 : i32
      %dma_start3A_43 = arith.constant 0 : i32
      %dma_start3A_44 = arith.constant 0 : i32
      %dma_start3A_45 = tpu.memref_slice %arg4[%dma_start3A_43, %dma_start3A_44] : memref<1015808x4xf32, #tpu.memory_space<hbm>> -> memref<1015808x4xf32, #tpu.memory_space<hbm>>
      tpu.enqueue_indirect_dma source(%dma_start3A_45 : memref<1015808x4xf32, #tpu.memory_space<hbm>>) target(%arg31 : memref<256x4xf32, #tpu.memory_space<vmem>>) offsets(%arg11 : memref<256xi32, #tpu.memory_space<vmem>>) semaphore(%arg49 : memref<!tpu.dma_semaphore, #tpu.memory_space<semaphore_mem>>)
      %scan3A_46 = arith.constant 0 : i32
      %scan3A_47 = arith.constant 8 : i32
      %scan3A_48 = arith.addi %scan3A_46, %scan3A_47 : i32
      %scan3A_49 = arith.constant 1 : i32
      scf.for %scan3A_388 = %scan3A_46 to %scan3A_48 step %scan3A_49  : i32 {
        %mul3A_389 = arith.constant 16 : i32
        %mul3A_390 = arith.muli %scan3A_388, %mul3A_389 : i32
        %add3A_391 = arith.constant 0 : i32
        %add3A_392 = arith.addi %add3A_391, %mul3A_390 : i32
        %add3A_393 = arith.constant 0 : i32
        %add3A_394 = arith.addi %add3A_393, %add3A_392 : i32
        %get3A = arith.index_cast %add3A_394 : i32 to index
        %get3A_395 = tpu.vector_load %arg7[%get3A] {strides = array<i32>} : memref<512xf32, #tpu.memory_space<vmem>>, vector<16xf32>,
        %mul3A_396 = arith.constant 6.553600e+04 : f32
        %mul3A_397 = vector.broadcast %mul3A_396 : f32 to vector<16xf32>
        %mul3A_398 = arith.mulf %get3A_395, %mul3A_397 : vector<16xf32>
        %convert_element_type3A = arith.fptosi %mul3A_398 : vector<16xf32> to vector<16xi32>
        %mul3A_399 = arith.constant 2 : i32
        %mul3A_400 = arith.muli %mul3A_399, %add3A_392 : i32
        %mul3A_401 = arith.constant 2 : i32
        %mul3A_402 = vector.broadcast %mul3A_401 : i32 to vector<16xi32>
        %mul3A_403 = arith.muli %mul3A_402, %iota3A : vector<16xi32>
        %add3A_404 = vector.broadcast %mul3A_400 : i32 to vector<16xi32>
        %add3A_405 = arith.addi %add3A_404, %mul3A_403 : vector<16xi32>
        %add3A_406 = arith.constant 32768 : i32
        %add3A_407 = vector.broadcast %add3A_406 : i32 to vector<16xi32>
        %add3A_408 = arith.addi %convert_element_type3A, %add3A_407 : vector<16xi32>
        %mul3A_409 = arith.constant 2 : i32
        %mul3A_410 = vector.broadcast %mul3A_409 : i32 to vector<16xi32>
        %mul3A_411 = arith.muli %add3A_408, %mul3A_410 : vector<16xi32>
        tpu.vector_store_idx %arg12[%add3A_405], %mul3A_411 : memref<256xi32, #tpu.memory_space<vmem>>[vector<16xi32>], vector<16xi32>,
      }
      %scan3A_50 = arith.constant 8 : i32
      %dma_start3A_51 = arith.constant 0 : i32
      %dma_start3A_52 = arith.constant 0 : i32
      %dma_start3A_53 = tpu.memref_slice %arg4[%dma_start3A_51, %dma_start3A_52] : memref<1015808x4xf32, #tpu.memory_space<hbm>> -> memref<1015808x4xf32, #tpu.memory_space<hbm>>
      tpu.enqueue_indirect_dma source(%dma_start3A_53 : memref<1015808x4xf32, #tpu.memory_space<hbm>>) target(%arg32 : memref<256x4xf32, #tpu.memory_space<vmem>>) offsets(%arg12 : memref<256xi32, #tpu.memory_space<vmem>>) semaphore(%arg49 : memref<!tpu.dma_semaphore, #tpu.memory_space<semaphore_mem>>)
      %scan3A_54 = arith.constant 0 : i32
      %scan3A_55 = arith.constant 8 : i32
      %scan3A_56 = arith.addi %scan3A_54, %scan3A_55 : i32
      %scan3A_57 = arith.constant 1 : i32
      scf.for %scan3A_388 = %scan3A_54 to %scan3A_56 step %scan3A_57  : i32 {
        %mul3A_389 = arith.constant 16 : i32
        %mul3A_390 = arith.muli %scan3A_388, %mul3A_389 : i32
        %add3A_391 = arith.constant 0 : i32
        %add3A_392 = arith.addi %add3A_391, %mul3A_390 : i32
        %add3A_393 = arith.constant 128 : i32
        %add3A_394 = arith.addi %add3A_393, %add3A_392 : i32
        %get3A = arith.index_cast %add3A_394 : i32 to index
        %get3A_395 = tpu.vector_load %arg7[%get3A] {strides = array<i32>} : memref<512xf32, #tpu.memory_space<vmem>>, vector<16xf32>,
        %mul3A_396 = arith.constant 6.553600e+04 : f32
        %mul3A_397 = vector.broadcast %mul3A_396 : f32 to vector<16xf32>
        %mul3A_398 = arith.mulf %get3A_395, %mul3A_397 : vector<16xf32>
        %convert_element_type3A = arith.fptosi %mul3A_398 : vector<16xf32> to vector<16xi32>
        %mul3A_399 = arith.constant 2 : i32
        %mul3A_400 = arith.muli %mul3A_399, %add3A_392 : i32
        %mul3A_401 = arith.constant 2 : i32
        %mul3A_402 = vector.broadcast %mul3A_401 : i32 to vector<16xi32>
        %mul3A_403 = arith.muli %mul3A_402, %iota3A : vector<16xi32>
        %add3A_404 = vector.broadcast %mul3A_400 : i32 to vector<16xi32>
        %add3A_405 = arith.addi %add3A_404, %mul3A_403 : vector<16xi32>
        %add3A_406 = arith.constant 32768 : i32
        %add3A_407 = vector.broadcast %add3A_406 : i32 to vector<16xi32>
        %add3A_408 = arith.addi %convert_element_type3A, %add3A_407 : vector<16xi32>
        %mul3A_409 = arith.constant 2 : i32
        %mul3A_410 = vector.broadcast %mul3A_409 : i32 to vector<16xi32>
        %mul3A_411 = arith.muli %add3A_408, %mul3A_410 : vector<16xi32>
        tpu.vector_store_idx %arg13[%add3A_405], %mul3A_411 : memref<256xi32, #tpu.memory_space<vmem>>[vector<16xi32>], vector<16xi32>,
      }
      %scan3A_58 = arith.constant 8 : i32
      %dma_start3A_59 = arith.constant 0 : i32
      %dma_start3A_60 = arith.constant 0 : i32
      %dma_start3A_61 = tpu.memref_slice %arg4[%dma_start3A_59, %dma_start3A_60] : memref<1015808x4xf32, #tpu.memory_space<hbm>> -> memref<1015808x4xf32, #tpu.memory_space<hbm>>
      tpu.enqueue_indirect_dma source(%dma_start3A_61 : memref<1015808x4xf32, #tpu.memory_space<hbm>>) target(%arg33 : memref<256x4xf32, #tpu.memory_space<vmem>>) offsets(%arg13 : memref<256xi32, #tpu.memory_space<vmem>>) semaphore(%arg49 : memref<!tpu.dma_semaphore, #tpu.memory_space<semaphore_mem>>)
      %scan3A_62 = arith.constant 0 : i32
      %scan3A_63 = arith.constant 8 : i32
      %scan3A_64 = arith.addi %scan3A_62, %scan3A_63 : i32
      %scan3A_65 = arith.constant 1 : i32
      scf.for %scan3A_388 = %scan3A_62 to %scan3A_64 step %scan3A_65  : i32 {
        %mul3A_389 = arith.constant 16 : i32
        %mul3A_390 = arith.muli %scan3A_388, %mul3A_389 : i32
        %add3A_391 = arith.constant 0 : i32
        %add3A_392 = arith.addi %add3A_391, %mul3A_390 : i32
        %add3A_393 = arith.constant 256 : i32
        %add3A_394 = arith.addi %add3A_393, %add3A_392 : i32
        %get3A = arith.index_cast %add3A_394 : i32 to index
        %get3A_395 = tpu.vector_load %arg7[%get3A] {strides = array<i32>} : memref<512xf32, #tpu.memory_space<vmem>>, vector<16xf32>,
        %mul3A_396 = arith.constant 6.553600e+04 : f32
        %mul3A_397 = vector.broadcast %mul3A_396 : f32 to vector<16xf32>
        %mul3A_398 = arith.mulf %get3A_395, %mul3A_397 : vector<16xf32>
        %convert_element_type3A = arith.fptosi %mul3A_398 : vector<16xf32> to vector<16xi32>
        %mul3A_399 = arith.constant 2 : i32
        %mul3A_400 = arith.muli %mul3A_399, %add3A_392 : i32
        %mul3A_401 = arith.constant 2 : i32
        %mul3A_402 = vector.broadcast %mul3A_401 : i32 to vector<16xi32>
        %mul3A_403 = arith.muli %mul3A_402, %iota3A : vector<16xi32>
        %add3A_404 = vector.broadcast %mul3A_400 : i32 to vector<16xi32>
        %add3A_405 = arith.addi %add3A_404, %mul3A_403 : vector<16xi32>
        %add3A_406 = arith.constant 32768 : i32
        %add3A_407 = vector.broadcast %add3A_406 : i32 to vector<16xi32>
        %add3A_408 = arith.addi %convert_element_type3A, %add3A_407 : vector<16xi32>
        %mul3A_409 = arith.constant 2 : i32
        %mul3A_410 = vector.broadcast %mul3A_409 : i32 to vector<16xi32>
        %mul3A_411 = arith.muli %add3A_408, %mul3A_410 : vector<16xi32>
        tpu.vector_store_idx %arg14[%add3A_405], %mul3A_411 : memref<256xi32, #tpu.memory_space<vmem>>[vector<16xi32>], vector<16xi32>,
      }
      %scan3A_66 = arith.constant 8 : i32
      %dma_start3A_67 = arith.constant 0 : i32
      %dma_start3A_68 = arith.constant 0 : i32
      %dma_start3A_69 = tpu.memref_slice %arg4[%dma_start3A_67, %dma_start3A_68] : memref<1015808x4xf32, #tpu.memory_space<hbm>> -> memref<1015808x4xf32, #tpu.memory_space<hbm>>
      tpu.enqueue_indirect_dma source(%dma_start3A_69 : memref<1015808x4xf32, #tpu.memory_space<hbm>>) target(%arg34 : memref<256x4xf32, #tpu.memory_space<vmem>>) offsets(%arg14 : memref<256xi32, #tpu.memory_space<vmem>>) semaphore(%arg49 : memref<!tpu.dma_semaphore, #tpu.memory_space<semaphore_mem>>)
      %scan3A_70 = arith.constant 0 : i32
      %scan3A_71 = arith.constant 8 : i32
      %scan3A_72 = arith.addi %scan3A_70, %scan3A_71 : i32
      %scan3A_73 = arith.constant 1 : i32
      scf.for %scan3A_388 = %scan3A_70 to %scan3A_72 step %scan3A_73  : i32 {
        %mul3A_389 = arith.constant 16 : i32
        %mul3A_390 = arith.muli %scan3A_388, %mul3A_389 : i32
        %add3A_391 = arith.constant 0 : i32
        %add3A_392 = arith.addi %add3A_391, %mul3A_390 : i32
        %add3A_393 = arith.constant 384 : i32
        %add3A_394 = arith.addi %add3A_393, %add3A_392 : i32
        %get3A = arith.index_cast %add3A_394 : i32 to index
        %get3A_395 = tpu.vector_load %arg7[%get3A] {strides = array<i32>} : memref<512xf32, #tpu.memory_space<vmem>>, vector<16xf32>,
        %mul3A_396 = arith.constant 6.553600e+04 : f32
        %mul3A_397 = vector.broadcast %mul3A_396 : f32 to vector<16xf32>
        %mul3A_398 = arith.mulf %get3A_395, %mul3A_397 : vector<16xf32>
        %convert_element_type3A = arith.fptosi %mul3A_398 : vector<16xf32> to vector<16xi32>
        %mul3A_399 = arith.constant 2 : i32
        %mul3A_400 = arith.muli %mul3A_399, %add3A_392 : i32
        %mul3A_401 = arith.constant 2 : i32
        %mul3A_402 = vector.broadcast %mul3A_401 : i32 to vector<16xi32>
        %mul3A_403 = arith.muli %mul3A_402, %iota3A : vector<16xi32>
        %add3A_404 = vector.broadcast %mul3A_400 : i32 to vector<16xi32>
        %add3A_405 = arith.addi %add3A_404, %mul3A_403 : vector<16xi32>
        %add3A_406 = arith.constant 32768 : i32
        %add3A_407 = vector.broadcast %add3A_406 : i32 to vector<16xi32>
        %add3A_408 = arith.addi %convert_element_type3A, %add3A_407 : vector<16xi32>
        %mul3A_409 = arith.constant 2 : i32
        %mul3A_410 = vector.broadcast %mul3A_409 : i32 to vector<16xi32>
        %mul3A_411 = arith.muli %add3A_408, %mul3A_410 : vector<16xi32>
        tpu.vector_store_idx %arg15[%add3A_405], %mul3A_411 : memref<256xi32, #tpu.memory_space<vmem>>[vector<16xi32>], vector<16xi32>,
      }
      %scan3A_74 = arith.constant 8 : i32
      %dma_start3A_75 = arith.constant 0 : i32
      %dma_start3A_76 = arith.constant 0 : i32
      %dma_start3A_77 = tpu.memref_slice %arg4[%dma_start3A_75, %dma_start3A_76] : memref<1015808x4xf32, #tpu.memory_space<hbm>> -> memref<1015808x4xf32, #tpu.memory_space<hbm>>
      tpu.enqueue_indirect_dma source(%dma_start3A_77 : memref<1015808x4xf32, #tpu.memory_space<hbm>>) target(%arg35 : memref<256x4xf32, #tpu.memory_space<vmem>>) offsets(%arg15 : memref<256xi32, #tpu.memory_space<vmem>>) semaphore(%arg49 : memref<!tpu.dma_semaphore, #tpu.memory_space<semaphore_mem>>)
      %scan3A_78 = arith.constant 0 : i32
      %scan3A_79 = arith.constant 8 : i32
      %scan3A_80 = arith.addi %scan3A_78, %scan3A_79 : i32
      %scan3A_81 = arith.constant 1 : i32
      scf.for %scan3A_388 = %scan3A_78 to %scan3A_80 step %scan3A_81  : i32 {
        %mul3A_389 = arith.constant 16 : i32
        %mul3A_390 = arith.muli %scan3A_388, %mul3A_389 : i32
        %add3A_391 = arith.constant 0 : i32
        %add3A_392 = arith.addi %add3A_391, %mul3A_390 : i32
        %add3A_393 = arith.constant 0 : i32
        %add3A_394 = arith.addi %add3A_393, %add3A_392 : i32
        %get3A = arith.index_cast %add3A_394 : i32 to index
        %get3A_395 = tpu.vector_load %arg7[%get3A] {strides = array<i32>} : memref<512xf32, #tpu.memory_space<vmem>>, vector<16xf32>,
        %mul3A_396 = arith.constant 1.310720e+05 : f32
        %mul3A_397 = vector.broadcast %mul3A_396 : f32 to vector<16xf32>
        %mul3A_398 = arith.mulf %get3A_395, %mul3A_397 : vector<16xf32>
        %convert_element_type3A = arith.fptosi %mul3A_398 : vector<16xf32> to vector<16xi32>
        %mul3A_399 = arith.constant 2 : i32
        %mul3A_400 = arith.muli %mul3A_399, %add3A_392 : i32
        %mul3A_401 = arith.constant 2 : i32
        %mul3A_402 = vector.broadcast %mul3A_401 : i32 to vector<16xi32>
        %mul3A_403 = arith.muli %mul3A_402, %iota3A : vector<16xi32>
        %add3A_404 = vector.broadcast %mul3A_400 : i32 to vector<16xi32>
        %add3A_405 = arith.addi %add3A_404, %mul3A_403 : vector<16xi32>
        %add3A_406 = arith.constant 98304 : i32
        %add3A_407 = vector.broadcast %add3A_406 : i32 to vector<16xi32>
        %add3A_408 = arith.addi %convert_element_type3A, %add3A_407 : vector<16xi32>
        %mul3A_409 = arith.constant 2 : i32
        %mul3A_410 = vector.broadcast %mul3A_409 : i32 to vector<16xi32>
        %mul3A_411 = arith.muli %add3A_408, %mul3A_410 : vector<16xi32>
        tpu.vector_store_idx %arg16[%add3A_405], %mul3A_411 : memref<256xi32, #tpu.memory_space<vmem>>[vector<16xi32>], vector<16xi32>,
      }
      %scan3A_82 = arith.constant 8 : i32
      %dma_start3A_83 = arith.constant 0 : i32
      %dma_start3A_84 = arith.constant 0 : i32
      %dma_start3A_85 = tpu.memref_slice %arg4[%dma_start3A_83, %dma_start3A_84] : memref<1015808x4xf32, #tpu.memory_space<hbm>> -> memref<1015808x4xf32, #tpu.memory_space<hbm>>
      tpu.enqueue_indirect_dma source(%dma_start3A_85 : memref<1015808x4xf32, #tpu.memory_space<hbm>>) target(%arg36 : memref<256x4xf32, #tpu.memory_space<vmem>>) offsets(%arg16 : memref<256xi32, #tpu.memory_space<vmem>>) semaphore(%arg49 : memref<!tpu.dma_semaphore, #tpu.memory_space<semaphore_mem>>)
      %scan3A_86 = arith.constant 0 : i32
      %scan3A_87 = arith.constant 8 : i32
      %scan3A_88 = arith.addi %scan3A_86, %scan3A_87 : i32
      %scan3A_89 = arith.constant 1 : i32
      scf.for %scan3A_388 = %scan3A_86 to %scan3A_88 step %scan3A_89  : i32 {
        %mul3A_389 = arith.constant 16 : i32
        %mul3A_390 = arith.muli %scan3A_388, %mul3A_389 : i32
        %add3A_391 = arith.constant 0 : i32
        %add3A_392 = arith.addi %add3A_391, %mul3A_390 : i32
        %add3A_393 = arith.constant 128 : i32
        %add3A_394 = arith.addi %add3A_393, %add3A_392 : i32
        %get3A = arith.index_cast %add3A_394 : i32 to index
        %get3A_395 = tpu.vector_load %arg7[%get3A] {strides = array<i32>} : memref<512xf32, #tpu.memory_space<vmem>>, vector<16xf32>,
        %mul3A_396 = arith.constant 1.310720e+05 : f32
        %mul3A_397 = vector.broadcast %mul3A_396 : f32 to vector<16xf32>
        %mul3A_398 = arith.mulf %get3A_395, %mul3A_397 : vector<16xf32>
        %convert_element_type3A = arith.fptosi %mul3A_398 : vector<16xf32> to vector<16xi32>
        %mul3A_399 = arith.constant 2 : i32
        %mul3A_400 = arith.muli %mul3A_399, %add3A_392 : i32
        %mul3A_401 = arith.constant 2 : i32
        %mul3A_402 = vector.broadcast %mul3A_401 : i32 to vector<16xi32>
        %mul3A_403 = arith.muli %mul3A_402, %iota3A : vector<16xi32>
        %add3A_404 = vector.broadcast %mul3A_400 : i32 to vector<16xi32>
        %add3A_405 = arith.addi %add3A_404, %mul3A_403 : vector<16xi32>
        %add3A_406 = arith.constant 98304 : i32
        %add3A_407 = vector.broadcast %add3A_406 : i32 to vector<16xi32>
        %add3A_408 = arith.addi %convert_element_type3A, %add3A_407 : vector<16xi32>
        %mul3A_409 = arith.constant 2 : i32
        %mul3A_410 = vector.broadcast %mul3A_409 : i32 to vector<16xi32>
        %mul3A_411 = arith.muli %add3A_408, %mul3A_410 : vector<16xi32>
        tpu.vector_store_idx %arg17[%add3A_405], %mul3A_411 : memref<256xi32, #tpu.memory_space<vmem>>[vector<16xi32>], vector<16xi32>,
      }
      %scan3A_90 = arith.constant 8 : i32
      %dma_start3A_91 = arith.constant 0 : i32
      %dma_start3A_92 = arith.constant 0 : i32
      %dma_start3A_93 = tpu.memref_slice %arg4[%dma_start3A_91, %dma_start3A_92] : memref<1015808x4xf32, #tpu.memory_space<hbm>> -> memref<1015808x4xf32, #tpu.memory_space<hbm>>
      tpu.enqueue_indirect_dma source(%dma_start3A_93 : memref<1015808x4xf32, #tpu.memory_space<hbm>>) target(%arg37 : memref<256x4xf32, #tpu.memory_space<vmem>>) offsets(%arg17 : memref<256xi32, #tpu.memory_space<vmem>>) semaphore(%arg49 : memref<!tpu.dma_semaphore, #tpu.memory_space<semaphore_mem>>)
      %scan3A_94 = arith.constant 0 : i32
      %scan3A_95 = arith.constant 8 : i32
      %scan3A_96 = arith.addi %scan3A_94, %scan3A_95 : i32
      %scan3A_97 = arith.constant 1 : i32
      scf.for %scan3A_388 = %scan3A_94 to %scan3A_96 step %scan3A_97  : i32 {
        %mul3A_389 = arith.constant 16 : i32
        %mul3A_390 = arith.muli %scan3A_388, %mul3A_389 : i32
        %add3A_391 = arith.constant 0 : i32
        %add3A_392 = arith.addi %add3A_391, %mul3A_390 : i32
        %add3A_393 = arith.constant 256 : i32
        %add3A_394 = arith.addi %add3A_393, %add3A_392 : i32
        %get3A = arith.index_cast %add3A_394 : i32 to index
        %get3A_395 = tpu.vector_load %arg7[%get3A] {strides = array<i32>} : memref<512xf32, #tpu.memory_space<vmem>>, vector<16xf32>,
        %mul3A_396 = arith.constant 1.310720e+05 : f32
        %mul3A_397 = vector.broadcast %mul3A_396 : f32 to vector<16xf32>
        %mul3A_398 = arith.mulf %get3A_395, %mul3A_397 : vector<16xf32>
        %convert_element_type3A = arith.fptosi %mul3A_398 : vector<16xf32> to vector<16xi32>
        %mul3A_399 = arith.constant 2 : i32
        %mul3A_400 = arith.muli %mul3A_399, %add3A_392 : i32
        %mul3A_401 = arith.constant 2 : i32
        %mul3A_402 = vector.broadcast %mul3A_401 : i32 to vector<16xi32>
        %mul3A_403 = arith.muli %mul3A_402, %iota3A : vector<16xi32>
        %add3A_404 = vector.broadcast %mul3A_400 : i32 to vector<16xi32>
        %add3A_405 = arith.addi %add3A_404, %mul3A_403 : vector<16xi32>
        %add3A_406 = arith.constant 98304 : i32
        %add3A_407 = vector.broadcast %add3A_406 : i32 to vector<16xi32>
        %add3A_408 = arith.addi %convert_element_type3A, %add3A_407 : vector<16xi32>
        %mul3A_409 = arith.constant 2 : i32
        %mul3A_410 = vector.broadcast %mul3A_409 : i32 to vector<16xi32>
        %mul3A_411 = arith.muli %add3A_408, %mul3A_410 : vector<16xi32>
        tpu.vector_store_idx %arg18[%add3A_405], %mul3A_411 : memref<256xi32, #tpu.memory_space<vmem>>[vector<16xi32>], vector<16xi32>,
      }
      %scan3A_98 = arith.constant 8 : i32
      %dma_start3A_99 = arith.constant 0 : i32
      %dma_start3A_100 = arith.constant 0 : i32
      %dma_start3A_101 = tpu.memref_slice %arg4[%dma_start3A_99, %dma_start3A_100] : memref<1015808x4xf32, #tpu.memory_space<hbm>> -> memref<1015808x4xf32, #tpu.memory_space<hbm>>
      tpu.enqueue_indirect_dma source(%dma_start3A_101 : memref<1015808x4xf32, #tpu.memory_space<hbm>>) target(%arg38 : memref<256x4xf32, #tpu.memory_space<vmem>>) offsets(%arg18 : memref<256xi32, #tpu.memory_space<vmem>>) semaphore(%arg49 : memref<!tpu.dma_semaphore, #tpu.memory_space<semaphore_mem>>)
      %scan3A_102 = arith.constant 0 : i32
      %scan3A_103 = arith.constant 8 : i32
      %scan3A_104 = arith.addi %scan3A_102, %scan3A_103 : i32
      %scan3A_105 = arith.constant 1 : i32
      scf.for %scan3A_388 = %scan3A_102 to %scan3A_104 step %scan3A_105  : i32 {
        %mul3A_389 = arith.constant 16 : i32
        %mul3A_390 = arith.muli %scan3A_388, %mul3A_389 : i32
        %add3A_391 = arith.constant 0 : i32
        %add3A_392 = arith.addi %add3A_391, %mul3A_390 : i32
        %add3A_393 = arith.constant 384 : i32
        %add3A_394 = arith.addi %add3A_393, %add3A_392 : i32
        %get3A = arith.index_cast %add3A_394 : i32 to index
        %get3A_395 = tpu.vector_load %arg7[%get3A] {strides = array<i32>} : memref<512xf32, #tpu.memory_space<vmem>>, vector<16xf32>,
        %mul3A_396 = arith.constant 1.310720e+05 : f32
        %mul3A_397 = vector.broadcast %mul3A_396 : f32 to vector<16xf32>
        %mul3A_398 = arith.mulf %get3A_395, %mul3A_397 : vector<16xf32>
        %convert_element_type3A = arith.fptosi %mul3A_398 : vector<16xf32> to vector<16xi32>
        %mul3A_399 = arith.constant 2 : i32
        %mul3A_400 = arith.muli %mul3A_399, %add3A_392 : i32
        %mul3A_401 = arith.constant 2 : i32
        %mul3A_402 = vector.broadcast %mul3A_401 : i32 to vector<16xi32>
        %mul3A_403 = arith.muli %mul3A_402, %iota3A : vector<16xi32>
        %add3A_404 = vector.broadcast %mul3A_400 : i32 to vector<16xi32>
        %add3A_405 = arith.addi %add3A_404, %mul3A_403 : vector<16xi32>
        %add3A_406 = arith.constant 98304 : i32
        %add3A_407 = vector.broadcast %add3A_406 : i32 to vector<16xi32>
        %add3A_408 = arith.addi %convert_element_type3A, %add3A_407 : vector<16xi32>
        %mul3A_409 = arith.constant 2 : i32
        %mul3A_410 = vector.broadcast %mul3A_409 : i32 to vector<16xi32>
        %mul3A_411 = arith.muli %add3A_408, %mul3A_410 : vector<16xi32>
        tpu.vector_store_idx %arg19[%add3A_405], %mul3A_411 : memref<256xi32, #tpu.memory_space<vmem>>[vector<16xi32>], vector<16xi32>,
      }
      %scan3A_106 = arith.constant 8 : i32
      %dma_start3A_107 = arith.constant 0 : i32
      %dma_start3A_108 = arith.constant 0 : i32
      %dma_start3A_109 = tpu.memref_slice %arg4[%dma_start3A_107, %dma_start3A_108] : memref<1015808x4xf32, #tpu.memory_space<hbm>> -> memref<1015808x4xf32, #tpu.memory_space<hbm>>
      tpu.enqueue_indirect_dma source(%dma_start3A_109 : memref<1015808x4xf32, #tpu.memory_space<hbm>>) target(%arg39 : memref<256x4xf32, #tpu.memory_space<vmem>>) offsets(%arg19 : memref<256xi32, #tpu.memory_space<vmem>>) semaphore(%arg49 : memref<!tpu.dma_semaphore, #tpu.memory_space<semaphore_mem>>)
      %scan3A_110 = arith.constant 0 : i32
      %scan3A_111 = arith.constant 8 : i32
      %scan3A_112 = arith.addi %scan3A_110, %scan3A_111 : i32
      %scan3A_113 = arith.constant 1 : i32
      scf.for %scan3A_388 = %scan3A_110 to %scan3A_112 step %scan3A_113  : i32 {
        %mul3A_389 = arith.constant 16 : i32
        %mul3A_390 = arith.muli %scan3A_388, %mul3A_389 : i32
        %add3A_391 = arith.constant 0 : i32
        %add3A_392 = arith.addi %add3A_391, %mul3A_390 : i32
        %add3A_393 = arith.constant 0 : i32
        %add3A_394 = arith.addi %add3A_393, %add3A_392 : i32
        %get3A = arith.index_cast %add3A_394 : i32 to index
        %get3A_395 = tpu.vector_load %arg7[%get3A] {strides = array<i32>} : memref<512xf32, #tpu.memory_space<vmem>>, vector<16xf32>,
        %mul3A_396 = arith.constant 2.621440e+05 : f32
        %mul3A_397 = vector.broadcast %mul3A_396 : f32 to vector<16xf32>
        %mul3A_398 = arith.mulf %get3A_395, %mul3A_397 : vector<16xf32>
        %convert_element_type3A = arith.fptosi %mul3A_398 : vector<16xf32> to vector<16xi32>
        %mul3A_399 = arith.constant 2 : i32
        %mul3A_400 = arith.muli %mul3A_399, %add3A_392 : i32
        %mul3A_401 = arith.constant 2 : i32
        %mul3A_402 = vector.broadcast %mul3A_401 : i32 to vector<16xi32>
        %mul3A_403 = arith.muli %mul3A_402, %iota3A : vector<16xi32>
        %add3A_404 = vector.broadcast %mul3A_400 : i32 to vector<16xi32>
        %add3A_405 = arith.addi %add3A_404, %mul3A_403 : vector<16xi32>
        %add3A_406 = arith.constant 229376 : i32
        %add3A_407 = vector.broadcast %add3A_406 : i32 to vector<16xi32>
        %add3A_408 = arith.addi %convert_element_type3A, %add3A_407 : vector<16xi32>
        %mul3A_409 = arith.constant 2 : i32
        %mul3A_410 = vector.broadcast %mul3A_409 : i32 to vector<16xi32>
        %mul3A_411 = arith.muli %add3A_408, %mul3A_410 : vector<16xi32>
        tpu.vector_store_idx %arg20[%add3A_405], %mul3A_411 : memref<256xi32, #tpu.memory_space<vmem>>[vector<16xi32>], vector<16xi32>,
      }
      %scan3A_114 = arith.constant 8 : i32
      %dma_start3A_115 = arith.constant 0 : i32
      %dma_start3A_116 = arith.constant 0 : i32
      %dma_start3A_117 = tpu.memref_slice %arg4[%dma_start3A_115, %dma_start3A_116] : memref<1015808x4xf32, #tpu.memory_space<hbm>> -> memref<1015808x4xf32, #tpu.memory_space<hbm>>
      tpu.enqueue_indirect_dma source(%dma_start3A_117 : memref<1015808x4xf32, #tpu.memory_space<hbm>>) target(%arg40 : memref<256x4xf32, #tpu.memory_space<vmem>>) offsets(%arg20 : memref<256xi32, #tpu.memory_space<vmem>>) semaphore(%arg49 : memref<!tpu.dma_semaphore, #tpu.memory_space<semaphore_mem>>)
      %scan3A_118 = arith.constant 0 : i32
      %scan3A_119 = arith.constant 8 : i32
      %scan3A_120 = arith.addi %scan3A_118, %scan3A_119 : i32
      %scan3A_121 = arith.constant 1 : i32
      scf.for %scan3A_388 = %scan3A_118 to %scan3A_120 step %scan3A_121  : i32 {
        %mul3A_389 = arith.constant 16 : i32
        %mul3A_390 = arith.muli %scan3A_388, %mul3A_389 : i32
        %add3A_391 = arith.constant 0 : i32
        %add3A_392 = arith.addi %add3A_391, %mul3A_390 : i32
        %add3A_393 = arith.constant 128 : i32
        %add3A_394 = arith.addi %add3A_393, %add3A_392 : i32
        %get3A = arith.index_cast %add3A_394 : i32 to index
        %get3A_395 = tpu.vector_load %arg7[%get3A] {strides = array<i32>} : memref<512xf32, #tpu.memory_space<vmem>>, vector<16xf32>,
        %mul3A_396 = arith.constant 2.621440e+05 : f32
        %mul3A_397 = vector.broadcast %mul3A_396 : f32 to vector<16xf32>
        %mul3A_398 = arith.mulf %get3A_395, %mul3A_397 : vector<16xf32>
        %convert_element_type3A = arith.fptosi %mul3A_398 : vector<16xf32> to vector<16xi32>
        %mul3A_399 = arith.constant 2 : i32
        %mul3A_400 = arith.muli %mul3A_399, %add3A_392 : i32
        %mul3A_401 = arith.constant 2 : i32
        %mul3A_402 = vector.broadcast %mul3A_401 : i32 to vector<16xi32>
        %mul3A_403 = arith.muli %mul3A_402, %iota3A : vector<16xi32>
        %add3A_404 = vector.broadcast %mul3A_400 : i32 to vector<16xi32>
        %add3A_405 = arith.addi %add3A_404, %mul3A_403 : vector<16xi32>
        %add3A_406 = arith.constant 229376 : i32
        %add3A_407 = vector.broadcast %add3A_406 : i32 to vector<16xi32>
        %add3A_408 = arith.addi %convert_element_type3A, %add3A_407 : vector<16xi32>
        %mul3A_409 = arith.constant 2 : i32
        %mul3A_410 = vector.broadcast %mul3A_409 : i32 to vector<16xi32>
        %mul3A_411 = arith.muli %add3A_408, %mul3A_410 : vector<16xi32>
        tpu.vector_store_idx %arg21[%add3A_405], %mul3A_411 : memref<256xi32, #tpu.memory_space<vmem>>[vector<16xi32>], vector<16xi32>,
      }
      %scan3A_122 = arith.constant 8 : i32
      %dma_start3A_123 = arith.constant 0 : i32
      %dma_start3A_124 = arith.constant 0 : i32
      %dma_start3A_125 = tpu.memref_slice %arg4[%dma_start3A_123, %dma_start3A_124] : memref<1015808x4xf32, #tpu.memory_space<hbm>> -> memref<1015808x4xf32, #tpu.memory_space<hbm>>
      tpu.enqueue_indirect_dma source(%dma_start3A_125 : memref<1015808x4xf32, #tpu.memory_space<hbm>>) target(%arg41 : memref<256x4xf32, #tpu.memory_space<vmem>>) offsets(%arg21 : memref<256xi32, #tpu.memory_space<vmem>>) semaphore(%arg49 : memref<!tpu.dma_semaphore, #tpu.memory_space<semaphore_mem>>)
      %scan3A_126 = arith.constant 0 : i32
      %scan3A_127 = arith.constant 8 : i32
      %scan3A_128 = arith.addi %scan3A_126, %scan3A_127 : i32
      %scan3A_129 = arith.constant 1 : i32
      scf.for %scan3A_388 = %scan3A_126 to %scan3A_128 step %scan3A_129  : i32 {
        %mul3A_389 = arith.constant 16 : i32
        %mul3A_390 = arith.muli %scan3A_388, %mul3A_389 : i32
        %add3A_391 = arith.constant 0 : i32
        %add3A_392 = arith.addi %add3A_391, %mul3A_390 : i32
        %add3A_393 = arith.constant 256 : i32
        %add3A_394 = arith.addi %add3A_393, %add3A_392 : i32
        %get3A = arith.index_cast %add3A_394 : i32 to index
        %get3A_395 = tpu.vector_load %arg7[%get3A] {strides = array<i32>} : memref<512xf32, #tpu.memory_space<vmem>>, vector<16xf32>,
        %mul3A_396 = arith.constant 2.621440e+05 : f32
        %mul3A_397 = vector.broadcast %mul3A_396 : f32 to vector<16xf32>
        %mul3A_398 = arith.mulf %get3A_395, %mul3A_397 : vector<16xf32>
        %convert_element_type3A = arith.fptosi %mul3A_398 : vector<16xf32> to vector<16xi32>
        %mul3A_399 = arith.constant 2 : i32
        %mul3A_400 = arith.muli %mul3A_399, %add3A_392 : i32
        %mul3A_401 = arith.constant 2 : i32
        %mul3A_402 = vector.broadcast %mul3A_401 : i32 to vector<16xi32>
        %mul3A_403 = arith.muli %mul3A_402, %iota3A : vector<16xi32>
        %add3A_404 = vector.broadcast %mul3A_400 : i32 to vector<16xi32>
        %add3A_405 = arith.addi %add3A_404, %mul3A_403 : vector<16xi32>
        %add3A_406 = arith.constant 229376 : i32
        %add3A_407 = vector.broadcast %add3A_406 : i32 to vector<16xi32>
        %add3A_408 = arith.addi %convert_element_type3A, %add3A_407 : vector<16xi32>
        %mul3A_409 = arith.constant 2 : i32
        %mul3A_410 = vector.broadcast %mul3A_409 : i32 to vector<16xi32>
        %mul3A_411 = arith.muli %add3A_408, %mul3A_410 : vector<16xi32>
        tpu.vector_store_idx %arg22[%add3A_405], %mul3A_411 : memref<256xi32, #tpu.memory_space<vmem>>[vector<16xi32>], vector<16xi32>,
      }
      %scan3A_130 = arith.constant 8 : i32
      %dma_start3A_131 = arith.constant 0 : i32
      %dma_start3A_132 = arith.constant 0 : i32
      %dma_start3A_133 = tpu.memref_slice %arg4[%dma_start3A_131, %dma_start3A_132] : memref<1015808x4xf32, #tpu.memory_space<hbm>> -> memref<1015808x4xf32, #tpu.memory_space<hbm>>
      tpu.enqueue_indirect_dma source(%dma_start3A_133 : memref<1015808x4xf32, #tpu.memory_space<hbm>>) target(%arg42 : memref<256x4xf32, #tpu.memory_space<vmem>>) offsets(%arg22 : memref<256xi32, #tpu.memory_space<vmem>>) semaphore(%arg49 : memref<!tpu.dma_semaphore, #tpu.memory_space<semaphore_mem>>)
      %scan3A_134 = arith.constant 0 : i32
      %scan3A_135 = arith.constant 8 : i32
      %scan3A_136 = arith.addi %scan3A_134, %scan3A_135 : i32
      %scan3A_137 = arith.constant 1 : i32
      scf.for %scan3A_388 = %scan3A_134 to %scan3A_136 step %scan3A_137  : i32 {
        %mul3A_389 = arith.constant 16 : i32
        %mul3A_390 = arith.muli %scan3A_388, %mul3A_389 : i32
        %add3A_391 = arith.constant 0 : i32
        %add3A_392 = arith.addi %add3A_391, %mul3A_390 : i32
        %add3A_393 = arith.constant 384 : i32
        %add3A_394 = arith.addi %add3A_393, %add3A_392 : i32
        %get3A = arith.index_cast %add3A_394 : i32 to index
        %get3A_395 = tpu.vector_load %arg7[%get3A] {strides = array<i32>} : memref<512xf32, #tpu.memory_space<vmem>>, vector<16xf32>,
        %mul3A_396 = arith.constant 2.621440e+05 : f32
        %mul3A_397 = vector.broadcast %mul3A_396 : f32 to vector<16xf32>
        %mul3A_398 = arith.mulf %get3A_395, %mul3A_397 : vector<16xf32>
        %convert_element_type3A = arith.fptosi %mul3A_398 : vector<16xf32> to vector<16xi32>
        %mul3A_399 = arith.constant 2 : i32
        %mul3A_400 = arith.muli %mul3A_399, %add3A_392 : i32
        %mul3A_401 = arith.constant 2 : i32
        %mul3A_402 = vector.broadcast %mul3A_401 : i32 to vector<16xi32>
        %mul3A_403 = arith.muli %mul3A_402, %iota3A : vector<16xi32>
        %add3A_404 = vector.broadcast %mul3A_400 : i32 to vector<16xi32>
        %add3A_405 = arith.addi %add3A_404, %mul3A_403 : vector<16xi32>
        %add3A_406 = arith.constant 229376 : i32
        %add3A_407 = vector.broadcast %add3A_406 : i32 to vector<16xi32>
        %add3A_408 = arith.addi %convert_element_type3A, %add3A_407 : vector<16xi32>
        %mul3A_409 = arith.constant 2 : i32
        %mul3A_410 = vector.broadcast %mul3A_409 : i32 to vector<16xi32>
        %mul3A_411 = arith.muli %add3A_408, %mul3A_410 : vector<16xi32>
        tpu.vector_store_idx %arg23[%add3A_405], %mul3A_411 : memref<256xi32, #tpu.memory_space<vmem>>[vector<16xi32>], vector<16xi32>,
      }
      %scan3A_138 = arith.constant 8 : i32
      %dma_start3A_139 = arith.constant 0 : i32
      %dma_start3A_140 = arith.constant 0 : i32
      %dma_start3A_141 = tpu.memref_slice %arg4[%dma_start3A_139, %dma_start3A_140] : memref<1015808x4xf32, #tpu.memory_space<hbm>> -> memref<1015808x4xf32, #tpu.memory_space<hbm>>
      tpu.enqueue_indirect_dma source(%dma_start3A_141 : memref<1015808x4xf32, #tpu.memory_space<hbm>>) target(%arg43 : memref<256x4xf32, #tpu.memory_space<vmem>>) offsets(%arg23 : memref<256xi32, #tpu.memory_space<vmem>>) semaphore(%arg49 : memref<!tpu.dma_semaphore, #tpu.memory_space<semaphore_mem>>)
      %scan3A_142 = arith.constant 0 : i32
      %scan3A_143 = arith.constant 8 : i32
      %scan3A_144 = arith.addi %scan3A_142, %scan3A_143 : i32
      %scan3A_145 = arith.constant 1 : i32
      scf.for %scan3A_388 = %scan3A_142 to %scan3A_144 step %scan3A_145  : i32 {
        %mul3A_389 = arith.constant 16 : i32
        %mul3A_390 = arith.muli %scan3A_388, %mul3A_389 : i32
        %add3A_391 = arith.constant 0 : i32
        %add3A_392 = arith.addi %add3A_391, %mul3A_390 : i32
        %add3A_393 = arith.constant 0 : i32
        %add3A_394 = arith.addi %add3A_393, %add3A_392 : i32
        %get3A = arith.index_cast %add3A_394 : i32 to index
        %get3A_395 = tpu.vector_load %arg7[%get3A] {strides = array<i32>} : memref<512xf32, #tpu.memory_space<vmem>>, vector<16xf32>,
        %mul3A_396 = arith.constant 5.242880e+05 : f32
        %mul3A_397 = vector.broadcast %mul3A_396 : f32 to vector<16xf32>
        %mul3A_398 = arith.mulf %get3A_395, %mul3A_397 : vector<16xf32>
        %convert_element_type3A = arith.fptosi %mul3A_398 : vector<16xf32> to vector<16xi32>
        %mul3A_399 = arith.constant 2 : i32
        %mul3A_400 = arith.muli %mul3A_399, %add3A_392 : i32
        %mul3A_401 = arith.constant 2 : i32
        %mul3A_402 = vector.broadcast %mul3A_401 : i32 to vector<16xi32>
        %mul3A_403 = arith.muli %mul3A_402, %iota3A : vector<16xi32>
        %add3A_404 = vector.broadcast %mul3A_400 : i32 to vector<16xi32>
        %add3A_405 = arith.addi %add3A_404, %mul3A_403 : vector<16xi32>
        %add3A_406 = arith.constant 491520 : i32
        %add3A_407 = vector.broadcast %add3A_406 : i32 to vector<16xi32>
        %add3A_408 = arith.addi %convert_element_type3A, %add3A_407 : vector<16xi32>
        %mul3A_409 = arith.constant 2 : i32
        %mul3A_410 = vector.broadcast %mul3A_409 : i32 to vector<16xi32>
        %mul3A_411 = arith.muli %add3A_408, %mul3A_410 : vector<16xi32>
        tpu.vector_store_idx %arg24[%add3A_405], %mul3A_411 : memref<256xi32, #tpu.memory_space<vmem>>[vector<16xi32>], vector<16xi32>,
      }
      %scan3A_146 = arith.constant 8 : i32
      %dma_start3A_147 = arith.constant 0 : i32
      %dma_start3A_148 = arith.constant 0 : i32
      %dma_start3A_149 = tpu.memref_slice %arg4[%dma_start3A_147, %dma_start3A_148] : memref<1015808x4xf32, #tpu.memory_space<hbm>> -> memref<1015808x4xf32, #tpu.memory_space<hbm>>
      tpu.enqueue_indirect_dma source(%dma_start3A_149 : memref<1015808x4xf32, #tpu.memory_space<hbm>>) target(%arg44 : memref<256x4xf32, #tpu.memory_space<vmem>>) offsets(%arg24 : memref<256xi32, #tpu.memory_space<vmem>>) semaphore(%arg49 : memref<!tpu.dma_semaphore, #tpu.memory_space<semaphore_mem>>)
      %scan3A_150 = arith.constant 0 : i32
      %scan3A_151 = arith.constant 8 : i32
      %scan3A_152 = arith.addi %scan3A_150, %scan3A_151 : i32
      %scan3A_153 = arith.constant 1 : i32
      scf.for %scan3A_388 = %scan3A_150 to %scan3A_152 step %scan3A_153  : i32 {
        %mul3A_389 = arith.constant 16 : i32
        %mul3A_390 = arith.muli %scan3A_388, %mul3A_389 : i32
        %add3A_391 = arith.constant 0 : i32
        %add3A_392 = arith.addi %add3A_391, %mul3A_390 : i32
        %add3A_393 = arith.constant 128 : i32
        %add3A_394 = arith.addi %add3A_393, %add3A_392 : i32
        %get3A = arith.index_cast %add3A_394 : i32 to index
        %get3A_395 = tpu.vector_load %arg7[%get3A] {strides = array<i32>} : memref<512xf32, #tpu.memory_space<vmem>>, vector<16xf32>,
        %mul3A_396 = arith.constant 5.242880e+05 : f32
        %mul3A_397 = vector.broadcast %mul3A_396 : f32 to vector<16xf32>
        %mul3A_398 = arith.mulf %get3A_395, %mul3A_397 : vector<16xf32>
        %convert_element_type3A = arith.fptosi %mul3A_398 : vector<16xf32> to vector<16xi32>
        %mul3A_399 = arith.constant 2 : i32
        %mul3A_400 = arith.muli %mul3A_399, %add3A_392 : i32
        %mul3A_401 = arith.constant 2 : i32
        %mul3A_402 = vector.broadcast %mul3A_401 : i32 to vector<16xi32>
        %mul3A_403 = arith.muli %mul3A_402, %iota3A : vector<16xi32>
        %add3A_404 = vector.broadcast %mul3A_400 : i32 to vector<16xi32>
        %add3A_405 = arith.addi %add3A_404, %mul3A_403 : vector<16xi32>
        %add3A_406 = arith.constant 491520 : i32
        %add3A_407 = vector.broadcast %add3A_406 : i32 to vector<16xi32>
        %add3A_408 = arith.addi %convert_element_type3A, %add3A_407 : vector<16xi32>
        %mul3A_409 = arith.constant 2 : i32
        %mul3A_410 = vector.broadcast %mul3A_409 : i32 to vector<16xi32>
        %mul3A_411 = arith.muli %add3A_408, %mul3A_410 : vector<16xi32>
        tpu.vector_store_idx %arg25[%add3A_405], %mul3A_411 : memref<256xi32, #tpu.memory_space<vmem>>[vector<16xi32>], vector<16xi32>,
      }
      %scan3A_154 = arith.constant 8 : i32
      %dma_start3A_155 = arith.constant 0 : i32
      %dma_start3A_156 = arith.constant 0 : i32
      %dma_start3A_157 = tpu.memref_slice %arg4[%dma_start3A_155, %dma_start3A_156] : memref<1015808x4xf32, #tpu.memory_space<hbm>> -> memref<1015808x4xf32, #tpu.memory_space<hbm>>
      tpu.enqueue_indirect_dma source(%dma_start3A_157 : memref<1015808x4xf32, #tpu.memory_space<hbm>>) target(%arg45 : memref<256x4xf32, #tpu.memory_space<vmem>>) offsets(%arg25 : memref<256xi32, #tpu.memory_space<vmem>>) semaphore(%arg49 : memref<!tpu.dma_semaphore, #tpu.memory_space<semaphore_mem>>)
      %scan3A_158 = arith.constant 0 : i32
      %scan3A_159 = arith.constant 8 : i32
      %scan3A_160 = arith.addi %scan3A_158, %scan3A_159 : i32
      %scan3A_161 = arith.constant 1 : i32
      scf.for %scan3A_388 = %scan3A_158 to %scan3A_160 step %scan3A_161  : i32 {
        %mul3A_389 = arith.constant 16 : i32
        %mul3A_390 = arith.muli %scan3A_388, %mul3A_389 : i32
        %add3A_391 = arith.constant 0 : i32
        %add3A_392 = arith.addi %add3A_391, %mul3A_390 : i32
        %add3A_393 = arith.constant 256 : i32
        %add3A_394 = arith.addi %add3A_393, %add3A_392 : i32
        %get3A = arith.index_cast %add3A_394 : i32 to index
        %get3A_395 = tpu.vector_load %arg7[%get3A] {strides = array<i32>} : memref<512xf32, #tpu.memory_space<vmem>>, vector<16xf32>,
        %mul3A_396 = arith.constant 5.242880e+05 : f32
        %mul3A_397 = vector.broadcast %mul3A_396 : f32 to vector<16xf32>
        %mul3A_398 = arith.mulf %get3A_395, %mul3A_397 : vector<16xf32>
        %convert_element_type3A = arith.fptosi %mul3A_398 : vector<16xf32> to vector<16xi32>
        %mul3A_399 = arith.constant 2 : i32
        %mul3A_400 = arith.muli %mul3A_399, %add3A_392 : i32
        %mul3A_401 = arith.constant 2 : i32
        %mul3A_402 = vector.broadcast %mul3A_401 : i32 to vector<16xi32>
        %mul3A_403 = arith.muli %mul3A_402, %iota3A : vector<16xi32>
        %add3A_404 = vector.broadcast %mul3A_400 : i32 to vector<16xi32>
        %add3A_405 = arith.addi %add3A_404, %mul3A_403 : vector<16xi32>
        %add3A_406 = arith.constant 491520 : i32
        %add3A_407 = vector.broadcast %add3A_406 : i32 to vector<16xi32>
        %add3A_408 = arith.addi %convert_element_type3A, %add3A_407 : vector<16xi32>
        %mul3A_409 = arith.constant 2 : i32
        %mul3A_410 = vector.broadcast %mul3A_409 : i32 to vector<16xi32>
        %mul3A_411 = arith.muli %add3A_408, %mul3A_410 : vector<16xi32>
        tpu.vector_store_idx %arg26[%add3A_405], %mul3A_411 : memref<256xi32, #tpu.memory_space<vmem>>[vector<16xi32>], vector<16xi32>,
      }
      %scan3A_162 = arith.constant 8 : i32
      %dma_start3A_163 = arith.constant 0 : i32
      %dma_start3A_164 = arith.constant 0 : i32
      %dma_start3A_165 = tpu.memref_slice %arg4[%dma_start3A_163, %dma_start3A_164] : memref<1015808x4xf32, #tpu.memory_space<hbm>> -> memref<1015808x4xf32, #tpu.memory_space<hbm>>
      tpu.enqueue_indirect_dma source(%dma_start3A_165 : memref<1015808x4xf32, #tpu.memory_space<hbm>>) target(%arg46 : memref<256x4xf32, #tpu.memory_space<vmem>>) offsets(%arg26 : memref<256xi32, #tpu.memory_space<vmem>>) semaphore(%arg49 : memref<!tpu.dma_semaphore, #tpu.memory_space<semaphore_mem>>)
      %scan3A_166 = arith.constant 0 : i32
      %scan3A_167 = arith.constant 8 : i32
      %scan3A_168 = arith.addi %scan3A_166, %scan3A_167 : i32
      %scan3A_169 = arith.constant 1 : i32
      scf.for %scan3A_388 = %scan3A_166 to %scan3A_168 step %scan3A_169  : i32 {
        %mul3A_389 = arith.constant 16 : i32
        %mul3A_390 = arith.muli %scan3A_388, %mul3A_389 : i32
        %add3A_391 = arith.constant 0 : i32
        %add3A_392 = arith.addi %add3A_391, %mul3A_390 : i32
        %add3A_393 = arith.constant 384 : i32
        %add3A_394 = arith.addi %add3A_393, %add3A_392 : i32
        %get3A = arith.index_cast %add3A_394 : i32 to index
        %get3A_395 = tpu.vector_load %arg7[%get3A] {strides = array<i32>} : memref<512xf32, #tpu.memory_space<vmem>>, vector<16xf32>,
        %mul3A_396 = arith.constant 5.242880e+05 : f32
        %mul3A_397 = vector.broadcast %mul3A_396 : f32 to vector<16xf32>
        %mul3A_398 = arith.mulf %get3A_395, %mul3A_397 : vector<16xf32>
        %convert_element_type3A = arith.fptosi %mul3A_398 : vector<16xf32> to vector<16xi32>
        %mul3A_399 = arith.constant 2 : i32
        %mul3A_400 = arith.muli %mul3A_399, %add3A_392 : i32
        %mul3A_401 = arith.constant 2 : i32
        %mul3A_402 = vector.broadcast %mul3A_401 : i32 to vector<16xi32>
        %mul3A_403 = arith.muli %mul3A_402, %iota3A : vector<16xi32>
        %add3A_404 = vector.broadcast %mul3A_400 : i32 to vector<16xi32>
        %add3A_405 = arith.addi %add3A_404, %mul3A_403 : vector<16xi32>
        %add3A_406 = arith.constant 491520 : i32
        %add3A_407 = vector.broadcast %add3A_406 : i32 to vector<16xi32>
        %add3A_408 = arith.addi %convert_element_type3A, %add3A_407 : vector<16xi32>
        %mul3A_409 = arith.constant 2 : i32
        %mul3A_410 = vector.broadcast %mul3A_409 : i32 to vector<16xi32>
        %mul3A_411 = arith.muli %add3A_408, %mul3A_410 : vector<16xi32>
        tpu.vector_store_idx %arg27[%add3A_405], %mul3A_411 : memref<256xi32, #tpu.memory_space<vmem>>[vector<16xi32>], vector<16xi32>,
      }
      %scan3A_170 = arith.constant 8 : i32
      %dma_start3A_171 = arith.constant 0 : i32
      %dma_start3A_172 = arith.constant 0 : i32
      %dma_start3A_173 = tpu.memref_slice %arg4[%dma_start3A_171, %dma_start3A_172] : memref<1015808x4xf32, #tpu.memory_space<hbm>> -> memref<1015808x4xf32, #tpu.memory_space<hbm>>
      tpu.enqueue_indirect_dma source(%dma_start3A_173 : memref<1015808x4xf32, #tpu.memory_space<hbm>>) target(%arg47 : memref<256x4xf32, #tpu.memory_space<vmem>>) offsets(%arg27 : memref<256xi32, #tpu.memory_space<vmem>>) semaphore(%arg49 : memref<!tpu.dma_semaphore, #tpu.memory_space<semaphore_mem>>)
      %scan3A_174 = arith.constant 0 : i32
      %scan3A_175 = arith.constant 32 : i32
      %scan3A_176 = arith.addi %scan3A_174, %scan3A_175 : i32
      %scan3A_177 = arith.constant 1 : i32
      scf.for %scan3A_388 = %scan3A_174 to %scan3A_176 step %scan3A_177  : i32 {
        %mul3A_389 = arith.constant 16 : i32
        %mul3A_390 = arith.muli %scan3A_388, %mul3A_389 : i32
        %add3A_391 = arith.constant 0 : i32
        %add3A_392 = arith.addi %add3A_391, %mul3A_390 : i32
        %get3A = arith.index_cast %add3A_392 : i32 to index
        %get3A_393 = tpu.vector_load %arg7[%get3A] {strides = array<i32>} : memref<512xf32, #tpu.memory_space<vmem>>, vector<16xf32>,
        %mul3A_394 = arith.constant 1.600000e+01 : f32
        %mul3A_395 = vector.broadcast %mul3A_394 : f32 to vector<16xf32>
        %mul3A_396 = arith.mulf %get3A_393, %mul3A_395 : vector<16xf32>
        %convert_element_type3A = arith.fptosi %mul3A_396 : vector<16xf32> to vector<16xi32>
        %convert_element_type3A_397 = arith.sitofp %convert_element_type3A : vector<16xi32> to vector<16xf32>
        %mul3A_398 = arith.constant 6.250000e-02 : f32
        %mul3A_399 = vector.broadcast %mul3A_398 : f32 to vector<16xf32>
        %mul3A_400 = arith.mulf %convert_element_type3A_397, %mul3A_399 : vector<16xf32>
        %sub3A = arith.subf %get3A_393, %mul3A_400 : vector<16xf32>
        %mul3A_401 = arith.constant 1.600000e+01 : f32
        %mul3A_402 = vector.broadcast %mul3A_401 : f32 to vector<16xf32>
        %mul3A_403 = arith.mulf %sub3A, %mul3A_402 : vector<16xf32>
        %mul3A_404 = arith.constant 2 : i32
        %mul3A_405 = vector.broadcast %mul3A_404 : i32 to vector<16xi32>
        %mul3A_406 = arith.muli %convert_element_type3A, %mul3A_405 : vector<16xi32>
        %add3A_407 = arith.constant 0 : i32
        %add3A_408 = vector.broadcast %add3A_407 : i32 to vector<16xi32>
        %add3A_409 = arith.addi %mul3A_406, %add3A_408 : vector<16xi32>
        %gather3A = tpu.vector_load_idx %arg6[%add3A_409] : memref<65526xf32, #tpu.memory_space<vmem>>[vector<16xi32>], vector<16xf32>,
        %add3A_410 = arith.constant 1 : i32
        %add3A_411 = vector.broadcast %add3A_410 : i32 to vector<16xi32>
        %add3A_412 = arith.addi %add3A_409, %add3A_411 : vector<16xi32>
        %gather3A_413 = tpu.vector_load_idx %arg6[%add3A_412] : memref<65526xf32, #tpu.memory_space<vmem>>[vector<16xi32>], vector<16xf32>,
        %add3A_414 = arith.constant 2 : i32
        %add3A_415 = vector.broadcast %add3A_414 : i32 to vector<16xi32>
        %add3A_416 = arith.addi %add3A_409, %add3A_415 : vector<16xi32>
        %gather3A_417 = tpu.vector_load_idx %arg6[%add3A_416] : memref<65526xf32, #tpu.memory_space<vmem>>[vector<16xi32>], vector<16xf32>,
        %add3A_418 = arith.constant 3 : i32
        %add3A_419 = vector.broadcast %add3A_418 : i32 to vector<16xi32>
        %add3A_420 = arith.addi %add3A_409, %add3A_419 : vector<16xi32>
        %gather3A_421 = tpu.vector_load_idx %arg6[%add3A_420] : memref<65526xf32, #tpu.memory_space<vmem>>[vector<16xi32>], vector<16xf32>,
        %sub3A_422 = arith.constant 1.000000e+00 : f32
        %sub3A_423 = vector.broadcast %sub3A_422 : f32 to vector<16xf32>
        %sub3A_424 = arith.subf %sub3A_423, %mul3A_403 : vector<16xf32>
        %add3A_425 = vector.broadcast %add3A_392 : i32 to vector<16xi32>
        %add3A_426 = arith.addi %add3A_425, %iota3A : vector<16xi32>
        %broadcast_in_dim3A = arith.constant 0 : i32
        %broadcast_in_dim3A_427 = vector.broadcast %broadcast_in_dim3A : i32 to vector<16xi32>
        %mul3A_428 = arith.mulf %gather3A, %sub3A_424 : vector<16xf32>
        %mul3A_429 = arith.mulf %gather3A_417, %mul3A_403 : vector<16xf32>
        %add3A_430 = arith.addf %mul3A_428, %mul3A_429 : vector<16xf32>
        tpu.vector_store_idx %arg48[%add3A_426, %broadcast_in_dim3A_427], %add3A_430 : memref<512x32xf32, #tpu.memory_space<vmem>>[vector<16xi32>, vector<16xi32>], vector<16xf32>,
        %broadcast_in_dim3A_431 = arith.constant 1 : i32
        %broadcast_in_dim3A_432 = vector.broadcast %broadcast_in_dim3A_431 : i32 to vector<16xi32>
        %mul3A_433 = arith.mulf %gather3A_413, %sub3A_424 : vector<16xf32>
        %mul3A_434 = arith.mulf %gather3A_421, %mul3A_403 : vector<16xf32>
        %add3A_435 = arith.addf %mul3A_433, %mul3A_434 : vector<16xf32>
        tpu.vector_store_idx %arg48[%add3A_426, %broadcast_in_dim3A_432], %add3A_435 : memref<512x32xf32, #tpu.memory_space<vmem>>[vector<16xi32>, vector<16xi32>], vector<16xf32>,
      }
      %scan3A_178 = arith.constant 32 : i32
      %scan3A_179 = arith.constant 0 : i32
      %scan3A_180 = arith.constant 32 : i32
      %scan3A_181 = arith.addi %scan3A_179, %scan3A_180 : i32
      %scan3A_182 = arith.constant 1 : i32
      scf.for %scan3A_388 = %scan3A_179 to %scan3A_181 step %scan3A_182  : i32 {
        %mul3A_389 = arith.constant 16 : i32
        %mul3A_390 = arith.muli %scan3A_388, %mul3A_389 : i32
        %add3A_391 = arith.constant 0 : i32
        %add3A_392 = arith.addi %add3A_391, %mul3A_390 : i32
        %get3A = arith.index_cast %add3A_392 : i32 to index
        %get3A_393 = tpu.vector_load %arg7[%get3A] {strides = array<i32>} : memref<512xf32, #tpu.memory_space<vmem>>, vector<16xf32>,
        %mul3A_394 = arith.constant 3.200000e+01 : f32
        %mul3A_395 = vector.broadcast %mul3A_394 : f32 to vector<16xf32>
        %mul3A_396 = arith.mulf %get3A_393, %mul3A_395 : vector<16xf32>
        %convert_element_type3A = arith.fptosi %mul3A_396 : vector<16xf32> to vector<16xi32>
        %convert_element_type3A_397 = arith.sitofp %convert_element_type3A : vector<16xi32> to vector<16xf32>
        %mul3A_398 = arith.constant 3.125000e-02 : f32
        %mul3A_399 = vector.broadcast %mul3A_398 : f32 to vector<16xf32>
        %mul3A_400 = arith.mulf %convert_element_type3A_397, %mul3A_399 : vector<16xf32>
        %sub3A = arith.subf %get3A_393, %mul3A_400 : vector<16xf32>
        %mul3A_401 = arith.constant 3.200000e+01 : f32
        %mul3A_402 = vector.broadcast %mul3A_401 : f32 to vector<16xf32>
        %mul3A_403 = arith.mulf %sub3A, %mul3A_402 : vector<16xf32>
        %mul3A_404 = arith.constant 2 : i32
        %mul3A_405 = vector.broadcast %mul3A_404 : i32 to vector<16xi32>
        %mul3A_406 = arith.muli %convert_element_type3A, %mul3A_405 : vector<16xi32>
        %add3A_407 = arith.constant 34 : i32
        %add3A_408 = vector.broadcast %add3A_407 : i32 to vector<16xi32>
        %add3A_409 = arith.addi %mul3A_406, %add3A_408 : vector<16xi32>
        %gather3A = tpu.vector_load_idx %arg6[%add3A_409] : memref<65526xf32, #tpu.memory_space<vmem>>[vector<16xi32>], vector<16xf32>,
        %add3A_410 = arith.constant 1 : i32
        %add3A_411 = vector.broadcast %add3A_410 : i32 to vector<16xi32>
        %add3A_412 = arith.addi %add3A_409, %add3A_411 : vector<16xi32>
        %gather3A_413 = tpu.vector_load_idx %arg6[%add3A_412] : memref<65526xf32, #tpu.memory_space<vmem>>[vector<16xi32>], vector<16xf32>,
        %add3A_414 = arith.constant 2 : i32
        %add3A_415 = vector.broadcast %add3A_414 : i32 to vector<16xi32>
        %add3A_416 = arith.addi %add3A_409, %add3A_415 : vector<16xi32>
        %gather3A_417 = tpu.vector_load_idx %arg6[%add3A_416] : memref<65526xf32, #tpu.memory_space<vmem>>[vector<16xi32>], vector<16xf32>,
        %add3A_418 = arith.constant 3 : i32
        %add3A_419 = vector.broadcast %add3A_418 : i32 to vector<16xi32>
        %add3A_420 = arith.addi %add3A_409, %add3A_419 : vector<16xi32>
        %gather3A_421 = tpu.vector_load_idx %arg6[%add3A_420] : memref<65526xf32, #tpu.memory_space<vmem>>[vector<16xi32>], vector<16xf32>,
        %sub3A_422 = arith.constant 1.000000e+00 : f32
        %sub3A_423 = vector.broadcast %sub3A_422 : f32 to vector<16xf32>
        %sub3A_424 = arith.subf %sub3A_423, %mul3A_403 : vector<16xf32>
        %add3A_425 = vector.broadcast %add3A_392 : i32 to vector<16xi32>
        %add3A_426 = arith.addi %add3A_425, %iota3A : vector<16xi32>
        %broadcast_in_dim3A = arith.constant 2 : i32
        %broadcast_in_dim3A_427 = vector.broadcast %broadcast_in_dim3A : i32 to vector<16xi32>
        %mul3A_428 = arith.mulf %gather3A, %sub3A_424 : vector<16xf32>
        %mul3A_429 = arith.mulf %gather3A_417, %mul3A_403 : vector<16xf32>
        %add3A_430 = arith.addf %mul3A_428, %mul3A_429 : vector<16xf32>
        tpu.vector_store_idx %arg48[%add3A_426, %broadcast_in_dim3A_427], %add3A_430 : memref<512x32xf32, #tpu.memory_space<vmem>>[vector<16xi32>, vector<16xi32>], vector<16xf32>,
        %broadcast_in_dim3A_431 = arith.constant 3 : i32
        %broadcast_in_dim3A_432 = vector.broadcast %broadcast_in_dim3A_431 : i32 to vector<16xi32>
        %mul3A_433 = arith.mulf %gather3A_413, %sub3A_424 : vector<16xf32>
        %mul3A_434 = arith.mulf %gather3A_421, %mul3A_403 : vector<16xf32>
        %add3A_435 = arith.addf %mul3A_433, %mul3A_434 : vector<16xf32>
        tpu.vector_store_idx %arg48[%add3A_426, %broadcast_in_dim3A_432], %add3A_435 : memref<512x32xf32, #tpu.memory_space<vmem>>[vector<16xi32>, vector<16xi32>], vector<16xf32>,
      }
      %scan3A_183 = arith.constant 32 : i32
      %scan3A_184 = arith.constant 0 : i32
      %scan3A_185 = arith.constant 32 : i32
      %scan3A_186 = arith.addi %scan3A_184, %scan3A_185 : i32
      %scan3A_187 = arith.constant 1 : i32
      scf.for %scan3A_388 = %scan3A_184 to %scan3A_186 step %scan3A_187  : i32 {
        %mul3A_389 = arith.constant 16 : i32
        %mul3A_390 = arith.muli %scan3A_388, %mul3A_389 : i32
        %add3A_391 = arith.constant 0 : i32
        %add3A_392 = arith.addi %add3A_391, %mul3A_390 : i32
        %get3A = arith.index_cast %add3A_392 : i32 to index
        %get3A_393 = tpu.vector_load %arg7[%get3A] {strides = array<i32>} : memref<512xf32, #tpu.memory_space<vmem>>, vector<16xf32>,
        %mul3A_394 = arith.constant 6.400000e+01 : f32
        %mul3A_395 = vector.broadcast %mul3A_394 : f32 to vector<16xf32>
        %mul3A_396 = arith.mulf %get3A_393, %mul3A_395 : vector<16xf32>
        %convert_element_type3A = arith.fptosi %mul3A_396 : vector<16xf32> to vector<16xi32>
        %convert_element_type3A_397 = arith.sitofp %convert_element_type3A : vector<16xi32> to vector<16xf32>
        %mul3A_398 = arith.constant 1.562500e-02 : f32
        %mul3A_399 = vector.broadcast %mul3A_398 : f32 to vector<16xf32>
        %mul3A_400 = arith.mulf %convert_element_type3A_397, %mul3A_399 : vector<16xf32>
        %sub3A = arith.subf %get3A_393, %mul3A_400 : vector<16xf32>
        %mul3A_401 = arith.constant 6.400000e+01 : f32
        %mul3A_402 = vector.broadcast %mul3A_401 : f32 to vector<16xf32>
        %mul3A_403 = arith.mulf %sub3A, %mul3A_402 : vector<16xf32>
        %mul3A_404 = arith.constant 2 : i32
        %mul3A_405 = vector.broadcast %mul3A_404 : i32 to vector<16xi32>
        %mul3A_406 = arith.muli %convert_element_type3A, %mul3A_405 : vector<16xi32>
        %add3A_407 = arith.constant 100 : i32
        %add3A_408 = vector.broadcast %add3A_407 : i32 to vector<16xi32>
        %add3A_409 = arith.addi %mul3A_406, %add3A_408 : vector<16xi32>
        %gather3A = tpu.vector_load_idx %arg6[%add3A_409] : memref<65526xf32, #tpu.memory_space<vmem>>[vector<16xi32>], vector<16xf32>,
        %add3A_410 = arith.constant 1 : i32
        %add3A_411 = vector.broadcast %add3A_410 : i32 to vector<16xi32>
        %add3A_412 = arith.addi %add3A_409, %add3A_411 : vector<16xi32>
        %gather3A_413 = tpu.vector_load_idx %arg6[%add3A_412] : memref<65526xf32, #tpu.memory_space<vmem>>[vector<16xi32>], vector<16xf32>,
        %add3A_414 = arith.constant 2 : i32
        %add3A_415 = vector.broadcast %add3A_414 : i32 to vector<16xi32>
        %add3A_416 = arith.addi %add3A_409, %add3A_415 : vector<16xi32>
        %gather3A_417 = tpu.vector_load_idx %arg6[%add3A_416] : memref<65526xf32, #tpu.memory_space<vmem>>[vector<16xi32>], vector<16xf32>,
        %add3A_418 = arith.constant 3 : i32
        %add3A_419 = vector.broadcast %add3A_418 : i32 to vector<16xi32>
        %add3A_420 = arith.addi %add3A_409, %add3A_419 : vector<16xi32>
        %gather3A_421 = tpu.vector_load_idx %arg6[%add3A_420] : memref<65526xf32, #tpu.memory_space<vmem>>[vector<16xi32>], vector<16xf32>,
        %sub3A_422 = arith.constant 1.000000e+00 : f32
        %sub3A_423 = vector.broadcast %sub3A_422 : f32 to vector<16xf32>
        %sub3A_424 = arith.subf %sub3A_423, %mul3A_403 : vector<16xf32>
        %add3A_425 = vector.broadcast %add3A_392 : i32 to vector<16xi32>
        %add3A_426 = arith.addi %add3A_425, %iota3A : vector<16xi32>
        %broadcast_in_dim3A = arith.constant 4 : i32
        %broadcast_in_dim3A_427 = vector.broadcast %broadcast_in_dim3A : i32 to vector<16xi32>
        %mul3A_428 = arith.mulf %gather3A, %sub3A_424 : vector<16xf32>
        %mul3A_429 = arith.mulf %gather3A_417, %mul3A_403 : vector<16xf32>
        %add3A_430 = arith.addf %mul3A_428, %mul3A_429 : vector<16xf32>
        tpu.vector_store_idx %arg48[%add3A_426, %broadcast_in_dim3A_427], %add3A_430 : memref<512x32xf32, #tpu.memory_space<vmem>>[vector<16xi32>, vector<16xi32>], vector<16xf32>,
        %broadcast_in_dim3A_431 = arith.constant 5 : i32
        %broadcast_in_dim3A_432 = vector.broadcast %broadcast_in_dim3A_431 : i32 to vector<16xi32>
        %mul3A_433 = arith.mulf %gather3A_413, %sub3A_424 : vector<16xf32>
        %mul3A_434 = arith.mulf %gather3A_421, %mul3A_403 : vector<16xf32>
        %add3A_435 = arith.addf %mul3A_433, %mul3A_434 : vector<16xf32>
        tpu.vector_store_idx %arg48[%add3A_426, %broadcast_in_dim3A_432], %add3A_435 : memref<512x32xf32, #tpu.memory_space<vmem>>[vector<16xi32>, vector<16xi32>], vector<16xf32>,
      }
      %scan3A_188 = arith.constant 32 : i32
      %scan3A_189 = arith.constant 0 : i32
      %scan3A_190 = arith.constant 32 : i32
      %scan3A_191 = arith.addi %scan3A_189, %scan3A_190 : i32
      %scan3A_192 = arith.constant 1 : i32
      scf.for %scan3A_388 = %scan3A_189 to %scan3A_191 step %scan3A_192  : i32 {
        %mul3A_389 = arith.constant 16 : i32
        %mul3A_390 = arith.muli %scan3A_388, %mul3A_389 : i32
        %add3A_391 = arith.constant 0 : i32
        %add3A_392 = arith.addi %add3A_391, %mul3A_390 : i32
        %get3A = arith.index_cast %add3A_392 : i32 to index
        %get3A_393 = tpu.vector_load %arg7[%get3A] {strides = array<i32>} : memref<512xf32, #tpu.memory_space<vmem>>, vector<16xf32>,
        %mul3A_394 = arith.constant 1.280000e+02 : f32
        %mul3A_395 = vector.broadcast %mul3A_394 : f32 to vector<16xf32>
        %mul3A_396 = arith.mulf %get3A_393, %mul3A_395 : vector<16xf32>
        %convert_element_type3A = arith.fptosi %mul3A_396 : vector<16xf32> to vector<16xi32>
        %convert_element_type3A_397 = arith.sitofp %convert_element_type3A : vector<16xi32> to vector<16xf32>
        %mul3A_398 = arith.constant 7.812500e-03 : f32
        %mul3A_399 = vector.broadcast %mul3A_398 : f32 to vector<16xf32>
        %mul3A_400 = arith.mulf %convert_element_type3A_397, %mul3A_399 : vector<16xf32>
        %sub3A = arith.subf %get3A_393, %mul3A_400 : vector<16xf32>
        %mul3A_401 = arith.constant 1.280000e+02 : f32
        %mul3A_402 = vector.broadcast %mul3A_401 : f32 to vector<16xf32>
        %mul3A_403 = arith.mulf %sub3A, %mul3A_402 : vector<16xf32>
        %mul3A_404 = arith.constant 2 : i32
        %mul3A_405 = vector.broadcast %mul3A_404 : i32 to vector<16xi32>
        %mul3A_406 = arith.muli %convert_element_type3A, %mul3A_405 : vector<16xi32>
        %add3A_407 = arith.constant 230 : i32
        %add3A_408 = vector.broadcast %add3A_407 : i32 to vector<16xi32>
        %add3A_409 = arith.addi %mul3A_406, %add3A_408 : vector<16xi32>
        %gather3A = tpu.vector_load_idx %arg6[%add3A_409] : memref<65526xf32, #tpu.memory_space<vmem>>[vector<16xi32>], vector<16xf32>,
        %add3A_410 = arith.constant 1 : i32
        %add3A_411 = vector.broadcast %add3A_410 : i32 to vector<16xi32>
        %add3A_412 = arith.addi %add3A_409, %add3A_411 : vector<16xi32>
        %gather3A_413 = tpu.vector_load_idx %arg6[%add3A_412] : memref<65526xf32, #tpu.memory_space<vmem>>[vector<16xi32>], vector<16xf32>,
        %add3A_414 = arith.constant 2 : i32
        %add3A_415 = vector.broadcast %add3A_414 : i32 to vector<16xi32>
        %add3A_416 = arith.addi %add3A_409, %add3A_415 : vector<16xi32>
        %gather3A_417 = tpu.vector_load_idx %arg6[%add3A_416] : memref<65526xf32, #tpu.memory_space<vmem>>[vector<16xi32>], vector<16xf32>,
        %add3A_418 = arith.constant 3 : i32
        %add3A_419 = vector.broadcast %add3A_418 : i32 to vector<16xi32>
        %add3A_420 = arith.addi %add3A_409, %add3A_419 : vector<16xi32>
        %gather3A_421 = tpu.vector_load_idx %arg6[%add3A_420] : memref<65526xf32, #tpu.memory_space<vmem>>[vector<16xi32>], vector<16xf32>,
        %sub3A_422 = arith.constant 1.000000e+00 : f32
        %sub3A_423 = vector.broadcast %sub3A_422 : f32 to vector<16xf32>
        %sub3A_424 = arith.subf %sub3A_423, %mul3A_403 : vector<16xf32>
        %add3A_425 = vector.broadcast %add3A_392 : i32 to vector<16xi32>
        %add3A_426 = arith.addi %add3A_425, %iota3A : vector<16xi32>
        %broadcast_in_dim3A = arith.constant 6 : i32
        %broadcast_in_dim3A_427 = vector.broadcast %broadcast_in_dim3A : i32 to vector<16xi32>
        %mul3A_428 = arith.mulf %gather3A, %sub3A_424 : vector<16xf32>
        %mul3A_429 = arith.mulf %gather3A_417, %mul3A_403 : vector<16xf32>
        %add3A_430 = arith.addf %mul3A_428, %mul3A_429 : vector<16xf32>
        tpu.vector_store_idx %arg48[%add3A_426, %broadcast_in_dim3A_427], %add3A_430 : memref<512x32xf32, #tpu.memory_space<vmem>>[vector<16xi32>, vector<16xi32>], vector<16xf32>,
        %broadcast_in_dim3A_431 = arith.constant 7 : i32
        %broadcast_in_dim3A_432 = vector.broadcast %broadcast_in_dim3A_431 : i32 to vector<16xi32>
        %mul3A_433 = arith.mulf %gather3A_413, %sub3A_424 : vector<16xf32>
        %mul3A_434 = arith.mulf %gather3A_421, %mul3A_403 : vector<16xf32>
        %add3A_435 = arith.addf %mul3A_433, %mul3A_434 : vector<16xf32>
        tpu.vector_store_idx %arg48[%add3A_426, %broadcast_in_dim3A_432], %add3A_435 : memref<512x32xf32, #tpu.memory_space<vmem>>[vector<16xi32>, vector<16xi32>], vector<16xf32>,
      }
      %scan3A_193 = arith.constant 32 : i32
      %scan3A_194 = arith.constant 0 : i32
      %scan3A_195 = arith.constant 32 : i32
      %scan3A_196 = arith.addi %scan3A_194, %scan3A_195 : i32
      %scan3A_197 = arith.constant 1 : i32
      scf.for %scan3A_388 = %scan3A_194 to %scan3A_196 step %scan3A_197  : i32 {
        %mul3A_389 = arith.constant 16 : i32
        %mul3A_390 = arith.muli %scan3A_388, %mul3A_389 : i32
        %add3A_391 = arith.constant 0 : i32
        %add3A_392 = arith.addi %add3A_391, %mul3A_390 : i32
        %get3A = arith.index_cast %add3A_392 : i32 to index
        %get3A_393 = tpu.vector_load %arg7[%get3A] {strides = array<i32>} : memref<512xf32, #tpu.memory_space<vmem>>, vector<16xf32>,
        %mul3A_394 = arith.constant 2.560000e+02 : f32
        %mul3A_395 = vector.broadcast %mul3A_394 : f32 to vector<16xf32>
        %mul3A_396 = arith.mulf %get3A_393, %mul3A_395 : vector<16xf32>
        %convert_element_type3A = arith.fptosi %mul3A_396 : vector<16xf32> to vector<16xi32>
        %convert_element_type3A_397 = arith.sitofp %convert_element_type3A : vector<16xi32> to vector<16xf32>
        %mul3A_398 = arith.constant 3.906250e-03 : f32
        %mul3A_399 = vector.broadcast %mul3A_398 : f32 to vector<16xf32>
        %mul3A_400 = arith.mulf %convert_element_type3A_397, %mul3A_399 : vector<16xf32>
        %sub3A = arith.subf %get3A_393, %mul3A_400 : vector<16xf32>
        %mul3A_401 = arith.constant 2.560000e+02 : f32
        %mul3A_402 = vector.broadcast %mul3A_401 : f32 to vector<16xf32>
        %mul3A_403 = arith.mulf %sub3A, %mul3A_402 : vector<16xf32>
        %mul3A_404 = arith.constant 2 : i32
        %mul3A_405 = vector.broadcast %mul3A_404 : i32 to vector<16xi32>
        %mul3A_406 = arith.muli %convert_element_type3A, %mul3A_405 : vector<16xi32>
        %add3A_407 = arith.constant 488 : i32
        %add3A_408 = vector.broadcast %add3A_407 : i32 to vector<16xi32>
        %add3A_409 = arith.addi %mul3A_406, %add3A_408 : vector<16xi32>
        %gather3A = tpu.vector_load_idx %arg6[%add3A_409] : memref<65526xf32, #tpu.memory_space<vmem>>[vector<16xi32>], vector<16xf32>,
        %add3A_410 = arith.constant 1 : i32
        %add3A_411 = vector.broadcast %add3A_410 : i32 to vector<16xi32>
        %add3A_412 = arith.addi %add3A_409, %add3A_411 : vector<16xi32>
        %gather3A_413 = tpu.vector_load_idx %arg6[%add3A_412] : memref<65526xf32, #tpu.memory_space<vmem>>[vector<16xi32>], vector<16xf32>,
        %add3A_414 = arith.constant 2 : i32
        %add3A_415 = vector.broadcast %add3A_414 : i32 to vector<16xi32>
        %add3A_416 = arith.addi %add3A_409, %add3A_415 : vector<16xi32>
        %gather3A_417 = tpu.vector_load_idx %arg6[%add3A_416] : memref<65526xf32, #tpu.memory_space<vmem>>[vector<16xi32>], vector<16xf32>,
        %add3A_418 = arith.constant 3 : i32
        %add3A_419 = vector.broadcast %add3A_418 : i32 to vector<16xi32>
        %add3A_420 = arith.addi %add3A_409, %add3A_419 : vector<16xi32>
        %gather3A_421 = tpu.vector_load_idx %arg6[%add3A_420] : memref<65526xf32, #tpu.memory_space<vmem>>[vector<16xi32>], vector<16xf32>,
        %sub3A_422 = arith.constant 1.000000e+00 : f32
        %sub3A_423 = vector.broadcast %sub3A_422 : f32 to vector<16xf32>
        %sub3A_424 = arith.subf %sub3A_423, %mul3A_403 : vector<16xf32>
        %add3A_425 = vector.broadcast %add3A_392 : i32 to vector<16xi32>
        %add3A_426 = arith.addi %add3A_425, %iota3A : vector<16xi32>
        %broadcast_in_dim3A = arith.constant 8 : i32
        %broadcast_in_dim3A_427 = vector.broadcast %broadcast_in_dim3A : i32 to vector<16xi32>
        %mul3A_428 = arith.mulf %gather3A, %sub3A_424 : vector<16xf32>
        %mul3A_429 = arith.mulf %gather3A_417, %mul3A_403 : vector<16xf32>
        %add3A_430 = arith.addf %mul3A_428, %mul3A_429 : vector<16xf32>
        tpu.vector_store_idx %arg48[%add3A_426, %broadcast_in_dim3A_427], %add3A_430 : memref<512x32xf32, #tpu.memory_space<vmem>>[vector<16xi32>, vector<16xi32>], vector<16xf32>,
        %broadcast_in_dim3A_431 = arith.constant 9 : i32
        %broadcast_in_dim3A_432 = vector.broadcast %broadcast_in_dim3A_431 : i32 to vector<16xi32>
        %mul3A_433 = arith.mulf %gather3A_413, %sub3A_424 : vector<16xf32>
        %mul3A_434 = arith.mulf %gather3A_421, %mul3A_403 : vector<16xf32>
        %add3A_435 = arith.addf %mul3A_433, %mul3A_434 : vector<16xf32>
        tpu.vector_store_idx %arg48[%add3A_426, %broadcast_in_dim3A_432], %add3A_435 : memref<512x32xf32, #tpu.memory_space<vmem>>[vector<16xi32>, vector<16xi32>], vector<16xf32>,
      }
      %scan3A_198 = arith.constant 32 : i32
      %scan3A_199 = arith.constant 0 : i32
      %scan3A_200 = arith.constant 32 : i32
      %scan3A_201 = arith.addi %scan3A_199, %scan3A_200 : i32
      %scan3A_202 = arith.constant 1 : i32
      scf.for %scan3A_388 = %scan3A_199 to %scan3A_201 step %scan3A_202  : i32 {
        %mul3A_389 = arith.constant 16 : i32
        %mul3A_390 = arith.muli %scan3A_388, %mul3A_389 : i32
        %add3A_391 = arith.constant 0 : i32
        %add3A_392 = arith.addi %add3A_391, %mul3A_390 : i32
        %get3A = arith.index_cast %add3A_392 : i32 to index
        %get3A_393 = tpu.vector_load %arg7[%get3A] {strides = array<i32>} : memref<512xf32, #tpu.memory_space<vmem>>, vector<16xf32>,
        %mul3A_394 = arith.constant 5.120000e+02 : f32
        %mul3A_395 = vector.broadcast %mul3A_394 : f32 to vector<16xf32>
        %mul3A_396 = arith.mulf %get3A_393, %mul3A_395 : vector<16xf32>
        %convert_element_type3A = arith.fptosi %mul3A_396 : vector<16xf32> to vector<16xi32>
        %convert_element_type3A_397 = arith.sitofp %convert_element_type3A : vector<16xi32> to vector<16xf32>
        %mul3A_398 = arith.constant 0.001953125 : f32
        %mul3A_399 = vector.broadcast %mul3A_398 : f32 to vector<16xf32>
        %mul3A_400 = arith.mulf %convert_element_type3A_397, %mul3A_399 : vector<16xf32>
        %sub3A = arith.subf %get3A_393, %mul3A_400 : vector<16xf32>
        %mul3A_401 = arith.constant 5.120000e+02 : f32
        %mul3A_402 = vector.broadcast %mul3A_401 : f32 to vector<16xf32>
        %mul3A_403 = arith.mulf %sub3A, %mul3A_402 : vector<16xf32>
        %mul3A_404 = arith.constant 2 : i32
        %mul3A_405 = vector.broadcast %mul3A_404 : i32 to vector<16xi32>
        %mul3A_406 = arith.muli %convert_element_type3A, %mul3A_405 : vector<16xi32>
        %add3A_407 = arith.constant 1002 : i32
        %add3A_408 = vector.broadcast %add3A_407 : i32 to vector<16xi32>
        %add3A_409 = arith.addi %mul3A_406, %add3A_408 : vector<16xi32>
        %gather3A = tpu.vector_load_idx %arg6[%add3A_409] : memref<65526xf32, #tpu.memory_space<vmem>>[vector<16xi32>], vector<16xf32>,
        %add3A_410 = arith.constant 1 : i32
        %add3A_411 = vector.broadcast %add3A_410 : i32 to vector<16xi32>
        %add3A_412 = arith.addi %add3A_409, %add3A_411 : vector<16xi32>
        %gather3A_413 = tpu.vector_load_idx %arg6[%add3A_412] : memref<65526xf32, #tpu.memory_space<vmem>>[vector<16xi32>], vector<16xf32>,
        %add3A_414 = arith.constant 2 : i32
        %add3A_415 = vector.broadcast %add3A_414 : i32 to vector<16xi32>
        %add3A_416 = arith.addi %add3A_409, %add3A_415 : vector<16xi32>
        %gather3A_417 = tpu.vector_load_idx %arg6[%add3A_416] : memref<65526xf32, #tpu.memory_space<vmem>>[vector<16xi32>], vector<16xf32>,
        %add3A_418 = arith.constant 3 : i32
        %add3A_419 = vector.broadcast %add3A_418 : i32 to vector<16xi32>
        %add3A_420 = arith.addi %add3A_409, %add3A_419 : vector<16xi32>
        %gather3A_421 = tpu.vector_load_idx %arg6[%add3A_420] : memref<65526xf32, #tpu.memory_space<vmem>>[vector<16xi32>], vector<16xf32>,
        %sub3A_422 = arith.constant 1.000000e+00 : f32
        %sub3A_423 = vector.broadcast %sub3A_422 : f32 to vector<16xf32>
        %sub3A_424 = arith.subf %sub3A_423, %mul3A_403 : vector<16xf32>
        %add3A_425 = vector.broadcast %add3A_392 : i32 to vector<16xi32>
        %add3A_426 = arith.addi %add3A_425, %iota3A : vector<16xi32>
        %broadcast_in_dim3A = arith.constant 10 : i32
        %broadcast_in_dim3A_427 = vector.broadcast %broadcast_in_dim3A : i32 to vector<16xi32>
        %mul3A_428 = arith.mulf %gather3A, %sub3A_424 : vector<16xf32>
        %mul3A_429 = arith.mulf %gather3A_417, %mul3A_403 : vector<16xf32>
        %add3A_430 = arith.addf %mul3A_428, %mul3A_429 : vector<16xf32>
        tpu.vector_store_idx %arg48[%add3A_426, %broadcast_in_dim3A_427], %add3A_430 : memref<512x32xf32, #tpu.memory_space<vmem>>[vector<16xi32>, vector<16xi32>], vector<16xf32>,
        %broadcast_in_dim3A_431 = arith.constant 11 : i32
        %broadcast_in_dim3A_432 = vector.broadcast %broadcast_in_dim3A_431 : i32 to vector<16xi32>
        %mul3A_433 = arith.mulf %gather3A_413, %sub3A_424 : vector<16xf32>
        %mul3A_434 = arith.mulf %gather3A_421, %mul3A_403 : vector<16xf32>
        %add3A_435 = arith.addf %mul3A_433, %mul3A_434 : vector<16xf32>
        tpu.vector_store_idx %arg48[%add3A_426, %broadcast_in_dim3A_432], %add3A_435 : memref<512x32xf32, #tpu.memory_space<vmem>>[vector<16xi32>, vector<16xi32>], vector<16xf32>,
      }
      %scan3A_203 = arith.constant 32 : i32
      %scan3A_204 = arith.constant 0 : i32
      %scan3A_205 = arith.constant 32 : i32
      %scan3A_206 = arith.addi %scan3A_204, %scan3A_205 : i32
      %scan3A_207 = arith.constant 1 : i32
      scf.for %scan3A_388 = %scan3A_204 to %scan3A_206 step %scan3A_207  : i32 {
        %mul3A_389 = arith.constant 16 : i32
        %mul3A_390 = arith.muli %scan3A_388, %mul3A_389 : i32
        %add3A_391 = arith.constant 0 : i32
        %add3A_392 = arith.addi %add3A_391, %mul3A_390 : i32
        %get3A = arith.index_cast %add3A_392 : i32 to index
        %get3A_393 = tpu.vector_load %arg7[%get3A] {strides = array<i32>} : memref<512xf32, #tpu.memory_space<vmem>>, vector<16xf32>,
        %mul3A_394 = arith.constant 1.024000e+03 : f32
        %mul3A_395 = vector.broadcast %mul3A_394 : f32 to vector<16xf32>
        %mul3A_396 = arith.mulf %get3A_393, %mul3A_395 : vector<16xf32>
        %convert_element_type3A = arith.fptosi %mul3A_396 : vector<16xf32> to vector<16xi32>
        %convert_element_type3A_397 = arith.sitofp %convert_element_type3A : vector<16xi32> to vector<16xf32>
        %mul3A_398 = arith.constant 9.765625E-4 : f32
        %mul3A_399 = vector.broadcast %mul3A_398 : f32 to vector<16xf32>
        %mul3A_400 = arith.mulf %convert_element_type3A_397, %mul3A_399 : vector<16xf32>
        %sub3A = arith.subf %get3A_393, %mul3A_400 : vector<16xf32>
        %mul3A_401 = arith.constant 1.024000e+03 : f32
        %mul3A_402 = vector.broadcast %mul3A_401 : f32 to vector<16xf32>
        %mul3A_403 = arith.mulf %sub3A, %mul3A_402 : vector<16xf32>
        %mul3A_404 = arith.constant 2 : i32
        %mul3A_405 = vector.broadcast %mul3A_404 : i32 to vector<16xi32>
        %mul3A_406 = arith.muli %convert_element_type3A, %mul3A_405 : vector<16xi32>
        %add3A_407 = arith.constant 2028 : i32
        %add3A_408 = vector.broadcast %add3A_407 : i32 to vector<16xi32>
        %add3A_409 = arith.addi %mul3A_406, %add3A_408 : vector<16xi32>
        %gather3A = tpu.vector_load_idx %arg6[%add3A_409] : memref<65526xf32, #tpu.memory_space<vmem>>[vector<16xi32>], vector<16xf32>,
        %add3A_410 = arith.constant 1 : i32
        %add3A_411 = vector.broadcast %add3A_410 : i32 to vector<16xi32>
        %add3A_412 = arith.addi %add3A_409, %add3A_411 : vector<16xi32>
        %gather3A_413 = tpu.vector_load_idx %arg6[%add3A_412] : memref<65526xf32, #tpu.memory_space<vmem>>[vector<16xi32>], vector<16xf32>,
        %add3A_414 = arith.constant 2 : i32
        %add3A_415 = vector.broadcast %add3A_414 : i32 to vector<16xi32>
        %add3A_416 = arith.addi %add3A_409, %add3A_415 : vector<16xi32>
        %gather3A_417 = tpu.vector_load_idx %arg6[%add3A_416] : memref<65526xf32, #tpu.memory_space<vmem>>[vector<16xi32>], vector<16xf32>,
        %add3A_418 = arith.constant 3 : i32
        %add3A_419 = vector.broadcast %add3A_418 : i32 to vector<16xi32>
        %add3A_420 = arith.addi %add3A_409, %add3A_419 : vector<16xi32>
        %gather3A_421 = tpu.vector_load_idx %arg6[%add3A_420] : memref<65526xf32, #tpu.memory_space<vmem>>[vector<16xi32>], vector<16xf32>,
        %sub3A_422 = arith.constant 1.000000e+00 : f32
        %sub3A_423 = vector.broadcast %sub3A_422 : f32 to vector<16xf32>
        %sub3A_424 = arith.subf %sub3A_423, %mul3A_403 : vector<16xf32>
        %add3A_425 = vector.broadcast %add3A_392 : i32 to vector<16xi32>
        %add3A_426 = arith.addi %add3A_425, %iota3A : vector<16xi32>
        %broadcast_in_dim3A = arith.constant 12 : i32
        %broadcast_in_dim3A_427 = vector.broadcast %broadcast_in_dim3A : i32 to vector<16xi32>
        %mul3A_428 = arith.mulf %gather3A, %sub3A_424 : vector<16xf32>
        %mul3A_429 = arith.mulf %gather3A_417, %mul3A_403 : vector<16xf32>
        %add3A_430 = arith.addf %mul3A_428, %mul3A_429 : vector<16xf32>
        tpu.vector_store_idx %arg48[%add3A_426, %broadcast_in_dim3A_427], %add3A_430 : memref<512x32xf32, #tpu.memory_space<vmem>>[vector<16xi32>, vector<16xi32>], vector<16xf32>,
        %broadcast_in_dim3A_431 = arith.constant 13 : i32
        %broadcast_in_dim3A_432 = vector.broadcast %broadcast_in_dim3A_431 : i32 to vector<16xi32>
        %mul3A_433 = arith.mulf %gather3A_413, %sub3A_424 : vector<16xf32>
        %mul3A_434 = arith.mulf %gather3A_421, %mul3A_403 : vector<16xf32>
        %add3A_435 = arith.addf %mul3A_433, %mul3A_434 : vector<16xf32>
        tpu.vector_store_idx %arg48[%add3A_426, %broadcast_in_dim3A_432], %add3A_435 : memref<512x32xf32, #tpu.memory_space<vmem>>[vector<16xi32>, vector<16xi32>], vector<16xf32>,
      }
      %scan3A_208 = arith.constant 32 : i32
      %scan3A_209 = arith.constant 0 : i32
      %scan3A_210 = arith.constant 32 : i32
      %scan3A_211 = arith.addi %scan3A_209, %scan3A_210 : i32
      %scan3A_212 = arith.constant 1 : i32
      scf.for %scan3A_388 = %scan3A_209 to %scan3A_211 step %scan3A_212  : i32 {
        %mul3A_389 = arith.constant 16 : i32
        %mul3A_390 = arith.muli %scan3A_388, %mul3A_389 : i32
        %add3A_391 = arith.constant 0 : i32
        %add3A_392 = arith.addi %add3A_391, %mul3A_390 : i32
        %get3A = arith.index_cast %add3A_392 : i32 to index
        %get3A_393 = tpu.vector_load %arg7[%get3A] {strides = array<i32>} : memref<512xf32, #tpu.memory_space<vmem>>, vector<16xf32>,
        %mul3A_394 = arith.constant 2.048000e+03 : f32
        %mul3A_395 = vector.broadcast %mul3A_394 : f32 to vector<16xf32>
        %mul3A_396 = arith.mulf %get3A_393, %mul3A_395 : vector<16xf32>
        %convert_element_type3A = arith.fptosi %mul3A_396 : vector<16xf32> to vector<16xi32>
        %convert_element_type3A_397 = arith.sitofp %convert_element_type3A : vector<16xi32> to vector<16xf32>
        %mul3A_398 = arith.constant 4.8828125E-4 : f32
        %mul3A_399 = vector.broadcast %mul3A_398 : f32 to vector<16xf32>
        %mul3A_400 = arith.mulf %convert_element_type3A_397, %mul3A_399 : vector<16xf32>
        %sub3A = arith.subf %get3A_393, %mul3A_400 : vector<16xf32>
        %mul3A_401 = arith.constant 2.048000e+03 : f32
        %mul3A_402 = vector.broadcast %mul3A_401 : f32 to vector<16xf32>
        %mul3A_403 = arith.mulf %sub3A, %mul3A_402 : vector<16xf32>
        %mul3A_404 = arith.constant 2 : i32
        %mul3A_405 = vector.broadcast %mul3A_404 : i32 to vector<16xi32>
        %mul3A_406 = arith.muli %convert_element_type3A, %mul3A_405 : vector<16xi32>
        %add3A_407 = arith.constant 4078 : i32
        %add3A_408 = vector.broadcast %add3A_407 : i32 to vector<16xi32>
        %add3A_409 = arith.addi %mul3A_406, %add3A_408 : vector<16xi32>
        %gather3A = tpu.vector_load_idx %arg6[%add3A_409] : memref<65526xf32, #tpu.memory_space<vmem>>[vector<16xi32>], vector<16xf32>,
        %add3A_410 = arith.constant 1 : i32
        %add3A_411 = vector.broadcast %add3A_410 : i32 to vector<16xi32>
        %add3A_412 = arith.addi %add3A_409, %add3A_411 : vector<16xi32>
        %gather3A_413 = tpu.vector_load_idx %arg6[%add3A_412] : memref<65526xf32, #tpu.memory_space<vmem>>[vector<16xi32>], vector<16xf32>,
        %add3A_414 = arith.constant 2 : i32
        %add3A_415 = vector.broadcast %add3A_414 : i32 to vector<16xi32>
        %add3A_416 = arith.addi %add3A_409, %add3A_415 : vector<16xi32>
        %gather3A_417 = tpu.vector_load_idx %arg6[%add3A_416] : memref<65526xf32, #tpu.memory_space<vmem>>[vector<16xi32>], vector<16xf32>,
        %add3A_418 = arith.constant 3 : i32
        %add3A_419 = vector.broadcast %add3A_418 : i32 to vector<16xi32>
        %add3A_420 = arith.addi %add3A_409, %add3A_419 : vector<16xi32>
        %gather3A_421 = tpu.vector_load_idx %arg6[%add3A_420] : memref<65526xf32, #tpu.memory_space<vmem>>[vector<16xi32>], vector<16xf32>,
        %sub3A_422 = arith.constant 1.000000e+00 : f32
        %sub3A_423 = vector.broadcast %sub3A_422 : f32 to vector<16xf32>
        %sub3A_424 = arith.subf %sub3A_423, %mul3A_403 : vector<16xf32>
        %add3A_425 = vector.broadcast %add3A_392 : i32 to vector<16xi32>
        %add3A_426 = arith.addi %add3A_425, %iota3A : vector<16xi32>
        %broadcast_in_dim3A = arith.constant 14 : i32
        %broadcast_in_dim3A_427 = vector.broadcast %broadcast_in_dim3A : i32 to vector<16xi32>
        %mul3A_428 = arith.mulf %gather3A, %sub3A_424 : vector<16xf32>
        %mul3A_429 = arith.mulf %gather3A_417, %mul3A_403 : vector<16xf32>
        %add3A_430 = arith.addf %mul3A_428, %mul3A_429 : vector<16xf32>
        tpu.vector_store_idx %arg48[%add3A_426, %broadcast_in_dim3A_427], %add3A_430 : memref<512x32xf32, #tpu.memory_space<vmem>>[vector<16xi32>, vector<16xi32>], vector<16xf32>,
        %broadcast_in_dim3A_431 = arith.constant 15 : i32
        %broadcast_in_dim3A_432 = vector.broadcast %broadcast_in_dim3A_431 : i32 to vector<16xi32>
        %mul3A_433 = arith.mulf %gather3A_413, %sub3A_424 : vector<16xf32>
        %mul3A_434 = arith.mulf %gather3A_421, %mul3A_403 : vector<16xf32>
        %add3A_435 = arith.addf %mul3A_433, %mul3A_434 : vector<16xf32>
        tpu.vector_store_idx %arg48[%add3A_426, %broadcast_in_dim3A_432], %add3A_435 : memref<512x32xf32, #tpu.memory_space<vmem>>[vector<16xi32>, vector<16xi32>], vector<16xf32>,
      }
      %scan3A_213 = arith.constant 32 : i32
      %scan3A_214 = arith.constant 0 : i32
      %scan3A_215 = arith.constant 32 : i32
      %scan3A_216 = arith.addi %scan3A_214, %scan3A_215 : i32
      %scan3A_217 = arith.constant 1 : i32
      scf.for %scan3A_388 = %scan3A_214 to %scan3A_216 step %scan3A_217  : i32 {
        %mul3A_389 = arith.constant 16 : i32
        %mul3A_390 = arith.muli %scan3A_388, %mul3A_389 : i32
        %add3A_391 = arith.constant 0 : i32
        %add3A_392 = arith.addi %add3A_391, %mul3A_390 : i32
        %get3A = arith.index_cast %add3A_392 : i32 to index
        %get3A_393 = tpu.vector_load %arg7[%get3A] {strides = array<i32>} : memref<512xf32, #tpu.memory_space<vmem>>, vector<16xf32>,
        %mul3A_394 = arith.constant 4.096000e+03 : f32
        %mul3A_395 = vector.broadcast %mul3A_394 : f32 to vector<16xf32>
        %mul3A_396 = arith.mulf %get3A_393, %mul3A_395 : vector<16xf32>
        %convert_element_type3A = arith.fptosi %mul3A_396 : vector<16xf32> to vector<16xi32>
        %convert_element_type3A_397 = arith.sitofp %convert_element_type3A : vector<16xi32> to vector<16xf32>
        %mul3A_398 = arith.constant 2.44140625E-4 : f32
        %mul3A_399 = vector.broadcast %mul3A_398 : f32 to vector<16xf32>
        %mul3A_400 = arith.mulf %convert_element_type3A_397, %mul3A_399 : vector<16xf32>
        %sub3A = arith.subf %get3A_393, %mul3A_400 : vector<16xf32>
        %mul3A_401 = arith.constant 4.096000e+03 : f32
        %mul3A_402 = vector.broadcast %mul3A_401 : f32 to vector<16xf32>
        %mul3A_403 = arith.mulf %sub3A, %mul3A_402 : vector<16xf32>
        %mul3A_404 = arith.constant 2 : i32
        %mul3A_405 = vector.broadcast %mul3A_404 : i32 to vector<16xi32>
        %mul3A_406 = arith.muli %convert_element_type3A, %mul3A_405 : vector<16xi32>
        %add3A_407 = arith.constant 8176 : i32
        %add3A_408 = vector.broadcast %add3A_407 : i32 to vector<16xi32>
        %add3A_409 = arith.addi %mul3A_406, %add3A_408 : vector<16xi32>
        %gather3A = tpu.vector_load_idx %arg6[%add3A_409] : memref<65526xf32, #tpu.memory_space<vmem>>[vector<16xi32>], vector<16xf32>,
        %add3A_410 = arith.constant 1 : i32
        %add3A_411 = vector.broadcast %add3A_410 : i32 to vector<16xi32>
        %add3A_412 = arith.addi %add3A_409, %add3A_411 : vector<16xi32>
        %gather3A_413 = tpu.vector_load_idx %arg6[%add3A_412] : memref<65526xf32, #tpu.memory_space<vmem>>[vector<16xi32>], vector<16xf32>,
        %add3A_414 = arith.constant 2 : i32
        %add3A_415 = vector.broadcast %add3A_414 : i32 to vector<16xi32>
        %add3A_416 = arith.addi %add3A_409, %add3A_415 : vector<16xi32>
        %gather3A_417 = tpu.vector_load_idx %arg6[%add3A_416] : memref<65526xf32, #tpu.memory_space<vmem>>[vector<16xi32>], vector<16xf32>,
        %add3A_418 = arith.constant 3 : i32
        %add3A_419 = vector.broadcast %add3A_418 : i32 to vector<16xi32>
        %add3A_420 = arith.addi %add3A_409, %add3A_419 : vector<16xi32>
        %gather3A_421 = tpu.vector_load_idx %arg6[%add3A_420] : memref<65526xf32, #tpu.memory_space<vmem>>[vector<16xi32>], vector<16xf32>,
        %sub3A_422 = arith.constant 1.000000e+00 : f32
        %sub3A_423 = vector.broadcast %sub3A_422 : f32 to vector<16xf32>
        %sub3A_424 = arith.subf %sub3A_423, %mul3A_403 : vector<16xf32>
        %add3A_425 = vector.broadcast %add3A_392 : i32 to vector<16xi32>
        %add3A_426 = arith.addi %add3A_425, %iota3A : vector<16xi32>
        %broadcast_in_dim3A = arith.constant 16 : i32
        %broadcast_in_dim3A_427 = vector.broadcast %broadcast_in_dim3A : i32 to vector<16xi32>
        %mul3A_428 = arith.mulf %gather3A, %sub3A_424 : vector<16xf32>
        %mul3A_429 = arith.mulf %gather3A_417, %mul3A_403 : vector<16xf32>
        %add3A_430 = arith.addf %mul3A_428, %mul3A_429 : vector<16xf32>
        tpu.vector_store_idx %arg48[%add3A_426, %broadcast_in_dim3A_427], %add3A_430 : memref<512x32xf32, #tpu.memory_space<vmem>>[vector<16xi32>, vector<16xi32>], vector<16xf32>,
        %broadcast_in_dim3A_431 = arith.constant 17 : i32
        %broadcast_in_dim3A_432 = vector.broadcast %broadcast_in_dim3A_431 : i32 to vector<16xi32>
        %mul3A_433 = arith.mulf %gather3A_413, %sub3A_424 : vector<16xf32>
        %mul3A_434 = arith.mulf %gather3A_421, %mul3A_403 : vector<16xf32>
        %add3A_435 = arith.addf %mul3A_433, %mul3A_434 : vector<16xf32>
        tpu.vector_store_idx %arg48[%add3A_426, %broadcast_in_dim3A_432], %add3A_435 : memref<512x32xf32, #tpu.memory_space<vmem>>[vector<16xi32>, vector<16xi32>], vector<16xf32>,
      }
      %scan3A_218 = arith.constant 32 : i32
      %scan3A_219 = arith.constant 0 : i32
      %scan3A_220 = arith.constant 32 : i32
      %scan3A_221 = arith.addi %scan3A_219, %scan3A_220 : i32
      %scan3A_222 = arith.constant 1 : i32
      scf.for %scan3A_388 = %scan3A_219 to %scan3A_221 step %scan3A_222  : i32 {
        %mul3A_389 = arith.constant 16 : i32
        %mul3A_390 = arith.muli %scan3A_388, %mul3A_389 : i32
        %add3A_391 = arith.constant 0 : i32
        %add3A_392 = arith.addi %add3A_391, %mul3A_390 : i32
        %get3A = arith.index_cast %add3A_392 : i32 to index
        %get3A_393 = tpu.vector_load %arg7[%get3A] {strides = array<i32>} : memref<512xf32, #tpu.memory_space<vmem>>, vector<16xf32>,
        %mul3A_394 = arith.constant 8.192000e+03 : f32
        %mul3A_395 = vector.broadcast %mul3A_394 : f32 to vector<16xf32>
        %mul3A_396 = arith.mulf %get3A_393, %mul3A_395 : vector<16xf32>
        %convert_element_type3A = arith.fptosi %mul3A_396 : vector<16xf32> to vector<16xi32>
        %convert_element_type3A_397 = arith.sitofp %convert_element_type3A : vector<16xi32> to vector<16xf32>
        %mul3A_398 = arith.constant 1.22070313E-4 : f32
        %mul3A_399 = vector.broadcast %mul3A_398 : f32 to vector<16xf32>
        %mul3A_400 = arith.mulf %convert_element_type3A_397, %mul3A_399 : vector<16xf32>
        %sub3A = arith.subf %get3A_393, %mul3A_400 : vector<16xf32>
        %mul3A_401 = arith.constant 8.192000e+03 : f32
        %mul3A_402 = vector.broadcast %mul3A_401 : f32 to vector<16xf32>
        %mul3A_403 = arith.mulf %sub3A, %mul3A_402 : vector<16xf32>
        %mul3A_404 = arith.constant 2 : i32
        %mul3A_405 = vector.broadcast %mul3A_404 : i32 to vector<16xi32>
        %mul3A_406 = arith.muli %convert_element_type3A, %mul3A_405 : vector<16xi32>
        %add3A_407 = arith.constant 16370 : i32
        %add3A_408 = vector.broadcast %add3A_407 : i32 to vector<16xi32>
        %add3A_409 = arith.addi %mul3A_406, %add3A_408 : vector<16xi32>
        %gather3A = tpu.vector_load_idx %arg6[%add3A_409] : memref<65526xf32, #tpu.memory_space<vmem>>[vector<16xi32>], vector<16xf32>,
        %add3A_410 = arith.constant 1 : i32
        %add3A_411 = vector.broadcast %add3A_410 : i32 to vector<16xi32>
        %add3A_412 = arith.addi %add3A_409, %add3A_411 : vector<16xi32>
        %gather3A_413 = tpu.vector_load_idx %arg6[%add3A_412] : memref<65526xf32, #tpu.memory_space<vmem>>[vector<16xi32>], vector<16xf32>,
        %add3A_414 = arith.constant 2 : i32
        %add3A_415 = vector.broadcast %add3A_414 : i32 to vector<16xi32>
        %add3A_416 = arith.addi %add3A_409, %add3A_415 : vector<16xi32>
        %gather3A_417 = tpu.vector_load_idx %arg6[%add3A_416] : memref<65526xf32, #tpu.memory_space<vmem>>[vector<16xi32>], vector<16xf32>,
        %add3A_418 = arith.constant 3 : i32
        %add3A_419 = vector.broadcast %add3A_418 : i32 to vector<16xi32>
        %add3A_420 = arith.addi %add3A_409, %add3A_419 : vector<16xi32>
        %gather3A_421 = tpu.vector_load_idx %arg6[%add3A_420] : memref<65526xf32, #tpu.memory_space<vmem>>[vector<16xi32>], vector<16xf32>,
        %sub3A_422 = arith.constant 1.000000e+00 : f32
        %sub3A_423 = vector.broadcast %sub3A_422 : f32 to vector<16xf32>
        %sub3A_424 = arith.subf %sub3A_423, %mul3A_403 : vector<16xf32>
        %add3A_425 = vector.broadcast %add3A_392 : i32 to vector<16xi32>
        %add3A_426 = arith.addi %add3A_425, %iota3A : vector<16xi32>
        %broadcast_in_dim3A = arith.constant 18 : i32
        %broadcast_in_dim3A_427 = vector.broadcast %broadcast_in_dim3A : i32 to vector<16xi32>
        %mul3A_428 = arith.mulf %gather3A, %sub3A_424 : vector<16xf32>
        %mul3A_429 = arith.mulf %gather3A_417, %mul3A_403 : vector<16xf32>
        %add3A_430 = arith.addf %mul3A_428, %mul3A_429 : vector<16xf32>
        tpu.vector_store_idx %arg48[%add3A_426, %broadcast_in_dim3A_427], %add3A_430 : memref<512x32xf32, #tpu.memory_space<vmem>>[vector<16xi32>, vector<16xi32>], vector<16xf32>,
        %broadcast_in_dim3A_431 = arith.constant 19 : i32
        %broadcast_in_dim3A_432 = vector.broadcast %broadcast_in_dim3A_431 : i32 to vector<16xi32>
        %mul3A_433 = arith.mulf %gather3A_413, %sub3A_424 : vector<16xf32>
        %mul3A_434 = arith.mulf %gather3A_421, %mul3A_403 : vector<16xf32>
        %add3A_435 = arith.addf %mul3A_433, %mul3A_434 : vector<16xf32>
        tpu.vector_store_idx %arg48[%add3A_426, %broadcast_in_dim3A_432], %add3A_435 : memref<512x32xf32, #tpu.memory_space<vmem>>[vector<16xi32>, vector<16xi32>], vector<16xf32>,
      }
      %scan3A_223 = arith.constant 32 : i32
      %scan3A_224 = arith.constant 0 : i32
      %scan3A_225 = arith.constant 32 : i32
      %scan3A_226 = arith.addi %scan3A_224, %scan3A_225 : i32
      %scan3A_227 = arith.constant 1 : i32
      scf.for %scan3A_388 = %scan3A_224 to %scan3A_226 step %scan3A_227  : i32 {
        %mul3A_389 = arith.constant 16 : i32
        %mul3A_390 = arith.muli %scan3A_388, %mul3A_389 : i32
        %add3A_391 = arith.constant 0 : i32
        %add3A_392 = arith.addi %add3A_391, %mul3A_390 : i32
        %get3A = arith.index_cast %add3A_392 : i32 to index
        %get3A_393 = tpu.vector_load %arg7[%get3A] {strides = array<i32>} : memref<512xf32, #tpu.memory_space<vmem>>, vector<16xf32>,
        %mul3A_394 = arith.constant 1.638400e+04 : f32
        %mul3A_395 = vector.broadcast %mul3A_394 : f32 to vector<16xf32>
        %mul3A_396 = arith.mulf %get3A_393, %mul3A_395 : vector<16xf32>
        %convert_element_type3A = arith.fptosi %mul3A_396 : vector<16xf32> to vector<16xi32>
        %convert_element_type3A_397 = arith.sitofp %convert_element_type3A : vector<16xi32> to vector<16xf32>
        %mul3A_398 = arith.constant 6.10351563E-5 : f32
        %mul3A_399 = vector.broadcast %mul3A_398 : f32 to vector<16xf32>
        %mul3A_400 = arith.mulf %convert_element_type3A_397, %mul3A_399 : vector<16xf32>
        %sub3A = arith.subf %get3A_393, %mul3A_400 : vector<16xf32>
        %mul3A_401 = arith.constant 1.638400e+04 : f32
        %mul3A_402 = vector.broadcast %mul3A_401 : f32 to vector<16xf32>
        %mul3A_403 = arith.mulf %sub3A, %mul3A_402 : vector<16xf32>
        %mul3A_404 = arith.constant 2 : i32
        %mul3A_405 = vector.broadcast %mul3A_404 : i32 to vector<16xi32>
        %mul3A_406 = arith.muli %convert_element_type3A, %mul3A_405 : vector<16xi32>
        %add3A_407 = arith.constant 32756 : i32
        %add3A_408 = vector.broadcast %add3A_407 : i32 to vector<16xi32>
        %add3A_409 = arith.addi %mul3A_406, %add3A_408 : vector<16xi32>
        %gather3A = tpu.vector_load_idx %arg6[%add3A_409] : memref<65526xf32, #tpu.memory_space<vmem>>[vector<16xi32>], vector<16xf32>,
        %add3A_410 = arith.constant 1 : i32
        %add3A_411 = vector.broadcast %add3A_410 : i32 to vector<16xi32>
        %add3A_412 = arith.addi %add3A_409, %add3A_411 : vector<16xi32>
        %gather3A_413 = tpu.vector_load_idx %arg6[%add3A_412] : memref<65526xf32, #tpu.memory_space<vmem>>[vector<16xi32>], vector<16xf32>,
        %add3A_414 = arith.constant 2 : i32
        %add3A_415 = vector.broadcast %add3A_414 : i32 to vector<16xi32>
        %add3A_416 = arith.addi %add3A_409, %add3A_415 : vector<16xi32>
        %gather3A_417 = tpu.vector_load_idx %arg6[%add3A_416] : memref<65526xf32, #tpu.memory_space<vmem>>[vector<16xi32>], vector<16xf32>,
        %add3A_418 = arith.constant 3 : i32
        %add3A_419 = vector.broadcast %add3A_418 : i32 to vector<16xi32>
        %add3A_420 = arith.addi %add3A_409, %add3A_419 : vector<16xi32>
        %gather3A_421 = tpu.vector_load_idx %arg6[%add3A_420] : memref<65526xf32, #tpu.memory_space<vmem>>[vector<16xi32>], vector<16xf32>,
        %sub3A_422 = arith.constant 1.000000e+00 : f32
        %sub3A_423 = vector.broadcast %sub3A_422 : f32 to vector<16xf32>
        %sub3A_424 = arith.subf %sub3A_423, %mul3A_403 : vector<16xf32>
        %add3A_425 = vector.broadcast %add3A_392 : i32 to vector<16xi32>
        %add3A_426 = arith.addi %add3A_425, %iota3A : vector<16xi32>
        %broadcast_in_dim3A = arith.constant 20 : i32
        %broadcast_in_dim3A_427 = vector.broadcast %broadcast_in_dim3A : i32 to vector<16xi32>
        %mul3A_428 = arith.mulf %gather3A, %sub3A_424 : vector<16xf32>
        %mul3A_429 = arith.mulf %gather3A_417, %mul3A_403 : vector<16xf32>
        %add3A_430 = arith.addf %mul3A_428, %mul3A_429 : vector<16xf32>
        tpu.vector_store_idx %arg48[%add3A_426, %broadcast_in_dim3A_427], %add3A_430 : memref<512x32xf32, #tpu.memory_space<vmem>>[vector<16xi32>, vector<16xi32>], vector<16xf32>,
        %broadcast_in_dim3A_431 = arith.constant 21 : i32
        %broadcast_in_dim3A_432 = vector.broadcast %broadcast_in_dim3A_431 : i32 to vector<16xi32>
        %mul3A_433 = arith.mulf %gather3A_413, %sub3A_424 : vector<16xf32>
        %mul3A_434 = arith.mulf %gather3A_421, %mul3A_403 : vector<16xf32>
        %add3A_435 = arith.addf %mul3A_433, %mul3A_434 : vector<16xf32>
        tpu.vector_store_idx %arg48[%add3A_426, %broadcast_in_dim3A_432], %add3A_435 : memref<512x32xf32, #tpu.memory_space<vmem>>[vector<16xi32>, vector<16xi32>], vector<16xf32>,
      }
      %scan3A_228 = arith.constant 32 : i32
      %dma_wait3A = arith.constant 0 : i32
      %dma_wait3A_229 = arith.constant 0 : i32
      %dma_wait3A_230 = tpu.memref_slice %arg4[%dma_wait3A, %dma_wait3A_229] : memref<1015808x4xf32, #tpu.memory_space<hbm>> -> memref<1015808x4xf32, #tpu.memory_space<hbm>>
      tpu.wait_indirect_dma semaphore(%arg49 : memref<!tpu.dma_semaphore, #tpu.memory_space<semaphore_mem>>) src(%dma_wait3A_230 : memref<1015808x4xf32, #tpu.memory_space<hbm>>) dst(%arg28 : memref<256x4xf32, #tpu.memory_space<vmem>>)
      %dma_wait3A_231 = arith.constant 0 : i32
      %dma_wait3A_232 = arith.constant 0 : i32
      %dma_wait3A_233 = tpu.memref_slice %arg4[%dma_wait3A_231, %dma_wait3A_232] : memref<1015808x4xf32, #tpu.memory_space<hbm>> -> memref<1015808x4xf32, #tpu.memory_space<hbm>>
      tpu.wait_indirect_dma semaphore(%arg49 : memref<!tpu.dma_semaphore, #tpu.memory_space<semaphore_mem>>) src(%dma_wait3A_233 : memref<1015808x4xf32, #tpu.memory_space<hbm>>) dst(%arg29 : memref<256x4xf32, #tpu.memory_space<vmem>>)
      %dma_wait3A_234 = arith.constant 0 : i32
      %dma_wait3A_235 = arith.constant 0 : i32
      %dma_wait3A_236 = tpu.memref_slice %arg4[%dma_wait3A_234, %dma_wait3A_235] : memref<1015808x4xf32, #tpu.memory_space<hbm>> -> memref<1015808x4xf32, #tpu.memory_space<hbm>>
      tpu.wait_indirect_dma semaphore(%arg49 : memref<!tpu.dma_semaphore, #tpu.memory_space<semaphore_mem>>) src(%dma_wait3A_236 : memref<1015808x4xf32, #tpu.memory_space<hbm>>) dst(%arg30 : memref<256x4xf32, #tpu.memory_space<vmem>>)
      %dma_wait3A_237 = arith.constant 0 : i32
      %dma_wait3A_238 = arith.constant 0 : i32
      %dma_wait3A_239 = tpu.memref_slice %arg4[%dma_wait3A_237, %dma_wait3A_238] : memref<1015808x4xf32, #tpu.memory_space<hbm>> -> memref<1015808x4xf32, #tpu.memory_space<hbm>>
      tpu.wait_indirect_dma semaphore(%arg49 : memref<!tpu.dma_semaphore, #tpu.memory_space<semaphore_mem>>) src(%dma_wait3A_239 : memref<1015808x4xf32, #tpu.memory_space<hbm>>) dst(%arg31 : memref<256x4xf32, #tpu.memory_space<vmem>>)
      %dma_wait3A_240 = arith.constant 0 : i32
      %dma_wait3A_241 = arith.constant 0 : i32
      %dma_wait3A_242 = tpu.memref_slice %arg4[%dma_wait3A_240, %dma_wait3A_241] : memref<1015808x4xf32, #tpu.memory_space<hbm>> -> memref<1015808x4xf32, #tpu.memory_space<hbm>>
      tpu.wait_indirect_dma semaphore(%arg49 : memref<!tpu.dma_semaphore, #tpu.memory_space<semaphore_mem>>) src(%dma_wait3A_242 : memref<1015808x4xf32, #tpu.memory_space<hbm>>) dst(%arg32 : memref<256x4xf32, #tpu.memory_space<vmem>>)
      %dma_wait3A_243 = arith.constant 0 : i32
      %dma_wait3A_244 = arith.constant 0 : i32
      %dma_wait3A_245 = tpu.memref_slice %arg4[%dma_wait3A_243, %dma_wait3A_244] : memref<1015808x4xf32, #tpu.memory_space<hbm>> -> memref<1015808x4xf32, #tpu.memory_space<hbm>>
      tpu.wait_indirect_dma semaphore(%arg49 : memref<!tpu.dma_semaphore, #tpu.memory_space<semaphore_mem>>) src(%dma_wait3A_245 : memref<1015808x4xf32, #tpu.memory_space<hbm>>) dst(%arg33 : memref<256x4xf32, #tpu.memory_space<vmem>>)
      %dma_wait3A_246 = arith.constant 0 : i32
      %dma_wait3A_247 = arith.constant 0 : i32
      %dma_wait3A_248 = tpu.memref_slice %arg4[%dma_wait3A_246, %dma_wait3A_247] : memref<1015808x4xf32, #tpu.memory_space<hbm>> -> memref<1015808x4xf32, #tpu.memory_space<hbm>>
      tpu.wait_indirect_dma semaphore(%arg49 : memref<!tpu.dma_semaphore, #tpu.memory_space<semaphore_mem>>) src(%dma_wait3A_248 : memref<1015808x4xf32, #tpu.memory_space<hbm>>) dst(%arg34 : memref<256x4xf32, #tpu.memory_space<vmem>>)
      %dma_wait3A_249 = arith.constant 0 : i32
      %dma_wait3A_250 = arith.constant 0 : i32
      %dma_wait3A_251 = tpu.memref_slice %arg4[%dma_wait3A_249, %dma_wait3A_250] : memref<1015808x4xf32, #tpu.memory_space<hbm>> -> memref<1015808x4xf32, #tpu.memory_space<hbm>>
      tpu.wait_indirect_dma semaphore(%arg49 : memref<!tpu.dma_semaphore, #tpu.memory_space<semaphore_mem>>) src(%dma_wait3A_251 : memref<1015808x4xf32, #tpu.memory_space<hbm>>) dst(%arg35 : memref<256x4xf32, #tpu.memory_space<vmem>>)
      %dma_wait3A_252 = arith.constant 0 : i32
      %dma_wait3A_253 = arith.constant 0 : i32
      %dma_wait3A_254 = tpu.memref_slice %arg4[%dma_wait3A_252, %dma_wait3A_253] : memref<1015808x4xf32, #tpu.memory_space<hbm>> -> memref<1015808x4xf32, #tpu.memory_space<hbm>>
      tpu.wait_indirect_dma semaphore(%arg49 : memref<!tpu.dma_semaphore, #tpu.memory_space<semaphore_mem>>) src(%dma_wait3A_254 : memref<1015808x4xf32, #tpu.memory_space<hbm>>) dst(%arg36 : memref<256x4xf32, #tpu.memory_space<vmem>>)
      %dma_wait3A_255 = arith.constant 0 : i32
      %dma_wait3A_256 = arith.constant 0 : i32
      %dma_wait3A_257 = tpu.memref_slice %arg4[%dma_wait3A_255, %dma_wait3A_256] : memref<1015808x4xf32, #tpu.memory_space<hbm>> -> memref<1015808x4xf32, #tpu.memory_space<hbm>>
      tpu.wait_indirect_dma semaphore(%arg49 : memref<!tpu.dma_semaphore, #tpu.memory_space<semaphore_mem>>) src(%dma_wait3A_257 : memref<1015808x4xf32, #tpu.memory_space<hbm>>) dst(%arg37 : memref<256x4xf32, #tpu.memory_space<vmem>>)
      %dma_wait3A_258 = arith.constant 0 : i32
      %dma_wait3A_259 = arith.constant 0 : i32
      %dma_wait3A_260 = tpu.memref_slice %arg4[%dma_wait3A_258, %dma_wait3A_259] : memref<1015808x4xf32, #tpu.memory_space<hbm>> -> memref<1015808x4xf32, #tpu.memory_space<hbm>>
      tpu.wait_indirect_dma semaphore(%arg49 : memref<!tpu.dma_semaphore, #tpu.memory_space<semaphore_mem>>) src(%dma_wait3A_260 : memref<1015808x4xf32, #tpu.memory_space<hbm>>) dst(%arg38 : memref<256x4xf32, #tpu.memory_space<vmem>>)
      %dma_wait3A_261 = arith.constant 0 : i32
      %dma_wait3A_262 = arith.constant 0 : i32
      %dma_wait3A_263 = tpu.memref_slice %arg4[%dma_wait3A_261, %dma_wait3A_262] : memref<1015808x4xf32, #tpu.memory_space<hbm>> -> memref<1015808x4xf32, #tpu.memory_space<hbm>>
      tpu.wait_indirect_dma semaphore(%arg49 : memref<!tpu.dma_semaphore, #tpu.memory_space<semaphore_mem>>) src(%dma_wait3A_263 : memref<1015808x4xf32, #tpu.memory_space<hbm>>) dst(%arg39 : memref<256x4xf32, #tpu.memory_space<vmem>>)
      %dma_wait3A_264 = arith.constant 0 : i32
      %dma_wait3A_265 = arith.constant 0 : i32
      %dma_wait3A_266 = tpu.memref_slice %arg4[%dma_wait3A_264, %dma_wait3A_265] : memref<1015808x4xf32, #tpu.memory_space<hbm>> -> memref<1015808x4xf32, #tpu.memory_space<hbm>>
      tpu.wait_indirect_dma semaphore(%arg49 : memref<!tpu.dma_semaphore, #tpu.memory_space<semaphore_mem>>) src(%dma_wait3A_266 : memref<1015808x4xf32, #tpu.memory_space<hbm>>) dst(%arg40 : memref<256x4xf32, #tpu.memory_space<vmem>>)
      %dma_wait3A_267 = arith.constant 0 : i32
      %dma_wait3A_268 = arith.constant 0 : i32
      %dma_wait3A_269 = tpu.memref_slice %arg4[%dma_wait3A_267, %dma_wait3A_268] : memref<1015808x4xf32, #tpu.memory_space<hbm>> -> memref<1015808x4xf32, #tpu.memory_space<hbm>>
      tpu.wait_indirect_dma semaphore(%arg49 : memref<!tpu.dma_semaphore, #tpu.memory_space<semaphore_mem>>) src(%dma_wait3A_269 : memref<1015808x4xf32, #tpu.memory_space<hbm>>) dst(%arg41 : memref<256x4xf32, #tpu.memory_space<vmem>>)
      %dma_wait3A_270 = arith.constant 0 : i32
      %dma_wait3A_271 = arith.constant 0 : i32
      %dma_wait3A_272 = tpu.memref_slice %arg4[%dma_wait3A_270, %dma_wait3A_271] : memref<1015808x4xf32, #tpu.memory_space<hbm>> -> memref<1015808x4xf32, #tpu.memory_space<hbm>>
      tpu.wait_indirect_dma semaphore(%arg49 : memref<!tpu.dma_semaphore, #tpu.memory_space<semaphore_mem>>) src(%dma_wait3A_272 : memref<1015808x4xf32, #tpu.memory_space<hbm>>) dst(%arg42 : memref<256x4xf32, #tpu.memory_space<vmem>>)
      %dma_wait3A_273 = arith.constant 0 : i32
      %dma_wait3A_274 = arith.constant 0 : i32
      %dma_wait3A_275 = tpu.memref_slice %arg4[%dma_wait3A_273, %dma_wait3A_274] : memref<1015808x4xf32, #tpu.memory_space<hbm>> -> memref<1015808x4xf32, #tpu.memory_space<hbm>>
      tpu.wait_indirect_dma semaphore(%arg49 : memref<!tpu.dma_semaphore, #tpu.memory_space<semaphore_mem>>) src(%dma_wait3A_275 : memref<1015808x4xf32, #tpu.memory_space<hbm>>) dst(%arg43 : memref<256x4xf32, #tpu.memory_space<vmem>>)
      %dma_wait3A_276 = arith.constant 0 : i32
      %dma_wait3A_277 = arith.constant 0 : i32
      %dma_wait3A_278 = tpu.memref_slice %arg4[%dma_wait3A_276, %dma_wait3A_277] : memref<1015808x4xf32, #tpu.memory_space<hbm>> -> memref<1015808x4xf32, #tpu.memory_space<hbm>>
      tpu.wait_indirect_dma semaphore(%arg49 : memref<!tpu.dma_semaphore, #tpu.memory_space<semaphore_mem>>) src(%dma_wait3A_278 : memref<1015808x4xf32, #tpu.memory_space<hbm>>) dst(%arg44 : memref<256x4xf32, #tpu.memory_space<vmem>>)
      %dma_wait3A_279 = arith.constant 0 : i32
      %dma_wait3A_280 = arith.constant 0 : i32
      %dma_wait3A_281 = tpu.memref_slice %arg4[%dma_wait3A_279, %dma_wait3A_280] : memref<1015808x4xf32, #tpu.memory_space<hbm>> -> memref<1015808x4xf32, #tpu.memory_space<hbm>>
      tpu.wait_indirect_dma semaphore(%arg49 : memref<!tpu.dma_semaphore, #tpu.memory_space<semaphore_mem>>) src(%dma_wait3A_281 : memref<1015808x4xf32, #tpu.memory_space<hbm>>) dst(%arg45 : memref<256x4xf32, #tpu.memory_space<vmem>>)
      %dma_wait3A_282 = arith.constant 0 : i32
      %dma_wait3A_283 = arith.constant 0 : i32
      %dma_wait3A_284 = tpu.memref_slice %arg4[%dma_wait3A_282, %dma_wait3A_283] : memref<1015808x4xf32, #tpu.memory_space<hbm>> -> memref<1015808x4xf32, #tpu.memory_space<hbm>>
      tpu.wait_indirect_dma semaphore(%arg49 : memref<!tpu.dma_semaphore, #tpu.memory_space<semaphore_mem>>) src(%dma_wait3A_284 : memref<1015808x4xf32, #tpu.memory_space<hbm>>) dst(%arg46 : memref<256x4xf32, #tpu.memory_space<vmem>>)
      %dma_wait3A_285 = arith.constant 0 : i32
      %dma_wait3A_286 = arith.constant 0 : i32
      %dma_wait3A_287 = tpu.memref_slice %arg4[%dma_wait3A_285, %dma_wait3A_286] : memref<1015808x4xf32, #tpu.memory_space<hbm>> -> memref<1015808x4xf32, #tpu.memory_space<hbm>>
      tpu.wait_indirect_dma semaphore(%arg49 : memref<!tpu.dma_semaphore, #tpu.memory_space<semaphore_mem>>) src(%dma_wait3A_287 : memref<1015808x4xf32, #tpu.memory_space<hbm>>) dst(%arg47 : memref<256x4xf32, #tpu.memory_space<vmem>>)
      %scan3A_288 = arith.constant 0 : i32
      %scan3A_289 = arith.constant 8 : i32
      %scan3A_290 = arith.addi %scan3A_288, %scan3A_289 : i32
      %scan3A_291 = arith.constant 1 : i32
      scf.for %scan3A_388 = %scan3A_288 to %scan3A_290 step %scan3A_291  : i32 {
        %mul3A_389 = arith.constant 16 : i32
        %mul3A_390 = arith.muli %scan3A_388, %mul3A_389 : i32
        %add3A_391 = arith.constant 0 : i32
        %add3A_392 = arith.addi %add3A_391, %mul3A_390 : i32
        %add3A_393 = arith.constant 0 : i32
        %add3A_394 = arith.addi %add3A_393, %add3A_392 : i32
        %get3A = arith.index_cast %add3A_394 : i32 to index
        %get3A_395 = tpu.vector_load %arg7[%get3A] {strides = array<i32>} : memref<512xf32, #tpu.memory_space<vmem>>, vector<16xf32>,
        %mul3A_396 = arith.constant 3.276800e+04 : f32
        %mul3A_397 = vector.broadcast %mul3A_396 : f32 to vector<16xf32>
        %mul3A_398 = arith.mulf %get3A_395, %mul3A_397 : vector<16xf32>
        %convert_element_type3A = arith.fptosi %mul3A_398 : vector<16xf32> to vector<16xi32>
        %convert_element_type3A_399 = arith.sitofp %convert_element_type3A : vector<16xi32> to vector<16xf32>
        %mul3A_400 = arith.constant 3.05175781E-5 : f32
        %mul3A_401 = vector.broadcast %mul3A_400 : f32 to vector<16xf32>
        %mul3A_402 = arith.mulf %convert_element_type3A_399, %mul3A_401 : vector<16xf32>
        %sub3A = arith.subf %get3A_395, %mul3A_402 : vector<16xf32>
        %mul3A_403 = arith.constant 3.276800e+04 : f32
        %mul3A_404 = vector.broadcast %mul3A_403 : f32 to vector<16xf32>
        %mul3A_405 = arith.mulf %sub3A, %mul3A_404 : vector<16xf32>
        %add3A_406 = vector.broadcast %add3A_392 : i32 to vector<16xi32>
        %add3A_407 = arith.addi %add3A_406, %iota3A : vector<16xi32>
        %broadcast_in_dim3A = arith.constant 0 : i32
        %broadcast_in_dim3A_408 = vector.broadcast %broadcast_in_dim3A : i32 to vector<16xi32>
        %gather3A = tpu.vector_load_idx %arg28[%add3A_407, %broadcast_in_dim3A_408] : memref<256x4xf32, #tpu.memory_space<vmem>>[vector<16xi32>, vector<16xi32>], vector<16xf32>,
        %broadcast_in_dim3A_409 = arith.constant 1 : i32
        %broadcast_in_dim3A_410 = vector.broadcast %broadcast_in_dim3A_409 : i32 to vector<16xi32>
        %gather3A_411 = tpu.vector_load_idx %arg28[%add3A_407, %broadcast_in_dim3A_410] : memref<256x4xf32, #tpu.memory_space<vmem>>[vector<16xi32>, vector<16xi32>], vector<16xf32>,
        %broadcast_in_dim3A_412 = arith.constant 2 : i32
        %broadcast_in_dim3A_413 = vector.broadcast %broadcast_in_dim3A_412 : i32 to vector<16xi32>
        %gather3A_414 = tpu.vector_load_idx %arg28[%add3A_407, %broadcast_in_dim3A_413] : memref<256x4xf32, #tpu.memory_space<vmem>>[vector<16xi32>, vector<16xi32>], vector<16xf32>,
        %broadcast_in_dim3A_415 = arith.constant 3 : i32
        %broadcast_in_dim3A_416 = vector.broadcast %broadcast_in_dim3A_415 : i32 to vector<16xi32>
        %gather3A_417 = tpu.vector_load_idx %arg28[%add3A_407, %broadcast_in_dim3A_416] : memref<256x4xf32, #tpu.memory_space<vmem>>[vector<16xi32>, vector<16xi32>], vector<16xf32>,
        %sub3A_418 = arith.constant 1.000000e+00 : f32
        %sub3A_419 = vector.broadcast %sub3A_418 : f32 to vector<16xf32>
        %sub3A_420 = arith.subf %sub3A_419, %mul3A_405 : vector<16xf32>
        %add3A_421 = arith.constant 0 : i32
        %add3A_422 = arith.addi %add3A_421, %add3A_392 : i32
        %add3A_423 = vector.broadcast %add3A_422 : i32 to vector<16xi32>
        %add3A_424 = arith.addi %add3A_423, %iota3A : vector<16xi32>
        %broadcast_in_dim3A_425 = arith.constant 22 : i32
        %broadcast_in_dim3A_426 = vector.broadcast %broadcast_in_dim3A_425 : i32 to vector<16xi32>
        %mul3A_427 = arith.mulf %gather3A, %sub3A_420 : vector<16xf32>
        %mul3A_428 = arith.mulf %gather3A_414, %mul3A_405 : vector<16xf32>
        %add3A_429 = arith.addf %mul3A_427, %mul3A_428 : vector<16xf32>
        tpu.vector_store_idx %arg48[%add3A_424, %broadcast_in_dim3A_426], %add3A_429 : memref<512x32xf32, #tpu.memory_space<vmem>>[vector<16xi32>, vector<16xi32>], vector<16xf32>,
        %broadcast_in_dim3A_430 = arith.constant 23 : i32
        %broadcast_in_dim3A_431 = vector.broadcast %broadcast_in_dim3A_430 : i32 to vector<16xi32>
        %mul3A_432 = arith.mulf %gather3A_411, %sub3A_420 : vector<16xf32>
        %mul3A_433 = arith.mulf %gather3A_417, %mul3A_405 : vector<16xf32>
        %add3A_434 = arith.addf %mul3A_432, %mul3A_433 : vector<16xf32>
        tpu.vector_store_idx %arg48[%add3A_424, %broadcast_in_dim3A_431], %add3A_434 : memref<512x32xf32, #tpu.memory_space<vmem>>[vector<16xi32>, vector<16xi32>], vector<16xf32>,
      }
      %scan3A_292 = arith.constant 8 : i32
      %scan3A_293 = arith.constant 0 : i32
      %scan3A_294 = arith.constant 8 : i32
      %scan3A_295 = arith.addi %scan3A_293, %scan3A_294 : i32
      %scan3A_296 = arith.constant 1 : i32
      scf.for %scan3A_388 = %scan3A_293 to %scan3A_295 step %scan3A_296  : i32 {
        %mul3A_389 = arith.constant 16 : i32
        %mul3A_390 = arith.muli %scan3A_388, %mul3A_389 : i32
        %add3A_391 = arith.constant 0 : i32
        %add3A_392 = arith.addi %add3A_391, %mul3A_390 : i32
        %add3A_393 = arith.constant 128 : i32
        %add3A_394 = arith.addi %add3A_393, %add3A_392 : i32
        %get3A = arith.index_cast %add3A_394 : i32 to index
        %get3A_395 = tpu.vector_load %arg7[%get3A] {strides = array<i32>} : memref<512xf32, #tpu.memory_space<vmem>>, vector<16xf32>,
        %mul3A_396 = arith.constant 3.276800e+04 : f32
        %mul3A_397 = vector.broadcast %mul3A_396 : f32 to vector<16xf32>
        %mul3A_398 = arith.mulf %get3A_395, %mul3A_397 : vector<16xf32>
        %convert_element_type3A = arith.fptosi %mul3A_398 : vector<16xf32> to vector<16xi32>
        %convert_element_type3A_399 = arith.sitofp %convert_element_type3A : vector<16xi32> to vector<16xf32>
        %mul3A_400 = arith.constant 3.05175781E-5 : f32
        %mul3A_401 = vector.broadcast %mul3A_400 : f32 to vector<16xf32>
        %mul3A_402 = arith.mulf %convert_element_type3A_399, %mul3A_401 : vector<16xf32>
        %sub3A = arith.subf %get3A_395, %mul3A_402 : vector<16xf32>
        %mul3A_403 = arith.constant 3.276800e+04 : f32
        %mul3A_404 = vector.broadcast %mul3A_403 : f32 to vector<16xf32>
        %mul3A_405 = arith.mulf %sub3A, %mul3A_404 : vector<16xf32>
        %add3A_406 = vector.broadcast %add3A_392 : i32 to vector<16xi32>
        %add3A_407 = arith.addi %add3A_406, %iota3A : vector<16xi32>
        %broadcast_in_dim3A = arith.constant 0 : i32
        %broadcast_in_dim3A_408 = vector.broadcast %broadcast_in_dim3A : i32 to vector<16xi32>
        %gather3A = tpu.vector_load_idx %arg29[%add3A_407, %broadcast_in_dim3A_408] : memref<256x4xf32, #tpu.memory_space<vmem>>[vector<16xi32>, vector<16xi32>], vector<16xf32>,
        %broadcast_in_dim3A_409 = arith.constant 1 : i32
        %broadcast_in_dim3A_410 = vector.broadcast %broadcast_in_dim3A_409 : i32 to vector<16xi32>
        %gather3A_411 = tpu.vector_load_idx %arg29[%add3A_407, %broadcast_in_dim3A_410] : memref<256x4xf32, #tpu.memory_space<vmem>>[vector<16xi32>, vector<16xi32>], vector<16xf32>,
        %broadcast_in_dim3A_412 = arith.constant 2 : i32
        %broadcast_in_dim3A_413 = vector.broadcast %broadcast_in_dim3A_412 : i32 to vector<16xi32>
        %gather3A_414 = tpu.vector_load_idx %arg29[%add3A_407, %broadcast_in_dim3A_413] : memref<256x4xf32, #tpu.memory_space<vmem>>[vector<16xi32>, vector<16xi32>], vector<16xf32>,
        %broadcast_in_dim3A_415 = arith.constant 3 : i32
        %broadcast_in_dim3A_416 = vector.broadcast %broadcast_in_dim3A_415 : i32 to vector<16xi32>
        %gather3A_417 = tpu.vector_load_idx %arg29[%add3A_407, %broadcast_in_dim3A_416] : memref<256x4xf32, #tpu.memory_space<vmem>>[vector<16xi32>, vector<16xi32>], vector<16xf32>,
        %sub3A_418 = arith.constant 1.000000e+00 : f32
        %sub3A_419 = vector.broadcast %sub3A_418 : f32 to vector<16xf32>
        %sub3A_420 = arith.subf %sub3A_419, %mul3A_405 : vector<16xf32>
        %add3A_421 = arith.constant 128 : i32
        %add3A_422 = arith.addi %add3A_421, %add3A_392 : i32
        %add3A_423 = vector.broadcast %add3A_422 : i32 to vector<16xi32>
        %add3A_424 = arith.addi %add3A_423, %iota3A : vector<16xi32>
        %broadcast_in_dim3A_425 = arith.constant 22 : i32
        %broadcast_in_dim3A_426 = vector.broadcast %broadcast_in_dim3A_425 : i32 to vector<16xi32>
        %mul3A_427 = arith.mulf %gather3A, %sub3A_420 : vector<16xf32>
        %mul3A_428 = arith.mulf %gather3A_414, %mul3A_405 : vector<16xf32>
        %add3A_429 = arith.addf %mul3A_427, %mul3A_428 : vector<16xf32>
        tpu.vector_store_idx %arg48[%add3A_424, %broadcast_in_dim3A_426], %add3A_429 : memref<512x32xf32, #tpu.memory_space<vmem>>[vector<16xi32>, vector<16xi32>], vector<16xf32>,
        %broadcast_in_dim3A_430 = arith.constant 23 : i32
        %broadcast_in_dim3A_431 = vector.broadcast %broadcast_in_dim3A_430 : i32 to vector<16xi32>
        %mul3A_432 = arith.mulf %gather3A_411, %sub3A_420 : vector<16xf32>
        %mul3A_433 = arith.mulf %gather3A_417, %mul3A_405 : vector<16xf32>
        %add3A_434 = arith.addf %mul3A_432, %mul3A_433 : vector<16xf32>
        tpu.vector_store_idx %arg48[%add3A_424, %broadcast_in_dim3A_431], %add3A_434 : memref<512x32xf32, #tpu.memory_space<vmem>>[vector<16xi32>, vector<16xi32>], vector<16xf32>,
      }
      %scan3A_297 = arith.constant 8 : i32
      %scan3A_298 = arith.constant 0 : i32
      %scan3A_299 = arith.constant 8 : i32
      %scan3A_300 = arith.addi %scan3A_298, %scan3A_299 : i32
      %scan3A_301 = arith.constant 1 : i32
      scf.for %scan3A_388 = %scan3A_298 to %scan3A_300 step %scan3A_301  : i32 {
        %mul3A_389 = arith.constant 16 : i32
        %mul3A_390 = arith.muli %scan3A_388, %mul3A_389 : i32
        %add3A_391 = arith.constant 0 : i32
        %add3A_392 = arith.addi %add3A_391, %mul3A_390 : i32
        %add3A_393 = arith.constant 256 : i32
        %add3A_394 = arith.addi %add3A_393, %add3A_392 : i32
        %get3A = arith.index_cast %add3A_394 : i32 to index
        %get3A_395 = tpu.vector_load %arg7[%get3A] {strides = array<i32>} : memref<512xf32, #tpu.memory_space<vmem>>, vector<16xf32>,
        %mul3A_396 = arith.constant 3.276800e+04 : f32
        %mul3A_397 = vector.broadcast %mul3A_396 : f32 to vector<16xf32>
        %mul3A_398 = arith.mulf %get3A_395, %mul3A_397 : vector<16xf32>
        %convert_element_type3A = arith.fptosi %mul3A_398 : vector<16xf32> to vector<16xi32>
        %convert_element_type3A_399 = arith.sitofp %convert_element_type3A : vector<16xi32> to vector<16xf32>
        %mul3A_400 = arith.constant 3.05175781E-5 : f32
        %mul3A_401 = vector.broadcast %mul3A_400 : f32 to vector<16xf32>
        %mul3A_402 = arith.mulf %convert_element_type3A_399, %mul3A_401 : vector<16xf32>
        %sub3A = arith.subf %get3A_395, %mul3A_402 : vector<16xf32>
        %mul3A_403 = arith.constant 3.276800e+04 : f32
        %mul3A_404 = vector.broadcast %mul3A_403 : f32 to vector<16xf32>
        %mul3A_405 = arith.mulf %sub3A, %mul3A_404 : vector<16xf32>
        %add3A_406 = vector.broadcast %add3A_392 : i32 to vector<16xi32>
        %add3A_407 = arith.addi %add3A_406, %iota3A : vector<16xi32>
        %broadcast_in_dim3A = arith.constant 0 : i32
        %broadcast_in_dim3A_408 = vector.broadcast %broadcast_in_dim3A : i32 to vector<16xi32>
        %gather3A = tpu.vector_load_idx %arg30[%add3A_407, %broadcast_in_dim3A_408] : memref<256x4xf32, #tpu.memory_space<vmem>>[vector<16xi32>, vector<16xi32>], vector<16xf32>,
        %broadcast_in_dim3A_409 = arith.constant 1 : i32
        %broadcast_in_dim3A_410 = vector.broadcast %broadcast_in_dim3A_409 : i32 to vector<16xi32>
        %gather3A_411 = tpu.vector_load_idx %arg30[%add3A_407, %broadcast_in_dim3A_410] : memref<256x4xf32, #tpu.memory_space<vmem>>[vector<16xi32>, vector<16xi32>], vector<16xf32>,
        %broadcast_in_dim3A_412 = arith.constant 2 : i32
        %broadcast_in_dim3A_413 = vector.broadcast %broadcast_in_dim3A_412 : i32 to vector<16xi32>
        %gather3A_414 = tpu.vector_load_idx %arg30[%add3A_407, %broadcast_in_dim3A_413] : memref<256x4xf32, #tpu.memory_space<vmem>>[vector<16xi32>, vector<16xi32>], vector<16xf32>,
        %broadcast_in_dim3A_415 = arith.constant 3 : i32
        %broadcast_in_dim3A_416 = vector.broadcast %broadcast_in_dim3A_415 : i32 to vector<16xi32>
        %gather3A_417 = tpu.vector_load_idx %arg30[%add3A_407, %broadcast_in_dim3A_416] : memref<256x4xf32, #tpu.memory_space<vmem>>[vector<16xi32>, vector<16xi32>], vector<16xf32>,
        %sub3A_418 = arith.constant 1.000000e+00 : f32
        %sub3A_419 = vector.broadcast %sub3A_418 : f32 to vector<16xf32>
        %sub3A_420 = arith.subf %sub3A_419, %mul3A_405 : vector<16xf32>
        %add3A_421 = arith.constant 256 : i32
        %add3A_422 = arith.addi %add3A_421, %add3A_392 : i32
        %add3A_423 = vector.broadcast %add3A_422 : i32 to vector<16xi32>
        %add3A_424 = arith.addi %add3A_423, %iota3A : vector<16xi32>
        %broadcast_in_dim3A_425 = arith.constant 22 : i32
        %broadcast_in_dim3A_426 = vector.broadcast %broadcast_in_dim3A_425 : i32 to vector<16xi32>
        %mul3A_427 = arith.mulf %gather3A, %sub3A_420 : vector<16xf32>
        %mul3A_428 = arith.mulf %gather3A_414, %mul3A_405 : vector<16xf32>
        %add3A_429 = arith.addf %mul3A_427, %mul3A_428 : vector<16xf32>
        tpu.vector_store_idx %arg48[%add3A_424, %broadcast_in_dim3A_426], %add3A_429 : memref<512x32xf32, #tpu.memory_space<vmem>>[vector<16xi32>, vector<16xi32>], vector<16xf32>,
        %broadcast_in_dim3A_430 = arith.constant 23 : i32
        %broadcast_in_dim3A_431 = vector.broadcast %broadcast_in_dim3A_430 : i32 to vector<16xi32>
        %mul3A_432 = arith.mulf %gather3A_411, %sub3A_420 : vector<16xf32>
        %mul3A_433 = arith.mulf %gather3A_417, %mul3A_405 : vector<16xf32>
        %add3A_434 = arith.addf %mul3A_432, %mul3A_433 : vector<16xf32>
        tpu.vector_store_idx %arg48[%add3A_424, %broadcast_in_dim3A_431], %add3A_434 : memref<512x32xf32, #tpu.memory_space<vmem>>[vector<16xi32>, vector<16xi32>], vector<16xf32>,
      }
      %scan3A_302 = arith.constant 8 : i32
      %scan3A_303 = arith.constant 0 : i32
      %scan3A_304 = arith.constant 8 : i32
      %scan3A_305 = arith.addi %scan3A_303, %scan3A_304 : i32
      %scan3A_306 = arith.constant 1 : i32
      scf.for %scan3A_388 = %scan3A_303 to %scan3A_305 step %scan3A_306  : i32 {
        %mul3A_389 = arith.constant 16 : i32
        %mul3A_390 = arith.muli %scan3A_388, %mul3A_389 : i32
        %add3A_391 = arith.constant 0 : i32
        %add3A_392 = arith.addi %add3A_391, %mul3A_390 : i32
        %add3A_393 = arith.constant 384 : i32
        %add3A_394 = arith.addi %add3A_393, %add3A_392 : i32
        %get3A = arith.index_cast %add3A_394 : i32 to index
        %get3A_395 = tpu.vector_load %arg7[%get3A] {strides = array<i32>} : memref<512xf32, #tpu.memory_space<vmem>>, vector<16xf32>,
        %mul3A_396 = arith.constant 3.276800e+04 : f32
        %mul3A_397 = vector.broadcast %mul3A_396 : f32 to vector<16xf32>
        %mul3A_398 = arith.mulf %get3A_395, %mul3A_397 : vector<16xf32>
        %convert_element_type3A = arith.fptosi %mul3A_398 : vector<16xf32> to vector<16xi32>
        %convert_element_type3A_399 = arith.sitofp %convert_element_type3A : vector<16xi32> to vector<16xf32>
        %mul3A_400 = arith.constant 3.05175781E-5 : f32
        %mul3A_401 = vector.broadcast %mul3A_400 : f32 to vector<16xf32>
        %mul3A_402 = arith.mulf %convert_element_type3A_399, %mul3A_401 : vector<16xf32>
        %sub3A = arith.subf %get3A_395, %mul3A_402 : vector<16xf32>
        %mul3A_403 = arith.constant 3.276800e+04 : f32
        %mul3A_404 = vector.broadcast %mul3A_403 : f32 to vector<16xf32>
        %mul3A_405 = arith.mulf %sub3A, %mul3A_404 : vector<16xf32>
        %add3A_406 = vector.broadcast %add3A_392 : i32 to vector<16xi32>
        %add3A_407 = arith.addi %add3A_406, %iota3A : vector<16xi32>
        %broadcast_in_dim3A = arith.constant 0 : i32
        %broadcast_in_dim3A_408 = vector.broadcast %broadcast_in_dim3A : i32 to vector<16xi32>
        %gather3A = tpu.vector_load_idx %arg31[%add3A_407, %broadcast_in_dim3A_408] : memref<256x4xf32, #tpu.memory_space<vmem>>[vector<16xi32>, vector<16xi32>], vector<16xf32>,
        %broadcast_in_dim3A_409 = arith.constant 1 : i32
        %broadcast_in_dim3A_410 = vector.broadcast %broadcast_in_dim3A_409 : i32 to vector<16xi32>
        %gather3A_411 = tpu.vector_load_idx %arg31[%add3A_407, %broadcast_in_dim3A_410] : memref<256x4xf32, #tpu.memory_space<vmem>>[vector<16xi32>, vector<16xi32>], vector<16xf32>,
        %broadcast_in_dim3A_412 = arith.constant 2 : i32
        %broadcast_in_dim3A_413 = vector.broadcast %broadcast_in_dim3A_412 : i32 to vector<16xi32>
        %gather3A_414 = tpu.vector_load_idx %arg31[%add3A_407, %broadcast_in_dim3A_413] : memref<256x4xf32, #tpu.memory_space<vmem>>[vector<16xi32>, vector<16xi32>], vector<16xf32>,
        %broadcast_in_dim3A_415 = arith.constant 3 : i32
        %broadcast_in_dim3A_416 = vector.broadcast %broadcast_in_dim3A_415 : i32 to vector<16xi32>
        %gather3A_417 = tpu.vector_load_idx %arg31[%add3A_407, %broadcast_in_dim3A_416] : memref<256x4xf32, #tpu.memory_space<vmem>>[vector<16xi32>, vector<16xi32>], vector<16xf32>,
        %sub3A_418 = arith.constant 1.000000e+00 : f32
        %sub3A_419 = vector.broadcast %sub3A_418 : f32 to vector<16xf32>
        %sub3A_420 = arith.subf %sub3A_419, %mul3A_405 : vector<16xf32>
        %add3A_421 = arith.constant 384 : i32
        %add3A_422 = arith.addi %add3A_421, %add3A_392 : i32
        %add3A_423 = vector.broadcast %add3A_422 : i32 to vector<16xi32>
        %add3A_424 = arith.addi %add3A_423, %iota3A : vector<16xi32>
        %broadcast_in_dim3A_425 = arith.constant 22 : i32
        %broadcast_in_dim3A_426 = vector.broadcast %broadcast_in_dim3A_425 : i32 to vector<16xi32>
        %mul3A_427 = arith.mulf %gather3A, %sub3A_420 : vector<16xf32>
        %mul3A_428 = arith.mulf %gather3A_414, %mul3A_405 : vector<16xf32>
        %add3A_429 = arith.addf %mul3A_427, %mul3A_428 : vector<16xf32>
        tpu.vector_store_idx %arg48[%add3A_424, %broadcast_in_dim3A_426], %add3A_429 : memref<512x32xf32, #tpu.memory_space<vmem>>[vector<16xi32>, vector<16xi32>], vector<16xf32>,
        %broadcast_in_dim3A_430 = arith.constant 23 : i32
        %broadcast_in_dim3A_431 = vector.broadcast %broadcast_in_dim3A_430 : i32 to vector<16xi32>
        %mul3A_432 = arith.mulf %gather3A_411, %sub3A_420 : vector<16xf32>
        %mul3A_433 = arith.mulf %gather3A_417, %mul3A_405 : vector<16xf32>
        %add3A_434 = arith.addf %mul3A_432, %mul3A_433 : vector<16xf32>
        tpu.vector_store_idx %arg48[%add3A_424, %broadcast_in_dim3A_431], %add3A_434 : memref<512x32xf32, #tpu.memory_space<vmem>>[vector<16xi32>, vector<16xi32>], vector<16xf32>,
      }
      %scan3A_307 = arith.constant 8 : i32
      %scan3A_308 = arith.constant 0 : i32
      %scan3A_309 = arith.constant 8 : i32
      %scan3A_310 = arith.addi %scan3A_308, %scan3A_309 : i32
      %scan3A_311 = arith.constant 1 : i32
      scf.for %scan3A_388 = %scan3A_308 to %scan3A_310 step %scan3A_311  : i32 {
        %mul3A_389 = arith.constant 16 : i32
        %mul3A_390 = arith.muli %scan3A_388, %mul3A_389 : i32
        %add3A_391 = arith.constant 0 : i32
        %add3A_392 = arith.addi %add3A_391, %mul3A_390 : i32
        %add3A_393 = arith.constant 0 : i32
        %add3A_394 = arith.addi %add3A_393, %add3A_392 : i32
        %get3A = arith.index_cast %add3A_394 : i32 to index
        %get3A_395 = tpu.vector_load %arg7[%get3A] {strides = array<i32>} : memref<512xf32, #tpu.memory_space<vmem>>, vector<16xf32>,
        %mul3A_396 = arith.constant 6.553600e+04 : f32
        %mul3A_397 = vector.broadcast %mul3A_396 : f32 to vector<16xf32>
        %mul3A_398 = arith.mulf %get3A_395, %mul3A_397 : vector<16xf32>
        %convert_element_type3A = arith.fptosi %mul3A_398 : vector<16xf32> to vector<16xi32>
        %convert_element_type3A_399 = arith.sitofp %convert_element_type3A : vector<16xi32> to vector<16xf32>
        %mul3A_400 = arith.constant 1.52587891E-5 : f32
        %mul3A_401 = vector.broadcast %mul3A_400 : f32 to vector<16xf32>
        %mul3A_402 = arith.mulf %convert_element_type3A_399, %mul3A_401 : vector<16xf32>
        %sub3A = arith.subf %get3A_395, %mul3A_402 : vector<16xf32>
        %mul3A_403 = arith.constant 6.553600e+04 : f32
        %mul3A_404 = vector.broadcast %mul3A_403 : f32 to vector<16xf32>
        %mul3A_405 = arith.mulf %sub3A, %mul3A_404 : vector<16xf32>
        %add3A_406 = vector.broadcast %add3A_392 : i32 to vector<16xi32>
        %add3A_407 = arith.addi %add3A_406, %iota3A : vector<16xi32>
        %broadcast_in_dim3A = arith.constant 0 : i32
        %broadcast_in_dim3A_408 = vector.broadcast %broadcast_in_dim3A : i32 to vector<16xi32>
        %gather3A = tpu.vector_load_idx %arg32[%add3A_407, %broadcast_in_dim3A_408] : memref<256x4xf32, #tpu.memory_space<vmem>>[vector<16xi32>, vector<16xi32>], vector<16xf32>,
        %broadcast_in_dim3A_409 = arith.constant 1 : i32
        %broadcast_in_dim3A_410 = vector.broadcast %broadcast_in_dim3A_409 : i32 to vector<16xi32>
        %gather3A_411 = tpu.vector_load_idx %arg32[%add3A_407, %broadcast_in_dim3A_410] : memref<256x4xf32, #tpu.memory_space<vmem>>[vector<16xi32>, vector<16xi32>], vector<16xf32>,
        %broadcast_in_dim3A_412 = arith.constant 2 : i32
        %broadcast_in_dim3A_413 = vector.broadcast %broadcast_in_dim3A_412 : i32 to vector<16xi32>
        %gather3A_414 = tpu.vector_load_idx %arg32[%add3A_407, %broadcast_in_dim3A_413] : memref<256x4xf32, #tpu.memory_space<vmem>>[vector<16xi32>, vector<16xi32>], vector<16xf32>,
        %broadcast_in_dim3A_415 = arith.constant 3 : i32
        %broadcast_in_dim3A_416 = vector.broadcast %broadcast_in_dim3A_415 : i32 to vector<16xi32>
        %gather3A_417 = tpu.vector_load_idx %arg32[%add3A_407, %broadcast_in_dim3A_416] : memref<256x4xf32, #tpu.memory_space<vmem>>[vector<16xi32>, vector<16xi32>], vector<16xf32>,
        %sub3A_418 = arith.constant 1.000000e+00 : f32
        %sub3A_419 = vector.broadcast %sub3A_418 : f32 to vector<16xf32>
        %sub3A_420 = arith.subf %sub3A_419, %mul3A_405 : vector<16xf32>
        %add3A_421 = arith.constant 0 : i32
        %add3A_422 = arith.addi %add3A_421, %add3A_392 : i32
        %add3A_423 = vector.broadcast %add3A_422 : i32 to vector<16xi32>
        %add3A_424 = arith.addi %add3A_423, %iota3A : vector<16xi32>
        %broadcast_in_dim3A_425 = arith.constant 24 : i32
        %broadcast_in_dim3A_426 = vector.broadcast %broadcast_in_dim3A_425 : i32 to vector<16xi32>
        %mul3A_427 = arith.mulf %gather3A, %sub3A_420 : vector<16xf32>
        %mul3A_428 = arith.mulf %gather3A_414, %mul3A_405 : vector<16xf32>
        %add3A_429 = arith.addf %mul3A_427, %mul3A_428 : vector<16xf32>
        tpu.vector_store_idx %arg48[%add3A_424, %broadcast_in_dim3A_426], %add3A_429 : memref<512x32xf32, #tpu.memory_space<vmem>>[vector<16xi32>, vector<16xi32>], vector<16xf32>,
        %broadcast_in_dim3A_430 = arith.constant 25 : i32
        %broadcast_in_dim3A_431 = vector.broadcast %broadcast_in_dim3A_430 : i32 to vector<16xi32>
        %mul3A_432 = arith.mulf %gather3A_411, %sub3A_420 : vector<16xf32>
        %mul3A_433 = arith.mulf %gather3A_417, %mul3A_405 : vector<16xf32>
        %add3A_434 = arith.addf %mul3A_432, %mul3A_433 : vector<16xf32>
        tpu.vector_store_idx %arg48[%add3A_424, %broadcast_in_dim3A_431], %add3A_434 : memref<512x32xf32, #tpu.memory_space<vmem>>[vector<16xi32>, vector<16xi32>], vector<16xf32>,
      }
      %scan3A_312 = arith.constant 8 : i32
      %scan3A_313 = arith.constant 0 : i32
      %scan3A_314 = arith.constant 8 : i32
      %scan3A_315 = arith.addi %scan3A_313, %scan3A_314 : i32
      %scan3A_316 = arith.constant 1 : i32
      scf.for %scan3A_388 = %scan3A_313 to %scan3A_315 step %scan3A_316  : i32 {
        %mul3A_389 = arith.constant 16 : i32
        %mul3A_390 = arith.muli %scan3A_388, %mul3A_389 : i32
        %add3A_391 = arith.constant 0 : i32
        %add3A_392 = arith.addi %add3A_391, %mul3A_390 : i32
        %add3A_393 = arith.constant 128 : i32
        %add3A_394 = arith.addi %add3A_393, %add3A_392 : i32
        %get3A = arith.index_cast %add3A_394 : i32 to index
        %get3A_395 = tpu.vector_load %arg7[%get3A] {strides = array<i32>} : memref<512xf32, #tpu.memory_space<vmem>>, vector<16xf32>,
        %mul3A_396 = arith.constant 6.553600e+04 : f32
        %mul3A_397 = vector.broadcast %mul3A_396 : f32 to vector<16xf32>
        %mul3A_398 = arith.mulf %get3A_395, %mul3A_397 : vector<16xf32>
        %convert_element_type3A = arith.fptosi %mul3A_398 : vector<16xf32> to vector<16xi32>
        %convert_element_type3A_399 = arith.sitofp %convert_element_type3A : vector<16xi32> to vector<16xf32>
        %mul3A_400 = arith.constant 1.52587891E-5 : f32
        %mul3A_401 = vector.broadcast %mul3A_400 : f32 to vector<16xf32>
        %mul3A_402 = arith.mulf %convert_element_type3A_399, %mul3A_401 : vector<16xf32>
        %sub3A = arith.subf %get3A_395, %mul3A_402 : vector<16xf32>
        %mul3A_403 = arith.constant 6.553600e+04 : f32
        %mul3A_404 = vector.broadcast %mul3A_403 : f32 to vector<16xf32>
        %mul3A_405 = arith.mulf %sub3A, %mul3A_404 : vector<16xf32>
        %add3A_406 = vector.broadcast %add3A_392 : i32 to vector<16xi32>
        %add3A_407 = arith.addi %add3A_406, %iota3A : vector<16xi32>
        %broadcast_in_dim3A = arith.constant 0 : i32
        %broadcast_in_dim3A_408 = vector.broadcast %broadcast_in_dim3A : i32 to vector<16xi32>
        %gather3A = tpu.vector_load_idx %arg33[%add3A_407, %broadcast_in_dim3A_408] : memref<256x4xf32, #tpu.memory_space<vmem>>[vector<16xi32>, vector<16xi32>], vector<16xf32>,
        %broadcast_in_dim3A_409 = arith.constant 1 : i32
        %broadcast_in_dim3A_410 = vector.broadcast %broadcast_in_dim3A_409 : i32 to vector<16xi32>
        %gather3A_411 = tpu.vector_load_idx %arg33[%add3A_407, %broadcast_in_dim3A_410] : memref<256x4xf32, #tpu.memory_space<vmem>>[vector<16xi32>, vector<16xi32>], vector<16xf32>,
        %broadcast_in_dim3A_412 = arith.constant 2 : i32
        %broadcast_in_dim3A_413 = vector.broadcast %broadcast_in_dim3A_412 : i32 to vector<16xi32>
        %gather3A_414 = tpu.vector_load_idx %arg33[%add3A_407, %broadcast_in_dim3A_413] : memref<256x4xf32, #tpu.memory_space<vmem>>[vector<16xi32>, vector<16xi32>], vector<16xf32>,
        %broadcast_in_dim3A_415 = arith.constant 3 : i32
        %broadcast_in_dim3A_416 = vector.broadcast %broadcast_in_dim3A_415 : i32 to vector<16xi32>
        %gather3A_417 = tpu.vector_load_idx %arg33[%add3A_407, %broadcast_in_dim3A_416] : memref<256x4xf32, #tpu.memory_space<vmem>>[vector<16xi32>, vector<16xi32>], vector<16xf32>,
        %sub3A_418 = arith.constant 1.000000e+00 : f32
        %sub3A_419 = vector.broadcast %sub3A_418 : f32 to vector<16xf32>
        %sub3A_420 = arith.subf %sub3A_419, %mul3A_405 : vector<16xf32>
        %add3A_421 = arith.constant 128 : i32
        %add3A_422 = arith.addi %add3A_421, %add3A_392 : i32
        %add3A_423 = vector.broadcast %add3A_422 : i32 to vector<16xi32>
        %add3A_424 = arith.addi %add3A_423, %iota3A : vector<16xi32>
        %broadcast_in_dim3A_425 = arith.constant 24 : i32
        %broadcast_in_dim3A_426 = vector.broadcast %broadcast_in_dim3A_425 : i32 to vector<16xi32>
        %mul3A_427 = arith.mulf %gather3A, %sub3A_420 : vector<16xf32>
        %mul3A_428 = arith.mulf %gather3A_414, %mul3A_405 : vector<16xf32>
        %add3A_429 = arith.addf %mul3A_427, %mul3A_428 : vector<16xf32>
        tpu.vector_store_idx %arg48[%add3A_424, %broadcast_in_dim3A_426], %add3A_429 : memref<512x32xf32, #tpu.memory_space<vmem>>[vector<16xi32>, vector<16xi32>], vector<16xf32>,
        %broadcast_in_dim3A_430 = arith.constant 25 : i32
        %broadcast_in_dim3A_431 = vector.broadcast %broadcast_in_dim3A_430 : i32 to vector<16xi32>
        %mul3A_432 = arith.mulf %gather3A_411, %sub3A_420 : vector<16xf32>
        %mul3A_433 = arith.mulf %gather3A_417, %mul3A_405 : vector<16xf32>
        %add3A_434 = arith.addf %mul3A_432, %mul3A_433 : vector<16xf32>
        tpu.vector_store_idx %arg48[%add3A_424, %broadcast_in_dim3A_431], %add3A_434 : memref<512x32xf32, #tpu.memory_space<vmem>>[vector<16xi32>, vector<16xi32>], vector<16xf32>,
      }
      %scan3A_317 = arith.constant 8 : i32
      %scan3A_318 = arith.constant 0 : i32
      %scan3A_319 = arith.constant 8 : i32
      %scan3A_320 = arith.addi %scan3A_318, %scan3A_319 : i32
      %scan3A_321 = arith.constant 1 : i32
      scf.for %scan3A_388 = %scan3A_318 to %scan3A_320 step %scan3A_321  : i32 {
        %mul3A_389 = arith.constant 16 : i32
        %mul3A_390 = arith.muli %scan3A_388, %mul3A_389 : i32
        %add3A_391 = arith.constant 0 : i32
        %add3A_392 = arith.addi %add3A_391, %mul3A_390 : i32
        %add3A_393 = arith.constant 256 : i32
        %add3A_394 = arith.addi %add3A_393, %add3A_392 : i32
        %get3A = arith.index_cast %add3A_394 : i32 to index
        %get3A_395 = tpu.vector_load %arg7[%get3A] {strides = array<i32>} : memref<512xf32, #tpu.memory_space<vmem>>, vector<16xf32>,
        %mul3A_396 = arith.constant 6.553600e+04 : f32
        %mul3A_397 = vector.broadcast %mul3A_396 : f32 to vector<16xf32>
        %mul3A_398 = arith.mulf %get3A_395, %mul3A_397 : vector<16xf32>
        %convert_element_type3A = arith.fptosi %mul3A_398 : vector<16xf32> to vector<16xi32>
        %convert_element_type3A_399 = arith.sitofp %convert_element_type3A : vector<16xi32> to vector<16xf32>
        %mul3A_400 = arith.constant 1.52587891E-5 : f32
        %mul3A_401 = vector.broadcast %mul3A_400 : f32 to vector<16xf32>
        %mul3A_402 = arith.mulf %convert_element_type3A_399, %mul3A_401 : vector<16xf32>
        %sub3A = arith.subf %get3A_395, %mul3A_402 : vector<16xf32>
        %mul3A_403 = arith.constant 6.553600e+04 : f32
        %mul3A_404 = vector.broadcast %mul3A_403 : f32 to vector<16xf32>
        %mul3A_405 = arith.mulf %sub3A, %mul3A_404 : vector<16xf32>
        %add3A_406 = vector.broadcast %add3A_392 : i32 to vector<16xi32>
        %add3A_407 = arith.addi %add3A_406, %iota3A : vector<16xi32>
        %broadcast_in_dim3A = arith.constant 0 : i32
        %broadcast_in_dim3A_408 = vector.broadcast %broadcast_in_dim3A : i32 to vector<16xi32>
        %gather3A = tpu.vector_load_idx %arg34[%add3A_407, %broadcast_in_dim3A_408] : memref<256x4xf32, #tpu.memory_space<vmem>>[vector<16xi32>, vector<16xi32>], vector<16xf32>,
        %broadcast_in_dim3A_409 = arith.constant 1 : i32
        %broadcast_in_dim3A_410 = vector.broadcast %broadcast_in_dim3A_409 : i32 to vector<16xi32>
        %gather3A_411 = tpu.vector_load_idx %arg34[%add3A_407, %broadcast_in_dim3A_410] : memref<256x4xf32, #tpu.memory_space<vmem>>[vector<16xi32>, vector<16xi32>], vector<16xf32>,
        %broadcast_in_dim3A_412 = arith.constant 2 : i32
        %broadcast_in_dim3A_413 = vector.broadcast %broadcast_in_dim3A_412 : i32 to vector<16xi32>
        %gather3A_414 = tpu.vector_load_idx %arg34[%add3A_407, %broadcast_in_dim3A_413] : memref<256x4xf32, #tpu.memory_space<vmem>>[vector<16xi32>, vector<16xi32>], vector<16xf32>,
        %broadcast_in_dim3A_415 = arith.constant 3 : i32
        %broadcast_in_dim3A_416 = vector.broadcast %broadcast_in_dim3A_415 : i32 to vector<16xi32>
        %gather3A_417 = tpu.vector_load_idx %arg34[%add3A_407, %broadcast_in_dim3A_416] : memref<256x4xf32, #tpu.memory_space<vmem>>[vector<16xi32>, vector<16xi32>], vector<16xf32>,
        %sub3A_418 = arith.constant 1.000000e+00 : f32
        %sub3A_419 = vector.broadcast %sub3A_418 : f32 to vector<16xf32>
        %sub3A_420 = arith.subf %sub3A_419, %mul3A_405 : vector<16xf32>
        %add3A_421 = arith.constant 256 : i32
        %add3A_422 = arith.addi %add3A_421, %add3A_392 : i32
        %add3A_423 = vector.broadcast %add3A_422 : i32 to vector<16xi32>
        %add3A_424 = arith.addi %add3A_423, %iota3A : vector<16xi32>
        %broadcast_in_dim3A_425 = arith.constant 24 : i32
        %broadcast_in_dim3A_426 = vector.broadcast %broadcast_in_dim3A_425 : i32 to vector<16xi32>
        %mul3A_427 = arith.mulf %gather3A, %sub3A_420 : vector<16xf32>
        %mul3A_428 = arith.mulf %gather3A_414, %mul3A_405 : vector<16xf32>
        %add3A_429 = arith.addf %mul3A_427, %mul3A_428 : vector<16xf32>
        tpu.vector_store_idx %arg48[%add3A_424, %broadcast_in_dim3A_426], %add3A_429 : memref<512x32xf32, #tpu.memory_space<vmem>>[vector<16xi32>, vector<16xi32>], vector<16xf32>,
        %broadcast_in_dim3A_430 = arith.constant 25 : i32
        %broadcast_in_dim3A_431 = vector.broadcast %broadcast_in_dim3A_430 : i32 to vector<16xi32>
        %mul3A_432 = arith.mulf %gather3A_411, %sub3A_420 : vector<16xf32>
        %mul3A_433 = arith.mulf %gather3A_417, %mul3A_405 : vector<16xf32>
        %add3A_434 = arith.addf %mul3A_432, %mul3A_433 : vector<16xf32>
        tpu.vector_store_idx %arg48[%add3A_424, %broadcast_in_dim3A_431], %add3A_434 : memref<512x32xf32, #tpu.memory_space<vmem>>[vector<16xi32>, vector<16xi32>], vector<16xf32>,
      }
      %scan3A_322 = arith.constant 8 : i32
      %scan3A_323 = arith.constant 0 : i32
      %scan3A_324 = arith.constant 8 : i32
      %scan3A_325 = arith.addi %scan3A_323, %scan3A_324 : i32
      %scan3A_326 = arith.constant 1 : i32
      scf.for %scan3A_388 = %scan3A_323 to %scan3A_325 step %scan3A_326  : i32 {
        %mul3A_389 = arith.constant 16 : i32
        %mul3A_390 = arith.muli %scan3A_388, %mul3A_389 : i32
        %add3A_391 = arith.constant 0 : i32
        %add3A_392 = arith.addi %add3A_391, %mul3A_390 : i32
        %add3A_393 = arith.constant 384 : i32
        %add3A_394 = arith.addi %add3A_393, %add3A_392 : i32
        %get3A = arith.index_cast %add3A_394 : i32 to index
        %get3A_395 = tpu.vector_load %arg7[%get3A] {strides = array<i32>} : memref<512xf32, #tpu.memory_space<vmem>>, vector<16xf32>,
        %mul3A_396 = arith.constant 6.553600e+04 : f32
        %mul3A_397 = vector.broadcast %mul3A_396 : f32 to vector<16xf32>
        %mul3A_398 = arith.mulf %get3A_395, %mul3A_397 : vector<16xf32>
        %convert_element_type3A = arith.fptosi %mul3A_398 : vector<16xf32> to vector<16xi32>
        %convert_element_type3A_399 = arith.sitofp %convert_element_type3A : vector<16xi32> to vector<16xf32>
        %mul3A_400 = arith.constant 1.52587891E-5 : f32
        %mul3A_401 = vector.broadcast %mul3A_400 : f32 to vector<16xf32>
        %mul3A_402 = arith.mulf %convert_element_type3A_399, %mul3A_401 : vector<16xf32>
        %sub3A = arith.subf %get3A_395, %mul3A_402 : vector<16xf32>
        %mul3A_403 = arith.constant 6.553600e+04 : f32
        %mul3A_404 = vector.broadcast %mul3A_403 : f32 to vector<16xf32>
        %mul3A_405 = arith.mulf %sub3A, %mul3A_404 : vector<16xf32>
        %add3A_406 = vector.broadcast %add3A_392 : i32 to vector<16xi32>
        %add3A_407 = arith.addi %add3A_406, %iota3A : vector<16xi32>
        %broadcast_in_dim3A = arith.constant 0 : i32
        %broadcast_in_dim3A_408 = vector.broadcast %broadcast_in_dim3A : i32 to vector<16xi32>
        %gather3A = tpu.vector_load_idx %arg35[%add3A_407, %broadcast_in_dim3A_408] : memref<256x4xf32, #tpu.memory_space<vmem>>[vector<16xi32>, vector<16xi32>], vector<16xf32>,
        %broadcast_in_dim3A_409 = arith.constant 1 : i32
        %broadcast_in_dim3A_410 = vector.broadcast %broadcast_in_dim3A_409 : i32 to vector<16xi32>
        %gather3A_411 = tpu.vector_load_idx %arg35[%add3A_407, %broadcast_in_dim3A_410] : memref<256x4xf32, #tpu.memory_space<vmem>>[vector<16xi32>, vector<16xi32>], vector<16xf32>,
        %broadcast_in_dim3A_412 = arith.constant 2 : i32
        %broadcast_in_dim3A_413 = vector.broadcast %broadcast_in_dim3A_412 : i32 to vector<16xi32>
        %gather3A_414 = tpu.vector_load_idx %arg35[%add3A_407, %broadcast_in_dim3A_413] : memref<256x4xf32, #tpu.memory_space<vmem>>[vector<16xi32>, vector<16xi32>], vector<16xf32>,
        %broadcast_in_dim3A_415 = arith.constant 3 : i32
        %broadcast_in_dim3A_416 = vector.broadcast %broadcast_in_dim3A_415 : i32 to vector<16xi32>
        %gather3A_417 = tpu.vector_load_idx %arg35[%add3A_407, %broadcast_in_dim3A_416] : memref<256x4xf32, #tpu.memory_space<vmem>>[vector<16xi32>, vector<16xi32>], vector<16xf32>,
        %sub3A_418 = arith.constant 1.000000e+00 : f32
        %sub3A_419 = vector.broadcast %sub3A_418 : f32 to vector<16xf32>
        %sub3A_420 = arith.subf %sub3A_419, %mul3A_405 : vector<16xf32>
        %add3A_421 = arith.constant 384 : i32
        %add3A_422 = arith.addi %add3A_421, %add3A_392 : i32
        %add3A_423 = vector.broadcast %add3A_422 : i32 to vector<16xi32>
        %add3A_424 = arith.addi %add3A_423, %iota3A : vector<16xi32>
        %broadcast_in_dim3A_425 = arith.constant 24 : i32
        %broadcast_in_dim3A_426 = vector.broadcast %broadcast_in_dim3A_425 : i32 to vector<16xi32>
        %mul3A_427 = arith.mulf %gather3A, %sub3A_420 : vector<16xf32>
        %mul3A_428 = arith.mulf %gather3A_414, %mul3A_405 : vector<16xf32>
        %add3A_429 = arith.addf %mul3A_427, %mul3A_428 : vector<16xf32>
        tpu.vector_store_idx %arg48[%add3A_424, %broadcast_in_dim3A_426], %add3A_429 : memref<512x32xf32, #tpu.memory_space<vmem>>[vector<16xi32>, vector<16xi32>], vector<16xf32>,
        %broadcast_in_dim3A_430 = arith.constant 25 : i32
        %broadcast_in_dim3A_431 = vector.broadcast %broadcast_in_dim3A_430 : i32 to vector<16xi32>
        %mul3A_432 = arith.mulf %gather3A_411, %sub3A_420 : vector<16xf32>
        %mul3A_433 = arith.mulf %gather3A_417, %mul3A_405 : vector<16xf32>
        %add3A_434 = arith.addf %mul3A_432, %mul3A_433 : vector<16xf32>
        tpu.vector_store_idx %arg48[%add3A_424, %broadcast_in_dim3A_431], %add3A_434 : memref<512x32xf32, #tpu.memory_space<vmem>>[vector<16xi32>, vector<16xi32>], vector<16xf32>,
      }
      %scan3A_327 = arith.constant 8 : i32
      %scan3A_328 = arith.constant 0 : i32
      %scan3A_329 = arith.constant 8 : i32
      %scan3A_330 = arith.addi %scan3A_328, %scan3A_329 : i32
      %scan3A_331 = arith.constant 1 : i32
      scf.for %scan3A_388 = %scan3A_328 to %scan3A_330 step %scan3A_331  : i32 {
        %mul3A_389 = arith.constant 16 : i32
        %mul3A_390 = arith.muli %scan3A_388, %mul3A_389 : i32
        %add3A_391 = arith.constant 0 : i32
        %add3A_392 = arith.addi %add3A_391, %mul3A_390 : i32
        %add3A_393 = arith.constant 0 : i32
        %add3A_394 = arith.addi %add3A_393, %add3A_392 : i32
        %get3A = arith.index_cast %add3A_394 : i32 to index
        %get3A_395 = tpu.vector_load %arg7[%get3A] {strides = array<i32>} : memref<512xf32, #tpu.memory_space<vmem>>, vector<16xf32>,
        %mul3A_396 = arith.constant 1.310720e+05 : f32
        %mul3A_397 = vector.broadcast %mul3A_396 : f32 to vector<16xf32>
        %mul3A_398 = arith.mulf %get3A_395, %mul3A_397 : vector<16xf32>
        %convert_element_type3A = arith.fptosi %mul3A_398 : vector<16xf32> to vector<16xi32>
        %convert_element_type3A_399 = arith.sitofp %convert_element_type3A : vector<16xi32> to vector<16xf32>
        %mul3A_400 = arith.constant 7.62939453E-6 : f32
        %mul3A_401 = vector.broadcast %mul3A_400 : f32 to vector<16xf32>
        %mul3A_402 = arith.mulf %convert_element_type3A_399, %mul3A_401 : vector<16xf32>
        %sub3A = arith.subf %get3A_395, %mul3A_402 : vector<16xf32>
        %mul3A_403 = arith.constant 1.310720e+05 : f32
        %mul3A_404 = vector.broadcast %mul3A_403 : f32 to vector<16xf32>
        %mul3A_405 = arith.mulf %sub3A, %mul3A_404 : vector<16xf32>
        %add3A_406 = vector.broadcast %add3A_392 : i32 to vector<16xi32>
        %add3A_407 = arith.addi %add3A_406, %iota3A : vector<16xi32>
        %broadcast_in_dim3A = arith.constant 0 : i32
        %broadcast_in_dim3A_408 = vector.broadcast %broadcast_in_dim3A : i32 to vector<16xi32>
        %gather3A = tpu.vector_load_idx %arg36[%add3A_407, %broadcast_in_dim3A_408] : memref<256x4xf32, #tpu.memory_space<vmem>>[vector<16xi32>, vector<16xi32>], vector<16xf32>,
        %broadcast_in_dim3A_409 = arith.constant 1 : i32
        %broadcast_in_dim3A_410 = vector.broadcast %broadcast_in_dim3A_409 : i32 to vector<16xi32>
        %gather3A_411 = tpu.vector_load_idx %arg36[%add3A_407, %broadcast_in_dim3A_410] : memref<256x4xf32, #tpu.memory_space<vmem>>[vector<16xi32>, vector<16xi32>], vector<16xf32>,
        %broadcast_in_dim3A_412 = arith.constant 2 : i32
        %broadcast_in_dim3A_413 = vector.broadcast %broadcast_in_dim3A_412 : i32 to vector<16xi32>
        %gather3A_414 = tpu.vector_load_idx %arg36[%add3A_407, %broadcast_in_dim3A_413] : memref<256x4xf32, #tpu.memory_space<vmem>>[vector<16xi32>, vector<16xi32>], vector<16xf32>,
        %broadcast_in_dim3A_415 = arith.constant 3 : i32
        %broadcast_in_dim3A_416 = vector.broadcast %broadcast_in_dim3A_415 : i32 to vector<16xi32>
        %gather3A_417 = tpu.vector_load_idx %arg36[%add3A_407, %broadcast_in_dim3A_416] : memref<256x4xf32, #tpu.memory_space<vmem>>[vector<16xi32>, vector<16xi32>], vector<16xf32>,
        %sub3A_418 = arith.constant 1.000000e+00 : f32
        %sub3A_419 = vector.broadcast %sub3A_418 : f32 to vector<16xf32>
        %sub3A_420 = arith.subf %sub3A_419, %mul3A_405 : vector<16xf32>
        %add3A_421 = arith.constant 0 : i32
        %add3A_422 = arith.addi %add3A_421, %add3A_392 : i32
        %add3A_423 = vector.broadcast %add3A_422 : i32 to vector<16xi32>
        %add3A_424 = arith.addi %add3A_423, %iota3A : vector<16xi32>
        %broadcast_in_dim3A_425 = arith.constant 26 : i32
        %broadcast_in_dim3A_426 = vector.broadcast %broadcast_in_dim3A_425 : i32 to vector<16xi32>
        %mul3A_427 = arith.mulf %gather3A, %sub3A_420 : vector<16xf32>
        %mul3A_428 = arith.mulf %gather3A_414, %mul3A_405 : vector<16xf32>
        %add3A_429 = arith.addf %mul3A_427, %mul3A_428 : vector<16xf32>
        tpu.vector_store_idx %arg48[%add3A_424, %broadcast_in_dim3A_426], %add3A_429 : memref<512x32xf32, #tpu.memory_space<vmem>>[vector<16xi32>, vector<16xi32>], vector<16xf32>,
        %broadcast_in_dim3A_430 = arith.constant 27 : i32
        %broadcast_in_dim3A_431 = vector.broadcast %broadcast_in_dim3A_430 : i32 to vector<16xi32>
        %mul3A_432 = arith.mulf %gather3A_411, %sub3A_420 : vector<16xf32>
        %mul3A_433 = arith.mulf %gather3A_417, %mul3A_405 : vector<16xf32>
        %add3A_434 = arith.addf %mul3A_432, %mul3A_433 : vector<16xf32>
        tpu.vector_store_idx %arg48[%add3A_424, %broadcast_in_dim3A_431], %add3A_434 : memref<512x32xf32, #tpu.memory_space<vmem>>[vector<16xi32>, vector<16xi32>], vector<16xf32>,
      }
      %scan3A_332 = arith.constant 8 : i32
      %scan3A_333 = arith.constant 0 : i32
      %scan3A_334 = arith.constant 8 : i32
      %scan3A_335 = arith.addi %scan3A_333, %scan3A_334 : i32
      %scan3A_336 = arith.constant 1 : i32
      scf.for %scan3A_388 = %scan3A_333 to %scan3A_335 step %scan3A_336  : i32 {
        %mul3A_389 = arith.constant 16 : i32
        %mul3A_390 = arith.muli %scan3A_388, %mul3A_389 : i32
        %add3A_391 = arith.constant 0 : i32
        %add3A_392 = arith.addi %add3A_391, %mul3A_390 : i32
        %add3A_393 = arith.constant 128 : i32
        %add3A_394 = arith.addi %add3A_393, %add3A_392 : i32
        %get3A = arith.index_cast %add3A_394 : i32 to index
        %get3A_395 = tpu.vector_load %arg7[%get3A] {strides = array<i32>} : memref<512xf32, #tpu.memory_space<vmem>>, vector<16xf32>,
        %mul3A_396 = arith.constant 1.310720e+05 : f32
        %mul3A_397 = vector.broadcast %mul3A_396 : f32 to vector<16xf32>
        %mul3A_398 = arith.mulf %get3A_395, %mul3A_397 : vector<16xf32>
        %convert_element_type3A = arith.fptosi %mul3A_398 : vector<16xf32> to vector<16xi32>
        %convert_element_type3A_399 = arith.sitofp %convert_element_type3A : vector<16xi32> to vector<16xf32>
        %mul3A_400 = arith.constant 7.62939453E-6 : f32
        %mul3A_401 = vector.broadcast %mul3A_400 : f32 to vector<16xf32>
        %mul3A_402 = arith.mulf %convert_element_type3A_399, %mul3A_401 : vector<16xf32>
        %sub3A = arith.subf %get3A_395, %mul3A_402 : vector<16xf32>
        %mul3A_403 = arith.constant 1.310720e+05 : f32
        %mul3A_404 = vector.broadcast %mul3A_403 : f32 to vector<16xf32>
        %mul3A_405 = arith.mulf %sub3A, %mul3A_404 : vector<16xf32>
        %add3A_406 = vector.broadcast %add3A_392 : i32 to vector<16xi32>
        %add3A_407 = arith.addi %add3A_406, %iota3A : vector<16xi32>
        %broadcast_in_dim3A = arith.constant 0 : i32
        %broadcast_in_dim3A_408 = vector.broadcast %broadcast_in_dim3A : i32 to vector<16xi32>
        %gather3A = tpu.vector_load_idx %arg37[%add3A_407, %broadcast_in_dim3A_408] : memref<256x4xf32, #tpu.memory_space<vmem>>[vector<16xi32>, vector<16xi32>], vector<16xf32>,
        %broadcast_in_dim3A_409 = arith.constant 1 : i32
        %broadcast_in_dim3A_410 = vector.broadcast %broadcast_in_dim3A_409 : i32 to vector<16xi32>
        %gather3A_411 = tpu.vector_load_idx %arg37[%add3A_407, %broadcast_in_dim3A_410] : memref<256x4xf32, #tpu.memory_space<vmem>>[vector<16xi32>, vector<16xi32>], vector<16xf32>,
        %broadcast_in_dim3A_412 = arith.constant 2 : i32
        %broadcast_in_dim3A_413 = vector.broadcast %broadcast_in_dim3A_412 : i32 to vector<16xi32>
        %gather3A_414 = tpu.vector_load_idx %arg37[%add3A_407, %broadcast_in_dim3A_413] : memref<256x4xf32, #tpu.memory_space<vmem>>[vector<16xi32>, vector<16xi32>], vector<16xf32>,
        %broadcast_in_dim3A_415 = arith.constant 3 : i32
        %broadcast_in_dim3A_416 = vector.broadcast %broadcast_in_dim3A_415 : i32 to vector<16xi32>
        %gather3A_417 = tpu.vector_load_idx %arg37[%add3A_407, %broadcast_in_dim3A_416] : memref<256x4xf32, #tpu.memory_space<vmem>>[vector<16xi32>, vector<16xi32>], vector<16xf32>,
        %sub3A_418 = arith.constant 1.000000e+00 : f32
        %sub3A_419 = vector.broadcast %sub3A_418 : f32 to vector<16xf32>
        %sub3A_420 = arith.subf %sub3A_419, %mul3A_405 : vector<16xf32>
        %add3A_421 = arith.constant 128 : i32
        %add3A_422 = arith.addi %add3A_421, %add3A_392 : i32
        %add3A_423 = vector.broadcast %add3A_422 : i32 to vector<16xi32>
        %add3A_424 = arith.addi %add3A_423, %iota3A : vector<16xi32>
        %broadcast_in_dim3A_425 = arith.constant 26 : i32
        %broadcast_in_dim3A_426 = vector.broadcast %broadcast_in_dim3A_425 : i32 to vector<16xi32>
        %mul3A_427 = arith.mulf %gather3A, %sub3A_420 : vector<16xf32>
        %mul3A_428 = arith.mulf %gather3A_414, %mul3A_405 : vector<16xf32>
        %add3A_429 = arith.addf %mul3A_427, %mul3A_428 : vector<16xf32>
        tpu.vector_store_idx %arg48[%add3A_424, %broadcast_in_dim3A_426], %add3A_429 : memref<512x32xf32, #tpu.memory_space<vmem>>[vector<16xi32>, vector<16xi32>], vector<16xf32>,
        %broadcast_in_dim3A_430 = arith.constant 27 : i32
        %broadcast_in_dim3A_431 = vector.broadcast %broadcast_in_dim3A_430 : i32 to vector<16xi32>
        %mul3A_432 = arith.mulf %gather3A_411, %sub3A_420 : vector<16xf32>
        %mul3A_433 = arith.mulf %gather3A_417, %mul3A_405 : vector<16xf32>
        %add3A_434 = arith.addf %mul3A_432, %mul3A_433 : vector<16xf32>
        tpu.vector_store_idx %arg48[%add3A_424, %broadcast_in_dim3A_431], %add3A_434 : memref<512x32xf32, #tpu.memory_space<vmem>>[vector<16xi32>, vector<16xi32>], vector<16xf32>,
      }
      %scan3A_337 = arith.constant 8 : i32
      %scan3A_338 = arith.constant 0 : i32
      %scan3A_339 = arith.constant 8 : i32
      %scan3A_340 = arith.addi %scan3A_338, %scan3A_339 : i32
      %scan3A_341 = arith.constant 1 : i32
      scf.for %scan3A_388 = %scan3A_338 to %scan3A_340 step %scan3A_341  : i32 {
        %mul3A_389 = arith.constant 16 : i32
        %mul3A_390 = arith.muli %scan3A_388, %mul3A_389 : i32
        %add3A_391 = arith.constant 0 : i32
        %add3A_392 = arith.addi %add3A_391, %mul3A_390 : i32
        %add3A_393 = arith.constant 256 : i32
        %add3A_394 = arith.addi %add3A_393, %add3A_392 : i32
        %get3A = arith.index_cast %add3A_394 : i32 to index
        %get3A_395 = tpu.vector_load %arg7[%get3A] {strides = array<i32>} : memref<512xf32, #tpu.memory_space<vmem>>, vector<16xf32>,
        %mul3A_396 = arith.constant 1.310720e+05 : f32
        %mul3A_397 = vector.broadcast %mul3A_396 : f32 to vector<16xf32>
        %mul3A_398 = arith.mulf %get3A_395, %mul3A_397 : vector<16xf32>
        %convert_element_type3A = arith.fptosi %mul3A_398 : vector<16xf32> to vector<16xi32>
        %convert_element_type3A_399 = arith.sitofp %convert_element_type3A : vector<16xi32> to vector<16xf32>
        %mul3A_400 = arith.constant 7.62939453E-6 : f32
        %mul3A_401 = vector.broadcast %mul3A_400 : f32 to vector<16xf32>
        %mul3A_402 = arith.mulf %convert_element_type3A_399, %mul3A_401 : vector<16xf32>
        %sub3A = arith.subf %get3A_395, %mul3A_402 : vector<16xf32>
        %mul3A_403 = arith.constant 1.310720e+05 : f32
        %mul3A_404 = vector.broadcast %mul3A_403 : f32 to vector<16xf32>
        %mul3A_405 = arith.mulf %sub3A, %mul3A_404 : vector<16xf32>
        %add3A_406 = vector.broadcast %add3A_392 : i32 to vector<16xi32>
        %add3A_407 = arith.addi %add3A_406, %iota3A : vector<16xi32>
        %broadcast_in_dim3A = arith.constant 0 : i32
        %broadcast_in_dim3A_408 = vector.broadcast %broadcast_in_dim3A : i32 to vector<16xi32>
        %gather3A = tpu.vector_load_idx %arg38[%add3A_407, %broadcast_in_dim3A_408] : memref<256x4xf32, #tpu.memory_space<vmem>>[vector<16xi32>, vector<16xi32>], vector<16xf32>,
        %broadcast_in_dim3A_409 = arith.constant 1 : i32
        %broadcast_in_dim3A_410 = vector.broadcast %broadcast_in_dim3A_409 : i32 to vector<16xi32>
        %gather3A_411 = tpu.vector_load_idx %arg38[%add3A_407, %broadcast_in_dim3A_410] : memref<256x4xf32, #tpu.memory_space<vmem>>[vector<16xi32>, vector<16xi32>], vector<16xf32>,
        %broadcast_in_dim3A_412 = arith.constant 2 : i32
        %broadcast_in_dim3A_413 = vector.broadcast %broadcast_in_dim3A_412 : i32 to vector<16xi32>
        %gather3A_414 = tpu.vector_load_idx %arg38[%add3A_407, %broadcast_in_dim3A_413] : memref<256x4xf32, #tpu.memory_space<vmem>>[vector<16xi32>, vector<16xi32>], vector<16xf32>,
        %broadcast_in_dim3A_415 = arith.constant 3 : i32
        %broadcast_in_dim3A_416 = vector.broadcast %broadcast_in_dim3A_415 : i32 to vector<16xi32>
        %gather3A_417 = tpu.vector_load_idx %arg38[%add3A_407, %broadcast_in_dim3A_416] : memref<256x4xf32, #tpu.memory_space<vmem>>[vector<16xi32>, vector<16xi32>], vector<16xf32>,
        %sub3A_418 = arith.constant 1.000000e+00 : f32
        %sub3A_419 = vector.broadcast %sub3A_418 : f32 to vector<16xf32>
        %sub3A_420 = arith.subf %sub3A_419, %mul3A_405 : vector<16xf32>
        %add3A_421 = arith.constant 256 : i32
        %add3A_422 = arith.addi %add3A_421, %add3A_392 : i32
        %add3A_423 = vector.broadcast %add3A_422 : i32 to vector<16xi32>
        %add3A_424 = arith.addi %add3A_423, %iota3A : vector<16xi32>
        %broadcast_in_dim3A_425 = arith.constant 26 : i32
        %broadcast_in_dim3A_426 = vector.broadcast %broadcast_in_dim3A_425 : i32 to vector<16xi32>
        %mul3A_427 = arith.mulf %gather3A, %sub3A_420 : vector<16xf32>
        %mul3A_428 = arith.mulf %gather3A_414, %mul3A_405 : vector<16xf32>
        %add3A_429 = arith.addf %mul3A_427, %mul3A_428 : vector<16xf32>
        tpu.vector_store_idx %arg48[%add3A_424, %broadcast_in_dim3A_426], %add3A_429 : memref<512x32xf32, #tpu.memory_space<vmem>>[vector<16xi32>, vector<16xi32>], vector<16xf32>,
        %broadcast_in_dim3A_430 = arith.constant 27 : i32
        %broadcast_in_dim3A_431 = vector.broadcast %broadcast_in_dim3A_430 : i32 to vector<16xi32>
        %mul3A_432 = arith.mulf %gather3A_411, %sub3A_420 : vector<16xf32>
        %mul3A_433 = arith.mulf %gather3A_417, %mul3A_405 : vector<16xf32>
        %add3A_434 = arith.addf %mul3A_432, %mul3A_433 : vector<16xf32>
        tpu.vector_store_idx %arg48[%add3A_424, %broadcast_in_dim3A_431], %add3A_434 : memref<512x32xf32, #tpu.memory_space<vmem>>[vector<16xi32>, vector<16xi32>], vector<16xf32>,
      }
      %scan3A_342 = arith.constant 8 : i32
      %scan3A_343 = arith.constant 0 : i32
      %scan3A_344 = arith.constant 8 : i32
      %scan3A_345 = arith.addi %scan3A_343, %scan3A_344 : i32
      %scan3A_346 = arith.constant 1 : i32
      scf.for %scan3A_388 = %scan3A_343 to %scan3A_345 step %scan3A_346  : i32 {
        %mul3A_389 = arith.constant 16 : i32
        %mul3A_390 = arith.muli %scan3A_388, %mul3A_389 : i32
        %add3A_391 = arith.constant 0 : i32
        %add3A_392 = arith.addi %add3A_391, %mul3A_390 : i32
        %add3A_393 = arith.constant 384 : i32
        %add3A_394 = arith.addi %add3A_393, %add3A_392 : i32
        %get3A = arith.index_cast %add3A_394 : i32 to index
        %get3A_395 = tpu.vector_load %arg7[%get3A] {strides = array<i32>} : memref<512xf32, #tpu.memory_space<vmem>>, vector<16xf32>,
        %mul3A_396 = arith.constant 1.310720e+05 : f32
        %mul3A_397 = vector.broadcast %mul3A_396 : f32 to vector<16xf32>
        %mul3A_398 = arith.mulf %get3A_395, %mul3A_397 : vector<16xf32>
        %convert_element_type3A = arith.fptosi %mul3A_398 : vector<16xf32> to vector<16xi32>
        %convert_element_type3A_399 = arith.sitofp %convert_element_type3A : vector<16xi32> to vector<16xf32>
        %mul3A_400 = arith.constant 7.62939453E-6 : f32
        %mul3A_401 = vector.broadcast %mul3A_400 : f32 to vector<16xf32>
        %mul3A_402 = arith.mulf %convert_element_type3A_399, %mul3A_401 : vector<16xf32>
        %sub3A = arith.subf %get3A_395, %mul3A_402 : vector<16xf32>
        %mul3A_403 = arith.constant 1.310720e+05 : f32
        %mul3A_404 = vector.broadcast %mul3A_403 : f32 to vector<16xf32>
        %mul3A_405 = arith.mulf %sub3A, %mul3A_404 : vector<16xf32>
        %add3A_406 = vector.broadcast %add3A_392 : i32 to vector<16xi32>
        %add3A_407 = arith.addi %add3A_406, %iota3A : vector<16xi32>
        %broadcast_in_dim3A = arith.constant 0 : i32
        %broadcast_in_dim3A_408 = vector.broadcast %broadcast_in_dim3A : i32 to vector<16xi32>
        %gather3A = tpu.vector_load_idx %arg39[%add3A_407, %broadcast_in_dim3A_408] : memref<256x4xf32, #tpu.memory_space<vmem>>[vector<16xi32>, vector<16xi32>], vector<16xf32>,
        %broadcast_in_dim3A_409 = arith.constant 1 : i32
        %broadcast_in_dim3A_410 = vector.broadcast %broadcast_in_dim3A_409 : i32 to vector<16xi32>
        %gather3A_411 = tpu.vector_load_idx %arg39[%add3A_407, %broadcast_in_dim3A_410] : memref<256x4xf32, #tpu.memory_space<vmem>>[vector<16xi32>, vector<16xi32>], vector<16xf32>,
        %broadcast_in_dim3A_412 = arith.constant 2 : i32
        %broadcast_in_dim3A_413 = vector.broadcast %broadcast_in_dim3A_412 : i32 to vector<16xi32>
        %gather3A_414 = tpu.vector_load_idx %arg39[%add3A_407, %broadcast_in_dim3A_413] : memref<256x4xf32, #tpu.memory_space<vmem>>[vector<16xi32>, vector<16xi32>], vector<16xf32>,
        %broadcast_in_dim3A_415 = arith.constant 3 : i32
        %broadcast_in_dim3A_416 = vector.broadcast %broadcast_in_dim3A_415 : i32 to vector<16xi32>
        %gather3A_417 = tpu.vector_load_idx %arg39[%add3A_407, %broadcast_in_dim3A_416] : memref<256x4xf32, #tpu.memory_space<vmem>>[vector<16xi32>, vector<16xi32>], vector<16xf32>,
        %sub3A_418 = arith.constant 1.000000e+00 : f32
        %sub3A_419 = vector.broadcast %sub3A_418 : f32 to vector<16xf32>
        %sub3A_420 = arith.subf %sub3A_419, %mul3A_405 : vector<16xf32>
        %add3A_421 = arith.constant 384 : i32
        %add3A_422 = arith.addi %add3A_421, %add3A_392 : i32
        %add3A_423 = vector.broadcast %add3A_422 : i32 to vector<16xi32>
        %add3A_424 = arith.addi %add3A_423, %iota3A : vector<16xi32>
        %broadcast_in_dim3A_425 = arith.constant 26 : i32
        %broadcast_in_dim3A_426 = vector.broadcast %broadcast_in_dim3A_425 : i32 to vector<16xi32>
        %mul3A_427 = arith.mulf %gather3A, %sub3A_420 : vector<16xf32>
        %mul3A_428 = arith.mulf %gather3A_414, %mul3A_405 : vector<16xf32>
        %add3A_429 = arith.addf %mul3A_427, %mul3A_428 : vector<16xf32>
        tpu.vector_store_idx %arg48[%add3A_424, %broadcast_in_dim3A_426], %add3A_429 : memref<512x32xf32, #tpu.memory_space<vmem>>[vector<16xi32>, vector<16xi32>], vector<16xf32>,
        %broadcast_in_dim3A_430 = arith.constant 27 : i32
        %broadcast_in_dim3A_431 = vector.broadcast %broadcast_in_dim3A_430 : i32 to vector<16xi32>
        %mul3A_432 = arith.mulf %gather3A_411, %sub3A_420 : vector<16xf32>
        %mul3A_433 = arith.mulf %gather3A_417, %mul3A_405 : vector<16xf32>
        %add3A_434 = arith.addf %mul3A_432, %mul3A_433 : vector<16xf32>
        tpu.vector_store_idx %arg48[%add3A_424, %broadcast_in_dim3A_431], %add3A_434 : memref<512x32xf32, #tpu.memory_space<vmem>>[vector<16xi32>, vector<16xi32>], vector<16xf32>,
      }
      %scan3A_347 = arith.constant 8 : i32
      %scan3A_348 = arith.constant 0 : i32
      %scan3A_349 = arith.constant 8 : i32
      %scan3A_350 = arith.addi %scan3A_348, %scan3A_349 : i32
      %scan3A_351 = arith.constant 1 : i32
      scf.for %scan3A_388 = %scan3A_348 to %scan3A_350 step %scan3A_351  : i32 {
        %mul3A_389 = arith.constant 16 : i32
        %mul3A_390 = arith.muli %scan3A_388, %mul3A_389 : i32
        %add3A_391 = arith.constant 0 : i32
        %add3A_392 = arith.addi %add3A_391, %mul3A_390 : i32
        %add3A_393 = arith.constant 0 : i32
        %add3A_394 = arith.addi %add3A_393, %add3A_392 : i32
        %get3A = arith.index_cast %add3A_394 : i32 to index
        %get3A_395 = tpu.vector_load %arg7[%get3A] {strides = array<i32>} : memref<512xf32, #tpu.memory_space<vmem>>, vector<16xf32>,
        %mul3A_396 = arith.constant 2.621440e+05 : f32
        %mul3A_397 = vector.broadcast %mul3A_396 : f32 to vector<16xf32>
        %mul3A_398 = arith.mulf %get3A_395, %mul3A_397 : vector<16xf32>
        %convert_element_type3A = arith.fptosi %mul3A_398 : vector<16xf32> to vector<16xi32>
        %convert_element_type3A_399 = arith.sitofp %convert_element_type3A : vector<16xi32> to vector<16xf32>
        %mul3A_400 = arith.constant 3.81469727E-6 : f32
        %mul3A_401 = vector.broadcast %mul3A_400 : f32 to vector<16xf32>
        %mul3A_402 = arith.mulf %convert_element_type3A_399, %mul3A_401 : vector<16xf32>
        %sub3A = arith.subf %get3A_395, %mul3A_402 : vector<16xf32>
        %mul3A_403 = arith.constant 2.621440e+05 : f32
        %mul3A_404 = vector.broadcast %mul3A_403 : f32 to vector<16xf32>
        %mul3A_405 = arith.mulf %sub3A, %mul3A_404 : vector<16xf32>
        %add3A_406 = vector.broadcast %add3A_392 : i32 to vector<16xi32>
        %add3A_407 = arith.addi %add3A_406, %iota3A : vector<16xi32>
        %broadcast_in_dim3A = arith.constant 0 : i32
        %broadcast_in_dim3A_408 = vector.broadcast %broadcast_in_dim3A : i32 to vector<16xi32>
        %gather3A = tpu.vector_load_idx %arg40[%add3A_407, %broadcast_in_dim3A_408] : memref<256x4xf32, #tpu.memory_space<vmem>>[vector<16xi32>, vector<16xi32>], vector<16xf32>,
        %broadcast_in_dim3A_409 = arith.constant 1 : i32
        %broadcast_in_dim3A_410 = vector.broadcast %broadcast_in_dim3A_409 : i32 to vector<16xi32>
        %gather3A_411 = tpu.vector_load_idx %arg40[%add3A_407, %broadcast_in_dim3A_410] : memref<256x4xf32, #tpu.memory_space<vmem>>[vector<16xi32>, vector<16xi32>], vector<16xf32>,
        %broadcast_in_dim3A_412 = arith.constant 2 : i32
        %broadcast_in_dim3A_413 = vector.broadcast %broadcast_in_dim3A_412 : i32 to vector<16xi32>
        %gather3A_414 = tpu.vector_load_idx %arg40[%add3A_407, %broadcast_in_dim3A_413] : memref<256x4xf32, #tpu.memory_space<vmem>>[vector<16xi32>, vector<16xi32>], vector<16xf32>,
        %broadcast_in_dim3A_415 = arith.constant 3 : i32
        %broadcast_in_dim3A_416 = vector.broadcast %broadcast_in_dim3A_415 : i32 to vector<16xi32>
        %gather3A_417 = tpu.vector_load_idx %arg40[%add3A_407, %broadcast_in_dim3A_416] : memref<256x4xf32, #tpu.memory_space<vmem>>[vector<16xi32>, vector<16xi32>], vector<16xf32>,
        %sub3A_418 = arith.constant 1.000000e+00 : f32
        %sub3A_419 = vector.broadcast %sub3A_418 : f32 to vector<16xf32>
        %sub3A_420 = arith.subf %sub3A_419, %mul3A_405 : vector<16xf32>
        %add3A_421 = arith.constant 0 : i32
        %add3A_422 = arith.addi %add3A_421, %add3A_392 : i32
        %add3A_423 = vector.broadcast %add3A_422 : i32 to vector<16xi32>
        %add3A_424 = arith.addi %add3A_423, %iota3A : vector<16xi32>
        %broadcast_in_dim3A_425 = arith.constant 28 : i32
        %broadcast_in_dim3A_426 = vector.broadcast %broadcast_in_dim3A_425 : i32 to vector<16xi32>
        %mul3A_427 = arith.mulf %gather3A, %sub3A_420 : vector<16xf32>
        %mul3A_428 = arith.mulf %gather3A_414, %mul3A_405 : vector<16xf32>
        %add3A_429 = arith.addf %mul3A_427, %mul3A_428 : vector<16xf32>
        tpu.vector_store_idx %arg48[%add3A_424, %broadcast_in_dim3A_426], %add3A_429 : memref<512x32xf32, #tpu.memory_space<vmem>>[vector<16xi32>, vector<16xi32>], vector<16xf32>,
        %broadcast_in_dim3A_430 = arith.constant 29 : i32
        %broadcast_in_dim3A_431 = vector.broadcast %broadcast_in_dim3A_430 : i32 to vector<16xi32>
        %mul3A_432 = arith.mulf %gather3A_411, %sub3A_420 : vector<16xf32>
        %mul3A_433 = arith.mulf %gather3A_417, %mul3A_405 : vector<16xf32>
        %add3A_434 = arith.addf %mul3A_432, %mul3A_433 : vector<16xf32>
        tpu.vector_store_idx %arg48[%add3A_424, %broadcast_in_dim3A_431], %add3A_434 : memref<512x32xf32, #tpu.memory_space<vmem>>[vector<16xi32>, vector<16xi32>], vector<16xf32>,
      }
      %scan3A_352 = arith.constant 8 : i32
      %scan3A_353 = arith.constant 0 : i32
      %scan3A_354 = arith.constant 8 : i32
      %scan3A_355 = arith.addi %scan3A_353, %scan3A_354 : i32
      %scan3A_356 = arith.constant 1 : i32
      scf.for %scan3A_388 = %scan3A_353 to %scan3A_355 step %scan3A_356  : i32 {
        %mul3A_389 = arith.constant 16 : i32
        %mul3A_390 = arith.muli %scan3A_388, %mul3A_389 : i32
        %add3A_391 = arith.constant 0 : i32
        %add3A_392 = arith.addi %add3A_391, %mul3A_390 : i32
        %add3A_393 = arith.constant 128 : i32
        %add3A_394 = arith.addi %add3A_393, %add3A_392 : i32
        %get3A = arith.index_cast %add3A_394 : i32 to index
        %get3A_395 = tpu.vector_load %arg7[%get3A] {strides = array<i32>} : memref<512xf32, #tpu.memory_space<vmem>>, vector<16xf32>,
        %mul3A_396 = arith.constant 2.621440e+05 : f32
        %mul3A_397 = vector.broadcast %mul3A_396 : f32 to vector<16xf32>
        %mul3A_398 = arith.mulf %get3A_395, %mul3A_397 : vector<16xf32>
        %convert_element_type3A = arith.fptosi %mul3A_398 : vector<16xf32> to vector<16xi32>
        %convert_element_type3A_399 = arith.sitofp %convert_element_type3A : vector<16xi32> to vector<16xf32>
        %mul3A_400 = arith.constant 3.81469727E-6 : f32
        %mul3A_401 = vector.broadcast %mul3A_400 : f32 to vector<16xf32>
        %mul3A_402 = arith.mulf %convert_element_type3A_399, %mul3A_401 : vector<16xf32>
        %sub3A = arith.subf %get3A_395, %mul3A_402 : vector<16xf32>
        %mul3A_403 = arith.constant 2.621440e+05 : f32
        %mul3A_404 = vector.broadcast %mul3A_403 : f32 to vector<16xf32>
        %mul3A_405 = arith.mulf %sub3A, %mul3A_404 : vector<16xf32>
        %add3A_406 = vector.broadcast %add3A_392 : i32 to vector<16xi32>
        %add3A_407 = arith.addi %add3A_406, %iota3A : vector<16xi32>
        %broadcast_in_dim3A = arith.constant 0 : i32
        %broadcast_in_dim3A_408 = vector.broadcast %broadcast_in_dim3A : i32 to vector<16xi32>
        %gather3A = tpu.vector_load_idx %arg41[%add3A_407, %broadcast_in_dim3A_408] : memref<256x4xf32, #tpu.memory_space<vmem>>[vector<16xi32>, vector<16xi32>], vector<16xf32>,
        %broadcast_in_dim3A_409 = arith.constant 1 : i32
        %broadcast_in_dim3A_410 = vector.broadcast %broadcast_in_dim3A_409 : i32 to vector<16xi32>
        %gather3A_411 = tpu.vector_load_idx %arg41[%add3A_407, %broadcast_in_dim3A_410] : memref<256x4xf32, #tpu.memory_space<vmem>>[vector<16xi32>, vector<16xi32>], vector<16xf32>,
        %broadcast_in_dim3A_412 = arith.constant 2 : i32
        %broadcast_in_dim3A_413 = vector.broadcast %broadcast_in_dim3A_412 : i32 to vector<16xi32>
        %gather3A_414 = tpu.vector_load_idx %arg41[%add3A_407, %broadcast_in_dim3A_413] : memref<256x4xf32, #tpu.memory_space<vmem>>[vector<16xi32>, vector<16xi32>], vector<16xf32>,
        %broadcast_in_dim3A_415 = arith.constant 3 : i32
        %broadcast_in_dim3A_416 = vector.broadcast %broadcast_in_dim3A_415 : i32 to vector<16xi32>
        %gather3A_417 = tpu.vector_load_idx %arg41[%add3A_407, %broadcast_in_dim3A_416] : memref<256x4xf32, #tpu.memory_space<vmem>>[vector<16xi32>, vector<16xi32>], vector<16xf32>,
        %sub3A_418 = arith.constant 1.000000e+00 : f32
        %sub3A_419 = vector.broadcast %sub3A_418 : f32 to vector<16xf32>
        %sub3A_420 = arith.subf %sub3A_419, %mul3A_405 : vector<16xf32>
        %add3A_421 = arith.constant 128 : i32
        %add3A_422 = arith.addi %add3A_421, %add3A_392 : i32
        %add3A_423 = vector.broadcast %add3A_422 : i32 to vector<16xi32>
        %add3A_424 = arith.addi %add3A_423, %iota3A : vector<16xi32>
        %broadcast_in_dim3A_425 = arith.constant 28 : i32
        %broadcast_in_dim3A_426 = vector.broadcast %broadcast_in_dim3A_425 : i32 to vector<16xi32>
        %mul3A_427 = arith.mulf %gather3A, %sub3A_420 : vector<16xf32>
        %mul3A_428 = arith.mulf %gather3A_414, %mul3A_405 : vector<16xf32>
        %add3A_429 = arith.addf %mul3A_427, %mul3A_428 : vector<16xf32>
        tpu.vector_store_idx %arg48[%add3A_424, %broadcast_in_dim3A_426], %add3A_429 : memref<512x32xf32, #tpu.memory_space<vmem>>[vector<16xi32>, vector<16xi32>], vector<16xf32>,
        %broadcast_in_dim3A_430 = arith.constant 29 : i32
        %broadcast_in_dim3A_431 = vector.broadcast %broadcast_in_dim3A_430 : i32 to vector<16xi32>
        %mul3A_432 = arith.mulf %gather3A_411, %sub3A_420 : vector<16xf32>
        %mul3A_433 = arith.mulf %gather3A_417, %mul3A_405 : vector<16xf32>
        %add3A_434 = arith.addf %mul3A_432, %mul3A_433 : vector<16xf32>
        tpu.vector_store_idx %arg48[%add3A_424, %broadcast_in_dim3A_431], %add3A_434 : memref<512x32xf32, #tpu.memory_space<vmem>>[vector<16xi32>, vector<16xi32>], vector<16xf32>,
      }
      %scan3A_357 = arith.constant 8 : i32
      %scan3A_358 = arith.constant 0 : i32
      %scan3A_359 = arith.constant 8 : i32
      %scan3A_360 = arith.addi %scan3A_358, %scan3A_359 : i32
      %scan3A_361 = arith.constant 1 : i32
      scf.for %scan3A_388 = %scan3A_358 to %scan3A_360 step %scan3A_361  : i32 {
        %mul3A_389 = arith.constant 16 : i32
        %mul3A_390 = arith.muli %scan3A_388, %mul3A_389 : i32
        %add3A_391 = arith.constant 0 : i32
        %add3A_392 = arith.addi %add3A_391, %mul3A_390 : i32
        %add3A_393 = arith.constant 256 : i32
        %add3A_394 = arith.addi %add3A_393, %add3A_392 : i32
        %get3A = arith.index_cast %add3A_394 : i32 to index
        %get3A_395 = tpu.vector_load %arg7[%get3A] {strides = array<i32>} : memref<512xf32, #tpu.memory_space<vmem>>, vector<16xf32>,
        %mul3A_396 = arith.constant 2.621440e+05 : f32
        %mul3A_397 = vector.broadcast %mul3A_396 : f32 to vector<16xf32>
        %mul3A_398 = arith.mulf %get3A_395, %mul3A_397 : vector<16xf32>
        %convert_element_type3A = arith.fptosi %mul3A_398 : vector<16xf32> to vector<16xi32>
        %convert_element_type3A_399 = arith.sitofp %convert_element_type3A : vector<16xi32> to vector<16xf32>
        %mul3A_400 = arith.constant 3.81469727E-6 : f32
        %mul3A_401 = vector.broadcast %mul3A_400 : f32 to vector<16xf32>
        %mul3A_402 = arith.mulf %convert_element_type3A_399, %mul3A_401 : vector<16xf32>
        %sub3A = arith.subf %get3A_395, %mul3A_402 : vector<16xf32>
        %mul3A_403 = arith.constant 2.621440e+05 : f32
        %mul3A_404 = vector.broadcast %mul3A_403 : f32 to vector<16xf32>
        %mul3A_405 = arith.mulf %sub3A, %mul3A_404 : vector<16xf32>
        %add3A_406 = vector.broadcast %add3A_392 : i32 to vector<16xi32>
        %add3A_407 = arith.addi %add3A_406, %iota3A : vector<16xi32>
        %broadcast_in_dim3A = arith.constant 0 : i32
        %broadcast_in_dim3A_408 = vector.broadcast %broadcast_in_dim3A : i32 to vector<16xi32>
        %gather3A = tpu.vector_load_idx %arg42[%add3A_407, %broadcast_in_dim3A_408] : memref<256x4xf32, #tpu.memory_space<vmem>>[vector<16xi32>, vector<16xi32>], vector<16xf32>,
        %broadcast_in_dim3A_409 = arith.constant 1 : i32
        %broadcast_in_dim3A_410 = vector.broadcast %broadcast_in_dim3A_409 : i32 to vector<16xi32>
        %gather3A_411 = tpu.vector_load_idx %arg42[%add3A_407, %broadcast_in_dim3A_410] : memref<256x4xf32, #tpu.memory_space<vmem>>[vector<16xi32>, vector<16xi32>], vector<16xf32>,
        %broadcast_in_dim3A_412 = arith.constant 2 : i32
        %broadcast_in_dim3A_413 = vector.broadcast %broadcast_in_dim3A_412 : i32 to vector<16xi32>
        %gather3A_414 = tpu.vector_load_idx %arg42[%add3A_407, %broadcast_in_dim3A_413] : memref<256x4xf32, #tpu.memory_space<vmem>>[vector<16xi32>, vector<16xi32>], vector<16xf32>,
        %broadcast_in_dim3A_415 = arith.constant 3 : i32
        %broadcast_in_dim3A_416 = vector.broadcast %broadcast_in_dim3A_415 : i32 to vector<16xi32>
        %gather3A_417 = tpu.vector_load_idx %arg42[%add3A_407, %broadcast_in_dim3A_416] : memref<256x4xf32, #tpu.memory_space<vmem>>[vector<16xi32>, vector<16xi32>], vector<16xf32>,
        %sub3A_418 = arith.constant 1.000000e+00 : f32
        %sub3A_419 = vector.broadcast %sub3A_418 : f32 to vector<16xf32>
        %sub3A_420 = arith.subf %sub3A_419, %mul3A_405 : vector<16xf32>
        %add3A_421 = arith.constant 256 : i32
        %add3A_422 = arith.addi %add3A_421, %add3A_392 : i32
        %add3A_423 = vector.broadcast %add3A_422 : i32 to vector<16xi32>
        %add3A_424 = arith.addi %add3A_423, %iota3A : vector<16xi32>
        %broadcast_in_dim3A_425 = arith.constant 28 : i32
        %broadcast_in_dim3A_426 = vector.broadcast %broadcast_in_dim3A_425 : i32 to vector<16xi32>
        %mul3A_427 = arith.mulf %gather3A, %sub3A_420 : vector<16xf32>
        %mul3A_428 = arith.mulf %gather3A_414, %mul3A_405 : vector<16xf32>
        %add3A_429 = arith.addf %mul3A_427, %mul3A_428 : vector<16xf32>
        tpu.vector_store_idx %arg48[%add3A_424, %broadcast_in_dim3A_426], %add3A_429 : memref<512x32xf32, #tpu.memory_space<vmem>>[vector<16xi32>, vector<16xi32>], vector<16xf32>,
        %broadcast_in_dim3A_430 = arith.constant 29 : i32
        %broadcast_in_dim3A_431 = vector.broadcast %broadcast_in_dim3A_430 : i32 to vector<16xi32>
        %mul3A_432 = arith.mulf %gather3A_411, %sub3A_420 : vector<16xf32>
        %mul3A_433 = arith.mulf %gather3A_417, %mul3A_405 : vector<16xf32>
        %add3A_434 = arith.addf %mul3A_432, %mul3A_433 : vector<16xf32>
        tpu.vector_store_idx %arg48[%add3A_424, %broadcast_in_dim3A_431], %add3A_434 : memref<512x32xf32, #tpu.memory_space<vmem>>[vector<16xi32>, vector<16xi32>], vector<16xf32>,
      }
      %scan3A_362 = arith.constant 8 : i32
      %scan3A_363 = arith.constant 0 : i32
      %scan3A_364 = arith.constant 8 : i32
      %scan3A_365 = arith.addi %scan3A_363, %scan3A_364 : i32
      %scan3A_366 = arith.constant 1 : i32
      scf.for %scan3A_388 = %scan3A_363 to %scan3A_365 step %scan3A_366  : i32 {
        %mul3A_389 = arith.constant 16 : i32
        %mul3A_390 = arith.muli %scan3A_388, %mul3A_389 : i32
        %add3A_391 = arith.constant 0 : i32
        %add3A_392 = arith.addi %add3A_391, %mul3A_390 : i32
        %add3A_393 = arith.constant 384 : i32
        %add3A_394 = arith.addi %add3A_393, %add3A_392 : i32
        %get3A = arith.index_cast %add3A_394 : i32 to index
        %get3A_395 = tpu.vector_load %arg7[%get3A] {strides = array<i32>} : memref<512xf32, #tpu.memory_space<vmem>>, vector<16xf32>,
        %mul3A_396 = arith.constant 2.621440e+05 : f32
        %mul3A_397 = vector.broadcast %mul3A_396 : f32 to vector<16xf32>
        %mul3A_398 = arith.mulf %get3A_395, %mul3A_397 : vector<16xf32>
        %convert_element_type3A = arith.fptosi %mul3A_398 : vector<16xf32> to vector<16xi32>
        %convert_element_type3A_399 = arith.sitofp %convert_element_type3A : vector<16xi32> to vector<16xf32>
        %mul3A_400 = arith.constant 3.81469727E-6 : f32
        %mul3A_401 = vector.broadcast %mul3A_400 : f32 to vector<16xf32>
        %mul3A_402 = arith.mulf %convert_element_type3A_399, %mul3A_401 : vector<16xf32>
        %sub3A = arith.subf %get3A_395, %mul3A_402 : vector<16xf32>
        %mul3A_403 = arith.constant 2.621440e+05 : f32
        %mul3A_404 = vector.broadcast %mul3A_403 : f32 to vector<16xf32>
        %mul3A_405 = arith.mulf %sub3A, %mul3A_404 : vector<16xf32>
        %add3A_406 = vector.broadcast %add3A_392 : i32 to vector<16xi32>
        %add3A_407 = arith.addi %add3A_406, %iota3A : vector<16xi32>
        %broadcast_in_dim3A = arith.constant 0 : i32
        %broadcast_in_dim3A_408 = vector.broadcast %broadcast_in_dim3A : i32 to vector<16xi32>
        %gather3A = tpu.vector_load_idx %arg43[%add3A_407, %broadcast_in_dim3A_408] : memref<256x4xf32, #tpu.memory_space<vmem>>[vector<16xi32>, vector<16xi32>], vector<16xf32>,
        %broadcast_in_dim3A_409 = arith.constant 1 : i32
        %broadcast_in_dim3A_410 = vector.broadcast %broadcast_in_dim3A_409 : i32 to vector<16xi32>
        %gather3A_411 = tpu.vector_load_idx %arg43[%add3A_407, %broadcast_in_dim3A_410] : memref<256x4xf32, #tpu.memory_space<vmem>>[vector<16xi32>, vector<16xi32>], vector<16xf32>,
        %broadcast_in_dim3A_412 = arith.constant 2 : i32
        %broadcast_in_dim3A_413 = vector.broadcast %broadcast_in_dim3A_412 : i32 to vector<16xi32>
        %gather3A_414 = tpu.vector_load_idx %arg43[%add3A_407, %broadcast_in_dim3A_413] : memref<256x4xf32, #tpu.memory_space<vmem>>[vector<16xi32>, vector<16xi32>], vector<16xf32>,
        %broadcast_in_dim3A_415 = arith.constant 3 : i32
        %broadcast_in_dim3A_416 = vector.broadcast %broadcast_in_dim3A_415 : i32 to vector<16xi32>
        %gather3A_417 = tpu.vector_load_idx %arg43[%add3A_407, %broadcast_in_dim3A_416] : memref<256x4xf32, #tpu.memory_space<vmem>>[vector<16xi32>, vector<16xi32>], vector<16xf32>,
        %sub3A_418 = arith.constant 1.000000e+00 : f32
        %sub3A_419 = vector.broadcast %sub3A_418 : f32 to vector<16xf32>
        %sub3A_420 = arith.subf %sub3A_419, %mul3A_405 : vector<16xf32>
        %add3A_421 = arith.constant 384 : i32
        %add3A_422 = arith.addi %add3A_421, %add3A_392 : i32
        %add3A_423 = vector.broadcast %add3A_422 : i32 to vector<16xi32>
        %add3A_424 = arith.addi %add3A_423, %iota3A : vector<16xi32>
        %broadcast_in_dim3A_425 = arith.constant 28 : i32
        %broadcast_in_dim3A_426 = vector.broadcast %broadcast_in_dim3A_425 : i32 to vector<16xi32>
        %mul3A_427 = arith.mulf %gather3A, %sub3A_420 : vector<16xf32>
        %mul3A_428 = arith.mulf %gather3A_414, %mul3A_405 : vector<16xf32>
        %add3A_429 = arith.addf %mul3A_427, %mul3A_428 : vector<16xf32>
        tpu.vector_store_idx %arg48[%add3A_424, %broadcast_in_dim3A_426], %add3A_429 : memref<512x32xf32, #tpu.memory_space<vmem>>[vector<16xi32>, vector<16xi32>], vector<16xf32>,
        %broadcast_in_dim3A_430 = arith.constant 29 : i32
        %broadcast_in_dim3A_431 = vector.broadcast %broadcast_in_dim3A_430 : i32 to vector<16xi32>
        %mul3A_432 = arith.mulf %gather3A_411, %sub3A_420 : vector<16xf32>
        %mul3A_433 = arith.mulf %gather3A_417, %mul3A_405 : vector<16xf32>
        %add3A_434 = arith.addf %mul3A_432, %mul3A_433 : vector<16xf32>
        tpu.vector_store_idx %arg48[%add3A_424, %broadcast_in_dim3A_431], %add3A_434 : memref<512x32xf32, #tpu.memory_space<vmem>>[vector<16xi32>, vector<16xi32>], vector<16xf32>,
      }
      %scan3A_367 = arith.constant 8 : i32
      %scan3A_368 = arith.constant 0 : i32
      %scan3A_369 = arith.constant 8 : i32
      %scan3A_370 = arith.addi %scan3A_368, %scan3A_369 : i32
      %scan3A_371 = arith.constant 1 : i32
      scf.for %scan3A_388 = %scan3A_368 to %scan3A_370 step %scan3A_371  : i32 {
        %mul3A_389 = arith.constant 16 : i32
        %mul3A_390 = arith.muli %scan3A_388, %mul3A_389 : i32
        %add3A_391 = arith.constant 0 : i32
        %add3A_392 = arith.addi %add3A_391, %mul3A_390 : i32
        %add3A_393 = arith.constant 0 : i32
        %add3A_394 = arith.addi %add3A_393, %add3A_392 : i32
        %get3A = arith.index_cast %add3A_394 : i32 to index
        %get3A_395 = tpu.vector_load %arg7[%get3A] {strides = array<i32>} : memref<512xf32, #tpu.memory_space<vmem>>, vector<16xf32>,
        %mul3A_396 = arith.constant 5.242880e+05 : f32
        %mul3A_397 = vector.broadcast %mul3A_396 : f32 to vector<16xf32>
        %mul3A_398 = arith.mulf %get3A_395, %mul3A_397 : vector<16xf32>
        %convert_element_type3A = arith.fptosi %mul3A_398 : vector<16xf32> to vector<16xi32>
        %convert_element_type3A_399 = arith.sitofp %convert_element_type3A : vector<16xi32> to vector<16xf32>
        %mul3A_400 = arith.constant 1.90734863E-6 : f32
        %mul3A_401 = vector.broadcast %mul3A_400 : f32 to vector<16xf32>
        %mul3A_402 = arith.mulf %convert_element_type3A_399, %mul3A_401 : vector<16xf32>
        %sub3A = arith.subf %get3A_395, %mul3A_402 : vector<16xf32>
        %mul3A_403 = arith.constant 5.242880e+05 : f32
        %mul3A_404 = vector.broadcast %mul3A_403 : f32 to vector<16xf32>
        %mul3A_405 = arith.mulf %sub3A, %mul3A_404 : vector<16xf32>
        %add3A_406 = vector.broadcast %add3A_392 : i32 to vector<16xi32>
        %add3A_407 = arith.addi %add3A_406, %iota3A : vector<16xi32>
        %broadcast_in_dim3A = arith.constant 0 : i32
        %broadcast_in_dim3A_408 = vector.broadcast %broadcast_in_dim3A : i32 to vector<16xi32>
        %gather3A = tpu.vector_load_idx %arg44[%add3A_407, %broadcast_in_dim3A_408] : memref<256x4xf32, #tpu.memory_space<vmem>>[vector<16xi32>, vector<16xi32>], vector<16xf32>,
        %broadcast_in_dim3A_409 = arith.constant 1 : i32
        %broadcast_in_dim3A_410 = vector.broadcast %broadcast_in_dim3A_409 : i32 to vector<16xi32>
        %gather3A_411 = tpu.vector_load_idx %arg44[%add3A_407, %broadcast_in_dim3A_410] : memref<256x4xf32, #tpu.memory_space<vmem>>[vector<16xi32>, vector<16xi32>], vector<16xf32>,
        %broadcast_in_dim3A_412 = arith.constant 2 : i32
        %broadcast_in_dim3A_413 = vector.broadcast %broadcast_in_dim3A_412 : i32 to vector<16xi32>
        %gather3A_414 = tpu.vector_load_idx %arg44[%add3A_407, %broadcast_in_dim3A_413] : memref<256x4xf32, #tpu.memory_space<vmem>>[vector<16xi32>, vector<16xi32>], vector<16xf32>,
        %broadcast_in_dim3A_415 = arith.constant 3 : i32
        %broadcast_in_dim3A_416 = vector.broadcast %broadcast_in_dim3A_415 : i32 to vector<16xi32>
        %gather3A_417 = tpu.vector_load_idx %arg44[%add3A_407, %broadcast_in_dim3A_416] : memref<256x4xf32, #tpu.memory_space<vmem>>[vector<16xi32>, vector<16xi32>], vector<16xf32>,
        %sub3A_418 = arith.constant 1.000000e+00 : f32
        %sub3A_419 = vector.broadcast %sub3A_418 : f32 to vector<16xf32>
        %sub3A_420 = arith.subf %sub3A_419, %mul3A_405 : vector<16xf32>
        %add3A_421 = arith.constant 0 : i32
        %add3A_422 = arith.addi %add3A_421, %add3A_392 : i32
        %add3A_423 = vector.broadcast %add3A_422 : i32 to vector<16xi32>
        %add3A_424 = arith.addi %add3A_423, %iota3A : vector<16xi32>
        %broadcast_in_dim3A_425 = arith.constant 30 : i32
        %broadcast_in_dim3A_426 = vector.broadcast %broadcast_in_dim3A_425 : i32 to vector<16xi32>
        %mul3A_427 = arith.mulf %gather3A, %sub3A_420 : vector<16xf32>
        %mul3A_428 = arith.mulf %gather3A_414, %mul3A_405 : vector<16xf32>
        %add3A_429 = arith.addf %mul3A_427, %mul3A_428 : vector<16xf32>
        tpu.vector_store_idx %arg48[%add3A_424, %broadcast_in_dim3A_426], %add3A_429 : memref<512x32xf32, #tpu.memory_space<vmem>>[vector<16xi32>, vector<16xi32>], vector<16xf32>,
        %broadcast_in_dim3A_430 = arith.constant 31 : i32
        %broadcast_in_dim3A_431 = vector.broadcast %broadcast_in_dim3A_430 : i32 to vector<16xi32>
        %mul3A_432 = arith.mulf %gather3A_411, %sub3A_420 : vector<16xf32>
        %mul3A_433 = arith.mulf %gather3A_417, %mul3A_405 : vector<16xf32>
        %add3A_434 = arith.addf %mul3A_432, %mul3A_433 : vector<16xf32>
        tpu.vector_store_idx %arg48[%add3A_424, %broadcast_in_dim3A_431], %add3A_434 : memref<512x32xf32, #tpu.memory_space<vmem>>[vector<16xi32>, vector<16xi32>], vector<16xf32>,
      }
      %scan3A_372 = arith.constant 8 : i32
      %scan3A_373 = arith.constant 0 : i32
      %scan3A_374 = arith.constant 8 : i32
      %scan3A_375 = arith.addi %scan3A_373, %scan3A_374 : i32
      %scan3A_376 = arith.constant 1 : i32
      scf.for %scan3A_388 = %scan3A_373 to %scan3A_375 step %scan3A_376  : i32 {
        %mul3A_389 = arith.constant 16 : i32
        %mul3A_390 = arith.muli %scan3A_388, %mul3A_389 : i32
        %add3A_391 = arith.constant 0 : i32
        %add3A_392 = arith.addi %add3A_391, %mul3A_390 : i32
        %add3A_393 = arith.constant 128 : i32
        %add3A_394 = arith.addi %add3A_393, %add3A_392 : i32
        %get3A = arith.index_cast %add3A_394 : i32 to index
        %get3A_395 = tpu.vector_load %arg7[%get3A] {strides = array<i32>} : memref<512xf32, #tpu.memory_space<vmem>>, vector<16xf32>,
        %mul3A_396 = arith.constant 5.242880e+05 : f32
        %mul3A_397 = vector.broadcast %mul3A_396 : f32 to vector<16xf32>
        %mul3A_398 = arith.mulf %get3A_395, %mul3A_397 : vector<16xf32>
        %convert_element_type3A = arith.fptosi %mul3A_398 : vector<16xf32> to vector<16xi32>
        %convert_element_type3A_399 = arith.sitofp %convert_element_type3A : vector<16xi32> to vector<16xf32>
        %mul3A_400 = arith.constant 1.90734863E-6 : f32
        %mul3A_401 = vector.broadcast %mul3A_400 : f32 to vector<16xf32>
        %mul3A_402 = arith.mulf %convert_element_type3A_399, %mul3A_401 : vector<16xf32>
        %sub3A = arith.subf %get3A_395, %mul3A_402 : vector<16xf32>
        %mul3A_403 = arith.constant 5.242880e+05 : f32
        %mul3A_404 = vector.broadcast %mul3A_403 : f32 to vector<16xf32>
        %mul3A_405 = arith.mulf %sub3A, %mul3A_404 : vector<16xf32>
        %add3A_406 = vector.broadcast %add3A_392 : i32 to vector<16xi32>
        %add3A_407 = arith.addi %add3A_406, %iota3A : vector<16xi32>
        %broadcast_in_dim3A = arith.constant 0 : i32
        %broadcast_in_dim3A_408 = vector.broadcast %broadcast_in_dim3A : i32 to vector<16xi32>
        %gather3A = tpu.vector_load_idx %arg45[%add3A_407, %broadcast_in_dim3A_408] : memref<256x4xf32, #tpu.memory_space<vmem>>[vector<16xi32>, vector<16xi32>], vector<16xf32>,
        %broadcast_in_dim3A_409 = arith.constant 1 : i32
        %broadcast_in_dim3A_410 = vector.broadcast %broadcast_in_dim3A_409 : i32 to vector<16xi32>
        %gather3A_411 = tpu.vector_load_idx %arg45[%add3A_407, %broadcast_in_dim3A_410] : memref<256x4xf32, #tpu.memory_space<vmem>>[vector<16xi32>, vector<16xi32>], vector<16xf32>,
        %broadcast_in_dim3A_412 = arith.constant 2 : i32
        %broadcast_in_dim3A_413 = vector.broadcast %broadcast_in_dim3A_412 : i32 to vector<16xi32>
        %gather3A_414 = tpu.vector_load_idx %arg45[%add3A_407, %broadcast_in_dim3A_413] : memref<256x4xf32, #tpu.memory_space<vmem>>[vector<16xi32>, vector<16xi32>], vector<16xf32>,
        %broadcast_in_dim3A_415 = arith.constant 3 : i32
        %broadcast_in_dim3A_416 = vector.broadcast %broadcast_in_dim3A_415 : i32 to vector<16xi32>
        %gather3A_417 = tpu.vector_load_idx %arg45[%add3A_407, %broadcast_in_dim3A_416] : memref<256x4xf32, #tpu.memory_space<vmem>>[vector<16xi32>, vector<16xi32>], vector<16xf32>,
        %sub3A_418 = arith.constant 1.000000e+00 : f32
        %sub3A_419 = vector.broadcast %sub3A_418 : f32 to vector<16xf32>
        %sub3A_420 = arith.subf %sub3A_419, %mul3A_405 : vector<16xf32>
        %add3A_421 = arith.constant 128 : i32
        %add3A_422 = arith.addi %add3A_421, %add3A_392 : i32
        %add3A_423 = vector.broadcast %add3A_422 : i32 to vector<16xi32>
        %add3A_424 = arith.addi %add3A_423, %iota3A : vector<16xi32>
        %broadcast_in_dim3A_425 = arith.constant 30 : i32
        %broadcast_in_dim3A_426 = vector.broadcast %broadcast_in_dim3A_425 : i32 to vector<16xi32>
        %mul3A_427 = arith.mulf %gather3A, %sub3A_420 : vector<16xf32>
        %mul3A_428 = arith.mulf %gather3A_414, %mul3A_405 : vector<16xf32>
        %add3A_429 = arith.addf %mul3A_427, %mul3A_428 : vector<16xf32>
        tpu.vector_store_idx %arg48[%add3A_424, %broadcast_in_dim3A_426], %add3A_429 : memref<512x32xf32, #tpu.memory_space<vmem>>[vector<16xi32>, vector<16xi32>], vector<16xf32>,
        %broadcast_in_dim3A_430 = arith.constant 31 : i32
        %broadcast_in_dim3A_431 = vector.broadcast %broadcast_in_dim3A_430 : i32 to vector<16xi32>
        %mul3A_432 = arith.mulf %gather3A_411, %sub3A_420 : vector<16xf32>
        %mul3A_433 = arith.mulf %gather3A_417, %mul3A_405 : vector<16xf32>
        %add3A_434 = arith.addf %mul3A_432, %mul3A_433 : vector<16xf32>
        tpu.vector_store_idx %arg48[%add3A_424, %broadcast_in_dim3A_431], %add3A_434 : memref<512x32xf32, #tpu.memory_space<vmem>>[vector<16xi32>, vector<16xi32>], vector<16xf32>,
      }
      %scan3A_377 = arith.constant 8 : i32
      %scan3A_378 = arith.constant 0 : i32
      %scan3A_379 = arith.constant 8 : i32
      %scan3A_380 = arith.addi %scan3A_378, %scan3A_379 : i32
      %scan3A_381 = arith.constant 1 : i32
      scf.for %scan3A_388 = %scan3A_378 to %scan3A_380 step %scan3A_381  : i32 {
        %mul3A_389 = arith.constant 16 : i32
        %mul3A_390 = arith.muli %scan3A_388, %mul3A_389 : i32
        %add3A_391 = arith.constant 0 : i32
        %add3A_392 = arith.addi %add3A_391, %mul3A_390 : i32
        %add3A_393 = arith.constant 256 : i32
        %add3A_394 = arith.addi %add3A_393, %add3A_392 : i32
        %get3A = arith.index_cast %add3A_394 : i32 to index
        %get3A_395 = tpu.vector_load %arg7[%get3A] {strides = array<i32>} : memref<512xf32, #tpu.memory_space<vmem>>, vector<16xf32>,
        %mul3A_396 = arith.constant 5.242880e+05 : f32
        %mul3A_397 = vector.broadcast %mul3A_396 : f32 to vector<16xf32>
        %mul3A_398 = arith.mulf %get3A_395, %mul3A_397 : vector<16xf32>
        %convert_element_type3A = arith.fptosi %mul3A_398 : vector<16xf32> to vector<16xi32>
        %convert_element_type3A_399 = arith.sitofp %convert_element_type3A : vector<16xi32> to vector<16xf32>
        %mul3A_400 = arith.constant 1.90734863E-6 : f32
        %mul3A_401 = vector.broadcast %mul3A_400 : f32 to vector<16xf32>
        %mul3A_402 = arith.mulf %convert_element_type3A_399, %mul3A_401 : vector<16xf32>
        %sub3A = arith.subf %get3A_395, %mul3A_402 : vector<16xf32>
        %mul3A_403 = arith.constant 5.242880e+05 : f32
        %mul3A_404 = vector.broadcast %mul3A_403 : f32 to vector<16xf32>
        %mul3A_405 = arith.mulf %sub3A, %mul3A_404 : vector<16xf32>
        %add3A_406 = vector.broadcast %add3A_392 : i32 to vector<16xi32>
        %add3A_407 = arith.addi %add3A_406, %iota3A : vector<16xi32>
        %broadcast_in_dim3A = arith.constant 0 : i32
        %broadcast_in_dim3A_408 = vector.broadcast %broadcast_in_dim3A : i32 to vector<16xi32>
        %gather3A = tpu.vector_load_idx %arg46[%add3A_407, %broadcast_in_dim3A_408] : memref<256x4xf32, #tpu.memory_space<vmem>>[vector<16xi32>, vector<16xi32>], vector<16xf32>,
        %broadcast_in_dim3A_409 = arith.constant 1 : i32
        %broadcast_in_dim3A_410 = vector.broadcast %broadcast_in_dim3A_409 : i32 to vector<16xi32>
        %gather3A_411 = tpu.vector_load_idx %arg46[%add3A_407, %broadcast_in_dim3A_410] : memref<256x4xf32, #tpu.memory_space<vmem>>[vector<16xi32>, vector<16xi32>], vector<16xf32>,
        %broadcast_in_dim3A_412 = arith.constant 2 : i32
        %broadcast_in_dim3A_413 = vector.broadcast %broadcast_in_dim3A_412 : i32 to vector<16xi32>
        %gather3A_414 = tpu.vector_load_idx %arg46[%add3A_407, %broadcast_in_dim3A_413] : memref<256x4xf32, #tpu.memory_space<vmem>>[vector<16xi32>, vector<16xi32>], vector<16xf32>,
        %broadcast_in_dim3A_415 = arith.constant 3 : i32
        %broadcast_in_dim3A_416 = vector.broadcast %broadcast_in_dim3A_415 : i32 to vector<16xi32>
        %gather3A_417 = tpu.vector_load_idx %arg46[%add3A_407, %broadcast_in_dim3A_416] : memref<256x4xf32, #tpu.memory_space<vmem>>[vector<16xi32>, vector<16xi32>], vector<16xf32>,
        %sub3A_418 = arith.constant 1.000000e+00 : f32
        %sub3A_419 = vector.broadcast %sub3A_418 : f32 to vector<16xf32>
        %sub3A_420 = arith.subf %sub3A_419, %mul3A_405 : vector<16xf32>
        %add3A_421 = arith.constant 256 : i32
        %add3A_422 = arith.addi %add3A_421, %add3A_392 : i32
        %add3A_423 = vector.broadcast %add3A_422 : i32 to vector<16xi32>
        %add3A_424 = arith.addi %add3A_423, %iota3A : vector<16xi32>
        %broadcast_in_dim3A_425 = arith.constant 30 : i32
        %broadcast_in_dim3A_426 = vector.broadcast %broadcast_in_dim3A_425 : i32 to vector<16xi32>
        %mul3A_427 = arith.mulf %gather3A, %sub3A_420 : vector<16xf32>
        %mul3A_428 = arith.mulf %gather3A_414, %mul3A_405 : vector<16xf32>
        %add3A_429 = arith.addf %mul3A_427, %mul3A_428 : vector<16xf32>
        tpu.vector_store_idx %arg48[%add3A_424, %broadcast_in_dim3A_426], %add3A_429 : memref<512x32xf32, #tpu.memory_space<vmem>>[vector<16xi32>, vector<16xi32>], vector<16xf32>,
        %broadcast_in_dim3A_430 = arith.constant 31 : i32
        %broadcast_in_dim3A_431 = vector.broadcast %broadcast_in_dim3A_430 : i32 to vector<16xi32>
        %mul3A_432 = arith.mulf %gather3A_411, %sub3A_420 : vector<16xf32>
        %mul3A_433 = arith.mulf %gather3A_417, %mul3A_405 : vector<16xf32>
        %add3A_434 = arith.addf %mul3A_432, %mul3A_433 : vector<16xf32>
        tpu.vector_store_idx %arg48[%add3A_424, %broadcast_in_dim3A_431], %add3A_434 : memref<512x32xf32, #tpu.memory_space<vmem>>[vector<16xi32>, vector<16xi32>], vector<16xf32>,
      }
      %scan3A_382 = arith.constant 8 : i32
      %scan3A_383 = arith.constant 0 : i32
      %scan3A_384 = arith.constant 8 : i32
      %scan3A_385 = arith.addi %scan3A_383, %scan3A_384 : i32
      %scan3A_386 = arith.constant 1 : i32
      scf.for %scan3A_388 = %scan3A_383 to %scan3A_385 step %scan3A_386  : i32 {
        %mul3A_389 = arith.constant 16 : i32
        %mul3A_390 = arith.muli %scan3A_388, %mul3A_389 : i32
        %add3A_391 = arith.constant 0 : i32
        %add3A_392 = arith.addi %add3A_391, %mul3A_390 : i32
        %add3A_393 = arith.constant 384 : i32
        %add3A_394 = arith.addi %add3A_393, %add3A_392 : i32
        %get3A = arith.index_cast %add3A_394 : i32 to index
        %get3A_395 = tpu.vector_load %arg7[%get3A] {strides = array<i32>} : memref<512xf32, #tpu.memory_space<vmem>>, vector<16xf32>,
        %mul3A_396 = arith.constant 5.242880e+05 : f32
        %mul3A_397 = vector.broadcast %mul3A_396 : f32 to vector<16xf32>
        %mul3A_398 = arith.mulf %get3A_395, %mul3A_397 : vector<16xf32>
        %convert_element_type3A = arith.fptosi %mul3A_398 : vector<16xf32> to vector<16xi32>
        %convert_element_type3A_399 = arith.sitofp %convert_element_type3A : vector<16xi32> to vector<16xf32>
        %mul3A_400 = arith.constant 1.90734863E-6 : f32
        %mul3A_401 = vector.broadcast %mul3A_400 : f32 to vector<16xf32>
        %mul3A_402 = arith.mulf %convert_element_type3A_399, %mul3A_401 : vector<16xf32>
        %sub3A = arith.subf %get3A_395, %mul3A_402 : vector<16xf32>
        %mul3A_403 = arith.constant 5.242880e+05 : f32
        %mul3A_404 = vector.broadcast %mul3A_403 : f32 to vector<16xf32>
        %mul3A_405 = arith.mulf %sub3A, %mul3A_404 : vector<16xf32>
        %add3A_406 = vector.broadcast %add3A_392 : i32 to vector<16xi32>
        %add3A_407 = arith.addi %add3A_406, %iota3A : vector<16xi32>
        %broadcast_in_dim3A = arith.constant 0 : i32
        %broadcast_in_dim3A_408 = vector.broadcast %broadcast_in_dim3A : i32 to vector<16xi32>
        %gather3A = tpu.vector_load_idx %arg47[%add3A_407, %broadcast_in_dim3A_408] : memref<256x4xf32, #tpu.memory_space<vmem>>[vector<16xi32>, vector<16xi32>], vector<16xf32>,
        %broadcast_in_dim3A_409 = arith.constant 1 : i32
        %broadcast_in_dim3A_410 = vector.broadcast %broadcast_in_dim3A_409 : i32 to vector<16xi32>
        %gather3A_411 = tpu.vector_load_idx %arg47[%add3A_407, %broadcast_in_dim3A_410] : memref<256x4xf32, #tpu.memory_space<vmem>>[vector<16xi32>, vector<16xi32>], vector<16xf32>,
        %broadcast_in_dim3A_412 = arith.constant 2 : i32
        %broadcast_in_dim3A_413 = vector.broadcast %broadcast_in_dim3A_412 : i32 to vector<16xi32>
        %gather3A_414 = tpu.vector_load_idx %arg47[%add3A_407, %broadcast_in_dim3A_413] : memref<256x4xf32, #tpu.memory_space<vmem>>[vector<16xi32>, vector<16xi32>], vector<16xf32>,
        %broadcast_in_dim3A_415 = arith.constant 3 : i32
        %broadcast_in_dim3A_416 = vector.broadcast %broadcast_in_dim3A_415 : i32 to vector<16xi32>
        %gather3A_417 = tpu.vector_load_idx %arg47[%add3A_407, %broadcast_in_dim3A_416] : memref<256x4xf32, #tpu.memory_space<vmem>>[vector<16xi32>, vector<16xi32>], vector<16xf32>,
        %sub3A_418 = arith.constant 1.000000e+00 : f32
        %sub3A_419 = vector.broadcast %sub3A_418 : f32 to vector<16xf32>
        %sub3A_420 = arith.subf %sub3A_419, %mul3A_405 : vector<16xf32>
        %add3A_421 = arith.constant 384 : i32
        %add3A_422 = arith.addi %add3A_421, %add3A_392 : i32
        %add3A_423 = vector.broadcast %add3A_422 : i32 to vector<16xi32>
        %add3A_424 = arith.addi %add3A_423, %iota3A : vector<16xi32>
        %broadcast_in_dim3A_425 = arith.constant 30 : i32
        %broadcast_in_dim3A_426 = vector.broadcast %broadcast_in_dim3A_425 : i32 to vector<16xi32>
        %mul3A_427 = arith.mulf %gather3A, %sub3A_420 : vector<16xf32>
        %mul3A_428 = arith.mulf %gather3A_414, %mul3A_405 : vector<16xf32>
        %add3A_429 = arith.addf %mul3A_427, %mul3A_428 : vector<16xf32>
        tpu.vector_store_idx %arg48[%add3A_424, %broadcast_in_dim3A_426], %add3A_429 : memref<512x32xf32, #tpu.memory_space<vmem>>[vector<16xi32>, vector<16xi32>], vector<16xf32>,
        %broadcast_in_dim3A_430 = arith.constant 31 : i32
        %broadcast_in_dim3A_431 = vector.broadcast %broadcast_in_dim3A_430 : i32 to vector<16xi32>
        %mul3A_432 = arith.mulf %gather3A_411, %sub3A_420 : vector<16xf32>
        %mul3A_433 = arith.mulf %gather3A_417, %mul3A_405 : vector<16xf32>
        %add3A_434 = arith.addf %mul3A_432, %mul3A_433 : vector<16xf32>
        tpu.vector_store_idx %arg48[%add3A_424, %broadcast_in_dim3A_431], %add3A_434 : memref<512x32xf32, #tpu.memory_space<vmem>>[vector<16xi32>, vector<16xi32>], vector<16xf32>,
      }
      %scan3A_387 = arith.constant 8 : i32
      "tpu.region"() ({
        %run_scoped3A = tpu.sem_alloc : memref<!tpu.dma_semaphore, #tpu.memory_space<semaphore_mem>>
        %dma_start3A_388 = arith.constant 0 : i32
        %dma_start3A_389 = tpu.memref_slice %arg5[%add3A_14, %dma_start3A_388] : memref<1048576x32xf32, #tpu.memory_space<hbm>> -> memref<512x32xf32, #tpu.memory_space<hbm>>
        %dma_start3A_390 = arith.constant 0 : i32
        %dma_start3A_391 = tpu.memref_slice %arg5[%add3A_14, %dma_start3A_390] : memref<1048576x32xf32, #tpu.memory_space<hbm>> -> memref<512x32xf32, #tpu.memory_space<hbm>>
        tpu.enqueue_dma source(%arg48 : memref<512x32xf32, #tpu.memory_space<vmem>>) target(%dma_start3A_391 : memref<512x32xf32, #tpu.memory_space<hbm>>) target_semaphore(%run_scoped3A : memref<!tpu.dma_semaphore, #tpu.memory_space<semaphore_mem>>)
        %dma_wait3A_392 = arith.constant 0 : i32
        %dma_wait3A_393 = tpu.memref_slice %arg5[%add3A_14, %dma_wait3A_392] : memref<1048576x32xf32, #tpu.memory_space<hbm>> -> memref<512x32xf32, #tpu.memory_space<hbm>>
        %dma_wait3A_394 = arith.constant 0 : i32
        %dma_wait3A_395 = tpu.memref_slice %arg5[%add3A_14, %dma_wait3A_394] : memref<1048576x32xf32, #tpu.memory_space<hbm>> -> memref<512x32xf32, #tpu.memory_space<hbm>>
        tpu.wait_dma2 semaphore(%run_scoped3A : memref<!tpu.dma_semaphore, #tpu.memory_space<semaphore_mem>>) src(%arg48 : memref<512x32xf32, #tpu.memory_space<vmem>>) dst(%dma_wait3A_395 : memref<512x32xf32, #tpu.memory_space<hbm>>)
        tpu.yield
      }) : () -> ()
    }
    %scan3A_6 = arith.constant 64 : i32
    return
  }
}

</mosaic_0001>

<sc_bundles>
// kernel: kernel.3.cloned.1.call-start
scs
__scs_entry_jumppad:
0x0: {  	(pc) =	sbr.rel $0x88, $3  }
0x1: {  	(tag) =	ssettag $0x0;
	lr =	simm.s32 $0x1  }
0x2: {  	[smem:$0x3F9F] =	sst lr;
	_ =	strace $0xD0000000  }
0x3: {  	_ = 	snop  }
0x4: {  	_ = 	snop  }
0x5: {  	_ = 	snop  }
0x6: {  	_ = 	snop  }
0x7: {  	_ = 	snop  }
__scs_overlays_trampoline_lowered:
0x8: {  	[smem:$0x3FAE] =	sst s0  }
0x9: {  	[smem:$0x3FAF] =	sst s1  }
0xa: {  	[smem:$0x3FB0] =	sst s2  }
0xb: {  	[smem:$0x3FB1] =	sst s3  }
0xc: {  	[smem:$0x3FB2] =	sst s4  }
0xd: {  	[smem:$0x3FB3] =	sst s5  }
0xe: {  	[smem:$0x3FB4] =	sst s6  }
0xf: {  	[smem:$0x3FB5] =	sst s7  }
0x10: {  	[smem:$0x3FB6] =	sst s8  }
0x11: {  	[smem:$0x3FB7] =	sst s9;
	s0 =	simm.s32 @!p0 $0x0  }
0x12: {  	s1 =	sld [smem:$0x3F9D];
	s0 =	simm.s32 @p0 $0x1  }
0x13: {  	[smem:$0x3FB8] =	sst s0;
	s0 =	simm.s32 @!p1 $0x0  }
0x14: {  	s2 =	sld [smem:$0x3F9C];
	s0 =	simm.s32 @p1 $0x1  }
0x15: {  	[smem:$0x3FB9] =	sst s0;
	s0 =	simm.s32 @!p2 $0x0  }
0x16: {  	s3 =	sld [smem:$0x3FDB];
	s0 =	simm.s32 @p2 $0x1  }
0x17: {  	s4 =	simm.s32 $0x1BF5;
	[smem:$0x3FBB] =	sst s0  }
0x18: {  	s0 =	sld [smem:$0x3F9E];
	_ =	swait.ge [sflag:s4], $0x0  }
0x19: {  	s7 =	sld [smem:$0x3F9F]  }
0x1a: {  	s8 =	sadd.s32 $0xFFFFE003, lr  }
0x1b: {  	s9 =	sadd.s32 $0xFFFFFEF7, lr;
	s5 =	simm.s32 $0xFFFFFFFF;
	p2 =	slt.u32 s8, $0xFFFFF086  }
0x1c: {  	p1 =	slt.u32 s9, $0xF7A;
	s5 =	simm.s32 @!p2 $0x0  }
0x1d: {  	s5 =	simm.s32 @p1 $0x1;
	p0 =	seq.s32 s7, s2  }
0x1e: {  	s7 =	smul.u32 @!p0 $0xF7A, s2;
	p2 =	seq.s32 @!p0 s5, $0x0  }
0x1f: {  	s9 =	smul.u32 $0xF7A, s1;
	s8 =	simm.s32 @!p0 $0x1BF5;
	p2 =	por !p2, p0  }
0x20: {  	[sflag:s8] =	ssyncset.s32 @!p0 $0xFFFFF086;
	s6 =	sadd.s32 @!p0 s3, s7;
	s7 =	simm.s32 @!p0 $0x108  }
0x21: {  	s3 =	sadd.s32 s3, s9;
	s6 =	sadd.s32 @!p0 $0x88, s6;
	s7 =	simm.s32 @p2 $0x1082  }
0x22: {  	[simem:s7], [sflag:s8] =	dma.local @!p0 [hbm:s6], $0xF7A  }
0x23: {  	s9 =	sor.u32 $0xD0000000, s2;
	s6 =	simm.s32 $0x108;
	_ =	swait.ge @!p0 [sflag:s8], $0x0  }
0x24: {  	s3 =	sadd.s32 $0x88, s3;
	s6 =	simm.s32 @!p1 $0x1082;
	[sflag:s4] =	ssyncset.s32 $0xFFFFF086  }
0x25: {  	[simem:s6], [sflag:s4] =	dma.local [hbm:s3], $0xF7A  }
0x26: {  	[smem:$0x3F9F] =	sst s1;
	(tag) =	ssettag s2;
	_ =	strace s9  }
0x27: {  	s1 =	sld [smem:$0x3FAF]  }
0x28: {  	s2 =	sld [smem:$0x3FB0]  }
0x29: {  	s4 =	sld [smem:$0x3FB2]  }
0x2a: {  	p0 =	seq.s32 s5, $0x0;
	s5 =	sld [smem:$0x3FB3]  }
0x2b: {  	s6 =	sld [smem:$0x3FB4]  }
0x2c: {  	s7 =	sld [smem:$0x3FB5]  }
0x2d: {  	s3 =	simm.s32 $0x108;
	s8 =	sld [smem:$0x3FB6]  }
0x2e: {  	s3 =	simm.s32 @!p0 $0x1082;
	s9 =	sld [smem:$0x3FB7]  }
0x2f: {  	lr =	sadd.s32 s0, s3;
	s0 =	sld [smem:$0x3FAE]  }
0x30: {  	s3 =	sld [smem:$0x3FB1]  }
0x31: {  	[smem:$0x3FBA] =	sst s10  }
0x32: {  	s10 =	sld [smem:$0x3FB8];
	_ =	sdelay $0x3  }
0x33: {  	p0 =	seq.s32 s10, $0x1;
	s10 =	sld [smem:$0x3FBA];
	_ =	sdelay $0x3  }
0x34: {  	[smem:$0x3FBA] =	sst s10  }
0x35: {  	s10 =	sld [smem:$0x3FB9];
	_ =	sdelay $0x3  }
0x36: {  	p1 =	seq.s32 s10, $0x1;
	s10 =	sld [smem:$0x3FBA];
	_ =	sdelay $0x3  }
0x37: {  	[smem:$0x3FBA] =	sst s10  }
0x38: {  	s10 =	sld [smem:$0x3FBB]  }
0x39: {  	_ = 	snop;
	(pc) =	sbr.ind lr, $3  }
0x3a: {  	_ = 	snop  }
0x3b: {  	_ = 	snop  }
0x3c: {  	p2 =	seq.s32 s10, $0x1;
	s10 =	sld [smem:$0x3FBA]  }
0x3d: {  	_ =	shalt  }
0x3e: {  	_ =	shalt  }
0x3f: {  	_ =	shalt  }
0x40: {  	_ =	shalt  }
0x41: {  	_ =	shalt  }
0x42: {  	_ =	shalt  }
0x43: {  	_ =	shalt  }
0x44: {  	_ =	shalt  }
0x45: {  	_ =	shalt  }
0x46: {  	_ =	shalt  }
0x47: {  	_ =	shalt  }
0x48: {  	_ =	shalt  }
0x49: {  	_ =	shalt  }
0x4a: {  	_ =	shalt  }
0x4b: {  	_ =	shalt  }
0x4c: {  	_ =	shalt  }
0x4d: {  	_ =	shalt  }
0x4e: {  	_ =	shalt  }
0x4f: {  	_ =	shalt  }
0x50: {  	_ =	shalt  }
0x51: {  	_ =	shalt  }
0x52: {  	_ =	shalt  }
0x53: {  	_ =	shalt  }
0x54: {  	_ =	shalt  }
0x55: {  	_ =	shalt  }
0x56: {  	_ =	shalt  }
0x57: {  	_ =	shalt  }
0x58: {  	_ =	shalt  }
0x59: {  	_ =	shalt  }
0x5a: {  	_ =	shalt  }
0x5b: {  	_ =	shalt  }
0x5c: {  	_ =	shalt  }
0x5d: {  	_ =	shalt  }
0x5e: {  	_ =	shalt  }
0x5f: {  	_ =	shalt  }
0x60: {  	_ =	shalt  }
0x61: {  	_ =	shalt  }
0x62: {  	_ =	shalt  }
0x63: {  	_ =	shalt  }
0x64: {  	_ =	shalt  }
0x65: {  	_ =	shalt  }
0x66: {  	_ =	shalt  }
0x67: {  	_ =	shalt  }
0x68: {  	_ =	shalt  }
0x69: {  	_ =	shalt  }
0x6a: {  	_ =	shalt  }
0x6b: {  	_ =	shalt  }
0x6c: {  	_ =	shalt  }
0x6d: {  	_ =	shalt  }
0x6e: {  	_ =	shalt  }
0x6f: {  	_ =	shalt  }
0x70: {  	_ =	shalt  }
0x71: {  	_ =	shalt  }
0x72: {  	_ =	shalt  }
0x73: {  	_ =	shalt  }
0x74: {  	_ =	shalt  }
0x75: {  	_ =	shalt  }
0x76: {  	_ =	shalt  }
0x77: {  	_ =	shalt  }
0x78: {  	_ =	shalt  }
0x79: {  	_ =	shalt  }
0x7a: {  	_ =	shalt  }
0x7b: {  	_ =	shalt  }
0x7c: {  	_ =	shalt  }
0x7d: {  	_ =	shalt  }
0x7e: {  	_ =	shalt  }
0x7f: {  	_ =	shalt  }
0x80: {  	_ =	shalt  }
0x81: {  	_ =	shalt  }
0x82: {  	_ =	shalt  }
0x83: {  	_ =	shalt  }
0x84: {  	_ =	shalt  }
0x85: {  	_ =	shalt  }
0x86: {  	_ =	shalt  }
0x87: {  	_ =	shalt  }
.Lfunc_end0:
.L_simem_size_0:
called_computation.1_lowered:
.L_overlay_start_0:
0x88: {  	s2 =	sld [smem:$0x3FD9]  }
0x89: {  	s3 =	sld [smem:$0x3FFE];
	_ =	sdelay $0x1  }
0x8a: {  	s1 =	srdreg.scid  }
0x8b: {  	s0 =	sand.u32 $0x1, s1  }
0x8c: {  	s17 =	sshll.u32 s0, $0xA;
	s2 =	sadd.s32 s3, s2  }
0x8d: {  	s2 =	sadd.s32 s2, s17  }
0x8e: {  	[smem:$0x3FC6] =	sst s2  }
0x8f: {  	_ = 	snop  }
0x90: {  	s2 =	sld [smem:$0x3FC9]  }
0x91: {  	s18 =	sld [smem:$0x3FD0];
	(tm) =	ssettm $0x1  }
0x92: {  	s4 =	sld [smem:$0x3FFB];
	_ =	sdelay $0x3  }
0x93: {  	_ =	strace s4  }
0x94: {  	s4 =	sld [smem:$0x3FFC];
	_ =	sdelay $0x3  }
0x95: {  	_ =	strace s4  }
0x96: {  	s4 =	sld [smem:$0x3FFD];
	_ =	sdelay $0x3  }
0x97: {  	_ =	strace s4  }
0x98: {  	_ =	strace $0x8FFFFFFF  }
0x99: {  	s19 =	sld [smem:$0x3FDB];
	_ =	sdelay $0x1  }
0x9a: {  	s5 =	simm.s32 $_scs_section_size  }
0x9b: {  	s6 =	simm.s32 $_size__tile_overlayer_lowered;
	s7 =	simm.s32 $_tile_overlayer_lowered  }
0x9c: {  	s22 =	simm.s32 $0x1BFF;
	s21 =	sshll.u32 s7, $0x1;
	s4 =	sadd.s32 s5, s19  }
0x9d: {  	s8 =	simm.s32 $0x0;
	s20 =	sshll.u32 s6, $0x1;
	s6 =	sadd.s32 s21, s4  }
0x9e: {  	[timem:s8], [sflag:s22] =	dma.local [hbm:s6], s20  }
0x9f: {  	_ =	swait.ge [sflag:s22], s20  }
0xa0: {  	s5 =	ssub.s32 $0x0, s20;
	[sflag:s22] =	ssyncset.done $0x0  }
0xa1: {  	[sflag:s22] =	ssyncadd.s32 s5;
	_ =	sdelay $0x1  }
0xa2: {  	s23 =	simm.s32 $0x1B8B  }
0xa3: {  	_ =	swait.ge [sflag:s23], $0x1  }
0xa4: {  	[sflag:s23] =	ssyncset.done $0x0  }
0xa5: {  	s25 =	simm.s32 $0x1B8E;
	s24 =	sld [smem:$0x3FFE];
	[sflag:s23] =	ssyncadd.s32 $0xFFFFFFFF  }
0xa6: {  	s26 =	simm.s32 $execute0_lowered;
	[smem:$0x3FD2] =	sst s25  }
0xa7: {  	s6 =	sshll.u32 s26, $0x1;
	_ =	strace $0x80000046;
	[dreg:$0x1] =	wrdreg $0xFFFFFFFF  }
0xa8: {  	s28 =	simm.s32 $_size_execute0_lowered;
	s4 =	sadd.s32 s4, s6;
	[dreg:$0x0] =	wrdreg $0x0  }
0xa9: {  	s6 =	sshll.u32 s28, $0x1;
	[dreg:$0x2] =	wrdreg s4  }
0xaa: {  	[dreg:$0x3] =	wrdreg s6  }
0xab: {  	[dreg:$0x4] =	wrdreg $0xC0  }
0xac: {  	_ =	task [dreg:s8], $0x5FFFF  }
0xad: {  	[dreg:$0x1] =	wrdreg $0xFFFFFFFF  }
0xae: {  	[dreg:$0x0] =	wrdreg $0x60  }
0xaf: {  	[dreg:$0x2] =	wrdreg s2  }
0xb0: {  	[dreg:$0x3] =	wrdreg s24  }
0xb1: {  	[dreg:$0x4] =	wrdreg s18  }
0xb2: {  	[dreg:$0x5] =	wrdreg $0x9  }
0xb3: {  	_ =	task.clear_ibuf [dreg:s8], $0x6FFFF;
	_ =	strace $0x90000046  }
0xb4: {  	s29 =	simm.s32 $0x9;
	_ =	strace $0x80000048  }
0xb5: {  	_ =	swait.ge [sflag:s29], $0x1  }
0xb6: {  	[sflag:s29] =	ssyncadd.s32 $0xFFFFFFFF  }
0xb7: {  	_ =	strace $0x90000048  }
0xb8: {  	_ =	sfence  }
0xb9: {  	s30 =	sld [smem:$0x0];
	_ =	sdelay $0x2  }
0xba: {  	s31 =	sshll.u32 s1, $0xD;
	s1 =	sshrl.u32 s1, $0x2  }
0xbb: {  	s3 =	sand.u32 $0x4000, s31;
	s1 =	sadd.s32 s1, s30  }
0xbc: {  	s0 =	sor.u32 s3, s0;
	s1 =	sshll.u32 s1, $0x11  }
0xbd: {  	s0 =	sor.u32 s1, s0  }
0xbe: {  	s0 =	sadd.s32 $0x8F2B, s0  }
0xbf: {  	[sflag:s0] =	ssyncadd.remote.s32 $0x1  }
0xc0: {  	_ =	sfence.sel $0xFFFF  }
0xc1: {  	[dreg:$0x0] =	wrdreg $0xFFFFFFFF;
	(pc) =	sbr.abs _section_cstart, $3  }
0xc2: {  	[dreg:$0x1] =	wrdreg $0xFFFFFFFF  }
0xc3: {  	_ =	task.clear_ibuf [dreg:s8], $0x2FFFF;
	_ =	strace $0x9FFFFFFF  }
0xc4: {  	(tm) =	ssettm $0x7FFFFFFF  }
0xc5: {  	_ =	shalt  }
tec
execute0_lowered:
.L_overlay_start_1:
0x0: {  	(tag) =	ssettag $0x1  }
0x1: {  	s0 =	rddreg [dreg:$0x1];
	s3 =	simm.s32 $0x0  }
0x2: {  	s1 =	srdreg.scid;
	s5 =	stileid.u32;
	s11 =	simm.s32 $0x2  }
0x3: {  	s12 =	simm.s32 $0x115F8;
	s14 =	simm.s32 $0x11DF8;
	s16 =	simm.s32 $0x125F8  }
0x4: {  	s18 =	simm.s32 $0x12DF8;
	s20 =	simm.s32 $0x135F8;
	s22 =	simm.s32 $0x13DF8  }
0x5: {  	s29 =	simm.s32 $0x155F8;
	s31 =	simm.s32 $0x15DF8;
	s8 =	simm.s32 $0x16DF8  }
0x6: {  	s9 =	simm.s32 $0x17DF8;
	s6 =	simm.s32 $0x185F8;
	s13 =	simm.s32 $0x18DF8  }
0x7: {  	s15 =	simm.s32 $0x111F8;
	s17 =	simm.s32 $0x195F8;
	s19 =	simm.s32 $0x112F8  }
0x8: {  	s21 =	simm.s32 $0x19DF8;
	s28 =	simm.s32 $0x114F8;
	s30 =	simm.s32 $0x1ADF8  }
0x9: {  	[smem:$0x7FF] =	sst s3;
	s1 =	sand.u32 $0x1, s1;
	s4 =	sadd.s32 $0x2000, s0  }
0xa: {  	s24 =	sshll.u32 s5, $0x10;
	s10 =	sadd.s32 $0x4200, s0;
	s0 =	simm.s32 $0x1B5F8  }
0xb: {  	s5 =	simm.s32 $0x0;
	_ =	strace $0x80000047;
	s2 =	ssub.s32 $0x2, s1  }
0xc: {  	[dreg:$0x4] =	wrdreg s4;
	s1 =	sshll.u32 s1, $0xF;
	s4 =	simm.s32 $0x165F8  }
0xd: {  	[dreg:$0x5] =	wrdreg s10;
	s23 =	sshrl.u32 s2, $0x1;
	s25 =	sor.u32 s1, s24  }
0xe: {  	s24 =	simm.s32 $0x145F8;
	s2 =	ssub.s32 s2, s23;
	[dreg:$0x6] =	wrdreg s25  }
0xf: {  	v0 =	vlaneseq.u32;
	s23 =	simm.s32 $0x113F8;
	s25 =	simm.s32 $0x1A5F8;
	s26 =	smax.u32 s2, $0x1  }
0x10: {  	v1 =	vmul.u32 $0x2, v0;
	v2 =	vmul.u32 $0x20, v0;
	s2 =	simm.s32 $0x175F8;
	[dreg:$0x7] =	wrdreg s26;
	s26 =	simm.s32 $0x14DF8  }
.LBB2_1:
0x11: {  	[dreg:$0x8] =	wrdreg s5  }
0x12: {  	s1 =	rddreg [dreg:$0x4]  }
0x13: {  	[tilespmem:s3], [sflag:$0x2] =	stream.linear.gather [hbm4b:s1+s3], $0xFFF8, $0x38;
	[tilespmem:$0x1F5F8] =	vst v63  }
0x14: {  	_ =	swait.ge [sflag:s11], $0xFFF8  }
0x15: {  	[sflag:s11] =	ssyncset.done $0x0  }
0x16: {  	s1 =	simm.s32 $0x0;
	[sflag:s11] =	ssyncadd.s32 $0xFFFF0008  }
.LBB2_2:
0x17: {  	[dreg:$0x9] =	wrdreg s1  }
0x18: {  	s7 =	sshll.u32 s1, $0x9;
	s5 =	rddreg [dreg:$0x6]  }
0x19: {  	s1 =	sadd.s32 s5, s7;
	s7 =	rddreg [dreg:$0x0]  }
0x1a: {  	[dreg:$0xa] =	wrdreg s1;
	s1 =	sshrl.u32 s1, $0x3  }
0x1b: {  	s5 =	simm.s32 $0xFFF8;
	s7 =	sadd.s32 s7, s1;
	s1 =	simm.s32 $0x0  }
0x1c: {  	[tilespmem:s5], [sflag:$0x2] =	stream.linear.gather [hbm4b:s7+s1], $0x200, $0x38;
	[tilespmem:$0x1F5F8] =	vst v63  }
0x1d: {  	_ =	swait.ge [sflag:s11], $0x200  }
0x1e: {  	[sflag:s11] =	ssyncset.done $0x0  }
0x1f: {  	[sflag:s11] =	ssyncadd.s32 $0xFFFFFE00  }
0x20: {  	s7 =	simm.s32 $0x20;
	s11 =	simm.s32 $0x101F8;
	v3 =	vld [tilespmem:s5+$0x0]  }
.LBB2_3:
0x21: {  	p0 =	sne.s32 s7, $0xE0;
	_ =	sdelay $0x3  }
0x22: {  	v3 =	vmul.f32 $3.276800000e+04, v3  }
0x23: {  	v4 =	vor.u32 s1, v1;
	s1 =	smov.u32 s7  }
0x24: {  	v3 =	vtrunc.f32 v3  }
.Ltmp0:
0x25: {  	v3 =	vcvt.f32.s32 v3;
	(pc) =	sbr.rel @p0 .LBB2_3-.Ltmp0, $4  }
0x26: {  	_ = 	snop  }
0x27: {  	v3 =	vshll.u32 v3, $0x1  }
0x28: {  	s5 =	sadd.s32 $0x10, s5;
	[tilespmem:v4+s11+$0x0] =	vst.idx.msk $0xffff, v3  }
0x29: {  	s7 =	sadd.s32 $0x20, s7;
	v3 =	vld [tilespmem:s5+$0x0]  }
0x2a: {  	_ =	sdelay $0x3  }
0x2b: {  	v3 =	vmul.f32 $3.276800000e+04, v3  }
0x2c: {  	v4 =	vor.u32 s1, v1  }
0x2d: {  	v3 =	vtrunc.f32 v3  }
0x2e: {  	v3 =	vcvt.f32.s32 v3;
	_ =	sdelay $0x1  }
0x2f: {  	v3 =	vshll.u32 v3, $0x1  }
0x30: {  	s7 =	simm.s32 $0x100;
	s5 =	simm.s32 $0x10078;
	[tilespmem:v4+s11+$0x0] =	vst.idx.msk $0xffff, v3  }
0x31: {  	[tilespmem:s12], [sflag:$0x1] =	stream.indirect.gather [hbm4b:s10+s7], $0x4, s11, s7, $0xb8;
	[tilespmem:$0x1F5F8] =	vst v63  }
0x32: {  	s1 =	simm.s32 $0x0;
	s7 =	simm.s32 $0x20;
	s11 =	simm.s32 $0x102F8;
	v3 =	vld [tilespmem:s5+$0x0]  }
.LBB2_5:
0x33: {  	p0 =	sne.s32 s7, $0xE0;
	_ =	sdelay $0x3  }
0x34: {  	v3 =	vmul.f32 $3.276800000e+04, v3  }
0x35: {  	v4 =	vor.u32 s1, v1;
	s1 =	smov.u32 s7  }
0x36: {  	v3 =	vtrunc.f32 v3  }
.Ltmp1:
0x37: {  	v3 =	vcvt.f32.s32 v3;
	(pc) =	sbr.rel @p0 .LBB2_5-.Ltmp1, $4  }
0x38: {  	_ = 	snop  }
0x39: {  	v3 =	vshll.u32 v3, $0x1  }
0x3a: {  	s5 =	sadd.s32 $0x10, s5;
	[tilespmem:v4+s11+$0x0] =	vst.idx.msk $0xffff, v3  }
0x3b: {  	s7 =	sadd.s32 $0x20, s7;
	v3 =	vld [tilespmem:s5+$0x0]  }
0x3c: {  	_ =	sdelay $0x3  }
0x3d: {  	v3 =	vmul.f32 $3.276800000e+04, v3  }
0x3e: {  	v4 =	vor.u32 s1, v1  }
0x3f: {  	v3 =	vtrunc.f32 v3  }
0x40: {  	v3 =	vcvt.f32.s32 v3;
	_ =	sdelay $0x1  }
0x41: {  	v3 =	vshll.u32 v3, $0x1  }
0x42: {  	s7 =	simm.s32 $0x100;
	s5 =	simm.s32 $0x100F8;
	[tilespmem:v4+s11+$0x0] =	vst.idx.msk $0xffff, v3  }
0x43: {  	[tilespmem:s14], [sflag:$0x1] =	stream.indirect.gather [hbm4b:s10+s7], $0x4, s11, s7, $0xb8;
	[tilespmem:$0x1F5F8] =	vst v63  }
0x44: {  	s1 =	simm.s32 $0x0;
	s7 =	simm.s32 $0x20;
	s11 =	simm.s32 $0x103F8;
	v3 =	vld [tilespmem:s5+$0x0]  }
.LBB2_7:
0x45: {  	p0 =	sne.s32 s7, $0xE0;
	_ =	sdelay $0x3  }
0x46: {  	v3 =	vmul.f32 $3.276800000e+04, v3  }
0x47: {  	v4 =	vor.u32 s1, v1;
	s1 =	smov.u32 s7  }
0x48: {  	v3 =	vtrunc.f32 v3  }
.Ltmp2:
0x49: {  	v3 =	vcvt.f32.s32 v3;
	(pc) =	sbr.rel @p0 .LBB2_7-.Ltmp2, $4  }
0x4a: {  	_ = 	snop  }
0x4b: {  	v3 =	vshll.u32 v3, $0x1  }
0x4c: {  	s5 =	sadd.s32 $0x10, s5;
	[tilespmem:v4+s11+$0x0] =	vst.idx.msk $0xffff, v3  }
0x4d: {  	s7 =	sadd.s32 $0x20, s7;
	v3 =	vld [tilespmem:s5+$0x0]  }
0x4e: {  	_ =	sdelay $0x3  }
0x4f: {  	v3 =	vmul.f32 $3.276800000e+04, v3  }
0x50: {  	v4 =	vor.u32 s1, v1  }
0x51: {  	v3 =	vtrunc.f32 v3  }
0x52: {  	v3 =	vcvt.f32.s32 v3;
	_ =	sdelay $0x1  }
0x53: {  	v3 =	vshll.u32 v3, $0x1  }
0x54: {  	s7 =	simm.s32 $0x100;
	s5 =	simm.s32 $0x10178;
	[tilespmem:v4+s11+$0x0] =	vst.idx.msk $0xffff, v3  }
0x55: {  	[tilespmem:s16], [sflag:$0x1] =	stream.indirect.gather [hbm4b:s10+s7], $0x4, s11, s7, $0xb8;
	[tilespmem:$0x1F5F8] =	vst v63  }
0x56: {  	s1 =	simm.s32 $0x0;
	s7 =	simm.s32 $0x20;
	s11 =	simm.s32 $0x104F8;
	v3 =	vld [tilespmem:s5+$0x0]  }
.LBB2_9:
0x57: {  	p0 =	sne.s32 s7, $0xE0;
	_ =	sdelay $0x3  }
0x58: {  	v3 =	vmul.f32 $3.276800000e+04, v3  }
0x59: {  	v4 =	vor.u32 s1, v1;
	s1 =	smov.u32 s7  }
0x5a: {  	v3 =	vtrunc.f32 v3  }
.Ltmp3:
0x5b: {  	v3 =	vcvt.f32.s32 v3;
	(pc) =	sbr.rel @p0 .LBB2_9-.Ltmp3, $4  }
0x5c: {  	_ = 	snop  }
0x5d: {  	v3 =	vshll.u32 v3, $0x1  }
0x5e: {  	s5 =	sadd.s32 $0x10, s5;
	[tilespmem:v4+s11+$0x0] =	vst.idx.msk $0xffff, v3  }
0x5f: {  	s7 =	sadd.s32 $0x20, s7;
	v3 =	vld [tilespmem:s5+$0x0]  }
0x60: {  	_ =	sdelay $0x3  }
0x61: {  	v3 =	vmul.f32 $3.276800000e+04, v3  }
0x62: {  	v4 =	vor.u32 s1, v1  }
0x63: {  	v3 =	vtrunc.f32 v3  }
0x64: {  	v3 =	vcvt.f32.s32 v3;
	_ =	sdelay $0x1  }
0x65: {  	v3 =	vshll.u32 v3, $0x1  }
0x66: {  	s7 =	simm.s32 $0x100;
	s5 =	simm.s32 $0xFFF8;
	[tilespmem:v4+s11+$0x0] =	vst.idx.msk $0xffff, v3  }
0x67: {  	[tilespmem:s18], [sflag:$0x1] =	stream.indirect.gather [hbm4b:s10+s7], $0x4, s11, s7, $0xb8;
	[tilespmem:$0x1F5F8] =	vst v63  }
0x68: {  	s1 =	simm.s32 $0x0;
	s7 =	simm.s32 $0x20;
	s11 =	simm.s32 $0x105F8;
	v3 =	vld [tilespmem:s5+$0x0]  }
.LBB2_11:
0x69: {  	p0 =	sne.s32 s7, $0xE0;
	_ =	sdelay $0x3  }
0x6a: {  	v3 =	vmul.f32 $6.553600000e+04, v3;
	_ =	sdelay $0x1  }
0x6b: {  	v4 =	vor.u32 s1, v1;
	s1 =	smov.u32 s7;
	v3 =	vtrunc.f32 v3  }
0x6c: {  	v3 =	vcvt.f32.s32 v3  }
.Ltmp4:
0x6d: {  	(pc) =	sbr.rel @p0 .LBB2_11-.Ltmp4, $4  }
0x6e: {  	v3 =	vshll.u32 v3, $0x1  }
0x6f: {  	v3 =	vadd.s32 $0x10000, v3  }
0x70: {  	s5 =	sadd.s32 $0x10, s5;
	[tilespmem:v4+s11+$0x0] =	vst.idx.msk $0xffff, v3  }
0x71: {  	s7 =	sadd.s32 $0x20, s7;
	v3 =	vld [tilespmem:s5+$0x0]  }
0x72: {  	_ =	sdelay $0x3  }
0x73: {  	v3 =	vmul.f32 $6.553600000e+04, v3;
	_ =	sdelay $0x1  }
0x74: {  	v4 =	vor.u32 s1, v1;
	v3 =	vtrunc.f32 v3  }
0x75: {  	v3 =	vcvt.f32.s32 v3;
	_ =	sdelay $0x1  }
0x76: {  	v3 =	vshll.u32 v3, $0x1  }
0x77: {  	v3 =	vadd.s32 $0x10000, v3  }
0x78: {  	s7 =	simm.s32 $0x100;
	s5 =	simm.s32 $0x10078;
	[tilespmem:v4+s11+$0x0] =	vst.idx.msk $0xffff, v3  }
0x79: {  	[tilespmem:s20], [sflag:$0x1] =	stream.indirect.gather [hbm4b:s10+s7], $0x4, s11, s7, $0xb8;
	[tilespmem:$0x1F5F8] =	vst v63  }
0x7a: {  	s1 =	simm.s32 $0x0;
	s7 =	simm.s32 $0x20;
	s11 =	simm.s32 $0x106F8;
	v3 =	vld [tilespmem:s5+$0x0]  }
.LBB2_13:
0x7b: {  	p0 =	sne.s32 s7, $0xE0;
	_ =	sdelay $0x3  }
0x7c: {  	v3 =	vmul.f32 $6.553600000e+04, v3;
	_ =	sdelay $0x1  }
0x7d: {  	v4 =	vor.u32 s1, v1;
	s1 =	smov.u32 s7;
	v3 =	vtrunc.f32 v3  }
0x7e: {  	v3 =	vcvt.f32.s32 v3  }
.Ltmp5:
0x7f: {  	(pc) =	sbr.rel @p0 .LBB2_13-.Ltmp5, $4  }
0x80: {  	v3 =	vshll.u32 v3, $0x1  }
0x81: {  	v3 =	vadd.s32 $0x10000, v3  }
0x82: {  	s5 =	sadd.s32 $0x10, s5;
	[tilespmem:v4+s11+$0x0] =	vst.idx.msk $0xffff, v3  }
0x83: {  	s7 =	sadd.s32 $0x20, s7;
	v3 =	vld [tilespmem:s5+$0x0]  }
0x84: {  	_ =	sdelay $0x3  }
0x85: {  	v3 =	vmul.f32 $6.553600000e+04, v3;
	_ =	sdelay $0x1  }
0x86: {  	v4 =	vor.u32 s1, v1;
	v3 =	vtrunc.f32 v3  }
0x87: {  	v3 =	vcvt.f32.s32 v3;
	_ =	sdelay $0x1  }
0x88: {  	v3 =	vshll.u32 v3, $0x1  }
0x89: {  	v3 =	vadd.s32 $0x10000, v3  }
0x8a: {  	s7 =	simm.s32 $0x100;
	s5 =	simm.s32 $0x100F8;
	[tilespmem:v4+s11+$0x0] =	vst.idx.msk $0xffff, v3  }
0x8b: {  	[tilespmem:s22], [sflag:$0x1] =	stream.indirect.gather [hbm4b:s10+s7], $0x4, s11, s7, $0xb8;
	[tilespmem:$0x1F5F8] =	vst v63  }
0x8c: {  	s1 =	simm.s32 $0x0;
	s7 =	simm.s32 $0x20;
	s11 =	simm.s32 $0x107F8;
	v3 =	vld [tilespmem:s5+$0x0]  }
.LBB2_15:
0x8d: {  	p0 =	sne.s32 s7, $0xE0;
	_ =	sdelay $0x3  }
0x8e: {  	v3 =	vmul.f32 $6.553600000e+04, v3;
	_ =	sdelay $0x1  }
0x8f: {  	v4 =	vor.u32 s1, v1;
	s1 =	smov.u32 s7;
	v3 =	vtrunc.f32 v3  }
0x90: {  	v3 =	vcvt.f32.s32 v3  }
.Ltmp6:
0x91: {  	(pc) =	sbr.rel @p0 .LBB2_15-.Ltmp6, $4  }
0x92: {  	v3 =	vshll.u32 v3, $0x1  }
0x93: {  	v3 =	vadd.s32 $0x10000, v3  }
0x94: {  	s5 =	sadd.s32 $0x10, s5;
	[tilespmem:v4+s11+$0x0] =	vst.idx.msk $0xffff, v3  }
0x95: {  	s7 =	sadd.s32 $0x20, s7;
	v3 =	vld [tilespmem:s5+$0x0]  }
0x96: {  	_ =	sdelay $0x3  }
0x97: {  	v3 =	vmul.f32 $6.553600000e+04, v3;
	_ =	sdelay $0x1  }
0x98: {  	v4 =	vor.u32 s1, v1;
	v3 =	vtrunc.f32 v3  }
0x99: {  	v3 =	vcvt.f32.s32 v3;
	_ =	sdelay $0x1  }
0x9a: {  	v3 =	vshll.u32 v3, $0x1  }
0x9b: {  	v3 =	vadd.s32 $0x10000, v3  }
0x9c: {  	s7 =	simm.s32 $0x100;
	s5 =	simm.s32 $0x10178;
	[tilespmem:v4+s11+$0x0] =	vst.idx.msk $0xffff, v3  }
0x9d: {  	[tilespmem:s24], [sflag:$0x1] =	stream.indirect.gather [hbm4b:s10+s7], $0x4, s11, s7, $0xb8;
	[tilespmem:$0x1F5F8] =	vst v63  }
0x9e: {  	s1 =	simm.s32 $0x0;
	s7 =	simm.s32 $0x20;
	s11 =	simm.s32 $0x108F8;
	v3 =	vld [tilespmem:s5+$0x0]  }
.LBB2_17:
0x9f: {  	p0 =	sne.s32 s7, $0xE0;
	_ =	sdelay $0x3  }
0xa0: {  	v3 =	vmul.f32 $6.553600000e+04, v3;
	_ =	sdelay $0x1  }
0xa1: {  	v4 =	vor.u32 s1, v1;
	s1 =	smov.u32 s7;
	v3 =	vtrunc.f32 v3  }
0xa2: {  	v3 =	vcvt.f32.s32 v3  }
.Ltmp7:
0xa3: {  	(pc) =	sbr.rel @p0 .LBB2_17-.Ltmp7, $4  }
0xa4: {  	v3 =	vshll.u32 v3, $0x1  }
0xa5: {  	v3 =	vadd.s32 $0x10000, v3  }
0xa6: {  	s5 =	sadd.s32 $0x10, s5;
	[tilespmem:v4+s11+$0x0] =	vst.idx.msk $0xffff, v3  }
0xa7: {  	s7 =	sadd.s32 $0x20, s7;
	v3 =	vld [tilespmem:s5+$0x0]  }
0xa8: {  	_ =	sdelay $0x3  }
0xa9: {  	v3 =	vmul.f32 $6.553600000e+04, v3;
	_ =	sdelay $0x1  }
0xaa: {  	v4 =	vor.u32 s1, v1;
	v3 =	vtrunc.f32 v3  }
0xab: {  	v3 =	vcvt.f32.s32 v3;
	_ =	sdelay $0x1  }
0xac: {  	v3 =	vshll.u32 v3, $0x1  }
0xad: {  	v3 =	vadd.s32 $0x10000, v3  }
0xae: {  	s7 =	simm.s32 $0x100;
	s5 =	simm.s32 $0xFFF8;
	[tilespmem:v4+s11+$0x0] =	vst.idx.msk $0xffff, v3  }
0xaf: {  	[tilespmem:s26], [sflag:$0x1] =	stream.indirect.gather [hbm4b:s10+s7], $0x4, s11, s7, $0xb8;
	[tilespmem:$0x1F5F8] =	vst v63  }
0xb0: {  	s1 =	simm.s32 $0x0;
	s7 =	simm.s32 $0x20;
	s11 =	simm.s32 $0x109F8;
	v3 =	vld [tilespmem:s5+$0x0]  }
.LBB2_19:
0xb1: {  	p0 =	sne.s32 s7, $0xE0;
	_ =	sdelay $0x3  }
0xb2: {  	v3 =	vmul.f32 $1.310720000e+05, v3;
	_ =	sdelay $0x1  }
0xb3: {  	v4 =	vor.u32 s1, v1;
	s1 =	smov.u32 s7;
	v3 =	vtrunc.f32 v3  }
0xb4: {  	v3 =	vcvt.f32.s32 v3  }
.Ltmp8:
0xb5: {  	(pc) =	sbr.rel @p0 .LBB2_19-.Ltmp8, $4  }
0xb6: {  	v3 =	vshll.u32 v3, $0x1  }
0xb7: {  	v3 =	vadd.s32 $0x30000, v3  }
0xb8: {  	s5 =	sadd.s32 $0x10, s5;
	[tilespmem:v4+s11+$0x0] =	vst.idx.msk $0xffff, v3  }
0xb9: {  	s7 =	sadd.s32 $0x20, s7;
	v3 =	vld [tilespmem:s5+$0x0]  }
0xba: {  	_ =	sdelay $0x3  }
0xbb: {  	v3 =	vmul.f32 $1.310720000e+05, v3;
	_ =	sdelay $0x1  }
0xbc: {  	v4 =	vor.u32 s1, v1;
	v3 =	vtrunc.f32 v3  }
0xbd: {  	v3 =	vcvt.f32.s32 v3;
	_ =	sdelay $0x1  }
0xbe: {  	v3 =	vshll.u32 v3, $0x1  }
0xbf: {  	v3 =	vadd.s32 $0x30000, v3  }
0xc0: {  	s7 =	simm.s32 $0x100;
	s5 =	simm.s32 $0x10078;
	[tilespmem:v4+s11+$0x0] =	vst.idx.msk $0xffff, v3  }
0xc1: {  	[tilespmem:s29], [sflag:$0x1] =	stream.indirect.gather [hbm4b:s10+s7], $0x4, s11, s7, $0xb8;
	[tilespmem:$0x1F5F8] =	vst v63  }
0xc2: {  	s1 =	simm.s32 $0x0;
	s7 =	simm.s32 $0x20;
	s11 =	simm.s32 $0x10AF8;
	v3 =	vld [tilespmem:s5+$0x0]  }
.LBB2_21:
0xc3: {  	p0 =	sne.s32 s7, $0xE0;
	_ =	sdelay $0x3  }
0xc4: {  	v3 =	vmul.f32 $1.310720000e+05, v3;
	_ =	sdelay $0x1  }
0xc5: {  	v4 =	vor.u32 s1, v1;
	s1 =	smov.u32 s7;
	v3 =	vtrunc.f32 v3  }
0xc6: {  	v3 =	vcvt.f32.s32 v3  }
.Ltmp9:
0xc7: {  	(pc) =	sbr.rel @p0 .LBB2_21-.Ltmp9, $4  }
0xc8: {  	v3 =	vshll.u32 v3, $0x1  }
0xc9: {  	v3 =	vadd.s32 $0x30000, v3  }
0xca: {  	s5 =	sadd.s32 $0x10, s5;
	[tilespmem:v4+s11+$0x0] =	vst.idx.msk $0xffff, v3  }
0xcb: {  	s7 =	sadd.s32 $0x20, s7;
	v3 =	vld [tilespmem:s5+$0x0]  }
0xcc: {  	_ =	sdelay $0x3  }
0xcd: {  	v3 =	vmul.f32 $1.310720000e+05, v3;
	_ =	sdelay $0x1  }
0xce: {  	v4 =	vor.u32 s1, v1;
	v3 =	vtrunc.f32 v3  }
0xcf: {  	v3 =	vcvt.f32.s32 v3;
	_ =	sdelay $0x1  }
0xd0: {  	v3 =	vshll.u32 v3, $0x1  }
0xd1: {  	v3 =	vadd.s32 $0x30000, v3  }
0xd2: {  	s7 =	simm.s32 $0x100;
	s5 =	simm.s32 $0x100F8;
	[tilespmem:v4+s11+$0x0] =	vst.idx.msk $0xffff, v3  }
0xd3: {  	[tilespmem:s31], [sflag:$0x1] =	stream.indirect.gather [hbm4b:s10+s7], $0x4, s11, s7, $0xb8;
	[tilespmem:$0x1F5F8] =	vst v63  }
0xd4: {  	s1 =	simm.s32 $0x0;
	s7 =	simm.s32 $0x20;
	s11 =	simm.s32 $0x10BF8;
	v3 =	vld [tilespmem:s5+$0x0]  }
.LBB2_23:
0xd5: {  	p0 =	sne.s32 s7, $0xE0;
	_ =	sdelay $0x3  }
0xd6: {  	v3 =	vmul.f32 $1.310720000e+05, v3;
	_ =	sdelay $0x1  }
0xd7: {  	v4 =	vor.u32 s1, v1;
	s1 =	smov.u32 s7;
	v3 =	vtrunc.f32 v3  }
0xd8: {  	v3 =	vcvt.f32.s32 v3  }
.Ltmp10:
0xd9: {  	(pc) =	sbr.rel @p0 .LBB2_23-.Ltmp10, $4  }
0xda: {  	v3 =	vshll.u32 v3, $0x1  }
0xdb: {  	v3 =	vadd.s32 $0x30000, v3  }
0xdc: {  	s5 =	sadd.s32 $0x10, s5;
	[tilespmem:v4+s11+$0x0] =	vst.idx.msk $0xffff, v3  }
0xdd: {  	s7 =	sadd.s32 $0x20, s7;
	v3 =	vld [tilespmem:s5+$0x0]  }
0xde: {  	_ =	sdelay $0x3  }
0xdf: {  	v3 =	vmul.f32 $1.310720000e+05, v3;
	_ =	sdelay $0x1  }
0xe0: {  	v4 =	vor.u32 s1, v1;
	v3 =	vtrunc.f32 v3  }
0xe1: {  	v3 =	vcvt.f32.s32 v3;
	_ =	sdelay $0x1  }
0xe2: {  	v3 =	vshll.u32 v3, $0x1  }
0xe3: {  	v3 =	vadd.s32 $0x30000, v3  }
0xe4: {  	s7 =	simm.s32 $0x100;
	s5 =	simm.s32 $0x10178;
	[tilespmem:v4+s11+$0x0] =	vst.idx.msk $0xffff, v3  }
0xe5: {  	[tilespmem:s4], [sflag:$0x1] =	stream.indirect.gather [hbm4b:s10+s7], $0x4, s11, s7, $0xb8;
	[tilespmem:$0x1F5F8] =	vst v63  }
0xe6: {  	s1 =	simm.s32 $0x0;
	s7 =	simm.s32 $0x20;
	s11 =	simm.s32 $0x10CF8;
	v3 =	vld [tilespmem:s5+$0x0]  }
.LBB2_25:
0xe7: {  	p0 =	sne.s32 s7, $0xE0;
	_ =	sdelay $0x3  }
0xe8: {  	v3 =	vmul.f32 $1.310720000e+05, v3;
	_ =	sdelay $0x1  }
0xe9: {  	v4 =	vor.u32 s1, v1;
	s1 =	smov.u32 s7;
	v3 =	vtrunc.f32 v3  }
0xea: {  	v3 =	vcvt.f32.s32 v3  }
.Ltmp11:
0xeb: {  	(pc) =	sbr.rel @p0 .LBB2_25-.Ltmp11, $4  }
0xec: {  	v3 =	vshll.u32 v3, $0x1  }
0xed: {  	v3 =	vadd.s32 $0x30000, v3  }
0xee: {  	s5 =	sadd.s32 $0x10, s5;
	[tilespmem:v4+s11+$0x0] =	vst.idx.msk $0xffff, v3  }
0xef: {  	s7 =	sadd.s32 $0x20, s7;
	v3 =	vld [tilespmem:s5+$0x0]  }
0xf0: {  	_ =	sdelay $0x3  }
0xf1: {  	v3 =	vmul.f32 $1.310720000e+05, v3;
	_ =	sdelay $0x1  }
0xf2: {  	v4 =	vor.u32 s1, v1;
	v3 =	vtrunc.f32 v3  }
0xf3: {  	v3 =	vcvt.f32.s32 v3;
	_ =	sdelay $0x1  }
0xf4: {  	v3 =	vshll.u32 v3, $0x1  }
0xf5: {  	v3 =	vadd.s32 $0x30000, v3  }
0xf6: {  	s7 =	simm.s32 $0x100;
	s5 =	simm.s32 $0xFFF8;
	[tilespmem:v4+s11+$0x0] =	vst.idx.msk $0xffff, v3  }
0xf7: {  	[tilespmem:s8], [sflag:$0x1] =	stream.indirect.gather [hbm4b:s10+s7], $0x4, s11, s7, $0xb8;
	[tilespmem:$0x1F5F8] =	vst v63  }
0xf8: {  	s1 =	simm.s32 $0x0;
	s7 =	simm.s32 $0x20;
	s11 =	simm.s32 $0x10DF8;
	v3 =	vld [tilespmem:s5+$0x0]  }
.LBB2_27:
0xf9: {  	p0 =	sne.s32 s7, $0xE0;
	_ =	sdelay $0x3  }
0xfa: {  	v3 =	vmul.f32 $2.621440000e+05, v3;
	_ =	sdelay $0x1  }
0xfb: {  	v4 =	vor.u32 s1, v1;
	s1 =	smov.u32 s7;
	v3 =	vtrunc.f32 v3  }
0xfc: {  	v3 =	vcvt.f32.s32 v3  }
.Ltmp12:
0xfd: {  	(pc) =	sbr.rel @p0 .LBB2_27-.Ltmp12, $4  }
0xfe: {  	v3 =	vshll.u32 v3, $0x1  }
0xff: {  	v3 =	vadd.s32 $0x70000, v3  }
0x100: {  	s5 =	sadd.s32 $0x10, s5;
	[tilespmem:v4+s11+$0x0] =	vst.idx.msk $0xffff, v3  }
0x101: {  	s7 =	sadd.s32 $0x20, s7;
	v3 =	vld [tilespmem:s5+$0x0]  }
0x102: {  	_ =	sdelay $0x3  }
0x103: {  	v3 =	vmul.f32 $2.621440000e+05, v3;
	_ =	sdelay $0x1  }
0x104: {  	v4 =	vor.u32 s1, v1;
	v3 =	vtrunc.f32 v3  }
0x105: {  	v3 =	vcvt.f32.s32 v3;
	_ =	sdelay $0x1  }
0x106: {  	v3 =	vshll.u32 v3, $0x1  }
0x107: {  	v3 =	vadd.s32 $0x70000, v3  }
0x108: {  	s7 =	simm.s32 $0x100;
	s5 =	simm.s32 $0x10078;
	[tilespmem:v4+s11+$0x0] =	vst.idx.msk $0xffff, v3  }
0x109: {  	[tilespmem:s2], [sflag:$0x1] =	stream.indirect.gather [hbm4b:s10+s7], $0x4, s11, s7, $0xb8;
	[tilespmem:$0x1F5F8] =	vst v63  }
0x10a: {  	s1 =	simm.s32 $0x0;
	s7 =	simm.s32 $0x20;
	s11 =	simm.s32 $0x10EF8;
	v3 =	vld [tilespmem:s5+$0x0]  }
.LBB2_29:
0x10b: {  	p0 =	sne.s32 s7, $0xE0;
	_ =	sdelay $0x3  }
0x10c: {  	v3 =	vmul.f32 $2.621440000e+05, v3;
	_ =	sdelay $0x1  }
0x10d: {  	v4 =	vor.u32 s1, v1;
	s1 =	smov.u32 s7;
	v3 =	vtrunc.f32 v3  }
0x10e: {  	v3 =	vcvt.f32.s32 v3  }
.Ltmp13:
0x10f: {  	(pc) =	sbr.rel @p0 .LBB2_29-.Ltmp13, $4  }
0x110: {  	v3 =	vshll.u32 v3, $0x1  }
0x111: {  	v3 =	vadd.s32 $0x70000, v3  }
0x112: {  	s5 =	sadd.s32 $0x10, s5;
	[tilespmem:v4+s11+$0x0] =	vst.idx.msk $0xffff, v3  }
0x113: {  	s7 =	sadd.s32 $0x20, s7;
	v3 =	vld [tilespmem:s5+$0x0]  }
0x114: {  	_ =	sdelay $0x3  }
0x115: {  	v3 =	vmul.f32 $2.621440000e+05, v3;
	_ =	sdelay $0x1  }
0x116: {  	v4 =	vor.u32 s1, v1;
	v3 =	vtrunc.f32 v3  }
0x117: {  	v3 =	vcvt.f32.s32 v3;
	_ =	sdelay $0x1  }
0x118: {  	v3 =	vshll.u32 v3, $0x1  }
0x119: {  	v3 =	vadd.s32 $0x70000, v3  }
0x11a: {  	s7 =	simm.s32 $0x100;
	s5 =	simm.s32 $0x100F8;
	[tilespmem:v4+s11+$0x0] =	vst.idx.msk $0xffff, v3  }
0x11b: {  	[tilespmem:s9], [sflag:$0x1] =	stream.indirect.gather [hbm4b:s10+s7], $0x4, s11, s7, $0xb8;
	[tilespmem:$0x1F5F8] =	vst v63  }
0x11c: {  	s1 =	simm.s32 $0x0;
	s7 =	simm.s32 $0x20;
	s11 =	simm.s32 $0x10FF8;
	v3 =	vld [tilespmem:s5+$0x0]  }
.LBB2_31:
0x11d: {  	p0 =	sne.s32 s7, $0xE0;
	_ =	sdelay $0x3  }
0x11e: {  	v3 =	vmul.f32 $2.621440000e+05, v3;
	_ =	sdelay $0x1  }
0x11f: {  	v4 =	vor.u32 s1, v1;
	s1 =	smov.u32 s7;
	v3 =	vtrunc.f32 v3  }
0x120: {  	v3 =	vcvt.f32.s32 v3  }
.Ltmp14:
0x121: {  	(pc) =	sbr.rel @p0 .LBB2_31-.Ltmp14, $4  }
0x122: {  	v3 =	vshll.u32 v3, $0x1  }
0x123: {  	v3 =	vadd.s32 $0x70000, v3  }
0x124: {  	s5 =	sadd.s32 $0x10, s5;
	[tilespmem:v4+s11+$0x0] =	vst.idx.msk $0xffff, v3  }
0x125: {  	s7 =	sadd.s32 $0x20, s7;
	v3 =	vld [tilespmem:s5+$0x0]  }
0x126: {  	_ =	sdelay $0x3  }
0x127: {  	v3 =	vmul.f32 $2.621440000e+05, v3;
	_ =	sdelay $0x1  }
0x128: {  	v4 =	vor.u32 s1, v1;
	v3 =	vtrunc.f32 v3  }
0x129: {  	v3 =	vcvt.f32.s32 v3;
	_ =	sdelay $0x1  }
0x12a: {  	v3 =	vshll.u32 v3, $0x1  }
0x12b: {  	v3 =	vadd.s32 $0x70000, v3  }
0x12c: {  	s7 =	simm.s32 $0x100;
	s5 =	simm.s32 $0x10178;
	[tilespmem:v4+s11+$0x0] =	vst.idx.msk $0xffff, v3  }
0x12d: {  	[tilespmem:s6], [sflag:$0x1] =	stream.indirect.gather [hbm4b:s10+s7], $0x4, s11, s7, $0xb8;
	[tilespmem:$0x1F5F8] =	vst v63  }
0x12e: {  	s1 =	simm.s32 $0x0;
	s7 =	simm.s32 $0x20;
	s11 =	simm.s32 $0x110F8;
	v3 =	vld [tilespmem:s5+$0x0]  }
.LBB2_33:
0x12f: {  	p0 =	sne.s32 s7, $0xE0;
	_ =	sdelay $0x3  }
0x130: {  	v3 =	vmul.f32 $2.621440000e+05, v3;
	_ =	sdelay $0x1  }
0x131: {  	v4 =	vor.u32 s1, v1;
	s1 =	smov.u32 s7;
	v3 =	vtrunc.f32 v3  }
0x132: {  	v3 =	vcvt.f32.s32 v3  }
.Ltmp15:
0x133: {  	(pc) =	sbr.rel @p0 .LBB2_33-.Ltmp15, $4  }
0x134: {  	v3 =	vshll.u32 v3, $0x1  }
0x135: {  	v3 =	vadd.s32 $0x70000, v3  }
0x136: {  	s5 =	sadd.s32 $0x10, s5;
	[tilespmem:v4+s11+$0x0] =	vst.idx.msk $0xffff, v3  }
0x137: {  	s7 =	sadd.s32 $0x20, s7;
	v3 =	vld [tilespmem:s5+$0x0]  }
0x138: {  	_ =	sdelay $0x3  }
0x139: {  	v3 =	vmul.f32 $2.621440000e+05, v3;
	_ =	sdelay $0x1  }
0x13a: {  	v4 =	vor.u32 s1, v1;
	v3 =	vtrunc.f32 v3  }
0x13b: {  	v3 =	vcvt.f32.s32 v3;
	_ =	sdelay $0x1  }
0x13c: {  	v3 =	vshll.u32 v3, $0x1  }
0x13d: {  	v3 =	vadd.s32 $0x70000, v3  }
0x13e: {  	s7 =	simm.s32 $0x100;
	s5 =	simm.s32 $0xFFF8;
	[tilespmem:v4+s11+$0x0] =	vst.idx.msk $0xffff, v3  }
0x13f: {  	[tilespmem:s13], [sflag:$0x1] =	stream.indirect.gather [hbm4b:s10+s7], $0x4, s11, s7, $0xb8;
	[tilespmem:$0x1F5F8] =	vst v63  }
0x140: {  	s1 =	simm.s32 $0x0;
	s7 =	simm.s32 $0x20;
	v3 =	vld [tilespmem:s5+$0x0]  }
.LBB2_35:
0x141: {  	p0 =	sne.s32 s7, $0xE0;
	_ =	sdelay $0x3  }
0x142: {  	v3 =	vmul.f32 $5.242880000e+05, v3;
	_ =	sdelay $0x1  }
0x143: {  	v4 =	vor.u32 s1, v1;
	s1 =	smov.u32 s7;
	v3 =	vtrunc.f32 v3  }
0x144: {  	v3 =	vcvt.f32.s32 v3  }
.Ltmp16:
0x145: {  	(pc) =	sbr.rel @p0 .LBB2_35-.Ltmp16, $4  }
0x146: {  	v3 =	vshll.u32 v3, $0x1  }
0x147: {  	v3 =	vadd.s32 $0xF0000, v3  }
0x148: {  	s5 =	sadd.s32 $0x10, s5;
	[tilespmem:v4+s15+$0x0] =	vst.idx.msk $0xffff, v3  }
0x149: {  	s7 =	sadd.s32 $0x20, s7;
	v3 =	vld [tilespmem:s5+$0x0]  }
0x14a: {  	_ =	sdelay $0x3  }
0x14b: {  	v3 =	vmul.f32 $5.242880000e+05, v3;
	_ =	sdelay $0x1  }
0x14c: {  	v4 =	vor.u32 s1, v1;
	v3 =	vtrunc.f32 v3  }
0x14d: {  	v3 =	vcvt.f32.s32 v3;
	_ =	sdelay $0x1  }
0x14e: {  	v3 =	vshll.u32 v3, $0x1  }
0x14f: {  	v3 =	vadd.s32 $0xF0000, v3  }
0x150: {  	s11 =	simm.s32 $0x100;
	s5 =	simm.s32 $0x10078;
	[tilespmem:v4+s15+$0x0] =	vst.idx.msk $0xffff, v3  }
0x151: {  	[tilespmem:s17], [sflag:$0x1] =	stream.indirect.gather [hbm4b:s10+s11], $0x4, s15, s11, $0xb8;
	[tilespmem:$0x1F5F8] =	vst v63  }
0x152: {  	s1 =	simm.s32 $0x0;
	s7 =	simm.s32 $0x20;
	v3 =	vld [tilespmem:s5+$0x0]  }
.LBB2_37:
0x153: {  	p0 =	sne.s32 s7, $0xE0;
	_ =	sdelay $0x3  }
0x154: {  	v3 =	vmul.f32 $5.242880000e+05, v3;
	_ =	sdelay $0x1  }
0x155: {  	v4 =	vor.u32 s1, v1;
	s1 =	smov.u32 s7;
	v3 =	vtrunc.f32 v3  }
0x156: {  	v3 =	vcvt.f32.s32 v3  }
.Ltmp17:
0x157: {  	(pc) =	sbr.rel @p0 .LBB2_37-.Ltmp17, $4  }
0x158: {  	v3 =	vshll.u32 v3, $0x1  }
0x159: {  	v3 =	vadd.s32 $0xF0000, v3  }
0x15a: {  	s5 =	sadd.s32 $0x10, s5;
	[tilespmem:v4+s19+$0x0] =	vst.idx.msk $0xffff, v3  }
0x15b: {  	s7 =	sadd.s32 $0x20, s7;
	v3 =	vld [tilespmem:s5+$0x0]  }
0x15c: {  	_ =	sdelay $0x3  }
0x15d: {  	v3 =	vmul.f32 $5.242880000e+05, v3;
	_ =	sdelay $0x1  }
0x15e: {  	v4 =	vor.u32 s1, v1;
	v3 =	vtrunc.f32 v3  }
0x15f: {  	v3 =	vcvt.f32.s32 v3;
	_ =	sdelay $0x1  }
0x160: {  	v3 =	vshll.u32 v3, $0x1  }
0x161: {  	v3 =	vadd.s32 $0xF0000, v3  }
0x162: {  	s11 =	simm.s32 $0x100;
	s5 =	simm.s32 $0x100F8;
	[tilespmem:v4+s19+$0x0] =	vst.idx.msk $0xffff, v3  }
0x163: {  	[tilespmem:s21], [sflag:$0x1] =	stream.indirect.gather [hbm4b:s10+s11], $0x4, s19, s11, $0xb8;
	[tilespmem:$0x1F5F8] =	vst v63  }
0x164: {  	s1 =	simm.s32 $0x0;
	s7 =	simm.s32 $0x20;
	v3 =	vld [tilespmem:s5+$0x0]  }
.LBB2_39:
0x165: {  	p0 =	sne.s32 s7, $0xE0;
	_ =	sdelay $0x3  }
0x166: {  	v3 =	vmul.f32 $5.242880000e+05, v3;
	_ =	sdelay $0x1  }
0x167: {  	v4 =	vor.u32 s1, v1;
	s1 =	smov.u32 s7;
	v3 =	vtrunc.f32 v3  }
0x168: {  	v3 =	vcvt.f32.s32 v3  }
.Ltmp18:
0x169: {  	(pc) =	sbr.rel @p0 .LBB2_39-.Ltmp18, $4  }
0x16a: {  	v3 =	vshll.u32 v3, $0x1  }
0x16b: {  	v3 =	vadd.s32 $0xF0000, v3  }
0x16c: {  	s5 =	sadd.s32 $0x10, s5;
	[tilespmem:v4+s23+$0x0] =	vst.idx.msk $0xffff, v3  }
0x16d: {  	s7 =	sadd.s32 $0x20, s7;
	v3 =	vld [tilespmem:s5+$0x0]  }
0x16e: {  	_ =	sdelay $0x3  }
0x16f: {  	v3 =	vmul.f32 $5.242880000e+05, v3;
	_ =	sdelay $0x1  }
0x170: {  	v4 =	vor.u32 s1, v1;
	v3 =	vtrunc.f32 v3  }
0x171: {  	v3 =	vcvt.f32.s32 v3;
	_ =	sdelay $0x1  }
0x172: {  	v3 =	vshll.u32 v3, $0x1  }
0x173: {  	v3 =	vadd.s32 $0xF0000, v3  }
0x174: {  	s11 =	simm.s32 $0x100;
	s5 =	simm.s32 $0x10178;
	[tilespmem:v4+s23+$0x0] =	vst.idx.msk $0xffff, v3  }
0x175: {  	[tilespmem:s25], [sflag:$0x1] =	stream.indirect.gather [hbm4b:s10+s11], $0x4, s23, s11, $0xb8;
	[tilespmem:$0x1F5F8] =	vst v63  }
0x176: {  	s1 =	simm.s32 $0x0;
	s7 =	simm.s32 $0x20;
	v3 =	vld [tilespmem:s5+$0x0]  }
.LBB2_41:
0x177: {  	p0 =	sne.s32 s7, $0xE0;
	_ =	sdelay $0x3  }
0x178: {  	v3 =	vmul.f32 $5.242880000e+05, v3;
	_ =	sdelay $0x1  }
0x179: {  	v4 =	vor.u32 s1, v1;
	s1 =	smov.u32 s7;
	v3 =	vtrunc.f32 v3  }
0x17a: {  	v3 =	vcvt.f32.s32 v3  }
.Ltmp19:
0x17b: {  	(pc) =	sbr.rel @p0 .LBB2_41-.Ltmp19, $4  }
0x17c: {  	v3 =	vshll.u32 v3, $0x1  }
0x17d: {  	v3 =	vadd.s32 $0xF0000, v3  }
0x17e: {  	s5 =	sadd.s32 $0x10, s5;
	[tilespmem:v4+s28+$0x0] =	vst.idx.msk $0xffff, v3  }
0x17f: {  	s7 =	sadd.s32 $0x20, s7;
	v3 =	vld [tilespmem:s5+$0x0]  }
0x180: {  	_ =	sdelay $0x3  }
0x181: {  	v3 =	vmul.f32 $5.242880000e+05, v3;
	_ =	sdelay $0x1  }
0x182: {  	v4 =	vor.u32 s1, v1;
	v3 =	vtrunc.f32 v3  }
0x183: {  	v3 =	vcvt.f32.s32 v3;
	_ =	sdelay $0x1  }
0x184: {  	v3 =	vshll.u32 v3, $0x1  }
0x185: {  	v3 =	vadd.s32 $0xF0000, v3  }
0x186: {  	s11 =	simm.s32 $0x100;
	s1 =	simm.s32 $0xFFF8;
	[tilespmem:v4+s28+$0x0] =	vst.idx.msk $0xffff, v3  }
0x187: {  	[tilespmem:s30], [sflag:$0x1] =	stream.indirect.gather [hbm4b:s10+s11], $0x4, s28, s11, $0xb8;
	[tilespmem:$0x1F5F8] =	vst v63  }
0x188: {  	v3 =	vld [tilespmem:s1+$0x0];
	_ =	sdelay $0x4  }
0x189: {  	v4 =	vmul.f32 $1.600000000e+01, v3;
	_ =	sdelay $0x1  }
0x18a: {  	v4 =	vtrunc.f32 v4  }
0x18b: {  	v4 =	vcvt.f32.s32 v4;
	_ =	sdelay $0x1  }
0x18c: {  	v5 =	vshll.u32 v4, $0x1  }
0x18d: {  	v6 =	vor.u32 $0x1, v5  }
0x18e: {  	v4 =	vcvt.s32.f32 v4;
	v7 =	vadd.s32 $0x2, v5  }
0x18f: {  	v8 =	vadd.s32 $0x3, v5  }
0x190: {  	s5 =	simm.s32 $0x0;
	v4 =	vmul.f32 $-6.250000000e-02, v4  }
0x191: {  	v5 =	vld.idx.msk [tilespmem:v5+s5+$0x0], $0xffff  }
0x192: {  	v3 =	vadd.f32 v4, v3;
	v4 =	vld.idx.msk [tilespmem:v6+s5+$0x0], $0xffff  }
0x193: {  	v6 =	vld.idx.msk [tilespmem:v7+s5+$0x0], $0xffff  }
0x194: {  	v7 =	vld.idx.msk [tilespmem:v8+s5+$0x0], $0xffff;
	v8 =	vmul.f32 $1.600000000e+01, v3;
	_ =	sdelay $0x1  }
0x195: {  	v3 =	vmov s5;
	v9 =	vsub.f32 $1.000000000e+00, v8  }
0x196: {  	v3 =	vshll.u32 v3, $0x5  }
0x197: {  	v10 =	vmul.f32 v9, v5;
	v9 =	vmul.f32 v9, v4;
	v4 =	vor.u32 v2, v3  }
0x198: {  	v6 =	vmul.f32 v8, v6;
	v8 =	vmul.f32 v8, v7;
	v5 =	vor.u32 $0x1, v4;
	_ =	sdelay $0x1  }
0x199: {  	s7 =	simm.s32 $0x10;
	s11 =	simm.s32 $0xFFF8;
	v7 =	vadd.f32 v10, v6;
	v6 =	vadd.f32 v9, v8  }
.LBB2_43:
0x19a: {  	p0 =	sne.s32 s7, $0x1F0  }
0x19b: {  	[tilespmem:v4+s0+$0x0] =	vst.idx.msk $0xffff, v7;
	s11 =	sadd.s32 $0x10, s11;
	s10 =	smov.u32 s7;
	s7 =	sadd.s32 $0x10, s7  }
0x19c: {  	[tilespmem:v5+s0+$0x0] =	vst.idx.msk $0xffff, v6  }
0x19d: {  	v4 =	vld [tilespmem:s11+$0x0];
	_ =	sdelay $0x4  }
0x19e: {  	v5 =	vmul.f32 $1.600000000e+01, v4;
	_ =	sdelay $0x1  }
0x19f: {  	v5 =	vtrunc.f32 v5  }
0x1a0: {  	v5 =	vcvt.f32.s32 v5;
	_ =	sdelay $0x1  }
0x1a1: {  	v6 =	vcvt.s32.f32 v5;
	v5 =	vshll.u32 v5, $0x1  }
0x1a2: {  	v7 =	vor.u32 $0x1, v5;
	v8 =	vadd.s32 $0x2, v5;
	v9 =	vadd.s32 $0x3, v5  }
0x1a3: {  	v6 =	vmul.f32 $-6.250000000e-02, v6;
	_ =	sdelay $0x1  }
0x1a4: {  	v4 =	vadd.f32 v6, v4  }
0x1a5: {  	v5 =	vld.idx.msk [tilespmem:v5+s5+$0x0], $0xffff  }
0x1a6: {  	v6 =	vld.idx.msk [tilespmem:v7+s5+$0x0], $0xffff  }
0x1a7: {  	v7 =	vld.idx.msk [tilespmem:v8+s5+$0x0], $0xffff  }
0x1a8: {  	v8 =	vld.idx.msk [tilespmem:v9+s5+$0x0], $0xffff  }
0x1a9: {  	v9 =	vmul.f32 $1.600000000e+01, v4  }
0x1aa: {  	v4 =	vmov s10  }
0x1ab: {  	v4 =	vshll.u32 v4, $0x5;
	v10 =	vsub.f32 $1.000000000e+00, v9  }
.Ltmp20:
0x1ac: {  	v4 =	vor.u32 v2, v4;
	(pc) =	sbr.rel @p0 .LBB2_43-.Ltmp20, $4  }
0x1ad: {  	v11 =	vmul.f32 v10, v5;
	v7 =	vmul.f32 v9, v7;
	v5 =	vor.u32 $0x1, v4  }
0x1ae: {  	v6 =	vmul.f32 v10, v6;
	v8 =	vmul.f32 v9, v8  }
0x1af: {  	v7 =	vadd.f32 v11, v7  }
0x1b0: {  	v6 =	vadd.f32 v6, v8  }
0x1b1: {  	_ =	sdelay $0x3  }
0x1b2: {  	[tilespmem:v4+s0+$0x0] =	vst.idx.msk $0xffff, v7  }
0x1b3: {  	[tilespmem:v5+s0+$0x0] =	vst.idx.msk $0xffff, v6  }
0x1b4: {  	v4 =	vld [tilespmem:s1+$0x0];
	_ =	sdelay $0x4  }
0x1b5: {  	v5 =	vmul.f32 $3.200000000e+01, v4;
	_ =	sdelay $0x1  }
0x1b6: {  	v5 =	vtrunc.f32 v5  }
0x1b7: {  	v5 =	vcvt.f32.s32 v5;
	_ =	sdelay $0x1  }
0x1b8: {  	v6 =	vshll.u32 v5, $0x1  }
0x1b9: {  	v5 =	vcvt.s32.f32 v5;
	v7 =	vadd.s32 $0x22, v6  }
0x1ba: {  	v8 =	vadd.s32 $0x24, v6  }
0x1bb: {  	v5 =	vmul.f32 $-3.125000000e-02, v5  }
0x1bc: {  	v9 =	vadd.s32 $0x23, v6  }
0x1bd: {  	s7 =	simm.s32 $0x0;
	v4 =	vadd.f32 v5, v4;
	v5 =	vadd.s32 $0x25, v6  }
0x1be: {  	v10 =	vld.idx.msk [tilespmem:v7+s7+$0x0], $0xffff  }
0x1bf: {  	v11 =	vld.idx.msk [tilespmem:v8+s7+$0x0], $0xffff  }
0x1c0: {  	v4 =	vmul.f32 $3.200000000e+01, v4  }
0x1c1: {  	v12 =	vor.u32 v2, v3;
	v3 =	vld.idx.msk [tilespmem:v9+s7+$0x0], $0xffff  }
0x1c2: {  	v8 =	vsub.f32 $1.000000000e+00, v4;
	v6 =	vld.idx.msk [tilespmem:v5+s7+$0x0], $0xffff  }
0x1c3: {  	v7 =	vor.u32 $0x2, v12  }
0x1c4: {  	s11 =	simm.s32 $0x10;
	v5 =	vor.u32 $0x3, v12;
	v9 =	vmul.f32 v8, v10;
	v10 =	vmul.f32 v4, v11  }
.LBB2_45:
0x1c5: {  	p0 =	sne.s32 s11, $0x1F0  }
0x1c6: {  	s1 =	sadd.s32 $0x10, s1;
	s5 =	smov.u32 s11;
	s11 =	sadd.s32 $0x10, s11  }
0x1c7: {  	v3 =	vmul.f32 v8, v3;
	v4 =	vmul.f32 v4, v6;
	v9 =	vadd.f32 v9, v10;
	_ =	sdelay $0x1  }
0x1c8: {  	v3 =	vadd.f32 v3, v4;
	[tilespmem:v7+s0+$0x0] =	vst.idx.msk $0xffff, v9;
	_ =	sdelay $0x1  }
0x1c9: {  	[tilespmem:v5+s0+$0x0] =	vst.idx.msk $0xffff, v3  }
0x1ca: {  	v3 =	vld [tilespmem:s1+$0x0];
	_ =	sdelay $0x4  }
0x1cb: {  	v4 =	vmul.f32 $3.200000000e+01, v3;
	_ =	sdelay $0x1  }
0x1cc: {  	v4 =	vtrunc.f32 v4  }
0x1cd: {  	v4 =	vcvt.f32.s32 v4;
	_ =	sdelay $0x1  }
0x1ce: {  	v5 =	vcvt.s32.f32 v4;
	v4 =	vshll.u32 v4, $0x1  }
0x1cf: {  	v6 =	vadd.s32 $0x22, v4;
	v7 =	vadd.s32 $0x24, v4;
	v8 =	vadd.s32 $0x25, v4  }
0x1d0: {  	v4 =	vadd.s32 $0x23, v4;
	v5 =	vmul.f32 $-3.125000000e-02, v5;
	_ =	sdelay $0x1  }
0x1d1: {  	v5 =	vadd.f32 v5, v3;
	_ =	sdelay $0x1  }
0x1d2: {  	v9 =	vld.idx.msk [tilespmem:v6+s7+$0x0], $0xffff  }
0x1d3: {  	v10 =	vld.idx.msk [tilespmem:v7+s7+$0x0], $0xffff  }
0x1d4: {  	v3 =	vld.idx.msk [tilespmem:v4+s7+$0x0], $0xffff  }
.Ltmp21:
0x1d5: {  	v4 =	vmul.f32 $3.200000000e+01, v5;
	v5 =	vmov s5;
	v6 =	vld.idx.msk [tilespmem:v8+s7+$0x0], $0xffff;
	(pc) =	sbr.rel @p0 .LBB2_45-.Ltmp21, $4  }
0x1d6: {  	v5 =	vshll.u32 v5, $0x5  }
0x1d7: {  	v8 =	vsub.f32 $1.000000000e+00, v4;
	v5 =	vor.u32 v2, v5  }
0x1d8: {  	v7 =	vor.u32 $0x2, v5;
	v5 =	vor.u32 $0x3, v5  }
0x1d9: {  	s5 =	simm.s32 $0xFFF8;
	v9 =	vmul.f32 v8, v9;
	v10 =	vmul.f32 v4, v10  }
0x1da: {  	_ = 	snop  }
0x1db: {  	v3 =	vmul.f32 v8, v3;
	v4 =	vmul.f32 v4, v6  }
0x1dc: {  	v6 =	vadd.f32 v9, v10  }
0x1dd: {  	v3 =	vadd.f32 v3, v4  }
0x1de: {  	[tilespmem:v7+s0+$0x0] =	vst.idx.msk $0xffff, v6  }
0x1df: {  	[tilespmem:v5+s0+$0x0] =	vst.idx.msk $0xffff, v3  }
0x1e0: {  	v3 =	vld [tilespmem:s5+$0x0];
	_ =	sdelay $0x4  }
0x1e1: {  	v4 =	vmul.f32 $6.400000000e+01, v3;
	_ =	sdelay $0x1  }
0x1e2: {  	v4 =	vtrunc.f32 v4  }
0x1e3: {  	v4 =	vcvt.f32.s32 v4;
	_ =	sdelay $0x1  }
0x1e4: {  	v5 =	vshll.u32 v4, $0x1  }
0x1e5: {  	v6 =	vadd.s32 $0x64, v5;
	_ =	sdelay $0x1  }
0x1e6: {  	v4 =	vcvt.s32.f32 v4;
	v7 =	vadd.s32 $0x66, v5;
	_ =	sdelay $0x1  }
0x1e7: {  	v8 =	vadd.s32 $0x65, v5;
	v4 =	vmul.f32 $-1.562500000e-02, v4  }
0x1e8: {  	v10 =	vld.idx.msk [tilespmem:v6+s7+$0x0], $0xffff;
	v6 =	vadd.s32 $0x67, v5  }
0x1e9: {  	v3 =	vadd.f32 v4, v3  }
0x1ea: {  	v11 =	vld.idx.msk [tilespmem:v7+s7+$0x0], $0xffff  }
0x1eb: {  	v4 =	vmul.f32 $6.400000000e+01, v3;
	v3 =	vmov s7  }
0x1ec: {  	v5 =	vld.idx.msk [tilespmem:v8+s7+$0x0], $0xffff;
	v3 =	vshll.u32 v3, $0x5  }
0x1ed: {  	v9 =	vsub.f32 $1.000000000e+00, v4;
	v3 =	vor.u32 v2, v3;
	v7 =	vld.idx.msk [tilespmem:v6+s7+$0x0], $0xffff  }
0x1ee: {  	v8 =	vor.u32 $0x4, v3  }
0x1ef: {  	s1 =	simm.s32 $0x10;
	s11 =	simm.s32 $0xFFF8;
	v6 =	vor.u32 $0x5, v3;
	v10 =	vmul.f32 v9, v10;
	v11 =	vmul.f32 v4, v11  }
.LBB2_47:
0x1f0: {  	p0 =	sne.s32 s1, $0x1F0  }
0x1f1: {  	s11 =	sadd.s32 $0x10, s11;
	s10 =	smov.u32 s1;
	s1 =	sadd.s32 $0x10, s1  }
0x1f2: {  	v5 =	vmul.f32 v9, v5;
	v4 =	vmul.f32 v4, v7;
	v10 =	vadd.f32 v10, v11;
	_ =	sdelay $0x1  }
0x1f3: {  	v4 =	vadd.f32 v5, v4;
	[tilespmem:v8+s0+$0x0] =	vst.idx.msk $0xffff, v10;
	_ =	sdelay $0x1  }
0x1f4: {  	[tilespmem:v6+s0+$0x0] =	vst.idx.msk $0xffff, v4  }
0x1f5: {  	v4 =	vld [tilespmem:s11+$0x0];
	_ =	sdelay $0x4  }
0x1f6: {  	v5 =	vmul.f32 $6.400000000e+01, v4;
	_ =	sdelay $0x1  }
0x1f7: {  	v5 =	vtrunc.f32 v5  }
0x1f8: {  	v5 =	vcvt.f32.s32 v5;
	_ =	sdelay $0x1  }
0x1f9: {  	v6 =	vcvt.s32.f32 v5;
	v5 =	vshll.u32 v5, $0x1  }
0x1fa: {  	v7 =	vadd.s32 $0x64, v5;
	v8 =	vadd.s32 $0x66, v5;
	v9 =	vadd.s32 $0x67, v5  }
0x1fb: {  	v5 =	vadd.s32 $0x65, v5;
	v6 =	vmul.f32 $-1.562500000e-02, v6;
	_ =	sdelay $0x1  }
0x1fc: {  	v4 =	vadd.f32 v6, v4;
	_ =	sdelay $0x1  }
0x1fd: {  	v10 =	vld.idx.msk [tilespmem:v7+s7+$0x0], $0xffff  }
0x1fe: {  	v11 =	vld.idx.msk [tilespmem:v8+s7+$0x0], $0xffff  }
0x1ff: {  	v5 =	vld.idx.msk [tilespmem:v5+s7+$0x0], $0xffff  }
.Ltmp22:
0x200: {  	v6 =	vmov s10;
	v4 =	vmul.f32 $6.400000000e+01, v4;
	v7 =	vld.idx.msk [tilespmem:v9+s7+$0x0], $0xffff;
	(pc) =	sbr.rel @p0 .LBB2_47-.Ltmp22, $4  }
0x201: {  	v6 =	vshll.u32 v6, $0x5  }
0x202: {  	v6 =	vor.u32 v2, v6;
	v9 =	vsub.f32 $1.000000000e+00, v4  }
0x203: {  	v8 =	vor.u32 $0x4, v6;
	v6 =	vor.u32 $0x5, v6  }
0x204: {  	v10 =	vmul.f32 v9, v10;
	v11 =	vmul.f32 v4, v11  }
0x205: {  	_ = 	snop  }
0x206: {  	v5 =	vmul.f32 v9, v5;
	v4 =	vmul.f32 v4, v7  }
0x207: {  	v7 =	vadd.f32 v10, v11  }
0x208: {  	v4 =	vadd.f32 v5, v4  }
0x209: {  	[tilespmem:v8+s0+$0x0] =	vst.idx.msk $0xffff, v7  }
0x20a: {  	[tilespmem:v6+s0+$0x0] =	vst.idx.msk $0xffff, v4  }
0x20b: {  	v4 =	vld [tilespmem:s5+$0x0];
	_ =	sdelay $0x4  }
0x20c: {  	v5 =	vmul.f32 $1.280000000e+02, v4;
	_ =	sdelay $0x1  }
0x20d: {  	v5 =	vtrunc.f32 v5  }
0x20e: {  	v5 =	vcvt.f32.s32 v5;
	_ =	sdelay $0x1  }
0x20f: {  	v6 =	vshll.u32 v5, $0x1  }
0x210: {  	v7 =	vadd.s32 $0xE6, v6  }
0x211: {  	v5 =	vcvt.s32.f32 v5;
	v8 =	vadd.s32 $0xE8, v6;
	_ =	sdelay $0x1  }
0x212: {  	v9 =	vadd.s32 $0xE7, v6;
	v5 =	vmul.f32 $-7.812500000e-03, v5  }
0x213: {  	s7 =	simm.s32 $0x0;
	v6 =	vadd.s32 $0xE9, v6  }
0x214: {  	v4 =	vadd.f32 v5, v4;
	v10 =	vld.idx.msk [tilespmem:v7+s7+$0x0], $0xffff  }
0x215: {  	v11 =	vld.idx.msk [tilespmem:v8+s7+$0x0], $0xffff  }
0x216: {  	v4 =	vmul.f32 $1.280000000e+02, v4  }
0x217: {  	v5 =	vld.idx.msk [tilespmem:v9+s7+$0x0], $0xffff  }
0x218: {  	v6 =	vld.idx.msk [tilespmem:v6+s7+$0x0], $0xffff;
	v8 =	vsub.f32 $1.000000000e+00, v4  }
0x219: {  	v7 =	vor.u32 $0x6, v3  }
0x21a: {  	s11 =	simm.s32 $0x10;
	v3 =	vor.u32 $0x7, v3;
	v9 =	vmul.f32 v8, v10;
	v10 =	vmul.f32 v4, v11  }
.LBB2_49:
0x21b: {  	p0 =	sne.s32 s11, $0x1F0  }
0x21c: {  	s5 =	sadd.s32 $0x10, s5;
	s1 =	smov.u32 s11;
	s11 =	sadd.s32 $0x10, s11  }
0x21d: {  	v5 =	vmul.f32 v8, v5;
	v4 =	vmul.f32 v4, v6;
	v9 =	vadd.f32 v9, v10;
	_ =	sdelay $0x1  }
0x21e: {  	v4 =	vadd.f32 v5, v4;
	[tilespmem:v7+s0+$0x0] =	vst.idx.msk $0xffff, v9;
	_ =	sdelay $0x1  }
0x21f: {  	[tilespmem:v3+s0+$0x0] =	vst.idx.msk $0xffff, v4  }
0x220: {  	v3 =	vld [tilespmem:s5+$0x0];
	_ =	sdelay $0x4  }
0x221: {  	v4 =	vmul.f32 $1.280000000e+02, v3;
	_ =	sdelay $0x1  }
0x222: {  	v4 =	vtrunc.f32 v4  }
0x223: {  	v4 =	vcvt.f32.s32 v4;
	_ =	sdelay $0x1  }
0x224: {  	v5 =	vcvt.s32.f32 v4;
	v4 =	vshll.u32 v4, $0x1  }
0x225: {  	v6 =	vadd.s32 $0xE6, v4;
	v7 =	vadd.s32 $0xE8, v4;
	v8 =	vadd.s32 $0xE9, v4  }
0x226: {  	v4 =	vadd.s32 $0xE7, v4;
	v5 =	vmul.f32 $-7.812500000e-03, v5;
	_ =	sdelay $0x1  }
0x227: {  	v3 =	vadd.f32 v5, v3;
	_ =	sdelay $0x1  }
0x228: {  	v9 =	vld.idx.msk [tilespmem:v6+s7+$0x0], $0xffff  }
0x229: {  	v10 =	vld.idx.msk [tilespmem:v7+s7+$0x0], $0xffff  }
0x22a: {  	v5 =	vld.idx.msk [tilespmem:v4+s7+$0x0], $0xffff  }
.Ltmp23:
0x22b: {  	v4 =	vmul.f32 $1.280000000e+02, v3;
	v3 =	vmov s1;
	v6 =	vld.idx.msk [tilespmem:v8+s7+$0x0], $0xffff;
	(pc) =	sbr.rel @p0 .LBB2_49-.Ltmp23, $4  }
0x22c: {  	v3 =	vshll.u32 v3, $0x5  }
0x22d: {  	v8 =	vsub.f32 $1.000000000e+00, v4;
	v3 =	vor.u32 v2, v3  }
0x22e: {  	v7 =	vor.u32 $0x6, v3;
	v3 =	vor.u32 $0x7, v3  }
0x22f: {  	s1 =	simm.s32 $0xFFF8;
	v9 =	vmul.f32 v8, v9;
	v10 =	vmul.f32 v4, v10  }
0x230: {  	_ = 	snop  }
0x231: {  	v5 =	vmul.f32 v8, v5;
	v4 =	vmul.f32 v4, v6  }
0x232: {  	v6 =	vadd.f32 v9, v10  }
0x233: {  	v4 =	vadd.f32 v5, v4  }
0x234: {  	[tilespmem:v7+s0+$0x0] =	vst.idx.msk $0xffff, v6  }
0x235: {  	[tilespmem:v3+s0+$0x0] =	vst.idx.msk $0xffff, v4  }
0x236: {  	v3 =	vld [tilespmem:s1+$0x0];
	_ =	sdelay $0x4  }
0x237: {  	v4 =	vmul.f32 $2.560000000e+02, v3;
	_ =	sdelay $0x1  }
0x238: {  	v4 =	vtrunc.f32 v4  }
0x239: {  	v4 =	vcvt.f32.s32 v4;
	_ =	sdelay $0x1  }
0x23a: {  	v5 =	vshll.u32 v4, $0x1  }
0x23b: {  	v6 =	vadd.s32 $0x1E8, v5;
	_ =	sdelay $0x1  }
0x23c: {  	v4 =	vcvt.s32.f32 v4;
	v7 =	vadd.s32 $0x1EA, v5;
	_ =	sdelay $0x1  }
0x23d: {  	v8 =	vadd.s32 $0x1E9, v5;
	v4 =	vmul.f32 $-3.906250000e-03, v4  }
0x23e: {  	v10 =	vld.idx.msk [tilespmem:v6+s7+$0x0], $0xffff;
	v6 =	vadd.s32 $0x1EB, v5  }
0x23f: {  	v3 =	vadd.f32 v4, v3  }
0x240: {  	v11 =	vld.idx.msk [tilespmem:v7+s7+$0x0], $0xffff  }
0x241: {  	v4 =	vmul.f32 $2.560000000e+02, v3;
	v3 =	vmov s7  }
0x242: {  	v5 =	vld.idx.msk [tilespmem:v8+s7+$0x0], $0xffff;
	v3 =	vshll.u32 v3, $0x5  }
0x243: {  	v9 =	vsub.f32 $1.000000000e+00, v4;
	v3 =	vor.u32 v2, v3;
	v7 =	vld.idx.msk [tilespmem:v6+s7+$0x0], $0xffff  }
0x244: {  	v8 =	vor.u32 $0x8, v3  }
0x245: {  	s5 =	simm.s32 $0x10;
	s11 =	simm.s32 $0xFFF8;
	v6 =	vor.u32 $0x9, v3;
	v10 =	vmul.f32 v9, v10;
	v11 =	vmul.f32 v4, v11  }
.LBB2_51:
0x246: {  	p0 =	sne.s32 s5, $0x1F0  }
0x247: {  	s11 =	sadd.s32 $0x10, s11;
	s10 =	smov.u32 s5;
	s5 =	sadd.s32 $0x10, s5  }
0x248: {  	v5 =	vmul.f32 v9, v5;
	v4 =	vmul.f32 v4, v7;
	v10 =	vadd.f32 v10, v11;
	_ =	sdelay $0x1  }
0x249: {  	v4 =	vadd.f32 v5, v4;
	[tilespmem:v8+s0+$0x0] =	vst.idx.msk $0xffff, v10;
	_ =	sdelay $0x1  }
0x24a: {  	[tilespmem:v6+s0+$0x0] =	vst.idx.msk $0xffff, v4  }
0x24b: {  	v4 =	vld [tilespmem:s11+$0x0];
	_ =	sdelay $0x4  }
0x24c: {  	v5 =	vmul.f32 $2.560000000e+02, v4;
	_ =	sdelay $0x1  }
0x24d: {  	v5 =	vtrunc.f32 v5  }
0x24e: {  	v5 =	vcvt.f32.s32 v5;
	_ =	sdelay $0x1  }
0x24f: {  	v6 =	vcvt.s32.f32 v5;
	v5 =	vshll.u32 v5, $0x1  }
0x250: {  	v7 =	vadd.s32 $0x1E8, v5;
	v8 =	vadd.s32 $0x1EA, v5;
	v9 =	vadd.s32 $0x1EB, v5  }
0x251: {  	v5 =	vadd.s32 $0x1E9, v5;
	v6 =	vmul.f32 $-3.906250000e-03, v6;
	_ =	sdelay $0x1  }
0x252: {  	v4 =	vadd.f32 v6, v4;
	_ =	sdelay $0x1  }
0x253: {  	v10 =	vld.idx.msk [tilespmem:v7+s7+$0x0], $0xffff  }
0x254: {  	v11 =	vld.idx.msk [tilespmem:v8+s7+$0x0], $0xffff  }
0x255: {  	v5 =	vld.idx.msk [tilespmem:v5+s7+$0x0], $0xffff  }
.Ltmp24:
0x256: {  	v6 =	vmov s10;
	v4 =	vmul.f32 $2.560000000e+02, v4;
	v7 =	vld.idx.msk [tilespmem:v9+s7+$0x0], $0xffff;
	(pc) =	sbr.rel @p0 .LBB2_51-.Ltmp24, $4  }
0x257: {  	v6 =	vshll.u32 v6, $0x5  }
0x258: {  	v6 =	vor.u32 v2, v6;
	v9 =	vsub.f32 $1.000000000e+00, v4  }
0x259: {  	v8 =	vor.u32 $0x8, v6;
	v6 =	vor.u32 $0x9, v6  }
0x25a: {  	v10 =	vmul.f32 v9, v10;
	v11 =	vmul.f32 v4, v11  }
0x25b: {  	_ = 	snop  }
0x25c: {  	v5 =	vmul.f32 v9, v5;
	v4 =	vmul.f32 v4, v7  }
0x25d: {  	v7 =	vadd.f32 v10, v11  }
0x25e: {  	v4 =	vadd.f32 v5, v4  }
0x25f: {  	[tilespmem:v8+s0+$0x0] =	vst.idx.msk $0xffff, v7  }
0x260: {  	[tilespmem:v6+s0+$0x0] =	vst.idx.msk $0xffff, v4  }
0x261: {  	v4 =	vld [tilespmem:s1+$0x0];
	_ =	sdelay $0x4  }
0x262: {  	v5 =	vmul.f32 $5.120000000e+02, v4;
	_ =	sdelay $0x1  }
0x263: {  	v5 =	vtrunc.f32 v5  }
0x264: {  	v5 =	vcvt.f32.s32 v5;
	_ =	sdelay $0x1  }
0x265: {  	v6 =	vshll.u32 v5, $0x1  }
0x266: {  	v7 =	vadd.s32 $0x3EA, v6  }
0x267: {  	v5 =	vcvt.s32.f32 v5;
	v8 =	vadd.s32 $0x3EC, v6;
	_ =	sdelay $0x1  }
0x268: {  	v9 =	vadd.s32 $0x3EB, v6;
	v5 =	vmul.f32 $-1.953125000e-03, v5  }
0x269: {  	s5 =	simm.s32 $0x0;
	v6 =	vadd.s32 $0x3ED, v6  }
0x26a: {  	v4 =	vadd.f32 v5, v4;
	v10 =	vld.idx.msk [tilespmem:v7+s5+$0x0], $0xffff  }
0x26b: {  	v11 =	vld.idx.msk [tilespmem:v8+s5+$0x0], $0xffff  }
0x26c: {  	v4 =	vmul.f32 $5.120000000e+02, v4  }
0x26d: {  	v5 =	vld.idx.msk [tilespmem:v9+s5+$0x0], $0xffff  }
0x26e: {  	v6 =	vld.idx.msk [tilespmem:v6+s5+$0x0], $0xffff;
	v8 =	vsub.f32 $1.000000000e+00, v4  }
0x26f: {  	v7 =	vor.u32 $0xA, v3  }
0x270: {  	s11 =	simm.s32 $0x10;
	v3 =	vor.u32 $0xB, v3;
	v9 =	vmul.f32 v8, v10;
	v10 =	vmul.f32 v4, v11  }
.LBB2_53:
0x271: {  	p0 =	sne.s32 s11, $0x1F0  }
0x272: {  	s1 =	sadd.s32 $0x10, s1;
	s7 =	smov.u32 s11;
	s11 =	sadd.s32 $0x10, s11  }
0x273: {  	v5 =	vmul.f32 v8, v5;
	v4 =	vmul.f32 v4, v6;
	v9 =	vadd.f32 v9, v10;
	_ =	sdelay $0x1  }
0x274: {  	v4 =	vadd.f32 v5, v4;
	[tilespmem:v7+s0+$0x0] =	vst.idx.msk $0xffff, v9;
	_ =	sdelay $0x1  }
0x275: {  	[tilespmem:v3+s0+$0x0] =	vst.idx.msk $0xffff, v4  }
0x276: {  	v3 =	vld [tilespmem:s1+$0x0];
	_ =	sdelay $0x4  }
0x277: {  	v4 =	vmul.f32 $5.120000000e+02, v3;
	_ =	sdelay $0x1  }
0x278: {  	v4 =	vtrunc.f32 v4  }
0x279: {  	v4 =	vcvt.f32.s32 v4;
	_ =	sdelay $0x1  }
0x27a: {  	v5 =	vcvt.s32.f32 v4;
	v4 =	vshll.u32 v4, $0x1  }
0x27b: {  	v6 =	vadd.s32 $0x3EA, v4;
	v7 =	vadd.s32 $0x3EC, v4;
	v8 =	vadd.s32 $0x3ED, v4  }
0x27c: {  	v4 =	vadd.s32 $0x3EB, v4;
	v5 =	vmul.f32 $-1.953125000e-03, v5;
	_ =	sdelay $0x1  }
0x27d: {  	v3 =	vadd.f32 v5, v3;
	_ =	sdelay $0x1  }
0x27e: {  	v9 =	vld.idx.msk [tilespmem:v6+s5+$0x0], $0xffff  }
0x27f: {  	v10 =	vld.idx.msk [tilespmem:v7+s5+$0x0], $0xffff  }
0x280: {  	v5 =	vld.idx.msk [tilespmem:v4+s5+$0x0], $0xffff  }
.Ltmp25:
0x281: {  	v4 =	vmul.f32 $5.120000000e+02, v3;
	v3 =	vmov s7;
	v6 =	vld.idx.msk [tilespmem:v8+s5+$0x0], $0xffff;
	(pc) =	sbr.rel @p0 .LBB2_53-.Ltmp25, $4  }
0x282: {  	v3 =	vshll.u32 v3, $0x5  }
0x283: {  	v8 =	vsub.f32 $1.000000000e+00, v4;
	v3 =	vor.u32 v2, v3  }
0x284: {  	v7 =	vor.u32 $0xA, v3;
	v3 =	vor.u32 $0xB, v3  }
0x285: {  	s7 =	simm.s32 $0xFFF8;
	v9 =	vmul.f32 v8, v9;
	v10 =	vmul.f32 v4, v10  }
0x286: {  	_ = 	snop  }
0x287: {  	v5 =	vmul.f32 v8, v5;
	v4 =	vmul.f32 v4, v6  }
0x288: {  	v6 =	vadd.f32 v9, v10  }
0x289: {  	v4 =	vadd.f32 v5, v4  }
0x28a: {  	[tilespmem:v7+s0+$0x0] =	vst.idx.msk $0xffff, v6  }
0x28b: {  	[tilespmem:v3+s0+$0x0] =	vst.idx.msk $0xffff, v4  }
0x28c: {  	v3 =	vld [tilespmem:s7+$0x0];
	_ =	sdelay $0x4  }
0x28d: {  	v4 =	vmul.f32 $1.024000000e+03, v3;
	_ =	sdelay $0x1  }
0x28e: {  	v4 =	vtrunc.f32 v4  }
0x28f: {  	v4 =	vcvt.f32.s32 v4;
	_ =	sdelay $0x1  }
0x290: {  	v5 =	vshll.u32 v4, $0x1  }
0x291: {  	v6 =	vadd.s32 $0x7EC, v5;
	_ =	sdelay $0x1  }
0x292: {  	v4 =	vcvt.s32.f32 v4;
	v7 =	vadd.s32 $0x7EE, v5;
	_ =	sdelay $0x1  }
0x293: {  	v8 =	vadd.s32 $0x7ED, v5;
	v4 =	vmul.f32 $-9.765625000e-04, v4  }
0x294: {  	v10 =	vld.idx.msk [tilespmem:v6+s5+$0x0], $0xffff;
	v6 =	vadd.s32 $0x7EF, v5  }
0x295: {  	v3 =	vadd.f32 v4, v3  }
0x296: {  	v11 =	vld.idx.msk [tilespmem:v7+s5+$0x0], $0xffff  }
0x297: {  	v4 =	vmul.f32 $1.024000000e+03, v3;
	v3 =	vmov s5  }
0x298: {  	v5 =	vld.idx.msk [tilespmem:v8+s5+$0x0], $0xffff;
	v3 =	vshll.u32 v3, $0x5  }
0x299: {  	v9 =	vsub.f32 $1.000000000e+00, v4;
	v3 =	vor.u32 v2, v3;
	v7 =	vld.idx.msk [tilespmem:v6+s5+$0x0], $0xffff  }
0x29a: {  	v8 =	vor.u32 $0xC, v3  }
0x29b: {  	s1 =	simm.s32 $0x10;
	s11 =	simm.s32 $0xFFF8;
	v6 =	vor.u32 $0xD, v3;
	v10 =	vmul.f32 v9, v10;
	v11 =	vmul.f32 v4, v11  }
.LBB2_55:
0x29c: {  	p0 =	sne.s32 s1, $0x1F0  }
0x29d: {  	s11 =	sadd.s32 $0x10, s11;
	s10 =	smov.u32 s1;
	s1 =	sadd.s32 $0x10, s1  }
0x29e: {  	v5 =	vmul.f32 v9, v5;
	v4 =	vmul.f32 v4, v7;
	v10 =	vadd.f32 v10, v11;
	_ =	sdelay $0x1  }
0x29f: {  	v4 =	vadd.f32 v5, v4;
	[tilespmem:v8+s0+$0x0] =	vst.idx.msk $0xffff, v10;
	_ =	sdelay $0x1  }
0x2a0: {  	[tilespmem:v6+s0+$0x0] =	vst.idx.msk $0xffff, v4  }
0x2a1: {  	v4 =	vld [tilespmem:s11+$0x0];
	_ =	sdelay $0x4  }
0x2a2: {  	v5 =	vmul.f32 $1.024000000e+03, v4;
	_ =	sdelay $0x1  }
0x2a3: {  	v5 =	vtrunc.f32 v5  }
0x2a4: {  	v5 =	vcvt.f32.s32 v5;
	_ =	sdelay $0x1  }
0x2a5: {  	v6 =	vcvt.s32.f32 v5;
	v5 =	vshll.u32 v5, $0x1  }
0x2a6: {  	v7 =	vadd.s32 $0x7EC, v5;
	v8 =	vadd.s32 $0x7EE, v5;
	v9 =	vadd.s32 $0x7EF, v5  }
0x2a7: {  	v5 =	vadd.s32 $0x7ED, v5;
	v6 =	vmul.f32 $-9.765625000e-04, v6;
	_ =	sdelay $0x1  }
0x2a8: {  	v4 =	vadd.f32 v6, v4;
	_ =	sdelay $0x1  }
0x2a9: {  	v10 =	vld.idx.msk [tilespmem:v7+s5+$0x0], $0xffff  }
0x2aa: {  	v11 =	vld.idx.msk [tilespmem:v8+s5+$0x0], $0xffff  }
0x2ab: {  	v5 =	vld.idx.msk [tilespmem:v5+s5+$0x0], $0xffff  }
.Ltmp26:
0x2ac: {  	v6 =	vmov s10;
	v4 =	vmul.f32 $1.024000000e+03, v4;
	v7 =	vld.idx.msk [tilespmem:v9+s5+$0x0], $0xffff;
	(pc) =	sbr.rel @p0 .LBB2_55-.Ltmp26, $4  }
0x2ad: {  	v6 =	vshll.u32 v6, $0x5  }
0x2ae: {  	v6 =	vor.u32 v2, v6;
	v9 =	vsub.f32 $1.000000000e+00, v4  }
0x2af: {  	v8 =	vor.u32 $0xC, v6;
	v6 =	vor.u32 $0xD, v6  }
0x2b0: {  	v10 =	vmul.f32 v9, v10;
	v11 =	vmul.f32 v4, v11  }
0x2b1: {  	_ = 	snop  }
0x2b2: {  	v5 =	vmul.f32 v9, v5;
	v4 =	vmul.f32 v4, v7  }
0x2b3: {  	v7 =	vadd.f32 v10, v11  }
0x2b4: {  	v4 =	vadd.f32 v5, v4  }
0x2b5: {  	[tilespmem:v8+s0+$0x0] =	vst.idx.msk $0xffff, v7  }
0x2b6: {  	[tilespmem:v6+s0+$0x0] =	vst.idx.msk $0xffff, v4  }
0x2b7: {  	v4 =	vld [tilespmem:s7+$0x0];
	_ =	sdelay $0x4  }
0x2b8: {  	v5 =	vmul.f32 $2.048000000e+03, v4;
	_ =	sdelay $0x1  }
0x2b9: {  	v5 =	vtrunc.f32 v5  }
0x2ba: {  	v5 =	vcvt.f32.s32 v5;
	_ =	sdelay $0x1  }
0x2bb: {  	v6 =	vshll.u32 v5, $0x1  }
0x2bc: {  	v7 =	vadd.s32 $0xFEE, v6  }
0x2bd: {  	v5 =	vcvt.s32.f32 v5;
	v8 =	vadd.s32 $0xFF0, v6;
	_ =	sdelay $0x1  }
0x2be: {  	v9 =	vadd.s32 $0xFEF, v6;
	v5 =	vmul.f32 $-4.882812500e-04, v5  }
0x2bf: {  	s5 =	simm.s32 $0x0;
	v6 =	vadd.s32 $0xFF1, v6  }
0x2c0: {  	v4 =	vadd.f32 v5, v4;
	v10 =	vld.idx.msk [tilespmem:v7+s5+$0x0], $0xffff  }
0x2c1: {  	v11 =	vld.idx.msk [tilespmem:v8+s5+$0x0], $0xffff  }
0x2c2: {  	v4 =	vmul.f32 $2.048000000e+03, v4  }
0x2c3: {  	v5 =	vld.idx.msk [tilespmem:v9+s5+$0x0], $0xffff  }
0x2c4: {  	v6 =	vld.idx.msk [tilespmem:v6+s5+$0x0], $0xffff;
	v8 =	vsub.f32 $1.000000000e+00, v4  }
0x2c5: {  	v7 =	vor.u32 $0xE, v3  }
0x2c6: {  	s11 =	simm.s32 $0x10;
	v3 =	vor.u32 $0xF, v3;
	v9 =	vmul.f32 v8, v10;
	v10 =	vmul.f32 v4, v11  }
.LBB2_57:
0x2c7: {  	p0 =	sne.s32 s11, $0x1F0  }
0x2c8: {  	s7 =	sadd.s32 $0x10, s7;
	s1 =	smov.u32 s11;
	s11 =	sadd.s32 $0x10, s11  }
0x2c9: {  	v5 =	vmul.f32 v8, v5;
	v4 =	vmul.f32 v4, v6;
	v9 =	vadd.f32 v9, v10;
	_ =	sdelay $0x1  }
0x2ca: {  	v4 =	vadd.f32 v5, v4;
	[tilespmem:v7+s0+$0x0] =	vst.idx.msk $0xffff, v9;
	_ =	sdelay $0x1  }
0x2cb: {  	[tilespmem:v3+s0+$0x0] =	vst.idx.msk $0xffff, v4  }
0x2cc: {  	v3 =	vld [tilespmem:s7+$0x0];
	_ =	sdelay $0x4  }
0x2cd: {  	v4 =	vmul.f32 $2.048000000e+03, v3;
	_ =	sdelay $0x1  }
0x2ce: {  	v4 =	vtrunc.f32 v4  }
0x2cf: {  	v4 =	vcvt.f32.s32 v4;
	_ =	sdelay $0x1  }
0x2d0: {  	v5 =	vcvt.s32.f32 v4;
	v4 =	vshll.u32 v4, $0x1  }
0x2d1: {  	v6 =	vadd.s32 $0xFEE, v4;
	v7 =	vadd.s32 $0xFF0, v4;
	v8 =	vadd.s32 $0xFF1, v4  }
0x2d2: {  	v4 =	vadd.s32 $0xFEF, v4;
	v5 =	vmul.f32 $-4.882812500e-04, v5;
	_ =	sdelay $0x1  }
0x2d3: {  	v3 =	vadd.f32 v5, v3;
	_ =	sdelay $0x1  }
0x2d4: {  	v9 =	vld.idx.msk [tilespmem:v6+s5+$0x0], $0xffff  }
0x2d5: {  	v10 =	vld.idx.msk [tilespmem:v7+s5+$0x0], $0xffff  }
0x2d6: {  	v5 =	vld.idx.msk [tilespmem:v4+s5+$0x0], $0xffff  }
.Ltmp27:
0x2d7: {  	v4 =	vmul.f32 $2.048000000e+03, v3;
	v3 =	vmov s1;
	v6 =	vld.idx.msk [tilespmem:v8+s5+$0x0], $0xffff;
	(pc) =	sbr.rel @p0 .LBB2_57-.Ltmp27, $4  }
0x2d8: {  	v3 =	vshll.u32 v3, $0x5  }
0x2d9: {  	v8 =	vsub.f32 $1.000000000e+00, v4;
	v3 =	vor.u32 v2, v3  }
0x2da: {  	v7 =	vor.u32 $0xE, v3;
	v3 =	vor.u32 $0xF, v3  }
0x2db: {  	s1 =	simm.s32 $0xFFF8;
	v9 =	vmul.f32 v8, v9;
	v10 =	vmul.f32 v4, v10  }
0x2dc: {  	_ = 	snop  }
0x2dd: {  	v5 =	vmul.f32 v8, v5;
	v4 =	vmul.f32 v4, v6  }
0x2de: {  	v6 =	vadd.f32 v9, v10  }
0x2df: {  	v4 =	vadd.f32 v5, v4  }
0x2e0: {  	[tilespmem:v7+s0+$0x0] =	vst.idx.msk $0xffff, v6  }
0x2e1: {  	[tilespmem:v3+s0+$0x0] =	vst.idx.msk $0xffff, v4  }
0x2e2: {  	v3 =	vld [tilespmem:s1+$0x0];
	_ =	sdelay $0x4  }
0x2e3: {  	v4 =	vmul.f32 $4.096000000e+03, v3;
	_ =	sdelay $0x1  }
0x2e4: {  	v4 =	vtrunc.f32 v4  }
0x2e5: {  	v4 =	vcvt.f32.s32 v4;
	_ =	sdelay $0x1  }
0x2e6: {  	v5 =	vshll.u32 v4, $0x1  }
0x2e7: {  	v6 =	vadd.s32 $0x1FF0, v5  }
0x2e8: {  	v4 =	vcvt.s32.f32 v4;
	v7 =	vadd.s32 $0x1FF2, v5;
	_ =	sdelay $0x1  }
0x2e9: {  	v9 =	vadd.s32 $0x1FF1, v5;
	v4 =	vmul.f32 $-2.441406250e-04, v4  }
0x2ea: {  	v5 =	vadd.s32 $0x1FF3, v5  }
0x2eb: {  	v3 =	vadd.f32 v4, v3;
	v10 =	vld.idx.msk [tilespmem:v6+s5+$0x0], $0xffff  }
0x2ec: {  	v4 =	vmov s5;
	v11 =	vld.idx.msk [tilespmem:v7+s5+$0x0], $0xffff  }
0x2ed: {  	v4 =	vshll.u32 v4, $0x5;
	v3 =	vmul.f32 $4.096000000e+03, v3  }
0x2ee: {  	v12 =	vor.u32 v2, v4;
	v4 =	vld.idx.msk [tilespmem:v9+s5+$0x0], $0xffff  }
0x2ef: {  	v6 =	vld.idx.msk [tilespmem:v5+s5+$0x0], $0xffff;
	v8 =	vsub.f32 $1.000000000e+00, v3  }
0x2f0: {  	v7 =	vor.u32 $0x10, v12  }
0x2f1: {  	s7 =	simm.s32 $0x10;
	s11 =	simm.s32 $0xFFF8;
	v5 =	vor.u32 $0x11, v12;
	v9 =	vmul.f32 v8, v10;
	v10 =	vmul.f32 v3, v11  }
.LBB2_59:
0x2f2: {  	p0 =	sne.s32 s7, $0x1F0  }
0x2f3: {  	s11 =	sadd.s32 $0x10, s11;
	s10 =	smov.u32 s7;
	s7 =	sadd.s32 $0x10, s7  }
0x2f4: {  	v4 =	vmul.f32 v8, v4;
	v3 =	vmul.f32 v3, v6;
	v9 =	vadd.f32 v9, v10;
	_ =	sdelay $0x1  }
0x2f5: {  	v3 =	vadd.f32 v4, v3;
	[tilespmem:v7+s0+$0x0] =	vst.idx.msk $0xffff, v9;
	_ =	sdelay $0x1  }
0x2f6: {  	[tilespmem:v5+s0+$0x0] =	vst.idx.msk $0xffff, v3  }
0x2f7: {  	v3 =	vld [tilespmem:s11+$0x0];
	_ =	sdelay $0x4  }
0x2f8: {  	v4 =	vmul.f32 $4.096000000e+03, v3;
	_ =	sdelay $0x1  }
0x2f9: {  	v4 =	vtrunc.f32 v4  }
0x2fa: {  	v4 =	vcvt.f32.s32 v4;
	_ =	sdelay $0x1  }
0x2fb: {  	v5 =	vcvt.s32.f32 v4;
	v4 =	vshll.u32 v4, $0x1  }
0x2fc: {  	v6 =	vadd.s32 $0x1FF0, v4;
	v7 =	vadd.s32 $0x1FF2, v4;
	v8 =	vadd.s32 $0x1FF3, v4  }
0x2fd: {  	v4 =	vadd.s32 $0x1FF1, v4;
	v5 =	vmul.f32 $-2.441406250e-04, v5;
	_ =	sdelay $0x1  }
0x2fe: {  	v3 =	vadd.f32 v5, v3;
	_ =	sdelay $0x1  }
0x2ff: {  	v9 =	vld.idx.msk [tilespmem:v6+s5+$0x0], $0xffff  }
0x300: {  	v10 =	vld.idx.msk [tilespmem:v7+s5+$0x0], $0xffff  }
0x301: {  	v4 =	vld.idx.msk [tilespmem:v4+s5+$0x0], $0xffff  }
.Ltmp28:
0x302: {  	v5 =	vmov s10;
	v3 =	vmul.f32 $4.096000000e+03, v3;
	v6 =	vld.idx.msk [tilespmem:v8+s5+$0x0], $0xffff;
	(pc) =	sbr.rel @p0 .LBB2_59-.Ltmp28, $4  }
0x303: {  	v5 =	vshll.u32 v5, $0x5  }
0x304: {  	v5 =	vor.u32 v2, v5;
	v8 =	vsub.f32 $1.000000000e+00, v3  }
0x305: {  	v7 =	vor.u32 $0x10, v5;
	v5 =	vor.u32 $0x11, v5  }
0x306: {  	v9 =	vmul.f32 v8, v9;
	v10 =	vmul.f32 v3, v10  }
0x307: {  	_ = 	snop  }
0x308: {  	v4 =	vmul.f32 v8, v4;
	v3 =	vmul.f32 v3, v6  }
0x309: {  	v63 =	vadd.f32 v9, v10  }
0x30a: {  	v3 =	vadd.f32 v4, v3  }
0x30b: {  	[tilespmem:v7+s0+$0x0] =	vst.idx.msk $0xffff, v63  }
0x30c: {  	[tilespmem:v5+s0+$0x0] =	vst.idx.msk $0xffff, v3  }
.LBB2_61:
0x30d: {  	v3 =	vld [tilespmem:s1+$0x0];
	_ =	sdelay $0x4  }
0x30e: {  	v4 =	vmul.f32 $8.192000000e+03, v3;
	_ =	sdelay $0x1  }
0x30f: {  	v4 =	vtrunc.f32 v4  }
0x310: {  	v4 =	vcvt.f32.s32 v4;
	_ =	sdelay $0x1  }
0x311: {  	v5 =	vshll.u32 v4, $0x1  }
0x312: {  	v6 =	vadd.s32 $0x3FF2, v5  }
0x313: {  	v7 =	vadd.s32 $0x3FF3, v5  }
0x314: {  	v4 =	vcvt.s32.f32 v4;
	v8 =	vadd.s32 $0x3FF4, v5  }
0x315: {  	v5 =	vadd.s32 $0x3FF5, v5  }
0x316: {  	s7 =	simm.s32 $0x0;
	v4 =	vmul.f32 $-1.220703130e-04, v4  }
0x317: {  	v6 =	vld.idx.msk [tilespmem:v6+s7+$0x0], $0xffff  }
0x318: {  	v3 =	vadd.f32 v4, v3;
	v60 =	vld.idx.msk [tilespmem:v7+s7+$0x0], $0xffff  }
0x319: {  	v61 =	vld.idx.msk [tilespmem:v8+s7+$0x0], $0xffff  }
0x31a: {  	v62 =	vmov s5;
	v3 =	vmul.f32 $8.192000000e+03, v3;
	v5 =	vld.idx.msk [tilespmem:v5+s7+$0x0], $0xffff  }
0x31b: {  	v8 =	vshll.u32 v62, $0x5  }
0x31c: {  	v8 =	vor.u32 v2, v8;
	v9 =	vsub.f32 $1.000000000e+00, v3  }
0x31d: {  	v10 =	vor.u32 $0x12, v8  }
0x31e: {  	p0 =	sne.s32 s5, $0x1F0;
	v8 =	vor.u32 $0x13, v8;
	v6 =	vmul.f32 v9, v6;
	v7 =	vmul.f32 v3, v61  }
.Ltmp29:
0x31f: {  	v4 =	vmul.f32 v9, v60;
	v3 =	vmul.f32 v3, v5;
	(pc) =	sbr.rel @p0 .LBB2_61-.Ltmp29, $4  }
0x320: {  	v63 =	vadd.f32 v6, v7  }
0x321: {  	v3 =	vadd.f32 v4, v3  }
0x322: {  	[tilespmem:v10+s0+$0x0] =	vst.idx.msk $0xffff, v63  }
0x323: {  	s1 =	sadd.s32 $0x10, s1;
	s5 =	sadd.s32 $0x10, s5;
	[tilespmem:v8+s0+$0x0] =	vst.idx.msk $0xffff, v3  }
0x324: {  	s1 =	simm.s32 $0xFFF8  }
0x325: {  	v3 =	vld [tilespmem:s1+$0x0];
	_ =	sdelay $0x4  }
0x326: {  	v4 =	vmul.f32 $1.638400000e+04, v3;
	_ =	sdelay $0x1  }
0x327: {  	v4 =	vtrunc.f32 v4  }
0x328: {  	v4 =	vcvt.f32.s32 v4;
	_ =	sdelay $0x1  }
0x329: {  	v5 =	vshll.u32 v4, $0x1  }
0x32a: {  	v6 =	vadd.s32 $0x7FF4, v5  }
0x32b: {  	v4 =	vcvt.s32.f32 v4;
	v7 =	vadd.s32 $0x7FF6, v5;
	_ =	sdelay $0x1  }
0x32c: {  	v9 =	vadd.s32 $0x7FF5, v5;
	v4 =	vmul.f32 $-6.103515630e-05, v4  }
0x32d: {  	v5 =	vadd.s32 $0x7FF7, v5  }
0x32e: {  	v3 =	vadd.f32 v4, v3;
	v10 =	vld.idx.msk [tilespmem:v6+s3+$0x0], $0xffff  }
0x32f: {  	v4 =	vmov s7;
	v11 =	vld.idx.msk [tilespmem:v7+s3+$0x0], $0xffff  }
0x330: {  	v4 =	vshll.u32 v4, $0x5;
	v3 =	vmul.f32 $1.638400000e+04, v3  }
0x331: {  	v12 =	vor.u32 v2, v4;
	v4 =	vld.idx.msk [tilespmem:v9+s3+$0x0], $0xffff  }
0x332: {  	v6 =	vld.idx.msk [tilespmem:v5+s3+$0x0], $0xffff;
	v8 =	vsub.f32 $1.000000000e+00, v3  }
0x333: {  	v7 =	vor.u32 $0x14, v12  }
0x334: {  	s5 =	simm.s32 $0x10;
	v5 =	vor.u32 $0x15, v12;
	v9 =	vmul.f32 v8, v10;
	v10 =	vmul.f32 v3, v11  }
.LBB2_63:
0x335: {  	p0 =	sne.s32 s5, $0x1F0  }
0x336: {  	s1 =	sadd.s32 $0x10, s1;
	s7 =	smov.u32 s5;
	s5 =	sadd.s32 $0x10, s5  }
0x337: {  	v4 =	vmul.f32 v8, v4;
	v3 =	vmul.f32 v3, v6;
	v9 =	vadd.f32 v9, v10;
	_ =	sdelay $0x1  }
0x338: {  	v3 =	vadd.f32 v4, v3;
	[tilespmem:v7+s0+$0x0] =	vst.idx.msk $0xffff, v9;
	_ =	sdelay $0x1  }
0x339: {  	[tilespmem:v5+s0+$0x0] =	vst.idx.msk $0xffff, v3  }
0x33a: {  	v3 =	vld [tilespmem:s1+$0x0];
	_ =	sdelay $0x4  }
0x33b: {  	v4 =	vmul.f32 $1.638400000e+04, v3;
	_ =	sdelay $0x1  }
0x33c: {  	v4 =	vtrunc.f32 v4  }
0x33d: {  	v4 =	vcvt.f32.s32 v4;
	_ =	sdelay $0x1  }
0x33e: {  	v5 =	vcvt.s32.f32 v4;
	v4 =	vshll.u32 v4, $0x1  }
0x33f: {  	v6 =	vadd.s32 $0x7FF4, v4;
	v7 =	vadd.s32 $0x7FF6, v4;
	v8 =	vadd.s32 $0x7FF7, v4  }
0x340: {  	v4 =	vadd.s32 $0x7FF5, v4;
	v5 =	vmul.f32 $-6.103515630e-05, v5;
	_ =	sdelay $0x1  }
0x341: {  	v3 =	vadd.f32 v5, v3;
	_ =	sdelay $0x1  }
0x342: {  	v9 =	vld.idx.msk [tilespmem:v6+s3+$0x0], $0xffff  }
0x343: {  	v10 =	vld.idx.msk [tilespmem:v7+s3+$0x0], $0xffff  }
0x344: {  	v4 =	vld.idx.msk [tilespmem:v4+s3+$0x0], $0xffff  }
.Ltmp30:
0x345: {  	v5 =	vmov s7;
	v3 =	vmul.f32 $1.638400000e+04, v3;
	v6 =	vld.idx.msk [tilespmem:v8+s3+$0x0], $0xffff;
	(pc) =	sbr.rel @p0 .LBB2_63-.Ltmp30, $4  }
0x346: {  	v5 =	vshll.u32 v5, $0x5  }
0x347: {  	v5 =	vor.u32 v2, v5;
	v8 =	vsub.f32 $1.000000000e+00, v3  }
0x348: {  	v7 =	vor.u32 $0x14, v5;
	v5 =	vor.u32 $0x15, v5  }
0x349: {  	v9 =	vmul.f32 v8, v9;
	v10 =	vmul.f32 v3, v10  }
0x34a: {  	_ = 	snop  }
0x34b: {  	v4 =	vmul.f32 v8, v4;
	v3 =	vmul.f32 v3, v6  }
0x34c: {  	v63 =	vadd.f32 v9, v10  }
0x34d: {  	v3 =	vadd.f32 v4, v3  }
0x34e: {  	[tilespmem:v7+s0+$0x0] =	vst.idx.msk $0xffff, v63  }
0x34f: {  	s1 =	simm.s32 $0x1;
	[tilespmem:v5+s0+$0x0] =	vst.idx.msk $0xffff, v3  }
0x350: {  	_ =	swait.ge [sflag:s1], $0x400  }
0x351: {  	[sflag:s1] =	ssyncset.done $0x0  }
0x352: {  	[sflag:s1] =	ssyncadd.s32 $0xFFFFFC00  }
0x353: {  	_ =	swait.ge [sflag:s1], $0x400  }
0x354: {  	[sflag:s1] =	ssyncset.done $0x0  }
0x355: {  	[sflag:s1] =	ssyncadd.s32 $0xFFFFFC00  }
0x356: {  	_ =	swait.ge [sflag:s1], $0x400  }
0x357: {  	[sflag:s1] =	ssyncset.done $0x0  }
0x358: {  	[sflag:s1] =	ssyncadd.s32 $0xFFFFFC00  }
0x359: {  	_ =	swait.ge [sflag:s1], $0x400  }
0x35a: {  	[sflag:s1] =	ssyncset.done $0x0  }
0x35b: {  	[sflag:s1] =	ssyncadd.s32 $0xFFFFFC00  }
0x35c: {  	_ =	swait.ge [sflag:s1], $0x400  }
0x35d: {  	[sflag:s1] =	ssyncset.done $0x0  }
0x35e: {  	[sflag:s1] =	ssyncadd.s32 $0xFFFFFC00  }
0x35f: {  	_ =	swait.ge [sflag:s1], $0x400  }
0x360: {  	[sflag:s1] =	ssyncset.done $0x0  }
0x361: {  	[sflag:s1] =	ssyncadd.s32 $0xFFFFFC00  }
0x362: {  	_ =	swait.ge [sflag:s1], $0x400  }
0x363: {  	[sflag:s1] =	ssyncset.done $0x0  }
0x364: {  	[sflag:s1] =	ssyncadd.s32 $0xFFFFFC00  }
0x365: {  	_ =	swait.ge [sflag:s1], $0x400  }
0x366: {  	[sflag:s1] =	ssyncset.done $0x0  }
0x367: {  	[sflag:s1] =	ssyncadd.s32 $0xFFFFFC00  }
0x368: {  	_ =	swait.ge [sflag:s1], $0x400  }
0x369: {  	[sflag:s1] =	ssyncset.done $0x0  }
0x36a: {  	[sflag:s1] =	ssyncadd.s32 $0xFFFFFC00  }
0x36b: {  	_ =	swait.ge [sflag:s1], $0x400  }
0x36c: {  	[sflag:s1] =	ssyncset.done $0x0  }
0x36d: {  	[sflag:s1] =	ssyncadd.s32 $0xFFFFFC00  }
0x36e: {  	_ =	swait.ge [sflag:s1], $0x400  }
0x36f: {  	[sflag:s1] =	ssyncset.done $0x0  }
0x370: {  	[sflag:s1] =	ssyncadd.s32 $0xFFFFFC00  }
0x371: {  	_ =	swait.ge [sflag:s1], $0x400  }
0x372: {  	[sflag:s1] =	ssyncset.done $0x0  }
0x373: {  	[sflag:s1] =	ssyncadd.s32 $0xFFFFFC00  }
0x374: {  	_ =	swait.ge [sflag:s1], $0x400  }
0x375: {  	[sflag:s1] =	ssyncset.done $0x0  }
0x376: {  	[sflag:s1] =	ssyncadd.s32 $0xFFFFFC00  }
0x377: {  	_ =	swait.ge [sflag:s1], $0x400  }
0x378: {  	[sflag:s1] =	ssyncset.done $0x0  }
0x379: {  	[sflag:s1] =	ssyncadd.s32 $0xFFFFFC00  }
0x37a: {  	_ =	swait.ge [sflag:s1], $0x400  }
0x37b: {  	[sflag:s1] =	ssyncset.done $0x0  }
0x37c: {  	[sflag:s1] =	ssyncadd.s32 $0xFFFFFC00  }
0x37d: {  	_ =	swait.ge [sflag:s1], $0x400  }
0x37e: {  	[sflag:s1] =	ssyncset.done $0x0  }
0x37f: {  	[sflag:s1] =	ssyncadd.s32 $0xFFFFFC00  }
0x380: {  	_ =	swait.ge [sflag:s1], $0x400  }
0x381: {  	[sflag:s1] =	ssyncset.done $0x0  }
0x382: {  	[sflag:s1] =	ssyncadd.s32 $0xFFFFFC00  }
0x383: {  	_ =	swait.ge [sflag:s1], $0x400  }
0x384: {  	[sflag:s1] =	ssyncset.done $0x0  }
0x385: {  	[sflag:s1] =	ssyncadd.s32 $0xFFFFFC00  }
0x386: {  	_ =	swait.ge [sflag:s1], $0x400  }
0x387: {  	[sflag:s1] =	ssyncset.done $0x0  }
0x388: {  	[sflag:s1] =	ssyncadd.s32 $0xFFFFFC00  }
0x389: {  	_ =	swait.ge [sflag:s1], $0x400  }
0x38a: {  	[sflag:s1] =	ssyncset.done $0x0  }
0x38b: {  	s5 =	simm.s32 $0xFFF8;
	[sflag:s1] =	ssyncadd.s32 $0xFFFFFC00  }
0x38c: {  	v3 =	vld [tilespmem:s5+$0x0]  }
0x38d: {  	s11 =	simm.s32 $0x10;
	s7 =	simm.s32 $0x0;
	s1 =	simm.s32 $0x0  }
.LBB2_65:
0x38e: {  	p0 =	sne.s32 s11, $0x70;
	_ =	sdelay $0x2  }
0x38f: {  	v4 =	vmul.f32 $3.276800000e+04, v3  }
0x390: {  	v5 =	vor.u32 s7, v0;
	s7 =	smov.u32 s11  }
0x391: {  	v6 =	vshll.u32 v5, $0x3;
	v4 =	vtrunc.f32 v4  }
0x392: {  	v7 =	vor.u32 $0x2, v6;
	v4 =	vcvt.f32.s32 v4  }
0x393: {  	v8 =	vor.u32 $0x3, v6  }
0x394: {  	v9 =	vor.u32 $0x1, v6;
	v4 =	vcvt.s32.f32 v4;
	_ =	sdelay $0x1  }
0x395: {  	v4 =	vmul.f32 $-3.051757810e-05, v4;
	v6 =	vld.idx.msk [tilespmem:v6+s12+$0x0], $0xffff  }
0x396: {  	v7 =	vld.idx.msk [tilespmem:v7+s12+$0x0], $0xffff  }
0x397: {  	v3 =	vadd.f32 v4, v3;
	v4 =	vld.idx.msk [tilespmem:v8+s12+$0x0], $0xffff  }
0x398: {  	v8 =	vld.idx.msk [tilespmem:v9+s12+$0x0], $0xffff  }
0x399: {  	v3 =	vmul.f32 $3.276800000e+04, v3;
	_ =	sdelay $0x1  }
0x39a: {  	v5 =	vshll.u32 v5, $0x5;
	v9 =	vsub.f32 $1.000000000e+00, v3  }
0x39b: {  	v10 =	vor.u32 $0x16, v5  }
0x39c: {  	v5 =	vor.u32 $0x17, v5;
	v7 =	vmul.f32 v3, v7;
	v6 =	vmul.f32 v9, v6  }
0x39d: {  	v3 =	vmul.f32 v3, v4;
	v8 =	vmul.f32 v9, v8  }
0x39e: {  	v4 =	vadd.f32 v6, v7  }
.Ltmp31:
0x39f: {  	v3 =	vadd.f32 v8, v3;
	(pc) =	sbr.rel @p0 .LBB2_65-.Ltmp31, $4  }
0x3a0: {  	[tilespmem:v10+s0+$0x0] =	vst.idx.msk $0xffff, v4  }
0x3a1: {  	s5 =	sadd.s32 $0x10, s5;
	[tilespmem:v5+s0+$0x0] =	vst.idx.msk $0xffff, v3  }
0x3a2: {  	v3 =	vld [tilespmem:s5+$0x0]  }
0x3a3: {  	s11 =	sadd.s32 $0x10, s11  }
0x3a4: {  	_ =	sdelay $0x2  }
0x3a5: {  	v4 =	vmul.f32 $3.276800000e+04, v3;
	_ =	sdelay $0x1  }
0x3a6: {  	v5 =	vor.u32 s7, v0;
	v4 =	vtrunc.f32 v4  }
0x3a7: {  	v6 =	vshll.u32 v5, $0x3;
	v4 =	vcvt.f32.s32 v4  }
0x3a8: {  	v7 =	vor.u32 $0x2, v6  }
0x3a9: {  	v9 =	vor.u32 $0x1, v6;
	v4 =	vcvt.s32.f32 v4  }
0x3aa: {  	v8 =	vor.u32 $0x3, v6  }
0x3ab: {  	v4 =	vmul.f32 $-3.051757810e-05, v4  }
0x3ac: {  	v6 =	vld.idx.msk [tilespmem:v6+s12+$0x0], $0xffff  }
0x3ad: {  	v7 =	vld.idx.msk [tilespmem:v7+s12+$0x0], $0xffff;
	v3 =	vadd.f32 v4, v3  }
0x3ae: {  	v62 =	vld.idx.msk [tilespmem:v9+s12+$0x0], $0xffff  }
0x3af: {  	v4 =	vld.idx.msk [tilespmem:v8+s12+$0x0], $0xffff;
	v3 =	vmul.f32 $3.276800000e+04, v3;
	_ =	sdelay $0x1  }
0x3b0: {  	v5 =	vshll.u32 v5, $0x5;
	v63 =	vsub.f32 $1.000000000e+00, v3  }
0x3b1: {  	v10 =	vor.u32 $0x16, v5  }
0x3b2: {  	v5 =	vor.u32 $0x17, v5;
	v7 =	vmul.f32 v3, v7;
	v6 =	vmul.f32 v63, v6  }
0x3b3: {  	v3 =	vmul.f32 v3, v4;
	v8 =	vmul.f32 v63, v62  }
0x3b4: {  	v4 =	vadd.f32 v6, v7  }
0x3b5: {  	v3 =	vadd.f32 v8, v3  }
0x3b6: {  	[tilespmem:v10+s0+$0x0] =	vst.idx.msk $0xffff, v4  }
0x3b7: {  	s5 =	simm.s32 $0x10078;
	[tilespmem:v5+s0+$0x0] =	vst.idx.msk $0xffff, v3  }
0x3b8: {  	v4 =	vld [tilespmem:s5+$0x0]  }
0x3b9: {  	s7 =	simm.s32 $0x10  }
.LBB2_67:
0x3ba: {  	p0 =	sne.s32 s7, $0x70;
	_ =	sdelay $0x2  }
0x3bb: {  	v6 =	vmov s1;
	v3 =	vmul.u32 $0x8, v0;
	v5 =	vmul.f32 $3.276800000e+04, v4  }
0x3bc: {  	v6 =	vshll.u32 v6, $0x3  }
0x3bd: {  	v6 =	vor.u32 v3, v6;
	v5 =	vtrunc.f32 v5  }
0x3be: {  	v7 =	vor.u32 $0x2, v6;
	v5 =	vcvt.f32.s32 v5  }
0x3bf: {  	v8 =	vor.u32 $0x3, v6  }
0x3c0: {  	v9 =	vor.u32 $0x1, v6;
	v5 =	vcvt.s32.f32 v5;
	_ =	sdelay $0x1  }
0x3c1: {  	v5 =	vmul.f32 $-3.051757810e-05, v5;
	v6 =	vld.idx.msk [tilespmem:v6+s14+$0x0], $0xffff  }
0x3c2: {  	v7 =	vld.idx.msk [tilespmem:v7+s14+$0x0], $0xffff  }
0x3c3: {  	v4 =	vadd.f32 v5, v4;
	v5 =	vld.idx.msk [tilespmem:v8+s14+$0x0], $0xffff  }
0x3c4: {  	s10 =	sadd.s32 $0x80, s1;
	s1 =	smov.u32 s7;
	v8 =	vld.idx.msk [tilespmem:v9+s14+$0x0], $0xffff  }
0x3c5: {  	v9 =	vmov s10;
	v4 =	vmul.f32 $3.276800000e+04, v4  }
0x3c6: {  	v9 =	vshll.u32 v9, $0x5  }
0x3c7: {  	v9 =	vor.u32 v2, v9;
	v10 =	vsub.f32 $1.000000000e+00, v4  }
0x3c8: {  	v11 =	vor.u32 $0x16, v9  }
0x3c9: {  	v7 =	vmul.f32 v4, v7;
	v9 =	vor.u32 $0x17, v9;
	v6 =	vmul.f32 v10, v6  }
0x3ca: {  	v4 =	vmul.f32 v4, v5;
	v8 =	vmul.f32 v10, v8  }
0x3cb: {  	v5 =	vadd.f32 v6, v7  }
.Ltmp32:
0x3cc: {  	v4 =	vadd.f32 v8, v4;
	(pc) =	sbr.rel @p0 .LBB2_67-.Ltmp32, $4  }
0x3cd: {  	[tilespmem:v11+s0+$0x0] =	vst.idx.msk $0xffff, v5  }
0x3ce: {  	s5 =	sadd.s32 $0x10, s5;
	[tilespmem:v9+s0+$0x0] =	vst.idx.msk $0xffff, v4  }
0x3cf: {  	v4 =	vld [tilespmem:s5+$0x0]  }
0x3d0: {  	s7 =	sadd.s32 $0x10, s7  }
0x3d1: {  	_ =	sdelay $0x2  }
0x3d2: {  	v5 =	vmul.f32 $3.276800000e+04, v4  }
0x3d3: {  	v6 =	vmov s1  }
0x3d4: {  	v6 =	vshll.u32 v6, $0x3;
	v5 =	vtrunc.f32 v5  }
0x3d5: {  	v6 =	vor.u32 v3, v6;
	v5 =	vcvt.f32.s32 v5  }
0x3d6: {  	v7 =	vor.u32 $0x2, v6  }
0x3d7: {  	v9 =	vor.u32 $0x1, v6;
	v5 =	vcvt.s32.f32 v5  }
0x3d8: {  	v8 =	vor.u32 $0x3, v6  }
0x3d9: {  	v5 =	vmul.f32 $-3.051757810e-05, v5  }
0x3da: {  	v6 =	vld.idx.msk [tilespmem:v6+s14+$0x0], $0xffff  }
0x3db: {  	v7 =	vld.idx.msk [tilespmem:v7+s14+$0x0], $0xffff;
	v4 =	vadd.f32 v5, v4  }
0x3dc: {  	s11 =	sadd.s32 $0x80, s1;
	v62 =	vld.idx.msk [tilespmem:v9+s14+$0x0], $0xffff  }
0x3dd: {  	v63 =	vmov s11;
	v5 =	vld.idx.msk [tilespmem:v8+s14+$0x0], $0xffff;
	v4 =	vmul.f32 $3.276800000e+04, v4  }
0x3de: {  	v9 =	vshll.u32 v63, $0x5  }
0x3df: {  	v9 =	vor.u32 v2, v9;
	v10 =	vsub.f32 $1.000000000e+00, v4  }
0x3e0: {  	v11 =	vor.u32 $0x16, v9  }
0x3e1: {  	v9 =	vor.u32 $0x17, v9;
	v7 =	vmul.f32 v4, v7;
	v6 =	vmul.f32 v10, v6  }
0x3e2: {  	v4 =	vmul.f32 v4, v5;
	v8 =	vmul.f32 v10, v62  }
0x3e3: {  	v5 =	vadd.f32 v6, v7  }
0x3e4: {  	v4 =	vadd.f32 v8, v4  }
0x3e5: {  	[tilespmem:v11+s0+$0x0] =	vst.idx.msk $0xffff, v5  }
0x3e6: {  	s7 =	simm.s32 $0x100F8;
	[tilespmem:v9+s0+$0x0] =	vst.idx.msk $0xffff, v4  }
0x3e7: {  	v4 =	vld [tilespmem:s7+$0x0]  }
0x3e8: {  	s1 =	simm.s32 $0x0;
	s5 =	simm.s32 $0x0;
	s11 =	simm.s32 $0x10  }
.LBB2_69:
0x3e9: {  	p0 =	sne.s32 s11, $0x70;
	_ =	sdelay $0x2  }
0x3ea: {  	v6 =	vmov s5;
	v5 =	vmul.f32 $3.276800000e+04, v4  }
0x3eb: {  	v6 =	vshll.u32 v6, $0x3  }
0x3ec: {  	v6 =	vor.u32 v3, v6;
	v5 =	vtrunc.f32 v5  }
0x3ed: {  	v7 =	vor.u32 $0x2, v6;
	v5 =	vcvt.f32.s32 v5  }
0x3ee: {  	v8 =	vor.u32 $0x3, v6  }
0x3ef: {  	v9 =	vor.u32 $0x1, v6;
	v5 =	vcvt.s32.f32 v5;
	_ =	sdelay $0x1  }
0x3f0: {  	v5 =	vmul.f32 $-3.051757810e-05, v5;
	v6 =	vld.idx.msk [tilespmem:v6+s16+$0x0], $0xffff  }
0x3f1: {  	v7 =	vld.idx.msk [tilespmem:v7+s16+$0x0], $0xffff  }
0x3f2: {  	v4 =	vadd.f32 v5, v4;
	v5 =	vld.idx.msk [tilespmem:v8+s16+$0x0], $0xffff  }
0x3f3: {  	s10 =	sadd.s32 $0x100, s5;
	s5 =	smov.u32 s11;
	v8 =	vld.idx.msk [tilespmem:v9+s16+$0x0], $0xffff  }
0x3f4: {  	v9 =	vmov s10;
	v4 =	vmul.f32 $3.276800000e+04, v4  }
0x3f5: {  	v9 =	vshll.u32 v9, $0x5  }
0x3f6: {  	v9 =	vor.u32 v2, v9;
	v10 =	vsub.f32 $1.000000000e+00, v4  }
0x3f7: {  	v11 =	vor.u32 $0x16, v9  }
0x3f8: {  	v7 =	vmul.f32 v4, v7;
	v9 =	vor.u32 $0x17, v9;
	v6 =	vmul.f32 v10, v6  }
0x3f9: {  	v4 =	vmul.f32 v4, v5;
	v8 =	vmul.f32 v10, v8  }
0x3fa: {  	v5 =	vadd.f32 v6, v7  }
.Ltmp33:
0x3fb: {  	v4 =	vadd.f32 v8, v4;
	(pc) =	sbr.rel @p0 .LBB2_69-.Ltmp33, $4  }
0x3fc: {  	[tilespmem:v11+s0+$0x0] =	vst.idx.msk $0xffff, v5  }
0x3fd: {  	s7 =	sadd.s32 $0x10, s7;
	[tilespmem:v9+s0+$0x0] =	vst.idx.msk $0xffff, v4  }
0x3fe: {  	v4 =	vld [tilespmem:s7+$0x0]  }
0x3ff: {  	s11 =	sadd.s32 $0x10, s11  }
0x400: {  	_ =	sdelay $0x2  }
0x401: {  	v5 =	vmul.f32 $3.276800000e+04, v4  }
0x402: {  	v6 =	vmov s5  }
0x403: {  	v6 =	vshll.u32 v6, $0x3;
	v5 =	vtrunc.f32 v5  }
0x404: {  	v6 =	vor.u32 v3, v6;
	v5 =	vcvt.f32.s32 v5  }
0x405: {  	v7 =	vor.u32 $0x2, v6  }
0x406: {  	v9 =	vor.u32 $0x1, v6;
	v5 =	vcvt.s32.f32 v5  }
0x407: {  	v8 =	vor.u32 $0x3, v6  }
0x408: {  	v5 =	vmul.f32 $-3.051757810e-05, v5  }
0x409: {  	v6 =	vld.idx.msk [tilespmem:v6+s16+$0x0], $0xffff  }
0x40a: {  	v7 =	vld.idx.msk [tilespmem:v7+s16+$0x0], $0xffff;
	v4 =	vadd.f32 v5, v4  }
0x40b: {  	s11 =	sadd.s32 $0x100, s5;
	v62 =	vld.idx.msk [tilespmem:v9+s16+$0x0], $0xffff  }
0x40c: {  	v63 =	vmov s11;
	v5 =	vld.idx.msk [tilespmem:v8+s16+$0x0], $0xffff;
	v4 =	vmul.f32 $3.276800000e+04, v4  }
0x40d: {  	v9 =	vshll.u32 v63, $0x5  }
0x40e: {  	v9 =	vor.u32 v2, v9;
	v10 =	vsub.f32 $1.000000000e+00, v4  }
0x40f: {  	v11 =	vor.u32 $0x16, v9  }
0x410: {  	v9 =	vor.u32 $0x17, v9;
	v7 =	vmul.f32 v4, v7;
	v6 =	vmul.f32 v10, v6  }
0x411: {  	v4 =	vmul.f32 v4, v5;
	v8 =	vmul.f32 v10, v62  }
0x412: {  	v5 =	vadd.f32 v6, v7  }
0x413: {  	v4 =	vadd.f32 v8, v4  }
0x414: {  	[tilespmem:v11+s0+$0x0] =	vst.idx.msk $0xffff, v5  }
0x415: {  	s5 =	simm.s32 $0x10178;
	[tilespmem:v9+s0+$0x0] =	vst.idx.msk $0xffff, v4  }
0x416: {  	v4 =	vld [tilespmem:s5+$0x0]  }
0x417: {  	s7 =	simm.s32 $0x10  }
.LBB2_71:
0x418: {  	p0 =	sne.s32 s7, $0x70;
	_ =	sdelay $0x2  }
0x419: {  	v6 =	vmov s1;
	v5 =	vmul.f32 $3.276800000e+04, v4  }
0x41a: {  	v6 =	vshll.u32 v6, $0x3  }
0x41b: {  	v6 =	vor.u32 v3, v6;
	v5 =	vtrunc.f32 v5  }
0x41c: {  	v7 =	vor.u32 $0x2, v6;
	v5 =	vcvt.f32.s32 v5  }
0x41d: {  	v8 =	vor.u32 $0x3, v6  }
0x41e: {  	v9 =	vor.u32 $0x1, v6;
	v5 =	vcvt.s32.f32 v5;
	_ =	sdelay $0x1  }
0x41f: {  	v5 =	vmul.f32 $-3.051757810e-05, v5;
	v6 =	vld.idx.msk [tilespmem:v6+s18+$0x0], $0xffff  }
0x420: {  	v7 =	vld.idx.msk [tilespmem:v7+s18+$0x0], $0xffff  }
0x421: {  	v4 =	vadd.f32 v5, v4;
	v5 =	vld.idx.msk [tilespmem:v8+s18+$0x0], $0xffff  }
0x422: {  	s10 =	sadd.s32 $0x180, s1;
	s1 =	smov.u32 s7;
	v8 =	vld.idx.msk [tilespmem:v9+s18+$0x0], $0xffff  }
0x423: {  	v9 =	vmov s10;
	v4 =	vmul.f32 $3.276800000e+04, v4  }
0x424: {  	v9 =	vshll.u32 v9, $0x5  }
0x425: {  	v9 =	vor.u32 v2, v9;
	v10 =	vsub.f32 $1.000000000e+00, v4  }
0x426: {  	v11 =	vor.u32 $0x16, v9  }
0x427: {  	v7 =	vmul.f32 v4, v7;
	v9 =	vor.u32 $0x17, v9;
	v6 =	vmul.f32 v10, v6  }
0x428: {  	v4 =	vmul.f32 v4, v5;
	v8 =	vmul.f32 v10, v8  }
0x429: {  	v5 =	vadd.f32 v6, v7  }
.Ltmp34:
0x42a: {  	v4 =	vadd.f32 v8, v4;
	(pc) =	sbr.rel @p0 .LBB2_71-.Ltmp34, $4  }
0x42b: {  	[tilespmem:v11+s0+$0x0] =	vst.idx.msk $0xffff, v5  }
0x42c: {  	s5 =	sadd.s32 $0x10, s5;
	[tilespmem:v9+s0+$0x0] =	vst.idx.msk $0xffff, v4  }
0x42d: {  	v4 =	vld [tilespmem:s5+$0x0]  }
0x42e: {  	s7 =	sadd.s32 $0x10, s7  }
0x42f: {  	_ =	sdelay $0x2  }
0x430: {  	v5 =	vmul.f32 $3.276800000e+04, v4  }
0x431: {  	v6 =	vmov s1  }
0x432: {  	v6 =	vshll.u32 v6, $0x3;
	v5 =	vtrunc.f32 v5  }
0x433: {  	v6 =	vor.u32 v3, v6;
	v5 =	vcvt.f32.s32 v5  }
0x434: {  	v7 =	vor.u32 $0x2, v6  }
0x435: {  	v9 =	vor.u32 $0x1, v6;
	v5 =	vcvt.s32.f32 v5  }
0x436: {  	v8 =	vor.u32 $0x3, v6  }
0x437: {  	v5 =	vmul.f32 $-3.051757810e-05, v5  }
0x438: {  	v6 =	vld.idx.msk [tilespmem:v6+s18+$0x0], $0xffff  }
0x439: {  	v7 =	vld.idx.msk [tilespmem:v7+s18+$0x0], $0xffff;
	v4 =	vadd.f32 v5, v4  }
0x43a: {  	s11 =	sadd.s32 $0x180, s1;
	v62 =	vld.idx.msk [tilespmem:v9+s18+$0x0], $0xffff  }
0x43b: {  	v63 =	vmov s11;
	v5 =	vld.idx.msk [tilespmem:v8+s18+$0x0], $0xffff;
	v4 =	vmul.f32 $3.276800000e+04, v4  }
0x43c: {  	v9 =	vshll.u32 v63, $0x5  }
0x43d: {  	v9 =	vor.u32 v2, v9;
	v10 =	vsub.f32 $1.000000000e+00, v4  }
0x43e: {  	v11 =	vor.u32 $0x16, v9  }
0x43f: {  	v9 =	vor.u32 $0x17, v9;
	v7 =	vmul.f32 v4, v7;
	v6 =	vmul.f32 v10, v6  }
0x440: {  	v4 =	vmul.f32 v4, v5;
	v8 =	vmul.f32 v10, v62  }
0x441: {  	v5 =	vadd.f32 v6, v7  }
0x442: {  	v4 =	vadd.f32 v8, v4  }
0x443: {  	[tilespmem:v11+s0+$0x0] =	vst.idx.msk $0xffff, v5  }
0x444: {  	s5 =	simm.s32 $0xFFF8;
	[tilespmem:v9+s0+$0x0] =	vst.idx.msk $0xffff, v4  }
0x445: {  	v4 =	vld [tilespmem:s5+$0x0]  }
0x446: {  	s1 =	simm.s32 $0x0;
	s7 =	simm.s32 $0x0;
	s11 =	simm.s32 $0x10  }
.LBB2_73:
0x447: {  	p0 =	sne.s32 s11, $0x70;
	_ =	sdelay $0x2  }
0x448: {  	v5 =	vmul.f32 $6.553600000e+04, v4  }
0x449: {  	v6 =	vor.u32 s7, v0;
	s7 =	smov.u32 s11  }
0x44a: {  	v7 =	vshll.u32 v6, $0x3;
	v5 =	vtrunc.f32 v5  }
0x44b: {  	v8 =	vor.u32 $0x2, v7;
	v5 =	vcvt.f32.s32 v5  }
0x44c: {  	v9 =	vor.u32 $0x3, v7  }
0x44d: {  	v10 =	vor.u32 $0x1, v7;
	v5 =	vcvt.s32.f32 v5;
	_ =	sdelay $0x1  }
0x44e: {  	v5 =	vmul.f32 $-1.525878910e-05, v5;
	v7 =	vld.idx.msk [tilespmem:v7+s20+$0x0], $0xffff  }
0x44f: {  	v8 =	vld.idx.msk [tilespmem:v8+s20+$0x0], $0xffff  }
0x450: {  	v4 =	vadd.f32 v5, v4;
	v5 =	vld.idx.msk [tilespmem:v9+s20+$0x0], $0xffff  }
0x451: {  	v9 =	vld.idx.msk [tilespmem:v10+s20+$0x0], $0xffff  }
0x452: {  	v4 =	vmul.f32 $6.553600000e+04, v4;
	_ =	sdelay $0x1  }
0x453: {  	v6 =	vshll.u32 v6, $0x5;
	v10 =	vsub.f32 $1.000000000e+00, v4  }
0x454: {  	v11 =	vor.u32 $0x18, v6  }
0x455: {  	v6 =	vor.u32 $0x19, v6;
	v8 =	vmul.f32 v4, v8;
	v7 =	vmul.f32 v10, v7  }
0x456: {  	v4 =	vmul.f32 v4, v5;
	v9 =	vmul.f32 v10, v9  }
0x457: {  	v5 =	vadd.f32 v7, v8  }
.Ltmp35:
0x458: {  	v4 =	vadd.f32 v9, v4;
	(pc) =	sbr.rel @p0 .LBB2_73-.Ltmp35, $4  }
0x459: {  	[tilespmem:v11+s0+$0x0] =	vst.idx.msk $0xffff, v5  }
0x45a: {  	s5 =	sadd.s32 $0x10, s5;
	[tilespmem:v6+s0+$0x0] =	vst.idx.msk $0xffff, v4  }
0x45b: {  	v4 =	vld [tilespmem:s5+$0x0]  }
0x45c: {  	s11 =	sadd.s32 $0x10, s11  }
0x45d: {  	_ =	sdelay $0x2  }
0x45e: {  	v5 =	vmul.f32 $6.553600000e+04, v4;
	_ =	sdelay $0x1  }
0x45f: {  	v6 =	vor.u32 s7, v0;
	v5 =	vtrunc.f32 v5  }
0x460: {  	v7 =	vshll.u32 v6, $0x3;
	v5 =	vcvt.f32.s32 v5  }
0x461: {  	v8 =	vor.u32 $0x2, v7  }
0x462: {  	v10 =	vor.u32 $0x1, v7;
	v5 =	vcvt.s32.f32 v5  }
0x463: {  	v9 =	vor.u32 $0x3, v7  }
0x464: {  	v5 =	vmul.f32 $-1.525878910e-05, v5  }
0x465: {  	v7 =	vld.idx.msk [tilespmem:v7+s20+$0x0], $0xffff  }
0x466: {  	v8 =	vld.idx.msk [tilespmem:v8+s20+$0x0], $0xffff;
	v4 =	vadd.f32 v5, v4  }
0x467: {  	v62 =	vld.idx.msk [tilespmem:v10+s20+$0x0], $0xffff  }
0x468: {  	v5 =	vld.idx.msk [tilespmem:v9+s20+$0x0], $0xffff;
	v4 =	vmul.f32 $6.553600000e+04, v4;
	_ =	sdelay $0x1  }
0x469: {  	v6 =	vshll.u32 v6, $0x5;
	v63 =	vsub.f32 $1.000000000e+00, v4  }
0x46a: {  	v11 =	vor.u32 $0x18, v6  }
0x46b: {  	v6 =	vor.u32 $0x19, v6;
	v8 =	vmul.f32 v4, v8;
	v7 =	vmul.f32 v63, v7  }
0x46c: {  	v4 =	vmul.f32 v4, v5;
	v9 =	vmul.f32 v63, v62  }
0x46d: {  	v5 =	vadd.f32 v7, v8  }
0x46e: {  	v4 =	vadd.f32 v9, v4  }
0x46f: {  	[tilespmem:v11+s0+$0x0] =	vst.idx.msk $0xffff, v5  }
0x470: {  	s5 =	simm.s32 $0x10078;
	[tilespmem:v6+s0+$0x0] =	vst.idx.msk $0xffff, v4  }
0x471: {  	v4 =	vld [tilespmem:s5+$0x0]  }
0x472: {  	s7 =	simm.s32 $0x10  }
.LBB2_75:
0x473: {  	p0 =	sne.s32 s7, $0x70;
	_ =	sdelay $0x2  }
0x474: {  	v6 =	vmov s1;
	v5 =	vmul.f32 $6.553600000e+04, v4  }
0x475: {  	v6 =	vshll.u32 v6, $0x3  }
0x476: {  	v6 =	vor.u32 v3, v6;
	v5 =	vtrunc.f32 v5  }
0x477: {  	v7 =	vor.u32 $0x2, v6;
	v5 =	vcvt.f32.s32 v5  }
0x478: {  	v8 =	vor.u32 $0x3, v6  }
0x479: {  	v9 =	vor.u32 $0x1, v6;
	v5 =	vcvt.s32.f32 v5;
	_ =	sdelay $0x1  }
0x47a: {  	v5 =	vmul.f32 $-1.525878910e-05, v5;
	v6 =	vld.idx.msk [tilespmem:v6+s22+$0x0], $0xffff  }
0x47b: {  	v7 =	vld.idx.msk [tilespmem:v7+s22+$0x0], $0xffff  }
0x47c: {  	v4 =	vadd.f32 v5, v4;
	v5 =	vld.idx.msk [tilespmem:v8+s22+$0x0], $0xffff  }
0x47d: {  	s10 =	sadd.s32 $0x80, s1;
	s1 =	smov.u32 s7;
	v8 =	vld.idx.msk [tilespmem:v9+s22+$0x0], $0xffff  }
0x47e: {  	v9 =	vmov s10;
	v4 =	vmul.f32 $6.553600000e+04, v4  }
0x47f: {  	v9 =	vshll.u32 v9, $0x5  }
0x480: {  	v9 =	vor.u32 v2, v9;
	v10 =	vsub.f32 $1.000000000e+00, v4  }
0x481: {  	v11 =	vor.u32 $0x18, v9  }
0x482: {  	v7 =	vmul.f32 v4, v7;
	v9 =	vor.u32 $0x19, v9;
	v6 =	vmul.f32 v10, v6  }
0x483: {  	v4 =	vmul.f32 v4, v5;
	v8 =	vmul.f32 v10, v8  }
0x484: {  	v5 =	vadd.f32 v6, v7  }
.Ltmp36:
0x485: {  	v4 =	vadd.f32 v8, v4;
	(pc) =	sbr.rel @p0 .LBB2_75-.Ltmp36, $4  }
0x486: {  	[tilespmem:v11+s0+$0x0] =	vst.idx.msk $0xffff, v5  }
0x487: {  	s5 =	sadd.s32 $0x10, s5;
	[tilespmem:v9+s0+$0x0] =	vst.idx.msk $0xffff, v4  }
0x488: {  	v4 =	vld [tilespmem:s5+$0x0]  }
0x489: {  	s7 =	sadd.s32 $0x10, s7  }
0x48a: {  	_ =	sdelay $0x2  }
0x48b: {  	v5 =	vmul.f32 $6.553600000e+04, v4  }
0x48c: {  	v6 =	vmov s1  }
0x48d: {  	v6 =	vshll.u32 v6, $0x3;
	v5 =	vtrunc.f32 v5  }
0x48e: {  	v6 =	vor.u32 v3, v6;
	v5 =	vcvt.f32.s32 v5  }
0x48f: {  	v7 =	vor.u32 $0x2, v6  }
0x490: {  	v9 =	vor.u32 $0x1, v6;
	v5 =	vcvt.s32.f32 v5  }
0x491: {  	v8 =	vor.u32 $0x3, v6  }
0x492: {  	v5 =	vmul.f32 $-1.525878910e-05, v5  }
0x493: {  	v6 =	vld.idx.msk [tilespmem:v6+s22+$0x0], $0xffff  }
0x494: {  	v7 =	vld.idx.msk [tilespmem:v7+s22+$0x0], $0xffff;
	v4 =	vadd.f32 v5, v4  }
0x495: {  	s11 =	sadd.s32 $0x80, s1;
	v62 =	vld.idx.msk [tilespmem:v9+s22+$0x0], $0xffff  }
0x496: {  	v63 =	vmov s11;
	v5 =	vld.idx.msk [tilespmem:v8+s22+$0x0], $0xffff;
	v4 =	vmul.f32 $6.553600000e+04, v4  }
0x497: {  	v9 =	vshll.u32 v63, $0x5  }
0x498: {  	v9 =	vor.u32 v2, v9;
	v10 =	vsub.f32 $1.000000000e+00, v4  }
0x499: {  	v11 =	vor.u32 $0x18, v9  }
0x49a: {  	v9 =	vor.u32 $0x19, v9;
	v7 =	vmul.f32 v4, v7;
	v6 =	vmul.f32 v10, v6  }
0x49b: {  	v4 =	vmul.f32 v4, v5;
	v8 =	vmul.f32 v10, v62  }
0x49c: {  	v5 =	vadd.f32 v6, v7  }
0x49d: {  	v4 =	vadd.f32 v8, v4  }
0x49e: {  	[tilespmem:v11+s0+$0x0] =	vst.idx.msk $0xffff, v5  }
0x49f: {  	s7 =	simm.s32 $0x100F8;
	[tilespmem:v9+s0+$0x0] =	vst.idx.msk $0xffff, v4  }
0x4a0: {  	v4 =	vld [tilespmem:s7+$0x0]  }
0x4a1: {  	s1 =	simm.s32 $0x0;
	s5 =	simm.s32 $0x0;
	s11 =	simm.s32 $0x10  }
.LBB2_77:
0x4a2: {  	p0 =	sne.s32 s11, $0x70;
	_ =	sdelay $0x2  }
0x4a3: {  	v6 =	vmov s5;
	v5 =	vmul.f32 $6.553600000e+04, v4  }
0x4a4: {  	v6 =	vshll.u32 v6, $0x3  }
0x4a5: {  	v6 =	vor.u32 v3, v6;
	v5 =	vtrunc.f32 v5  }
0x4a6: {  	v7 =	vor.u32 $0x2, v6;
	v5 =	vcvt.f32.s32 v5  }
0x4a7: {  	v8 =	vor.u32 $0x3, v6  }
0x4a8: {  	v9 =	vor.u32 $0x1, v6;
	v5 =	vcvt.s32.f32 v5;
	_ =	sdelay $0x1  }
0x4a9: {  	v5 =	vmul.f32 $-1.525878910e-05, v5;
	v6 =	vld.idx.msk [tilespmem:v6+s24+$0x0], $0xffff  }
0x4aa: {  	v7 =	vld.idx.msk [tilespmem:v7+s24+$0x0], $0xffff  }
0x4ab: {  	v4 =	vadd.f32 v5, v4;
	v5 =	vld.idx.msk [tilespmem:v8+s24+$0x0], $0xffff  }
0x4ac: {  	s10 =	sadd.s32 $0x100, s5;
	s5 =	smov.u32 s11;
	v8 =	vld.idx.msk [tilespmem:v9+s24+$0x0], $0xffff  }
0x4ad: {  	v9 =	vmov s10;
	v4 =	vmul.f32 $6.553600000e+04, v4  }
0x4ae: {  	v9 =	vshll.u32 v9, $0x5  }
0x4af: {  	v9 =	vor.u32 v2, v9;
	v10 =	vsub.f32 $1.000000000e+00, v4  }
0x4b0: {  	v11 =	vor.u32 $0x18, v9  }
0x4b1: {  	v7 =	vmul.f32 v4, v7;
	v9 =	vor.u32 $0x19, v9;
	v6 =	vmul.f32 v10, v6  }
0x4b2: {  	v4 =	vmul.f32 v4, v5;
	v8 =	vmul.f32 v10, v8  }
0x4b3: {  	v5 =	vadd.f32 v6, v7  }
.Ltmp37:
0x4b4: {  	v4 =	vadd.f32 v8, v4;
	(pc) =	sbr.rel @p0 .LBB2_77-.Ltmp37, $4  }
0x4b5: {  	[tilespmem:v11+s0+$0x0] =	vst.idx.msk $0xffff, v5  }
0x4b6: {  	s7 =	sadd.s32 $0x10, s7;
	[tilespmem:v9+s0+$0x0] =	vst.idx.msk $0xffff, v4  }
0x4b7: {  	v4 =	vld [tilespmem:s7+$0x0]  }
0x4b8: {  	s11 =	sadd.s32 $0x10, s11  }
0x4b9: {  	_ =	sdelay $0x2  }
0x4ba: {  	v5 =	vmul.f32 $6.553600000e+04, v4  }
0x4bb: {  	v6 =	vmov s5  }
0x4bc: {  	v6 =	vshll.u32 v6, $0x3;
	v5 =	vtrunc.f32 v5  }
0x4bd: {  	v6 =	vor.u32 v3, v6;
	v5 =	vcvt.f32.s32 v5  }
0x4be: {  	v7 =	vor.u32 $0x2, v6  }
0x4bf: {  	v9 =	vor.u32 $0x1, v6;
	v5 =	vcvt.s32.f32 v5  }
0x4c0: {  	v8 =	vor.u32 $0x3, v6  }
0x4c1: {  	v5 =	vmul.f32 $-1.525878910e-05, v5  }
0x4c2: {  	v6 =	vld.idx.msk [tilespmem:v6+s24+$0x0], $0xffff  }
0x4c3: {  	v7 =	vld.idx.msk [tilespmem:v7+s24+$0x0], $0xffff;
	v4 =	vadd.f32 v5, v4  }
0x4c4: {  	s11 =	sadd.s32 $0x100, s5;
	v62 =	vld.idx.msk [tilespmem:v9+s24+$0x0], $0xffff  }
0x4c5: {  	v63 =	vmov s11;
	v5 =	vld.idx.msk [tilespmem:v8+s24+$0x0], $0xffff;
	v4 =	vmul.f32 $6.553600000e+04, v4  }
0x4c6: {  	v9 =	vshll.u32 v63, $0x5  }
0x4c7: {  	v9 =	vor.u32 v2, v9;
	v10 =	vsub.f32 $1.000000000e+00, v4  }
0x4c8: {  	v11 =	vor.u32 $0x18, v9  }
0x4c9: {  	v9 =	vor.u32 $0x19, v9;
	v7 =	vmul.f32 v4, v7;
	v6 =	vmul.f32 v10, v6  }
0x4ca: {  	v4 =	vmul.f32 v4, v5;
	v8 =	vmul.f32 v10, v62  }
0x4cb: {  	v5 =	vadd.f32 v6, v7  }
0x4cc: {  	v4 =	vadd.f32 v8, v4  }
0x4cd: {  	[tilespmem:v11+s0+$0x0] =	vst.idx.msk $0xffff, v5  }
0x4ce: {  	s5 =	simm.s32 $0x10178;
	[tilespmem:v9+s0+$0x0] =	vst.idx.msk $0xffff, v4  }
0x4cf: {  	v4 =	vld [tilespmem:s5+$0x0]  }
0x4d0: {  	s7 =	simm.s32 $0x10  }
.LBB2_79:
0x4d1: {  	p0 =	sne.s32 s7, $0x70;
	_ =	sdelay $0x2  }
0x4d2: {  	v6 =	vmov s1;
	v5 =	vmul.f32 $6.553600000e+04, v4  }
0x4d3: {  	v6 =	vshll.u32 v6, $0x3  }
0x4d4: {  	v6 =	vor.u32 v3, v6;
	v5 =	vtrunc.f32 v5  }
0x4d5: {  	v7 =	vor.u32 $0x2, v6;
	v5 =	vcvt.f32.s32 v5  }
0x4d6: {  	v8 =	vor.u32 $0x3, v6  }
0x4d7: {  	v9 =	vor.u32 $0x1, v6;
	v5 =	vcvt.s32.f32 v5;
	_ =	sdelay $0x1  }
0x4d8: {  	v5 =	vmul.f32 $-1.525878910e-05, v5;
	v6 =	vld.idx.msk [tilespmem:v6+s26+$0x0], $0xffff  }
0x4d9: {  	v7 =	vld.idx.msk [tilespmem:v7+s26+$0x0], $0xffff  }
0x4da: {  	v4 =	vadd.f32 v5, v4;
	v5 =	vld.idx.msk [tilespmem:v8+s26+$0x0], $0xffff  }
0x4db: {  	s10 =	sadd.s32 $0x180, s1;
	s1 =	smov.u32 s7;
	v8 =	vld.idx.msk [tilespmem:v9+s26+$0x0], $0xffff  }
0x4dc: {  	v9 =	vmov s10;
	v4 =	vmul.f32 $6.553600000e+04, v4  }
0x4dd: {  	v9 =	vshll.u32 v9, $0x5  }
0x4de: {  	v9 =	vor.u32 v2, v9;
	v10 =	vsub.f32 $1.000000000e+00, v4  }
0x4df: {  	v11 =	vor.u32 $0x18, v9  }
0x4e0: {  	v7 =	vmul.f32 v4, v7;
	v9 =	vor.u32 $0x19, v9;
	v6 =	vmul.f32 v10, v6  }
0x4e1: {  	v4 =	vmul.f32 v4, v5;
	v8 =	vmul.f32 v10, v8  }
0x4e2: {  	v5 =	vadd.f32 v6, v7  }
.Ltmp38:
0x4e3: {  	v4 =	vadd.f32 v8, v4;
	(pc) =	sbr.rel @p0 .LBB2_79-.Ltmp38, $4  }
0x4e4: {  	[tilespmem:v11+s0+$0x0] =	vst.idx.msk $0xffff, v5  }
0x4e5: {  	s5 =	sadd.s32 $0x10, s5;
	[tilespmem:v9+s0+$0x0] =	vst.idx.msk $0xffff, v4  }
0x4e6: {  	v4 =	vld [tilespmem:s5+$0x0]  }
0x4e7: {  	s7 =	sadd.s32 $0x10, s7  }
0x4e8: {  	_ =	sdelay $0x2  }
0x4e9: {  	v5 =	vmul.f32 $6.553600000e+04, v4  }
0x4ea: {  	v6 =	vmov s1  }
0x4eb: {  	v6 =	vshll.u32 v6, $0x3;
	v5 =	vtrunc.f32 v5  }
0x4ec: {  	v6 =	vor.u32 v3, v6;
	v5 =	vcvt.f32.s32 v5  }
0x4ed: {  	v7 =	vor.u32 $0x2, v6  }
0x4ee: {  	v9 =	vor.u32 $0x1, v6;
	v5 =	vcvt.s32.f32 v5  }
0x4ef: {  	v8 =	vor.u32 $0x3, v6  }
0x4f0: {  	v5 =	vmul.f32 $-1.525878910e-05, v5  }
0x4f1: {  	v6 =	vld.idx.msk [tilespmem:v6+s26+$0x0], $0xffff  }
0x4f2: {  	v7 =	vld.idx.msk [tilespmem:v7+s26+$0x0], $0xffff;
	v4 =	vadd.f32 v5, v4  }
0x4f3: {  	s11 =	sadd.s32 $0x180, s1;
	v62 =	vld.idx.msk [tilespmem:v9+s26+$0x0], $0xffff  }
0x4f4: {  	v63 =	vmov s11;
	v5 =	vld.idx.msk [tilespmem:v8+s26+$0x0], $0xffff;
	v4 =	vmul.f32 $6.553600000e+04, v4  }
0x4f5: {  	v9 =	vshll.u32 v63, $0x5  }
0x4f6: {  	v9 =	vor.u32 v2, v9;
	v10 =	vsub.f32 $1.000000000e+00, v4  }
0x4f7: {  	v11 =	vor.u32 $0x18, v9  }
0x4f8: {  	v9 =	vor.u32 $0x19, v9;
	v7 =	vmul.f32 v4, v7;
	v6 =	vmul.f32 v10, v6  }
0x4f9: {  	v4 =	vmul.f32 v4, v5;
	v8 =	vmul.f32 v10, v62  }
0x4fa: {  	v5 =	vadd.f32 v6, v7  }
0x4fb: {  	v4 =	vadd.f32 v8, v4  }
0x4fc: {  	[tilespmem:v11+s0+$0x0] =	vst.idx.msk $0xffff, v5  }
0x4fd: {  	s5 =	simm.s32 $0xFFF8;
	[tilespmem:v9+s0+$0x0] =	vst.idx.msk $0xffff, v4  }
0x4fe: {  	v4 =	vld [tilespmem:s5+$0x0]  }
0x4ff: {  	s1 =	simm.s32 $0x0;
	s7 =	simm.s32 $0x0;
	s11 =	simm.s32 $0x10  }
.LBB2_81:
0x500: {  	p0 =	sne.s32 s11, $0x70;
	_ =	sdelay $0x2  }
0x501: {  	v5 =	vmul.f32 $1.310720000e+05, v4  }
0x502: {  	v6 =	vor.u32 s7, v0;
	s7 =	smov.u32 s11  }
0x503: {  	v7 =	vshll.u32 v6, $0x3;
	v5 =	vtrunc.f32 v5  }
0x504: {  	v8 =	vor.u32 $0x2, v7;
	v5 =	vcvt.f32.s32 v5  }
0x505: {  	v9 =	vor.u32 $0x3, v7  }
0x506: {  	v10 =	vor.u32 $0x1, v7;
	v5 =	vcvt.s32.f32 v5;
	_ =	sdelay $0x1  }
0x507: {  	v5 =	vmul.f32 $-7.629394530e-06, v5;
	v7 =	vld.idx.msk [tilespmem:v7+s29+$0x0], $0xffff  }
0x508: {  	v8 =	vld.idx.msk [tilespmem:v8+s29+$0x0], $0xffff  }
0x509: {  	v4 =	vadd.f32 v5, v4;
	v5 =	vld.idx.msk [tilespmem:v9+s29+$0x0], $0xffff  }
0x50a: {  	v9 =	vld.idx.msk [tilespmem:v10+s29+$0x0], $0xffff  }
0x50b: {  	v4 =	vmul.f32 $1.310720000e+05, v4;
	_ =	sdelay $0x1  }
0x50c: {  	v6 =	vshll.u32 v6, $0x5;
	v10 =	vsub.f32 $1.000000000e+00, v4  }
0x50d: {  	v11 =	vor.u32 $0x1A, v6  }
0x50e: {  	v6 =	vor.u32 $0x1B, v6;
	v8 =	vmul.f32 v4, v8;
	v7 =	vmul.f32 v10, v7  }
0x50f: {  	v4 =	vmul.f32 v4, v5;
	v9 =	vmul.f32 v10, v9  }
0x510: {  	v5 =	vadd.f32 v7, v8  }
.Ltmp39:
0x511: {  	v4 =	vadd.f32 v9, v4;
	(pc) =	sbr.rel @p0 .LBB2_81-.Ltmp39, $4  }
0x512: {  	[tilespmem:v11+s0+$0x0] =	vst.idx.msk $0xffff, v5  }
0x513: {  	s5 =	sadd.s32 $0x10, s5;
	[tilespmem:v6+s0+$0x0] =	vst.idx.msk $0xffff, v4  }
0x514: {  	v4 =	vld [tilespmem:s5+$0x0]  }
0x515: {  	s11 =	sadd.s32 $0x10, s11  }
0x516: {  	_ =	sdelay $0x2  }
0x517: {  	v5 =	vmul.f32 $1.310720000e+05, v4;
	_ =	sdelay $0x1  }
0x518: {  	v6 =	vor.u32 s7, v0;
	v5 =	vtrunc.f32 v5  }
0x519: {  	v7 =	vshll.u32 v6, $0x3;
	v5 =	vcvt.f32.s32 v5  }
0x51a: {  	v8 =	vor.u32 $0x2, v7  }
0x51b: {  	v10 =	vor.u32 $0x1, v7;
	v5 =	vcvt.s32.f32 v5  }
0x51c: {  	v9 =	vor.u32 $0x3, v7  }
0x51d: {  	v5 =	vmul.f32 $-7.629394530e-06, v5  }
0x51e: {  	v7 =	vld.idx.msk [tilespmem:v7+s29+$0x0], $0xffff  }
0x51f: {  	v8 =	vld.idx.msk [tilespmem:v8+s29+$0x0], $0xffff;
	v4 =	vadd.f32 v5, v4  }
0x520: {  	v62 =	vld.idx.msk [tilespmem:v10+s29+$0x0], $0xffff  }
0x521: {  	v5 =	vld.idx.msk [tilespmem:v9+s29+$0x0], $0xffff;
	v4 =	vmul.f32 $1.310720000e+05, v4;
	_ =	sdelay $0x1  }
0x522: {  	v6 =	vshll.u32 v6, $0x5;
	v63 =	vsub.f32 $1.000000000e+00, v4  }
0x523: {  	v11 =	vor.u32 $0x1A, v6  }
0x524: {  	v6 =	vor.u32 $0x1B, v6;
	v8 =	vmul.f32 v4, v8;
	v7 =	vmul.f32 v63, v7  }
0x525: {  	v4 =	vmul.f32 v4, v5;
	v9 =	vmul.f32 v63, v62  }
0x526: {  	v5 =	vadd.f32 v7, v8  }
0x527: {  	v4 =	vadd.f32 v9, v4  }
0x528: {  	[tilespmem:v11+s0+$0x0] =	vst.idx.msk $0xffff, v5  }
0x529: {  	s5 =	simm.s32 $0x10078;
	[tilespmem:v6+s0+$0x0] =	vst.idx.msk $0xffff, v4  }
0x52a: {  	v4 =	vld [tilespmem:s5+$0x0]  }
0x52b: {  	s7 =	simm.s32 $0x10  }
.LBB2_83:
0x52c: {  	p0 =	sne.s32 s7, $0x70;
	_ =	sdelay $0x2  }
0x52d: {  	v6 =	vmov s1;
	v5 =	vmul.f32 $1.310720000e+05, v4  }
0x52e: {  	v6 =	vshll.u32 v6, $0x3  }
0x52f: {  	v6 =	vor.u32 v3, v6;
	v5 =	vtrunc.f32 v5  }
0x530: {  	v7 =	vor.u32 $0x2, v6;
	v5 =	vcvt.f32.s32 v5  }
0x531: {  	v8 =	vor.u32 $0x3, v6  }
0x532: {  	v9 =	vor.u32 $0x1, v6;
	v5 =	vcvt.s32.f32 v5;
	_ =	sdelay $0x1  }
0x533: {  	v5 =	vmul.f32 $-7.629394530e-06, v5;
	v6 =	vld.idx.msk [tilespmem:v6+s31+$0x0], $0xffff  }
0x534: {  	v7 =	vld.idx.msk [tilespmem:v7+s31+$0x0], $0xffff  }
0x535: {  	v4 =	vadd.f32 v5, v4;
	v5 =	vld.idx.msk [tilespmem:v8+s31+$0x0], $0xffff  }
0x536: {  	s10 =	sadd.s32 $0x80, s1;
	s1 =	smov.u32 s7;
	v8 =	vld.idx.msk [tilespmem:v9+s31+$0x0], $0xffff  }
0x537: {  	v9 =	vmov s10;
	v4 =	vmul.f32 $1.310720000e+05, v4  }
0x538: {  	v9 =	vshll.u32 v9, $0x5  }
0x539: {  	v9 =	vor.u32 v2, v9;
	v10 =	vsub.f32 $1.000000000e+00, v4  }
0x53a: {  	v11 =	vor.u32 $0x1A, v9  }
0x53b: {  	v7 =	vmul.f32 v4, v7;
	v9 =	vor.u32 $0x1B, v9;
	v6 =	vmul.f32 v10, v6  }
0x53c: {  	v4 =	vmul.f32 v4, v5;
	v8 =	vmul.f32 v10, v8  }
0x53d: {  	v5 =	vadd.f32 v6, v7  }
.Ltmp40:
0x53e: {  	v4 =	vadd.f32 v8, v4;
	(pc) =	sbr.rel @p0 .LBB2_83-.Ltmp40, $4  }
0x53f: {  	[tilespmem:v11+s0+$0x0] =	vst.idx.msk $0xffff, v5  }
0x540: {  	s5 =	sadd.s32 $0x10, s5;
	[tilespmem:v9+s0+$0x0] =	vst.idx.msk $0xffff, v4  }
0x541: {  	v4 =	vld [tilespmem:s5+$0x0]  }
0x542: {  	s7 =	sadd.s32 $0x10, s7  }
0x543: {  	_ =	sdelay $0x2  }
0x544: {  	v5 =	vmul.f32 $1.310720000e+05, v4  }
0x545: {  	v6 =	vmov s1  }
0x546: {  	v6 =	vshll.u32 v6, $0x3;
	v5 =	vtrunc.f32 v5  }
0x547: {  	v6 =	vor.u32 v3, v6;
	v5 =	vcvt.f32.s32 v5  }
0x548: {  	v7 =	vor.u32 $0x2, v6  }
0x549: {  	v9 =	vor.u32 $0x1, v6;
	v5 =	vcvt.s32.f32 v5  }
0x54a: {  	v8 =	vor.u32 $0x3, v6  }
0x54b: {  	v5 =	vmul.f32 $-7.629394530e-06, v5  }
0x54c: {  	v6 =	vld.idx.msk [tilespmem:v6+s31+$0x0], $0xffff  }
0x54d: {  	v7 =	vld.idx.msk [tilespmem:v7+s31+$0x0], $0xffff;
	v4 =	vadd.f32 v5, v4  }
0x54e: {  	s11 =	sadd.s32 $0x80, s1;
	v62 =	vld.idx.msk [tilespmem:v9+s31+$0x0], $0xffff  }
0x54f: {  	v63 =	vmov s11;
	v5 =	vld.idx.msk [tilespmem:v8+s31+$0x0], $0xffff;
	v4 =	vmul.f32 $1.310720000e+05, v4  }
0x550: {  	v9 =	vshll.u32 v63, $0x5  }
0x551: {  	v9 =	vor.u32 v2, v9;
	v10 =	vsub.f32 $1.000000000e+00, v4  }
0x552: {  	v11 =	vor.u32 $0x1A, v9  }
0x553: {  	v9 =	vor.u32 $0x1B, v9;
	v7 =	vmul.f32 v4, v7;
	v6 =	vmul.f32 v10, v6  }
0x554: {  	v4 =	vmul.f32 v4, v5;
	v8 =	vmul.f32 v10, v62  }
0x555: {  	v5 =	vadd.f32 v6, v7  }
0x556: {  	v4 =	vadd.f32 v8, v4  }
0x557: {  	[tilespmem:v11+s0+$0x0] =	vst.idx.msk $0xffff, v5  }
0x558: {  	s7 =	simm.s32 $0x100F8;
	[tilespmem:v9+s0+$0x0] =	vst.idx.msk $0xffff, v4  }
0x559: {  	v4 =	vld [tilespmem:s7+$0x0]  }
0x55a: {  	s1 =	simm.s32 $0x0;
	s5 =	simm.s32 $0x0;
	s11 =	simm.s32 $0x10  }
.LBB2_85:
0x55b: {  	p0 =	sne.s32 s11, $0x70;
	_ =	sdelay $0x2  }
0x55c: {  	v6 =	vmov s5;
	v5 =	vmul.f32 $1.310720000e+05, v4  }
0x55d: {  	v6 =	vshll.u32 v6, $0x3  }
0x55e: {  	v6 =	vor.u32 v3, v6;
	v5 =	vtrunc.f32 v5  }
0x55f: {  	v7 =	vor.u32 $0x2, v6;
	v5 =	vcvt.f32.s32 v5  }
0x560: {  	v8 =	vor.u32 $0x3, v6  }
0x561: {  	v9 =	vor.u32 $0x1, v6;
	v5 =	vcvt.s32.f32 v5;
	_ =	sdelay $0x1  }
0x562: {  	v5 =	vmul.f32 $-7.629394530e-06, v5;
	v6 =	vld.idx.msk [tilespmem:v6+s4+$0x0], $0xffff  }
0x563: {  	v7 =	vld.idx.msk [tilespmem:v7+s4+$0x0], $0xffff  }
0x564: {  	v4 =	vadd.f32 v5, v4;
	v5 =	vld.idx.msk [tilespmem:v8+s4+$0x0], $0xffff  }
0x565: {  	s10 =	sadd.s32 $0x100, s5;
	s5 =	smov.u32 s11;
	v8 =	vld.idx.msk [tilespmem:v9+s4+$0x0], $0xffff  }
0x566: {  	v9 =	vmov s10;
	v4 =	vmul.f32 $1.310720000e+05, v4  }
0x567: {  	v9 =	vshll.u32 v9, $0x5  }
0x568: {  	v9 =	vor.u32 v2, v9;
	v10 =	vsub.f32 $1.000000000e+00, v4  }
0x569: {  	v11 =	vor.u32 $0x1A, v9  }
0x56a: {  	v7 =	vmul.f32 v4, v7;
	v9 =	vor.u32 $0x1B, v9;
	v6 =	vmul.f32 v10, v6  }
0x56b: {  	v4 =	vmul.f32 v4, v5;
	v8 =	vmul.f32 v10, v8  }
0x56c: {  	v5 =	vadd.f32 v6, v7  }
.Ltmp41:
0x56d: {  	v4 =	vadd.f32 v8, v4;
	(pc) =	sbr.rel @p0 .LBB2_85-.Ltmp41, $4  }
0x56e: {  	[tilespmem:v11+s0+$0x0] =	vst.idx.msk $0xffff, v5  }
0x56f: {  	s7 =	sadd.s32 $0x10, s7;
	[tilespmem:v9+s0+$0x0] =	vst.idx.msk $0xffff, v4  }
0x570: {  	v4 =	vld [tilespmem:s7+$0x0]  }
0x571: {  	s11 =	sadd.s32 $0x10, s11  }
0x572: {  	_ =	sdelay $0x2  }
0x573: {  	v5 =	vmul.f32 $1.310720000e+05, v4  }
0x574: {  	v6 =	vmov s5  }
0x575: {  	v6 =	vshll.u32 v6, $0x3;
	v5 =	vtrunc.f32 v5  }
0x576: {  	v6 =	vor.u32 v3, v6;
	v5 =	vcvt.f32.s32 v5  }
0x577: {  	v7 =	vor.u32 $0x2, v6  }
0x578: {  	v9 =	vor.u32 $0x1, v6;
	v5 =	vcvt.s32.f32 v5  }
0x579: {  	v8 =	vor.u32 $0x3, v6  }
0x57a: {  	v5 =	vmul.f32 $-7.629394530e-06, v5  }
0x57b: {  	v6 =	vld.idx.msk [tilespmem:v6+s4+$0x0], $0xffff  }
0x57c: {  	v7 =	vld.idx.msk [tilespmem:v7+s4+$0x0], $0xffff;
	v4 =	vadd.f32 v5, v4  }
0x57d: {  	s11 =	sadd.s32 $0x100, s5;
	v62 =	vld.idx.msk [tilespmem:v9+s4+$0x0], $0xffff  }
0x57e: {  	v63 =	vmov s11;
	v5 =	vld.idx.msk [tilespmem:v8+s4+$0x0], $0xffff;
	v4 =	vmul.f32 $1.310720000e+05, v4  }
0x57f: {  	v9 =	vshll.u32 v63, $0x5  }
0x580: {  	v9 =	vor.u32 v2, v9;
	v10 =	vsub.f32 $1.000000000e+00, v4  }
0x581: {  	v11 =	vor.u32 $0x1A, v9  }
0x582: {  	v9 =	vor.u32 $0x1B, v9;
	v7 =	vmul.f32 v4, v7;
	v6 =	vmul.f32 v10, v6  }
0x583: {  	v4 =	vmul.f32 v4, v5;
	v8 =	vmul.f32 v10, v62  }
0x584: {  	v5 =	vadd.f32 v6, v7  }
0x585: {  	v4 =	vadd.f32 v8, v4  }
0x586: {  	[tilespmem:v11+s0+$0x0] =	vst.idx.msk $0xffff, v5  }
0x587: {  	s5 =	simm.s32 $0x10178;
	[tilespmem:v9+s0+$0x0] =	vst.idx.msk $0xffff, v4  }
0x588: {  	v4 =	vld [tilespmem:s5+$0x0]  }
0x589: {  	s7 =	simm.s32 $0x10  }
.LBB2_87:
0x58a: {  	p0 =	sne.s32 s7, $0x70;
	_ =	sdelay $0x2  }
0x58b: {  	v6 =	vmov s1;
	v5 =	vmul.f32 $1.310720000e+05, v4  }
0x58c: {  	v6 =	vshll.u32 v6, $0x3  }
0x58d: {  	v6 =	vor.u32 v3, v6;
	v5 =	vtrunc.f32 v5  }
0x58e: {  	v7 =	vor.u32 $0x2, v6;
	v5 =	vcvt.f32.s32 v5  }
0x58f: {  	v8 =	vor.u32 $0x3, v6  }
0x590: {  	v9 =	vor.u32 $0x1, v6;
	v5 =	vcvt.s32.f32 v5;
	_ =	sdelay $0x1  }
0x591: {  	v5 =	vmul.f32 $-7.629394530e-06, v5;
	v6 =	vld.idx.msk [tilespmem:v6+s8+$0x0], $0xffff  }
0x592: {  	v7 =	vld.idx.msk [tilespmem:v7+s8+$0x0], $0xffff  }
0x593: {  	v4 =	vadd.f32 v5, v4;
	v5 =	vld.idx.msk [tilespmem:v8+s8+$0x0], $0xffff  }
0x594: {  	s10 =	sadd.s32 $0x180, s1;
	s1 =	smov.u32 s7;
	v8 =	vld.idx.msk [tilespmem:v9+s8+$0x0], $0xffff  }
0x595: {  	v9 =	vmov s10;
	v4 =	vmul.f32 $1.310720000e+05, v4  }
0x596: {  	v9 =	vshll.u32 v9, $0x5  }
0x597: {  	v9 =	vor.u32 v2, v9;
	v10 =	vsub.f32 $1.000000000e+00, v4  }
0x598: {  	v11 =	vor.u32 $0x1A, v9  }
0x599: {  	v7 =	vmul.f32 v4, v7;
	v9 =	vor.u32 $0x1B, v9;
	v6 =	vmul.f32 v10, v6  }
0x59a: {  	v4 =	vmul.f32 v4, v5;
	v8 =	vmul.f32 v10, v8  }
0x59b: {  	v5 =	vadd.f32 v6, v7  }
.Ltmp42:
0x59c: {  	v4 =	vadd.f32 v8, v4;
	(pc) =	sbr.rel @p0 .LBB2_87-.Ltmp42, $4  }
0x59d: {  	[tilespmem:v11+s0+$0x0] =	vst.idx.msk $0xffff, v5  }
0x59e: {  	s5 =	sadd.s32 $0x10, s5;
	[tilespmem:v9+s0+$0x0] =	vst.idx.msk $0xffff, v4  }
0x59f: {  	v4 =	vld [tilespmem:s5+$0x0]  }
0x5a0: {  	s7 =	sadd.s32 $0x10, s7  }
0x5a1: {  	_ =	sdelay $0x2  }
0x5a2: {  	v5 =	vmul.f32 $1.310720000e+05, v4  }
0x5a3: {  	v6 =	vmov s1  }
0x5a4: {  	v6 =	vshll.u32 v6, $0x3;
	v5 =	vtrunc.f32 v5  }
0x5a5: {  	v6 =	vor.u32 v3, v6;
	v5 =	vcvt.f32.s32 v5  }
0x5a6: {  	v7 =	vor.u32 $0x2, v6  }
0x5a7: {  	v9 =	vor.u32 $0x1, v6;
	v5 =	vcvt.s32.f32 v5  }
0x5a8: {  	v8 =	vor.u32 $0x3, v6  }
0x5a9: {  	v5 =	vmul.f32 $-7.629394530e-06, v5  }
0x5aa: {  	v6 =	vld.idx.msk [tilespmem:v6+s8+$0x0], $0xffff  }
0x5ab: {  	v7 =	vld.idx.msk [tilespmem:v7+s8+$0x0], $0xffff;
	v4 =	vadd.f32 v5, v4  }
0x5ac: {  	s11 =	sadd.s32 $0x180, s1;
	v62 =	vld.idx.msk [tilespmem:v9+s8+$0x0], $0xffff  }
0x5ad: {  	v63 =	vmov s11;
	v5 =	vld.idx.msk [tilespmem:v8+s8+$0x0], $0xffff;
	v4 =	vmul.f32 $1.310720000e+05, v4  }
0x5ae: {  	v9 =	vshll.u32 v63, $0x5  }
0x5af: {  	v9 =	vor.u32 v2, v9;
	v10 =	vsub.f32 $1.000000000e+00, v4  }
0x5b0: {  	v11 =	vor.u32 $0x1A, v9  }
0x5b1: {  	v9 =	vor.u32 $0x1B, v9;
	v7 =	vmul.f32 v4, v7;
	v6 =	vmul.f32 v10, v6  }
0x5b2: {  	v4 =	vmul.f32 v4, v5;
	v8 =	vmul.f32 v10, v62  }
0x5b3: {  	v5 =	vadd.f32 v6, v7  }
0x5b4: {  	v4 =	vadd.f32 v8, v4  }
0x5b5: {  	[tilespmem:v11+s0+$0x0] =	vst.idx.msk $0xffff, v5  }
0x5b6: {  	s5 =	simm.s32 $0xFFF8;
	[tilespmem:v9+s0+$0x0] =	vst.idx.msk $0xffff, v4  }
0x5b7: {  	v4 =	vld [tilespmem:s5+$0x0]  }
0x5b8: {  	s1 =	simm.s32 $0x0;
	s7 =	simm.s32 $0x0;
	s11 =	simm.s32 $0x10  }
.LBB2_89:
0x5b9: {  	p0 =	sne.s32 s11, $0x70;
	_ =	sdelay $0x2  }
0x5ba: {  	v5 =	vmul.f32 $2.621440000e+05, v4  }
0x5bb: {  	v6 =	vor.u32 s7, v0;
	s7 =	smov.u32 s11  }
0x5bc: {  	v7 =	vshll.u32 v6, $0x3;
	v5 =	vtrunc.f32 v5  }
0x5bd: {  	v8 =	vor.u32 $0x2, v7;
	v5 =	vcvt.f32.s32 v5  }
0x5be: {  	v9 =	vor.u32 $0x3, v7  }
0x5bf: {  	v10 =	vor.u32 $0x1, v7;
	v5 =	vcvt.s32.f32 v5;
	_ =	sdelay $0x1  }
0x5c0: {  	v5 =	vmul.f32 $-3.814697270e-06, v5;
	v7 =	vld.idx.msk [tilespmem:v7+s2+$0x0], $0xffff  }
0x5c1: {  	v8 =	vld.idx.msk [tilespmem:v8+s2+$0x0], $0xffff  }
0x5c2: {  	v4 =	vadd.f32 v5, v4;
	v5 =	vld.idx.msk [tilespmem:v9+s2+$0x0], $0xffff  }
0x5c3: {  	v9 =	vld.idx.msk [tilespmem:v10+s2+$0x0], $0xffff  }
0x5c4: {  	v4 =	vmul.f32 $2.621440000e+05, v4;
	_ =	sdelay $0x1  }
0x5c5: {  	v6 =	vshll.u32 v6, $0x5;
	v10 =	vsub.f32 $1.000000000e+00, v4  }
0x5c6: {  	v11 =	vor.u32 $0x1C, v6  }
0x5c7: {  	v6 =	vor.u32 $0x1D, v6;
	v8 =	vmul.f32 v4, v8;
	v7 =	vmul.f32 v10, v7  }
0x5c8: {  	v4 =	vmul.f32 v4, v5;
	v9 =	vmul.f32 v10, v9  }
0x5c9: {  	v5 =	vadd.f32 v7, v8  }
.Ltmp43:
0x5ca: {  	v4 =	vadd.f32 v9, v4;
	(pc) =	sbr.rel @p0 .LBB2_89-.Ltmp43, $4  }
0x5cb: {  	[tilespmem:v11+s0+$0x0] =	vst.idx.msk $0xffff, v5  }
0x5cc: {  	s5 =	sadd.s32 $0x10, s5;
	[tilespmem:v6+s0+$0x0] =	vst.idx.msk $0xffff, v4  }
0x5cd: {  	v4 =	vld [tilespmem:s5+$0x0]  }
0x5ce: {  	s11 =	sadd.s32 $0x10, s11  }
0x5cf: {  	_ =	sdelay $0x2  }
0x5d0: {  	v5 =	vmul.f32 $2.621440000e+05, v4;
	_ =	sdelay $0x1  }
0x5d1: {  	v6 =	vor.u32 s7, v0;
	v5 =	vtrunc.f32 v5  }
0x5d2: {  	v7 =	vshll.u32 v6, $0x3;
	v5 =	vcvt.f32.s32 v5  }
0x5d3: {  	v8 =	vor.u32 $0x2, v7  }
0x5d4: {  	v10 =	vor.u32 $0x1, v7;
	v5 =	vcvt.s32.f32 v5  }
0x5d5: {  	v9 =	vor.u32 $0x3, v7  }
0x5d6: {  	v5 =	vmul.f32 $-3.814697270e-06, v5  }
0x5d7: {  	v7 =	vld.idx.msk [tilespmem:v7+s2+$0x0], $0xffff  }
0x5d8: {  	v8 =	vld.idx.msk [tilespmem:v8+s2+$0x0], $0xffff;
	v4 =	vadd.f32 v5, v4  }
0x5d9: {  	v62 =	vld.idx.msk [tilespmem:v10+s2+$0x0], $0xffff  }
0x5da: {  	v5 =	vld.idx.msk [tilespmem:v9+s2+$0x0], $0xffff;
	v4 =	vmul.f32 $2.621440000e+05, v4;
	_ =	sdelay $0x1  }
0x5db: {  	v6 =	vshll.u32 v6, $0x5;
	v63 =	vsub.f32 $1.000000000e+00, v4  }
0x5dc: {  	v11 =	vor.u32 $0x1C, v6  }
0x5dd: {  	v6 =	vor.u32 $0x1D, v6;
	v8 =	vmul.f32 v4, v8;
	v7 =	vmul.f32 v63, v7  }
0x5de: {  	v4 =	vmul.f32 v4, v5;
	v9 =	vmul.f32 v63, v62  }
0x5df: {  	v5 =	vadd.f32 v7, v8  }
0x5e0: {  	v4 =	vadd.f32 v9, v4  }
0x5e1: {  	[tilespmem:v11+s0+$0x0] =	vst.idx.msk $0xffff, v5  }
0x5e2: {  	s5 =	simm.s32 $0x10078;
	[tilespmem:v6+s0+$0x0] =	vst.idx.msk $0xffff, v4  }
0x5e3: {  	v4 =	vld [tilespmem:s5+$0x0]  }
0x5e4: {  	s7 =	simm.s32 $0x10  }
.LBB2_91:
0x5e5: {  	p0 =	sne.s32 s7, $0x70;
	_ =	sdelay $0x2  }
0x5e6: {  	v6 =	vmov s1;
	v5 =	vmul.f32 $2.621440000e+05, v4  }
0x5e7: {  	v6 =	vshll.u32 v6, $0x3  }
0x5e8: {  	v6 =	vor.u32 v3, v6;
	v5 =	vtrunc.f32 v5  }
0x5e9: {  	v7 =	vor.u32 $0x2, v6;
	v5 =	vcvt.f32.s32 v5  }
0x5ea: {  	v8 =	vor.u32 $0x3, v6  }
0x5eb: {  	v9 =	vor.u32 $0x1, v6;
	v5 =	vcvt.s32.f32 v5;
	_ =	sdelay $0x1  }
0x5ec: {  	v5 =	vmul.f32 $-3.814697270e-06, v5;
	v6 =	vld.idx.msk [tilespmem:v6+s9+$0x0], $0xffff  }
0x5ed: {  	v7 =	vld.idx.msk [tilespmem:v7+s9+$0x0], $0xffff  }
0x5ee: {  	v4 =	vadd.f32 v5, v4;
	v5 =	vld.idx.msk [tilespmem:v8+s9+$0x0], $0xffff  }
0x5ef: {  	s10 =	sadd.s32 $0x80, s1;
	s1 =	smov.u32 s7;
	v8 =	vld.idx.msk [tilespmem:v9+s9+$0x0], $0xffff  }
0x5f0: {  	v9 =	vmov s10;
	v4 =	vmul.f32 $2.621440000e+05, v4  }
0x5f1: {  	v9 =	vshll.u32 v9, $0x5  }
0x5f2: {  	v9 =	vor.u32 v2, v9;
	v10 =	vsub.f32 $1.000000000e+00, v4  }
0x5f3: {  	v11 =	vor.u32 $0x1C, v9  }
0x5f4: {  	v7 =	vmul.f32 v4, v7;
	v9 =	vor.u32 $0x1D, v9;
	v6 =	vmul.f32 v10, v6  }
0x5f5: {  	v4 =	vmul.f32 v4, v5;
	v8 =	vmul.f32 v10, v8  }
0x5f6: {  	v5 =	vadd.f32 v6, v7  }
.Ltmp44:
0x5f7: {  	v4 =	vadd.f32 v8, v4;
	(pc) =	sbr.rel @p0 .LBB2_91-.Ltmp44, $4  }
0x5f8: {  	[tilespmem:v11+s0+$0x0] =	vst.idx.msk $0xffff, v5  }
0x5f9: {  	s5 =	sadd.s32 $0x10, s5;
	[tilespmem:v9+s0+$0x0] =	vst.idx.msk $0xffff, v4  }
0x5fa: {  	v4 =	vld [tilespmem:s5+$0x0]  }
0x5fb: {  	s7 =	sadd.s32 $0x10, s7  }
0x5fc: {  	_ =	sdelay $0x2  }
0x5fd: {  	v5 =	vmul.f32 $2.621440000e+05, v4  }
0x5fe: {  	v6 =	vmov s1  }
0x5ff: {  	v6 =	vshll.u32 v6, $0x3;
	v5 =	vtrunc.f32 v5  }
0x600: {  	v6 =	vor.u32 v3, v6;
	v5 =	vcvt.f32.s32 v5  }
0x601: {  	v7 =	vor.u32 $0x2, v6  }
0x602: {  	v9 =	vor.u32 $0x1, v6;
	v5 =	vcvt.s32.f32 v5  }
0x603: {  	v8 =	vor.u32 $0x3, v6  }
0x604: {  	v5 =	vmul.f32 $-3.814697270e-06, v5  }
0x605: {  	v6 =	vld.idx.msk [tilespmem:v6+s9+$0x0], $0xffff  }
0x606: {  	v7 =	vld.idx.msk [tilespmem:v7+s9+$0x0], $0xffff;
	v4 =	vadd.f32 v5, v4  }
0x607: {  	s11 =	sadd.s32 $0x80, s1;
	v62 =	vld.idx.msk [tilespmem:v9+s9+$0x0], $0xffff  }
0x608: {  	v63 =	vmov s11;
	v5 =	vld.idx.msk [tilespmem:v8+s9+$0x0], $0xffff;
	v4 =	vmul.f32 $2.621440000e+05, v4  }
0x609: {  	v9 =	vshll.u32 v63, $0x5  }
0x60a: {  	v9 =	vor.u32 v2, v9;
	v10 =	vsub.f32 $1.000000000e+00, v4  }
0x60b: {  	v11 =	vor.u32 $0x1C, v9  }
0x60c: {  	v9 =	vor.u32 $0x1D, v9;
	v7 =	vmul.f32 v4, v7;
	v6 =	vmul.f32 v10, v6  }
0x60d: {  	v4 =	vmul.f32 v4, v5;
	v8 =	vmul.f32 v10, v62  }
0x60e: {  	v5 =	vadd.f32 v6, v7  }
0x60f: {  	v4 =	vadd.f32 v8, v4  }
0x610: {  	[tilespmem:v11+s0+$0x0] =	vst.idx.msk $0xffff, v5  }
0x611: {  	s7 =	simm.s32 $0x100F8;
	[tilespmem:v9+s0+$0x0] =	vst.idx.msk $0xffff, v4  }
0x612: {  	v4 =	vld [tilespmem:s7+$0x0]  }
0x613: {  	s1 =	simm.s32 $0x0;
	s5 =	simm.s32 $0x0;
	s11 =	simm.s32 $0x10  }
.LBB2_93:
0x614: {  	p0 =	sne.s32 s11, $0x70;
	_ =	sdelay $0x2  }
0x615: {  	v6 =	vmov s5;
	v5 =	vmul.f32 $2.621440000e+05, v4  }
0x616: {  	v6 =	vshll.u32 v6, $0x3  }
0x617: {  	v6 =	vor.u32 v3, v6;
	v5 =	vtrunc.f32 v5  }
0x618: {  	v7 =	vor.u32 $0x2, v6;
	v5 =	vcvt.f32.s32 v5  }
0x619: {  	v8 =	vor.u32 $0x3, v6  }
0x61a: {  	v9 =	vor.u32 $0x1, v6;
	v5 =	vcvt.s32.f32 v5;
	_ =	sdelay $0x1  }
0x61b: {  	v5 =	vmul.f32 $-3.814697270e-06, v5;
	v6 =	vld.idx.msk [tilespmem:v6+s6+$0x0], $0xffff  }
0x61c: {  	v7 =	vld.idx.msk [tilespmem:v7+s6+$0x0], $0xffff  }
0x61d: {  	v4 =	vadd.f32 v5, v4;
	v5 =	vld.idx.msk [tilespmem:v8+s6+$0x0], $0xffff  }
0x61e: {  	s10 =	sadd.s32 $0x100, s5;
	s5 =	smov.u32 s11;
	v8 =	vld.idx.msk [tilespmem:v9+s6+$0x0], $0xffff  }
0x61f: {  	v9 =	vmov s10;
	v4 =	vmul.f32 $2.621440000e+05, v4  }
0x620: {  	v9 =	vshll.u32 v9, $0x5  }
0x621: {  	v9 =	vor.u32 v2, v9;
	v10 =	vsub.f32 $1.000000000e+00, v4  }
0x622: {  	v11 =	vor.u32 $0x1C, v9  }
0x623: {  	v7 =	vmul.f32 v4, v7;
	v9 =	vor.u32 $0x1D, v9;
	v6 =	vmul.f32 v10, v6  }
0x624: {  	v4 =	vmul.f32 v4, v5;
	v8 =	vmul.f32 v10, v8  }
0x625: {  	v5 =	vadd.f32 v6, v7  }
.Ltmp45:
0x626: {  	v4 =	vadd.f32 v8, v4;
	(pc) =	sbr.rel @p0 .LBB2_93-.Ltmp45, $4  }
0x627: {  	[tilespmem:v11+s0+$0x0] =	vst.idx.msk $0xffff, v5  }
0x628: {  	s7 =	sadd.s32 $0x10, s7;
	[tilespmem:v9+s0+$0x0] =	vst.idx.msk $0xffff, v4  }
0x629: {  	v4 =	vld [tilespmem:s7+$0x0]  }
0x62a: {  	s11 =	sadd.s32 $0x10, s11  }
0x62b: {  	_ =	sdelay $0x2  }
0x62c: {  	v5 =	vmul.f32 $2.621440000e+05, v4  }
0x62d: {  	v6 =	vmov s5  }
0x62e: {  	v6 =	vshll.u32 v6, $0x3;
	v5 =	vtrunc.f32 v5  }
0x62f: {  	v6 =	vor.u32 v3, v6;
	v5 =	vcvt.f32.s32 v5  }
0x630: {  	v7 =	vor.u32 $0x2, v6  }
0x631: {  	v9 =	vor.u32 $0x1, v6;
	v5 =	vcvt.s32.f32 v5  }
0x632: {  	v8 =	vor.u32 $0x3, v6  }
0x633: {  	v5 =	vmul.f32 $-3.814697270e-06, v5  }
0x634: {  	v6 =	vld.idx.msk [tilespmem:v6+s6+$0x0], $0xffff  }
0x635: {  	v7 =	vld.idx.msk [tilespmem:v7+s6+$0x0], $0xffff;
	v4 =	vadd.f32 v5, v4  }
0x636: {  	s11 =	sadd.s32 $0x100, s5;
	v62 =	vld.idx.msk [tilespmem:v9+s6+$0x0], $0xffff  }
0x637: {  	v63 =	vmov s11;
	v5 =	vld.idx.msk [tilespmem:v8+s6+$0x0], $0xffff;
	v4 =	vmul.f32 $2.621440000e+05, v4  }
0x638: {  	v9 =	vshll.u32 v63, $0x5  }
0x639: {  	v9 =	vor.u32 v2, v9;
	v10 =	vsub.f32 $1.000000000e+00, v4  }
0x63a: {  	v11 =	vor.u32 $0x1C, v9  }
0x63b: {  	v9 =	vor.u32 $0x1D, v9;
	v7 =	vmul.f32 v4, v7;
	v6 =	vmul.f32 v10, v6  }
0x63c: {  	v4 =	vmul.f32 v4, v5;
	v8 =	vmul.f32 v10, v62  }
0x63d: {  	v5 =	vadd.f32 v6, v7  }
0x63e: {  	v4 =	vadd.f32 v8, v4  }
0x63f: {  	[tilespmem:v11+s0+$0x0] =	vst.idx.msk $0xffff, v5  }
0x640: {  	s5 =	simm.s32 $0x10178;
	[tilespmem:v9+s0+$0x0] =	vst.idx.msk $0xffff, v4  }
0x641: {  	v4 =	vld [tilespmem:s5+$0x0]  }
0x642: {  	s7 =	simm.s32 $0x10  }
.LBB2_95:
0x643: {  	p0 =	sne.s32 s7, $0x70;
	_ =	sdelay $0x2  }
0x644: {  	v6 =	vmov s1;
	v5 =	vmul.f32 $2.621440000e+05, v4  }
0x645: {  	v6 =	vshll.u32 v6, $0x3  }
0x646: {  	v6 =	vor.u32 v3, v6;
	v5 =	vtrunc.f32 v5  }
0x647: {  	v7 =	vor.u32 $0x2, v6;
	v5 =	vcvt.f32.s32 v5  }
0x648: {  	v8 =	vor.u32 $0x3, v6  }
0x649: {  	v9 =	vor.u32 $0x1, v6;
	v5 =	vcvt.s32.f32 v5;
	_ =	sdelay $0x1  }
0x64a: {  	v5 =	vmul.f32 $-3.814697270e-06, v5;
	v6 =	vld.idx.msk [tilespmem:v6+s13+$0x0], $0xffff  }
0x64b: {  	v7 =	vld.idx.msk [tilespmem:v7+s13+$0x0], $0xffff  }
0x64c: {  	v4 =	vadd.f32 v5, v4;
	v5 =	vld.idx.msk [tilespmem:v8+s13+$0x0], $0xffff  }
0x64d: {  	s10 =	sadd.s32 $0x180, s1;
	s1 =	smov.u32 s7;
	v8 =	vld.idx.msk [tilespmem:v9+s13+$0x0], $0xffff  }
0x64e: {  	v9 =	vmov s10;
	v4 =	vmul.f32 $2.621440000e+05, v4  }
0x64f: {  	v9 =	vshll.u32 v9, $0x5  }
0x650: {  	v9 =	vor.u32 v2, v9;
	v10 =	vsub.f32 $1.000000000e+00, v4  }
0x651: {  	v11 =	vor.u32 $0x1C, v9  }
0x652: {  	v7 =	vmul.f32 v4, v7;
	v9 =	vor.u32 $0x1D, v9;
	v6 =	vmul.f32 v10, v6  }
0x653: {  	v4 =	vmul.f32 v4, v5;
	v8 =	vmul.f32 v10, v8  }
0x654: {  	v5 =	vadd.f32 v6, v7  }
.Ltmp46:
0x655: {  	v4 =	vadd.f32 v8, v4;
	(pc) =	sbr.rel @p0 .LBB2_95-.Ltmp46, $4  }
0x656: {  	[tilespmem:v11+s0+$0x0] =	vst.idx.msk $0xffff, v5  }
0x657: {  	s5 =	sadd.s32 $0x10, s5;
	[tilespmem:v9+s0+$0x0] =	vst.idx.msk $0xffff, v4  }
0x658: {  	v4 =	vld [tilespmem:s5+$0x0]  }
0x659: {  	s7 =	sadd.s32 $0x10, s7  }
0x65a: {  	_ =	sdelay $0x2  }
0x65b: {  	v5 =	vmul.f32 $2.621440000e+05, v4  }
0x65c: {  	v6 =	vmov s1  }
0x65d: {  	v6 =	vshll.u32 v6, $0x3;
	v5 =	vtrunc.f32 v5  }
0x65e: {  	v6 =	vor.u32 v3, v6;
	v5 =	vcvt.f32.s32 v5  }
0x65f: {  	v7 =	vor.u32 $0x2, v6  }
0x660: {  	v9 =	vor.u32 $0x1, v6;
	v5 =	vcvt.s32.f32 v5  }
0x661: {  	v8 =	vor.u32 $0x3, v6  }
0x662: {  	v5 =	vmul.f32 $-3.814697270e-06, v5  }
0x663: {  	v6 =	vld.idx.msk [tilespmem:v6+s13+$0x0], $0xffff  }
0x664: {  	v7 =	vld.idx.msk [tilespmem:v7+s13+$0x0], $0xffff;
	v4 =	vadd.f32 v5, v4  }
0x665: {  	s11 =	sadd.s32 $0x180, s1;
	v62 =	vld.idx.msk [tilespmem:v9+s13+$0x0], $0xffff  }
0x666: {  	v63 =	vmov s11;
	v5 =	vld.idx.msk [tilespmem:v8+s13+$0x0], $0xffff;
	v4 =	vmul.f32 $2.621440000e+05, v4  }
0x667: {  	v9 =	vshll.u32 v63, $0x5  }
0x668: {  	v9 =	vor.u32 v2, v9;
	v10 =	vsub.f32 $1.000000000e+00, v4  }
0x669: {  	v11 =	vor.u32 $0x1C, v9  }
0x66a: {  	v9 =	vor.u32 $0x1D, v9;
	v7 =	vmul.f32 v4, v7;
	v6 =	vmul.f32 v10, v6  }
0x66b: {  	v4 =	vmul.f32 v4, v5;
	v8 =	vmul.f32 v10, v62  }
0x66c: {  	v5 =	vadd.f32 v6, v7  }
0x66d: {  	v4 =	vadd.f32 v8, v4  }
0x66e: {  	[tilespmem:v11+s0+$0x0] =	vst.idx.msk $0xffff, v5  }
0x66f: {  	s5 =	simm.s32 $0xFFF8;
	[tilespmem:v9+s0+$0x0] =	vst.idx.msk $0xffff, v4  }
0x670: {  	v4 =	vld [tilespmem:s5+$0x0]  }
0x671: {  	s1 =	simm.s32 $0x0;
	s7 =	simm.s32 $0x0;
	s11 =	simm.s32 $0x10  }
.LBB2_97:
0x672: {  	p0 =	sne.s32 s11, $0x70;
	_ =	sdelay $0x2  }
0x673: {  	v5 =	vmul.f32 $5.242880000e+05, v4  }
0x674: {  	v6 =	vor.u32 s7, v0;
	s7 =	smov.u32 s11  }
0x675: {  	v7 =	vshll.u32 v6, $0x3;
	v5 =	vtrunc.f32 v5  }
0x676: {  	v8 =	vor.u32 $0x2, v7;
	v5 =	vcvt.f32.s32 v5  }
0x677: {  	v9 =	vor.u32 $0x3, v7  }
0x678: {  	v10 =	vor.u32 $0x1, v7;
	v5 =	vcvt.s32.f32 v5;
	_ =	sdelay $0x1  }
0x679: {  	v5 =	vmul.f32 $-1.907348630e-06, v5;
	v7 =	vld.idx.msk [tilespmem:v7+s17+$0x0], $0xffff  }
0x67a: {  	v8 =	vld.idx.msk [tilespmem:v8+s17+$0x0], $0xffff  }
0x67b: {  	v4 =	vadd.f32 v5, v4;
	v5 =	vld.idx.msk [tilespmem:v9+s17+$0x0], $0xffff  }
0x67c: {  	v9 =	vld.idx.msk [tilespmem:v10+s17+$0x0], $0xffff  }
0x67d: {  	v4 =	vmul.f32 $5.242880000e+05, v4;
	_ =	sdelay $0x1  }
0x67e: {  	v6 =	vshll.u32 v6, $0x5;
	v10 =	vsub.f32 $1.000000000e+00, v4  }
0x67f: {  	v11 =	vor.u32 $0x1E, v6  }
0x680: {  	v6 =	vor.u32 $0x1F, v6;
	v8 =	vmul.f32 v4, v8;
	v7 =	vmul.f32 v10, v7  }
0x681: {  	v4 =	vmul.f32 v4, v5;
	v9 =	vmul.f32 v10, v9  }
0x682: {  	v5 =	vadd.f32 v7, v8  }
.Ltmp47:
0x683: {  	v4 =	vadd.f32 v9, v4;
	(pc) =	sbr.rel @p0 .LBB2_97-.Ltmp47, $4  }
0x684: {  	[tilespmem:v11+s0+$0x0] =	vst.idx.msk $0xffff, v5  }
0x685: {  	s5 =	sadd.s32 $0x10, s5;
	[tilespmem:v6+s0+$0x0] =	vst.idx.msk $0xffff, v4  }
0x686: {  	v4 =	vld [tilespmem:s5+$0x0]  }
0x687: {  	s11 =	sadd.s32 $0x10, s11  }
0x688: {  	_ =	sdelay $0x2  }
0x689: {  	v5 =	vmul.f32 $5.242880000e+05, v4;
	_ =	sdelay $0x1  }
0x68a: {  	v6 =	vor.u32 s7, v0;
	v5 =	vtrunc.f32 v5  }
0x68b: {  	v7 =	vshll.u32 v6, $0x3;
	v5 =	vcvt.f32.s32 v5  }
0x68c: {  	v8 =	vor.u32 $0x2, v7  }
0x68d: {  	v10 =	vor.u32 $0x1, v7;
	v5 =	vcvt.s32.f32 v5  }
0x68e: {  	v9 =	vor.u32 $0x3, v7  }
0x68f: {  	v5 =	vmul.f32 $-1.907348630e-06, v5  }
0x690: {  	v7 =	vld.idx.msk [tilespmem:v7+s17+$0x0], $0xffff  }
0x691: {  	v8 =	vld.idx.msk [tilespmem:v8+s17+$0x0], $0xffff;
	v4 =	vadd.f32 v5, v4  }
0x692: {  	v62 =	vld.idx.msk [tilespmem:v10+s17+$0x0], $0xffff  }
0x693: {  	v5 =	vld.idx.msk [tilespmem:v9+s17+$0x0], $0xffff;
	v4 =	vmul.f32 $5.242880000e+05, v4;
	_ =	sdelay $0x1  }
0x694: {  	v6 =	vshll.u32 v6, $0x5;
	v63 =	vsub.f32 $1.000000000e+00, v4  }
0x695: {  	v11 =	vor.u32 $0x1E, v6  }
0x696: {  	v6 =	vor.u32 $0x1F, v6;
	v8 =	vmul.f32 v4, v8;
	v7 =	vmul.f32 v63, v7  }
0x697: {  	v4 =	vmul.f32 v4, v5;
	v9 =	vmul.f32 v63, v62  }
0x698: {  	v5 =	vadd.f32 v7, v8  }
0x699: {  	v4 =	vadd.f32 v9, v4  }
0x69a: {  	[tilespmem:v11+s0+$0x0] =	vst.idx.msk $0xffff, v5  }
0x69b: {  	s5 =	simm.s32 $0x10078;
	[tilespmem:v6+s0+$0x0] =	vst.idx.msk $0xffff, v4  }
0x69c: {  	v4 =	vld [tilespmem:s5+$0x0]  }
0x69d: {  	s7 =	simm.s32 $0x10  }
.LBB2_99:
0x69e: {  	p0 =	sne.s32 s7, $0x70;
	_ =	sdelay $0x2  }
0x69f: {  	v6 =	vmov s1;
	v5 =	vmul.f32 $5.242880000e+05, v4  }
0x6a0: {  	v6 =	vshll.u32 v6, $0x3  }
0x6a1: {  	v6 =	vor.u32 v3, v6;
	v5 =	vtrunc.f32 v5  }
0x6a2: {  	v7 =	vor.u32 $0x2, v6;
	v5 =	vcvt.f32.s32 v5  }
0x6a3: {  	v8 =	vor.u32 $0x3, v6  }
0x6a4: {  	v9 =	vor.u32 $0x1, v6;
	v5 =	vcvt.s32.f32 v5;
	_ =	sdelay $0x1  }
0x6a5: {  	v5 =	vmul.f32 $-1.907348630e-06, v5;
	v6 =	vld.idx.msk [tilespmem:v6+s21+$0x0], $0xffff  }
0x6a6: {  	v7 =	vld.idx.msk [tilespmem:v7+s21+$0x0], $0xffff  }
0x6a7: {  	v4 =	vadd.f32 v5, v4;
	v5 =	vld.idx.msk [tilespmem:v8+s21+$0x0], $0xffff  }
0x6a8: {  	s10 =	sadd.s32 $0x80, s1;
	s1 =	smov.u32 s7;
	v8 =	vld.idx.msk [tilespmem:v9+s21+$0x0], $0xffff  }
0x6a9: {  	v9 =	vmov s10;
	v4 =	vmul.f32 $5.242880000e+05, v4  }
0x6aa: {  	v9 =	vshll.u32 v9, $0x5  }
0x6ab: {  	v9 =	vor.u32 v2, v9;
	v10 =	vsub.f32 $1.000000000e+00, v4  }
0x6ac: {  	v11 =	vor.u32 $0x1E, v9  }
0x6ad: {  	v7 =	vmul.f32 v4, v7;
	v9 =	vor.u32 $0x1F, v9;
	v6 =	vmul.f32 v10, v6  }
0x6ae: {  	v4 =	vmul.f32 v4, v5;
	v8 =	vmul.f32 v10, v8  }
0x6af: {  	v5 =	vadd.f32 v6, v7  }
.Ltmp48:
0x6b0: {  	v4 =	vadd.f32 v8, v4;
	(pc) =	sbr.rel @p0 .LBB2_99-.Ltmp48, $4  }
0x6b1: {  	[tilespmem:v11+s0+$0x0] =	vst.idx.msk $0xffff, v5  }
0x6b2: {  	s5 =	sadd.s32 $0x10, s5;
	[tilespmem:v9+s0+$0x0] =	vst.idx.msk $0xffff, v4  }
0x6b3: {  	v4 =	vld [tilespmem:s5+$0x0]  }
0x6b4: {  	s7 =	sadd.s32 $0x10, s7  }
0x6b5: {  	_ =	sdelay $0x2  }
0x6b6: {  	v5 =	vmul.f32 $5.242880000e+05, v4  }
0x6b7: {  	v6 =	vmov s1  }
0x6b8: {  	v6 =	vshll.u32 v6, $0x3;
	v5 =	vtrunc.f32 v5  }
0x6b9: {  	v6 =	vor.u32 v3, v6;
	v5 =	vcvt.f32.s32 v5  }
0x6ba: {  	v7 =	vor.u32 $0x2, v6  }
0x6bb: {  	v9 =	vor.u32 $0x1, v6;
	v5 =	vcvt.s32.f32 v5  }
0x6bc: {  	v8 =	vor.u32 $0x3, v6  }
0x6bd: {  	v5 =	vmul.f32 $-1.907348630e-06, v5  }
0x6be: {  	v6 =	vld.idx.msk [tilespmem:v6+s21+$0x0], $0xffff  }
0x6bf: {  	v7 =	vld.idx.msk [tilespmem:v7+s21+$0x0], $0xffff;
	v4 =	vadd.f32 v5, v4  }
0x6c0: {  	s11 =	sadd.s32 $0x80, s1;
	v62 =	vld.idx.msk [tilespmem:v9+s21+$0x0], $0xffff  }
0x6c1: {  	v63 =	vmov s11;
	v5 =	vld.idx.msk [tilespmem:v8+s21+$0x0], $0xffff;
	v4 =	vmul.f32 $5.242880000e+05, v4  }
0x6c2: {  	v9 =	vshll.u32 v63, $0x5  }
0x6c3: {  	v9 =	vor.u32 v2, v9;
	v10 =	vsub.f32 $1.000000000e+00, v4  }
0x6c4: {  	v11 =	vor.u32 $0x1E, v9  }
0x6c5: {  	v9 =	vor.u32 $0x1F, v9;
	v7 =	vmul.f32 v4, v7;
	v6 =	vmul.f32 v10, v6  }
0x6c6: {  	v4 =	vmul.f32 v4, v5;
	v8 =	vmul.f32 v10, v62  }
0x6c7: {  	v5 =	vadd.f32 v6, v7  }
0x6c8: {  	v4 =	vadd.f32 v8, v4  }
0x6c9: {  	[tilespmem:v11+s0+$0x0] =	vst.idx.msk $0xffff, v5  }
0x6ca: {  	s7 =	simm.s32 $0x100F8;
	[tilespmem:v9+s0+$0x0] =	vst.idx.msk $0xffff, v4  }
0x6cb: {  	v4 =	vld [tilespmem:s7+$0x0]  }
0x6cc: {  	s1 =	simm.s32 $0x0;
	s5 =	simm.s32 $0x0;
	s11 =	simm.s32 $0x10  }
.LBB2_101:
0x6cd: {  	p0 =	sne.s32 s11, $0x70;
	_ =	sdelay $0x2  }
0x6ce: {  	v6 =	vmov s5;
	v5 =	vmul.f32 $5.242880000e+05, v4  }
0x6cf: {  	v6 =	vshll.u32 v6, $0x3  }
0x6d0: {  	v6 =	vor.u32 v3, v6;
	v5 =	vtrunc.f32 v5  }
0x6d1: {  	v7 =	vor.u32 $0x2, v6;
	v5 =	vcvt.f32.s32 v5  }
0x6d2: {  	v8 =	vor.u32 $0x3, v6  }
0x6d3: {  	v9 =	vor.u32 $0x1, v6;
	v5 =	vcvt.s32.f32 v5;
	_ =	sdelay $0x1  }
0x6d4: {  	v5 =	vmul.f32 $-1.907348630e-06, v5;
	v6 =	vld.idx.msk [tilespmem:v6+s25+$0x0], $0xffff  }
0x6d5: {  	v7 =	vld.idx.msk [tilespmem:v7+s25+$0x0], $0xffff  }
0x6d6: {  	v4 =	vadd.f32 v5, v4;
	v5 =	vld.idx.msk [tilespmem:v8+s25+$0x0], $0xffff  }
0x6d7: {  	s10 =	sadd.s32 $0x100, s5;
	s5 =	smov.u32 s11;
	v8 =	vld.idx.msk [tilespmem:v9+s25+$0x0], $0xffff  }
0x6d8: {  	v9 =	vmov s10;
	v4 =	vmul.f32 $5.242880000e+05, v4  }
0x6d9: {  	v9 =	vshll.u32 v9, $0x5  }
0x6da: {  	v9 =	vor.u32 v2, v9;
	v10 =	vsub.f32 $1.000000000e+00, v4  }
0x6db: {  	v11 =	vor.u32 $0x1E, v9  }
0x6dc: {  	v7 =	vmul.f32 v4, v7;
	v9 =	vor.u32 $0x1F, v9;
	v6 =	vmul.f32 v10, v6  }
0x6dd: {  	v4 =	vmul.f32 v4, v5;
	v8 =	vmul.f32 v10, v8  }
0x6de: {  	v5 =	vadd.f32 v6, v7  }
.Ltmp49:
0x6df: {  	v4 =	vadd.f32 v8, v4;
	(pc) =	sbr.rel @p0 .LBB2_101-.Ltmp49, $4  }
0x6e0: {  	[tilespmem:v11+s0+$0x0] =	vst.idx.msk $0xffff, v5  }
0x6e1: {  	s7 =	sadd.s32 $0x10, s7;
	[tilespmem:v9+s0+$0x0] =	vst.idx.msk $0xffff, v4  }
0x6e2: {  	v4 =	vld [tilespmem:s7+$0x0]  }
0x6e3: {  	s11 =	sadd.s32 $0x10, s11  }
0x6e4: {  	_ =	sdelay $0x2  }
0x6e5: {  	v5 =	vmul.f32 $5.242880000e+05, v4  }
0x6e6: {  	v6 =	vmov s5  }
0x6e7: {  	v6 =	vshll.u32 v6, $0x3;
	v5 =	vtrunc.f32 v5  }
0x6e8: {  	v6 =	vor.u32 v3, v6;
	v5 =	vcvt.f32.s32 v5  }
0x6e9: {  	v7 =	vor.u32 $0x2, v6  }
0x6ea: {  	v9 =	vor.u32 $0x1, v6;
	v5 =	vcvt.s32.f32 v5  }
0x6eb: {  	v8 =	vor.u32 $0x3, v6  }
0x6ec: {  	v5 =	vmul.f32 $-1.907348630e-06, v5  }
0x6ed: {  	v6 =	vld.idx.msk [tilespmem:v6+s25+$0x0], $0xffff  }
0x6ee: {  	v7 =	vld.idx.msk [tilespmem:v7+s25+$0x0], $0xffff;
	v4 =	vadd.f32 v5, v4  }
0x6ef: {  	s11 =	sadd.s32 $0x100, s5;
	v62 =	vld.idx.msk [tilespmem:v9+s25+$0x0], $0xffff  }
0x6f0: {  	v63 =	vmov s11;
	v5 =	vld.idx.msk [tilespmem:v8+s25+$0x0], $0xffff;
	v4 =	vmul.f32 $5.242880000e+05, v4  }
0x6f1: {  	v9 =	vshll.u32 v63, $0x5  }
0x6f2: {  	v9 =	vor.u32 v2, v9;
	v10 =	vsub.f32 $1.000000000e+00, v4  }
0x6f3: {  	v11 =	vor.u32 $0x1E, v9  }
0x6f4: {  	v9 =	vor.u32 $0x1F, v9;
	v7 =	vmul.f32 v4, v7;
	v6 =	vmul.f32 v10, v6  }
0x6f5: {  	v4 =	vmul.f32 v4, v5;
	v8 =	vmul.f32 v10, v62  }
0x6f6: {  	v5 =	vadd.f32 v6, v7  }
0x6f7: {  	v4 =	vadd.f32 v8, v4  }
0x6f8: {  	[tilespmem:v11+s0+$0x0] =	vst.idx.msk $0xffff, v5  }
0x6f9: {  	s5 =	simm.s32 $0x10178;
	[tilespmem:v9+s0+$0x0] =	vst.idx.msk $0xffff, v4  }
0x6fa: {  	v4 =	vld [tilespmem:s5+$0x0]  }
0x6fb: {  	s7 =	simm.s32 $0x10  }
.LBB2_103:
0x6fc: {  	p0 =	sne.s32 s7, $0x70;
	_ =	sdelay $0x2  }
0x6fd: {  	v6 =	vmov s1;
	v5 =	vmul.f32 $5.242880000e+05, v4  }
0x6fe: {  	v6 =	vshll.u32 v6, $0x3  }
0x6ff: {  	v6 =	vor.u32 v3, v6;
	v5 =	vtrunc.f32 v5  }
0x700: {  	v7 =	vor.u32 $0x2, v6;
	v5 =	vcvt.f32.s32 v5  }
0x701: {  	v8 =	vor.u32 $0x3, v6  }
0x702: {  	v9 =	vor.u32 $0x1, v6;
	v5 =	vcvt.s32.f32 v5;
	_ =	sdelay $0x1  }
0x703: {  	v5 =	vmul.f32 $-1.907348630e-06, v5;
	v6 =	vld.idx.msk [tilespmem:v6+s30+$0x0], $0xffff  }
0x704: {  	v7 =	vld.idx.msk [tilespmem:v7+s30+$0x0], $0xffff  }
0x705: {  	v4 =	vadd.f32 v5, v4;
	v5 =	vld.idx.msk [tilespmem:v8+s30+$0x0], $0xffff  }
0x706: {  	s10 =	sadd.s32 $0x180, s1;
	s1 =	smov.u32 s7;
	v8 =	vld.idx.msk [tilespmem:v9+s30+$0x0], $0xffff  }
0x707: {  	v9 =	vmov s10;
	v4 =	vmul.f32 $5.242880000e+05, v4  }
0x708: {  	v9 =	vshll.u32 v9, $0x5  }
0x709: {  	v9 =	vor.u32 v2, v9;
	v10 =	vsub.f32 $1.000000000e+00, v4  }
0x70a: {  	v11 =	vor.u32 $0x1E, v9  }
0x70b: {  	v7 =	vmul.f32 v4, v7;
	v9 =	vor.u32 $0x1F, v9;
	v6 =	vmul.f32 v10, v6  }
0x70c: {  	v4 =	vmul.f32 v4, v5;
	v8 =	vmul.f32 v10, v8  }
0x70d: {  	v5 =	vadd.f32 v6, v7  }
.Ltmp50:
0x70e: {  	v4 =	vadd.f32 v8, v4;
	(pc) =	sbr.rel @p0 .LBB2_103-.Ltmp50, $4  }
0x70f: {  	[tilespmem:v11+s0+$0x0] =	vst.idx.msk $0xffff, v5  }
0x710: {  	s5 =	sadd.s32 $0x10, s5;
	[tilespmem:v9+s0+$0x0] =	vst.idx.msk $0xffff, v4  }
0x711: {  	v4 =	vld [tilespmem:s5+$0x0]  }
0x712: {  	s7 =	sadd.s32 $0x10, s7  }
0x713: {  	_ =	sdelay $0x2  }
0x714: {  	v5 =	vmul.f32 $5.242880000e+05, v4  }
0x715: {  	v6 =	vmov s1  }
0x716: {  	v6 =	vshll.u32 v6, $0x3;
	v5 =	vtrunc.f32 v5  }
0x717: {  	v3 =	vor.u32 v3, v6;
	v5 =	vcvt.f32.s32 v5  }
0x718: {  	v6 =	vor.u32 $0x2, v3  }
0x719: {  	v7 =	vor.u32 $0x3, v3;
	v5 =	vcvt.s32.f32 v5  }
0x71a: {  	v8 =	vor.u32 $0x1, v3  }
0x71b: {  	v5 =	vmul.f32 $-1.907348630e-06, v5  }
0x71c: {  	v3 =	vld.idx.msk [tilespmem:v3+s30+$0x0], $0xffff  }
0x71d: {  	v6 =	vld.idx.msk [tilespmem:v6+s30+$0x0], $0xffff;
	v60 =	vadd.f32 v5, v4  }
0x71e: {  	s5 =	sadd.s32 $0x180, s1;
	v61 =	vld.idx.msk [tilespmem:v7+s30+$0x0], $0xffff  }
0x71f: {  	v63 =	vmov s5;
	v62 =	vld.idx.msk [tilespmem:v8+s30+$0x0], $0xffff;
	v4 =	vmul.f32 $5.242880000e+05, v60  }
0x720: {  	v8 =	vshll.u32 v63, $0x5  }
0x721: {  	v8 =	vor.u32 v2, v8;
	v9 =	vsub.f32 $1.000000000e+00, v4  }
0x722: {  	v10 =	vor.u32 $0x1E, v8  }
0x723: {  	v8 =	vor.u32 $0x1F, v8;
	v6 =	vmul.f32 v4, v6;
	v3 =	vmul.f32 v9, v3  }
0x724: {  	v4 =	vmul.f32 v4, v61;
	v7 =	vmul.f32 v9, v62  }
0x725: {  	v3 =	vadd.f32 v3, v6  }
0x726: {  	s7 =	rddreg [dreg:$0xa];
	v4 =	vadd.f32 v7, v4  }
0x727: {  	s1 =	sshll.u32 s7, $0x2;
	s5 =	rddreg [dreg:$0x2];
	[tilespmem:v10+s0+$0x0] =	vst.idx.msk $0xffff, v3  }
0x728: {  	s11 =	simm.s32 $0x2;
	s1 =	sadd.s32 s5, s1;
	[tilespmem:v8+s0+$0x0] =	vst.idx.msk $0xffff, v4  }
0x729: {  	[hbm4b:s1+s3] =	stream.linear.scatter [tilespmem:s0], [sflag:$0x2], $0x4000, $0x38;
	[tilespmem:$0x1F5F8] =	vst v63  }
0x72a: {  	_ =	swait.ge [sflag:s11], $0x4000  }
0x72b: {  	s10 =	rddreg [dreg:$0x9]  }
0x72c: {  	s1 =	sadd.s32 $0x1, s10  }
0x72d: {  	p0 =	sne.s32 s1, $0x40  }
.Ltmp51:
0x72e: {  	_ = 	snop;
	(pc) =	sbr.rel @p0 .LBB2_2-.Ltmp51, $3  }
0x72f: {  	_ =	sdelay $0x1  }
0x730: {  	[sflag:s11] =	ssyncset.done $0x0  }
0x731: {  	[sflag:s11] =	ssyncadd.s32 $0xFFFFC000;
	s10 =	rddreg [dreg:$0x5]  }
0x732: {  	s5 =	rddreg [dreg:$0x8]  }
0x733: {  	s1 =	rddreg [dreg:$0x7];
	s5 =	sadd.s32 $0x1, s5  }
0x734: {  	p0 =	sne.s32 s5, s1  }
.Ltmp52:
0x735: {  	_ = 	snop;
	(pc) =	sbr.rel @p0 .LBB2_1-.Ltmp52, $1  }
0x736: {  	_ =	sdelay $0x3  }
0x737: {  	_ =	sfence.sel $0x180000  }
0x738: {  	[bflag:$0x0] =	sbarrier.arrive $0xFFFF  }
0x739: {  	_ =	strace $0x90000047  }
0x73a: {  	s0 =	stileid.u32;
	[bflag:$0x2] =	sbarrier.arrive $0xFFFF  }
0x73b: {  	p0 =	sne.s32 s0, $0x0;
	s0 =	rddreg [dreg:$0x3]  }
0x73c: {  	s0 =	sadd.s32 @!p0 $0x100000, s0  }
0x73d: {  	[sflag:s0] =	ssyncadd.tile.s32 @!p0 $0x1;
	_ =	shalt  }
.Lfunc_end2:
_tile_overlayer_lowered:
.L_overlay_start_2:
0x73e: {  	(tag) =	ssettag $0x2  }
0x73f: {  	s0 =	rddreg [dreg:$0x0];
	s2 =	stileid.u32  }
0x740: {  	s1 =	rddreg [dreg:$0x1];
	p0 =	sne.s32 s2, $0x0  }
0x741: {  	s3 =	rddreg [dreg:$0x2];
	[bflag:$0x3] =	sbarrier.arrive $0xFFFF;
	s2 =	simm.s32 @!p0 $0x1C02  }
0x742: {  	[timem:s3], [sflag:s2] =	dma.local @!p0 [hbm:s0], s1  }
0x743: {  	s0 =	simm.s32 @!p0 $0x2  }
0x744: {  	_ =	swait.ge @!p0 [sflag:s0], s1  }
0x745: {  	s1 =	ssub.s32 @!p0 $0x0, s1;
	[sflag:s0] =	ssyncset.done @!p0 $0x0  }
0x746: {  	[sflag:s0] =	ssyncadd.s32 @!p0 s1  }
0x747: {  	[bflag:$0x3] =	sbarrier.arrive $0xFFFF  }
0x748: {  	_ =	shalt  }

// kernel: sparse-core-data-format-call.cloned.1.call-start
scs
called_computation_lowered:
.L_overlay_start_0:
0x0: {  	s2 =	sld [smem:$0x3FD9]  }
0x1: {  	s3 =	sld [smem:$0x3FFE];
	_ =	sdelay $0x1  }
0x2: {  	s1 =	srdreg.scid  }
0x3: {  	s0 =	sand.u32 $0x1, s1  }
0x4: {  	s18 =	sshll.u32 s0, $0xA;
	s2 =	sadd.s32 s3, s2  }
0x5: {  	s2 =	sadd.s32 s2, s18  }
0x6: {  	[smem:$0x3FC6] =	sst s2  }
0x7: {  	_ = 	snop  }
0x8: {  	s2 =	sld [smem:$0x3FD0];
	(tm) =	ssettm $0x1  }
0x9: {  	s19 =	sld [smem:$0x3FFB];
	_ =	sdelay $0x3  }
0xa: {  	_ =	strace s19  }
0xb: {  	s3 =	sld [smem:$0x3FFC];
	_ =	sdelay $0x3  }
0xc: {  	_ =	strace s3  }
0xd: {  	s3 =	sld [smem:$0x3FFD];
	_ =	sdelay $0x3  }
0xe: {  	_ =	strace s3  }
0xf: {  	_ =	strace $0x8FFFFFFF  }
0x10: {  	s20 =	sld [smem:$0x3FDB];
	_ =	sdelay $0x1  }
0x11: {  	s4 =	simm.s32 $_scs_section_size  }
0x12: {  	s5 =	simm.s32 $_size__tile_overlayer_lowered;
	s6 =	simm.s32 $_tile_overlayer_lowered  }
0x13: {  	s23 =	simm.s32 $0x1BFF;
	s22 =	sshll.u32 s6, $0x1;
	s3 =	sadd.s32 s4, s20  }
0x14: {  	s7 =	simm.s32 $0x0;
	s21 =	sshll.u32 s5, $0x1;
	s5 =	sadd.s32 s22, s3  }
0x15: {  	[timem:s7], [sflag:s23] =	dma.local [hbm:s5], s21  }
0x16: {  	_ =	swait.ge [sflag:s23], s21  }
0x17: {  	s4 =	ssub.s32 $0x0, s21;
	[sflag:s23] =	ssyncset.done $0x0  }
0x18: {  	[sflag:s23] =	ssyncadd.s32 s4;
	_ =	sdelay $0x1  }
0x19: {  	s24 =	simm.s32 $0x1B8B  }
0x1a: {  	_ =	swait.ge [sflag:s24], $0x1  }
0x1b: {  	[sflag:s24] =	ssyncset.done $0x0  }
0x1c: {  	s26 =	simm.s32 $0x1B8E;
	s25 =	sld [smem:$0x3FFE];
	[sflag:s24] =	ssyncadd.s32 $0xFFFFFFFF  }
0x1d: {  	s27 =	simm.s32 $execute0_lowered;
	[smem:$0x3FD2] =	sst s26  }
0x1e: {  	s5 =	sshll.u32 s27, $0x1;
	_ =	strace $0x80000049;
	[dreg:$0x1] =	wrdreg $0xFFFFFFFF  }
0x1f: {  	s28 =	simm.s32 $_size_execute0_lowered;
	s3 =	sadd.s32 s3, s5;
	[dreg:$0x0] =	wrdreg $0x0  }
0x20: {  	s5 =	sshll.u32 s28, $0x1;
	[dreg:$0x2] =	wrdreg s3  }
0x21: {  	[dreg:$0x3] =	wrdreg s5  }
0x22: {  	[dreg:$0x4] =	wrdreg $0xC0  }
0x23: {  	_ =	task [dreg:s7], $0x5FFFF  }
0x24: {  	[dreg:$0x1] =	wrdreg $0xFFFFFFFF  }
0x25: {  	[dreg:$0x0] =	wrdreg $0x60  }
0x26: {  	[dreg:$0x2] =	wrdreg s25  }
0x27: {  	[dreg:$0x3] =	wrdreg s2  }
0x28: {  	[dreg:$0x4] =	wrdreg $0x9  }
0x29: {  	_ =	task.clear_ibuf [dreg:s7], $0x5FFFF;
	_ =	strace $0x90000049  }
0x2a: {  	s29 =	simm.s32 $0x9;
	_ =	strace $0x8000004B  }
0x2b: {  	_ =	swait.ge [sflag:s29], $0x1  }
0x2c: {  	[sflag:s29] =	ssyncadd.s32 $0xFFFFFFFF  }
0x2d: {  	_ =	strace $0x9000004B  }
0x2e: {  	_ =	sfence  }
0x2f: {  	s30 =	sld [smem:$0x0];
	_ =	sdelay $0x2  }
0x30: {  	s31 =	sshll.u32 s1, $0xD;
	s1 =	sshrl.u32 s1, $0x2  }
0x31: {  	s3 =	sand.u32 $0x4000, s31;
	s1 =	sadd.s32 s1, s30  }
0x32: {  	s0 =	sor.u32 s3, s0;
	s1 =	sshll.u32 s1, $0x11  }
0x33: {  	s0 =	sor.u32 s1, s0  }
0x34: {  	s0 =	sadd.s32 $0x8F2B, s0  }
0x35: {  	[sflag:s0] =	ssyncadd.remote.s32 $0x1  }
0x36: {  	_ =	sfence.sel $0xFFFF  }
0x37: {  	[dreg:$0x0] =	wrdreg $0xFFFFFFFF;
	(pc) =	sbr.abs _section_cstart, $3  }
0x38: {  	[dreg:$0x1] =	wrdreg $0xFFFFFFFF  }
0x39: {  	_ =	task.clear_ibuf [dreg:s7], $0x2FFFF;
	_ =	strace $0x9FFFFFFF  }
0x3a: {  	(tm) =	ssettm $0x7FFFFFFF  }
0x3b: {  	_ =	shalt  }
tec
execute0_lowered:
.L_overlay_start_1:
0x0: {  	(tag) =	ssettag $0x1  }
0x1: {  	s0 =	srdreg.scid  }
0x2: {  	s1 =	sshll.u32 s0, $0x4  }
0x3: {  	s4 =	rddreg [dreg:$0x0];
	s0 =	stileid.u32;
	s1 =	sand.u32 $0x10, s1  }
0x4: {  	s2 =	rddreg [dreg:$0x1];
	s7 =	simm.s32 $0x1;
	s1 =	sor.u32 s0, s1  }
0x5: {  	s8 =	simm.s32 $0x2;
	s11 =	simm.s32 $0x0;
	s3 =	sshll.u32 s1, $0x7  }
0x6: {  	s10 =	simm.s32 $0x0;
	s4 =	sadd.s32 $0x2000, s4;
	s6 =	ssub.s32 $0x100000, s3  }
.Ltmp0:
0x7: {  	s1 =	rddreg [dreg:$0x2];
	s5 =	sand.u32 $0xF80, s6;
	(pc) =	sbr.rel .LBB1_1-.Ltmp0, $4  }
0x8: {  	_ =	strace $0x8000004A;
	s9 =	smov.u32 s3;
	p0 =	sne.s32 s5, $0x0  }
0x9: {  	s6 =	sshrl.u32 s6, $0xC;
	s5 =	simm.s32 $0x1;
	s7 =	simm.s32 @!p0 $0x0  }
0xa: {  	[sflag:s5] =	ssyncpa.u1 $0x0;
	p0 =	por $0x0, $0x0;
	s6 =	sadd.s32 s7, s6  }
0xb: {  	[sflag:s8] =	ssyncpa.u1 $0x0;
	s8 =	simm.s32 $0x800000;
	s7 =	sadd.s32 $0x1, s6  }
.LBB1_4:
0xc: {  	s13 =	sshll.u32 s11, $0x3  }
0xd: {  	s15 =	sand.u32 $0x78, s11;
	s13 =	sand.u32 $0xFFC00, s13  }
0xe: {  	s30 =	sand.u32 $0x3E0000, s11;
	s31 =	sand.u32 $0x7, s11;
	s13 =	sor.u32 s15, s13  }
0xf: {  	s11 =	sshll.u32 s31, $0x12;
	s15 =	sadd.s32 s2, s30;
	s13 =	sshrl.u32 s13, $0x3  }
0x10: {  	[tilespmem:s14+$0x0 ss:$0x81] =	vst.msk $0xffff, v0;
	s11 =	sor.u32 $0x400, s11;
	s13 =	sadd.s32 s13, s15  }
0x11: {  	[hbm4b:s13+s11] =	stream.strided.scatter [tilespmem:s12], [sflag:$0x2], $0x1000, s8, s11, $0x20;
	[tilespmem:$0x4040] =	vst v63  }
.LBB1_5:
0x12: {  	s13 =	sadd.s32 $0x1000, s9  }
0x13: {  	p2 =	sgt.s32 s13, $0xFFFFF  }
0x14: {  	s13 =	smov.u32 @p2 s3;
	p2 =	sne.s32 s10, s7  }
.Ltmp1:
0x15: {  	p1 =	slt.u32 s10, $0x2;
	(pc) =	sbr.rel @!p2 .LBB1_6-.Ltmp1, $4  }
0x16: {  	s12 =	simm.s32 @!p1 $0x2  }
0x17: {  	s14 =	sadd.s32 $0x1, s10;
	_ =	swait.ge @!p1 [sflag:s12], $0x1000  }
0x18: {  	s11 =	smov.u32 s9;
	p0 =	por !p0, !p0;
	[sflag:s12] =	ssyncset.done @!p1 $0x0  }
0x19: {  	s10 =	smov.u32 s14;
	s9 =	smov.u32 s13;
	[sflag:s12] =	ssyncadd.s32 @!p1 $0xFFFFF000  }
.LBB1_1:
0x1a: {  	p1 =	sge.u32 s10, s6  }
0x1b: {  	s31 =	sadd.s32 $0xFFFFFFFF, s10;
	s12 =	sxor.u32 @!p1 $0xFFFFFFFF, s10;
	s13 =	sshll.u32 @!p1 s9, $0x4  }
0x1c: {  	s14 =	simm.s32 @!p1 $0x20;
	s12 =	sshll.u32 @!p1 s12, $0xC;
	s13 =	sand.u32 @!p1 $0xFFFFF0, s13  }
0x1d: {  	s15 =	simm.s32 @!p1 $0x80;
	s12 =	sand.u32 @!p1 $0x1000, s12;
	s13 =	sadd.s32 @!p1 s4, s13  }
0x1e: {  	[tilespmem:s12], [sflag:$0x1] =	stream.strided.gather @!p1 [hbm4b:s13+s14], $0x1000, s15, s14, $0x38;
	[tilespmem:$0x4040] =	vst v63  }
0x1f: {  	p1 =	sge.u32 s31, s6  }
.Ltmp2:
0x20: {  	_ = 	snop;
	(pc) =	sbr.rel @p1 .LBB1_5-.Ltmp2, $1  }
0x21: {  	_ =	sdelay $0x3  }
0x22: {  	s12 =	simm.s32 $0x1  }
0x23: {  	_ =	swait.ge [sflag:s5], $0x1000;
	s12 =	simm.s32 @!p0 $0x0  }
0x24: {  	[sflag:s5] =	ssyncset.done $0x0;
	s13 =	sshll.u32 s12, $0xC  }
0x25: {  	[sflag:s5] =	ssyncadd.s32 $0xFFFFF000;
	s16 =	sor.u32 $0x10, s13  }
0x26: {  	s12 =	smul.u32 $0x4080, s12;
	v1 =	vld [tilespmem:s16+$0x0]  }
0x27: {  	s30 =	sand.u32 $0x1, s10;
	v0 =	vld [tilespmem:s16+$0xFFFFFFF0]  }
0x28: {  	s14 =	smul.u32 $0x4080, s30;
	s12 =	sshrl.u32 s12, $0x2  }
0x29: {  	s13 =	sor.u32 $0x2000, s12  }
0x2a: {  	s31 =	sshrl.u32 s14, $0x2;
	s14 =	sadd.s32 $0x0, s13  }
0x2b: {  	s15 =	simm.s32 $0x4;
	s16 =	sadd.s32 $0x20, s16;
	s12 =	sor.u32 $0x2000, s31;
	[tilespmem:s14+$0x810 ss:$0x81] =	vst.msk $0xffff, v1  }
.LBB1_3:
0x2c: {  	v1 =	vld [tilespmem:s16+$0x0];
	p1 =	sne.s32 s15, $0x1FC;
	[tilespmem:s14+$0x0 ss:$0x81] =	vst.msk $0xffff, v0;
	s14 =	smov.u32 s15;
	s15 =	sadd.s32 $0x4, s15  }
.Ltmp3:
0x2d: {  	v0 =	vld [tilespmem:s16+$0xFFFFFFF0];
	(pc) =	sbr.rel @p1 .LBB1_3-.Ltmp3, $4  }
0x2e: {  	_ = 	snop  }
0x2f: {  	s14 =	sshra.s32 s14, $0x2  }
0x30: {  	s14 =	sadd.s32 s14, s13  }
0x31: {  	s16 =	sadd.s32 $0x20, s16;
	[tilespmem:s14+$0x810 ss:$0x81] =	vst.msk $0xffff, v1  }
.Ltmp4:
0x32: {  	_ = 	snop;
	(pc) =	sbr.rel .LBB1_4-.Ltmp4, $1  }
0x33: {  	_ =	sdelay $0x3  }
.LBB1_6:
0x34: {  	_ =	sfence.sel $0x180000  }
0x35: {  	s2 =	simm.s32 $0x1;
	[bflag:$0x0] =	sbarrier.arrive $0xFFFF  }
0x36: {  	s31 =	simm.s32 $0x2;
	[sflag:s2] =	ssyncpa.u1 $0x1  }
0x37: {  	[sflag:s31] =	ssyncpa.u1 $0x1  }
0x38: {  	p0 =	sne.s32 s0, $0x0;
	_ =	strace $0x9000004A  }
0x39: {  	s0 =	sadd.s32 @!p0 $0x100000, s1;
	[bflag:$0x2] =	sbarrier.arrive $0xFFFF  }
0x3a: {  	[sflag:s0] =	ssyncadd.tile.s32 @!p0 $0x1;
	_ =	shalt  }
.Lfunc_end1:
_tile_overlayer_lowered:
.L_overlay_start_2:
0x3b: {  	(tag) =	ssettag $0x2  }
0x3c: {  	s0 =	rddreg [dreg:$0x0];
	s2 =	stileid.u32  }
0x3d: {  	s1 =	rddreg [dreg:$0x1];
	p0 =	sne.s32 s2, $0x0  }
0x3e: {  	s3 =	rddreg [dreg:$0x2];
	[bflag:$0x3] =	sbarrier.arrive $0xFFFF;
	s2 =	simm.s32 @!p0 $0x1C01  }
0x3f: {  	[timem:s3], [sflag:s2] =	dma.local @!p0 [hbm:s0], s1  }
0x40: {  	s0 =	simm.s32 @!p0 $0x1  }
0x41: {  	_ =	swait.ge @!p0 [sflag:s0], s1  }
0x42: {  	s1 =	ssub.s32 @!p0 $0x0, s1;
	[sflag:s0] =	ssyncset.done @!p0 $0x0  }
0x43: {  	[sflag:s0] =	ssyncadd.s32 @!p0 s1  }
0x44: {  	[bflag:$0x3] =	sbarrier.arrive $0xFFFF  }
0x45: {  	_ =	shalt  }

</sc_bundles>
